<compile_context>
chip_gen: v7x
topology: tpu7x:2x2x1
jax: 0.10.2.dev20260603
libtpu: 0.0.44.dev20260713+nightly
codegen_flags: <defaults>
</compile_context>

<pallas_src>
import functools

import jax
import jax.numpy as jnp
from jax import lax
from jax.experimental import pallas as pl
from jax.experimental.pallas import tpu as pltpu
from jax.experimental.pallas import tpu_sc as plsc

N = 10000
E = 320000
NC, NS = 2, 16
NT = NC * NS
B = 128
NBT = E // B
BASE = NBT // NT
XTRA = NBT % NT
NG = BASE // 2
R = 10240
RT = R // NS

_f32 = jnp.float32


def _sc_mesh():
    return plsc.VectorSubcoreMesh(core_axis_name="c", subcore_axis_name="s")


def _make_deg_kernel():

    @functools.partial(
        pl.kernel,
        mesh=_sc_mesh(),
        compiler_params=pltpu.CompilerParams(use_tc_tiling_on_sc=False),
        out_type=jax.ShapeDtypeStruct((NC, R), _f32),
        scratch_types=[
            pltpu.VMEM((BASE, B), jnp.int32),
            pltpu.VMEM((B,), jnp.int32),
            pltpu.VMEM((B,), _f32),
            pltpu.VMEM((RT,), _f32),
            pltpu.VMEM_SHARED((R,), _f32),
            pltpu.SemaphoreType.DMA,
        ],
    )
    def deg_kernel(eb, zeros, out, idx_d, xd, ones, buf, acc, sem):
        c = lax.axis_index("c")
        s = lax.axis_index("s")
        wid = c * NS + s
        pltpu.sync_copy(eb.at[1, pl.ds(wid * BASE, BASE)], idx_d)
        for i in range(B // 16):
            ones[pl.ds(i * 16, 16)] = jnp.ones((16,), _f32)
        r0 = s * RT
        pltpu.sync_copy(zeros, buf)
        pltpu.sync_copy(buf, acc.at[pl.ds(r0, RT)])
        plsc.subcore_barrier()

        def issue(j, carry):
            pltpu.async_copy(ones, acc.at[idx_d.at[j]], sem, add=True)
            return carry

        lax.fori_loop(0, BASE, issue, 0)

        @pl.when(wid < XTRA)
        def _():
            pltpu.sync_copy(eb.at[1, NT * BASE + wid], xd)
            pltpu.sync_copy(ones, acc.at[xd], add=True)

        def drain(j, carry):
            pltpu.make_async_copy(ones, acc.at[idx_d.at[0]], sem).wait()
            return carry

        lax.fori_loop(0, BASE, drain, 0)
        plsc.subcore_barrier()
        pltpu.sync_copy(acc.at[pl.ds(r0, RT)], buf)
        pltpu.sync_copy(buf, out.at[c, pl.ds(r0, RT)])

    return deg_kernel


def _make_agg_kernel(D):

    @functools.partial(
        pl.kernel,
        mesh=_sc_mesh(),
        compiler_params=pltpu.CompilerParams(use_tc_tiling_on_sc=False),
        out_type=jax.ShapeDtypeStruct((NC, R, D), _f32),
        scratch_types=[
            pltpu.VMEM((BASE, B), jnp.int32),
            pltpu.VMEM((BASE, B), jnp.int32),
            pltpu.VMEM((B,), jnp.int32),
            pltpu.VMEM((B,), jnp.int32),
            pltpu.VMEM((B, D), _f32),
            pltpu.VMEM((B, D), _f32),
            pltpu.VMEM((RT, D), _f32),
            pltpu.VMEM_SHARED((R, D), _f32),
            pltpu.SemaphoreType.DMA,
            pltpu.SemaphoreType.DMA,
            pltpu.SemaphoreType.DMA,
            pltpu.SemaphoreType.DMA,
        ],
    )
    def agg_kernel(
        table, eb, zeros, out,
        idx_s, idx_d, xs, xd, rows0, rows1, buf, acc, g0, g1, s0, s1,
    ):
        c = lax.axis_index("c")
        s = lax.axis_index("s")
        wid = c * NS + s
        b0 = wid * BASE
        pltpu.sync_copy(eb.at[0, pl.ds(b0, BASE)], idx_s)
        pltpu.sync_copy(eb.at[1, pl.ds(b0, BASE)], idx_d)
        r0 = s * RT
        pltpu.sync_copy(zeros, buf)
        pltpu.sync_copy(buf, acc.at[pl.ds(r0, RT)])
        plsc.subcore_barrier()
        pltpu.async_copy(table.at[idx_s.at[0]], rows0, g0)
        pltpu.async_copy(table.at[idx_s.at[1]], rows1, g1)

        def grp(t, carry):
            j0 = 2 * t
            for off, rows, gs, ss in ((0, rows0, g0, s0), (1, rows1, g1, s1)):
                pltpu.make_async_copy(table.at[idx_s.at[0]], rows, gs).wait()
                pltpu.async_copy(rows, acc.at[idx_d.at[j0 + off]], ss, add=True)
            for off, rows, gs, ss in ((2, rows0, g0, s0), (3, rows1, g1, s1)):
                jn = lax.rem(j0 + off, BASE)
                pltpu.make_async_copy(rows, acc.at[idx_d.at[0]], ss).wait()
                pltpu.async_copy(table.at[idx_s.at[jn]], rows, gs)
            return carry

        lax.fori_loop(0, NG, grp, 0)
        pltpu.make_async_copy(table.at[idx_s.at[0]], rows0, g0).wait()
        pltpu.make_async_copy(table.at[idx_s.at[1]], rows1, g1).wait()

        @pl.when(wid < XTRA)
        def _():
            pltpu.sync_copy(eb.at[0, NT * BASE + wid], xs)
            pltpu.sync_copy(eb.at[1, NT * BASE + wid], xd)
            pltpu.sync_copy(table.at[xs], rows0)
            pltpu.sync_copy(rows0, acc.at[xd], add=True)

        plsc.subcore_barrier()
        pltpu.sync_copy(acc.at[pl.ds(r0, RT)], buf)
        pltpu.sync_copy(buf, out.at[c, pl.ds(r0, RT)])

    return agg_kernel


RPT = R // NT
FL = RPT * 16


def _make_scale1_kernel():

    @functools.partial(
        pl.kernel,
        mesh=_sc_mesh(),
        compiler_params=pltpu.CompilerParams(
            use_tc_tiling_on_sc=False, needs_layout_passes=False
        ),
        out_type=[
            jax.ShapeDtypeStruct((R * 16,), _f32),
            jax.ShapeDtypeStruct((R,), _f32),
        ],
        scratch_types=[
            pltpu.VMEM((FL,), _f32),
            pltpu.VMEM((RPT,), _f32),
            pltpu.VMEM((RPT,), _f32),
            pltpu.VMEM((RPT,), _f32),
        ],
    )
    def scale1(degf, xwf, t1f, disf, bxw, bd0, bd1, bdis):
        c = lax.axis_index("c")
        s = lax.axis_index("s")
        wid = c * NS + s
        e0 = wid * FL
        r0 = wid * RPT
        pltpu.sync_copy(xwf.at[pl.ds(e0, FL)], bxw)
        pltpu.sync_copy(degf.at[pl.ds(r0, RPT)], bd0)
        pltpu.sync_copy(degf.at[pl.ds(R + r0, RPT)], bd1)

        def chunk(k, carry):
            sl = pl.ds(k * 16, 16)
            d = bd0[sl] + bd1[sl] + 1.0
            i = jnp.int32(0x5F3759DF) - lax.shift_right_logical(
                plsc.bitcast(d, jnp.int32), 1
            )
            y = plsc.bitcast(i, _f32)
            half = 0.5 * d
            for _ in range(3):
                y = y * (1.5 - half * y * y)
            bdis[sl] = y
            return carry

        lax.fori_loop(0, RPT // 16, chunk, 0)

        def rowgrp(j, carry):
            dv = bdis[pl.ds(j * 16, 16)]
            base = j * 256
            for k in range(16):
                sl = pl.ds(base + k * 16, 16)
                bxw[sl] = bxw[sl] * dv[k]
            return carry

        lax.fori_loop(0, RPT // 16, rowgrp, 0)
        pltpu.sync_copy(bxw, t1f.at[pl.ds(e0, FL)])
        pltpu.sync_copy(bdis, disf.at[pl.ds(r0, RPT)])

    return scale1


def _make_combine_kernel(relu_bias):

    scratch = [
        pltpu.VMEM((FL,), _f32),
        pltpu.VMEM((FL,), _f32),
        pltpu.VMEM((FL,), _f32),
        pltpu.VMEM((RPT,), _f32),
    ]
    if relu_bias:
        scratch.append(pltpu.VMEM((16,), _f32))

    @functools.partial(
        pl.kernel,
        mesh=_sc_mesh(),
        compiler_params=pltpu.CompilerParams(
            use_tc_tiling_on_sc=False, needs_layout_passes=False
        ),
        out_type=jax.ShapeDtypeStruct((R * 16,), _f32),
        scratch_types=scratch,
    )
    def combine(pf, tf, disf, *rest):
        if relu_bias:
            bias, of, b0, b1b, bt, bd, bb = rest
        else:
            of, b0, b1b, bt, bd = rest
        c = lax.axis_index("c")
        s = lax.axis_index("s")
        wid = c * NS + s
        e0 = wid * FL
        r0 = wid * RPT
        pltpu.sync_copy(pf.at[pl.ds(e0, FL)], b0)
        pltpu.sync_copy(pf.at[pl.ds(R * 16 + e0, FL)], b1b)
        pltpu.sync_copy(tf.at[pl.ds(e0, FL)], bt)
        pltpu.sync_copy(disf.at[pl.ds(r0, RPT)], bd)
        if relu_bias:
            pltpu.sync_copy(bias, bb)
            bv = bb[...]

        def rowgrp(j, carry):
            dv = bd[pl.ds(j * 16, 16)]
            base = j * 256
            for k in range(16):
                sl = pl.ds(base + k * 16, 16)
                d = dv[k]
                v = (b0[sl] + b1b[sl] + bt[sl]) * d
                if relu_bias:
                    v = jnp.maximum(v + bv, 0.0) * d
                bt[sl] = v
            return carry

        lax.fori_loop(0, RPT // 16, rowgrp, 0)
        pltpu.sync_copy(bt, of.at[pl.ds(e0, FL)])

    return combine


_BN = 2000


def _mm1_tc(x, W1):
    def body(x_ref, w_ref, o_ref):
        o_ref[...] = jnp.dot(
            x_ref[...], w_ref[...], preferred_element_type=_f32
        )

    return pl.pallas_call(
        body,
        grid=(N // _BN,),
        in_specs=[
            pl.BlockSpec((_BN, 128), lambda i: (i, 0)),
            pl.BlockSpec((128, 16), lambda i: (0, 0)),
        ],
        out_specs=pl.BlockSpec((_BN, 16), lambda i: (i, 0)),
        out_shape=jax.ShapeDtypeStruct((N, W1.shape[1]), _f32),
    )(x, W1)


def _mm3_tc(g, W2, b2r):
    def body(g_ref, w_ref, b_ref, o_ref):
        o_ref[...] = (
            jnp.dot(g_ref[...], w_ref[...], preferred_element_type=_f32)
            + b_ref[...]
        )

    return pl.pallas_call(
        body,
        grid=(N // _BN,),
        in_specs=[
            pl.BlockSpec((_BN, 16), lambda i: (i, 0)),
            pl.BlockSpec((16, 40), lambda i: (0, 0)),
            pl.BlockSpec((1, 40), lambda i: (0, 0)),
        ],
        out_specs=pl.BlockSpec((_BN, 40), lambda i: (i, 0)),
        out_shape=jax.ShapeDtypeStruct((N, W2.shape[1]), _f32),
    )(g, W2, b2r)


_deg_kernel = _make_deg_kernel()
_agg16 = _make_agg_kernel(16)
_scale1 = _make_scale1_kernel()
_combine1 = _make_combine_kernel(relu_bias=True)
_combine2 = _make_combine_kernel(relu_bias=False)


def kernel(x, edge_index, W1, b1, W2, b2):
    eb = edge_index.astype(jnp.int32).reshape(2, NBT, B)
    zr = jnp.zeros((RT,), _f32)
    z16 = jnp.zeros((RT, 16), _f32)

    xw1 = _mm1_tc(x, W1)
    xwf = jnp.pad(xw1, ((0, R - N), (0, 0))).reshape(-1)
    deg = _deg_kernel(eb, zr)

    t1f, disf = _scale1(deg.reshape(-1), xwf)
    p = _agg16(t1f.reshape(R, 16), eb, z16)
    t2f = _combine1(p.reshape(-1), t1f, disf, b1)
    q = _agg16(t2f.reshape(R, 16), eb, z16)
    gf = _combine2(q.reshape(-1), t2f, disf)
    out = _mm3_tc(gf.reshape(R, 16), W2, b2.reshape(1, -1))
    return out

# --- scband reference (transcript-rebuilt; emitter-appended) ---
"""Pipeline reference for scband-gcn-net1-43052752175665 (READ-ONLY COPY).

The authoritative reference and input builder live on the scoring server;
editing this copy changes nothing except your own understanding.
"""

import jax, jax.numpy as jnp
import numpy as np

N_NODES = 10000
N_EDGES = 320000
D_IN = 128
D_HID = 16
D_OUT = 40


def glorot(key, shape):
    fan_in, fan_out = shape[0], shape[1]
    limit = jnp.sqrt(6.0 / (fan_in + fan_out))
    return jax.random.uniform(key, shape, minval=-limit, maxval=limit, dtype=jnp.float32)


def setup_inputs(seed: int = 0) -> dict:
    key = jax.random.key(seed)
    k_x, k_e, k_w1, k_w2 = jax.random.split(key, 4)
    x = jax.random.normal(k_x, (N_NODES, D_IN), dtype=jnp.float32)
    edge_index = jax.random.randint(k_e, (2, N_EDGES), 0, N_NODES, dtype=jnp.int64)
    W1 = glorot(k_w1, (D_IN, D_HID))
    b1 = jnp.zeros((D_HID,), dtype=jnp.float32)
    W2 = glorot(k_w2, (D_HID, D_OUT))
    b2 = jnp.zeros((D_OUT,), dtype=jnp.float32)
    return {"x": x, "edge_index": edge_index, "W1": W1, "b1": b1, "W2": W2, "b2": b2}


def gcn_conv(x, src, dst, W, b, n_nodes):
    # Linear transform
    xw = x @ W
    # Symmetric normalization: deg^{-1/2} A_hat deg^{-1/2} (self-loops already in src/dst)
    deg = jnp.zeros((n_nodes,), dtype=jnp.float32).at[dst].add(1.0)
    deg_inv_sqrt = jnp.where(deg > 0, deg ** -0.5, 0.0)
    norm = deg_inv_sqrt[src] * deg_inv_sqrt[dst]
    # Gather messages from source nodes, scale, scatter-add to destination nodes
    msg = xw[src] * norm[:, None]
    out = jnp.zeros((n_nodes, W.shape[1]), dtype=jnp.float32).at[dst].add(msg)
    return out + b


def reference(x, edge_index, W1, b1, W2, b2):
    n_nodes = x.shape[0]
    # Add self-loops once (shared by both conv layers, same edge_index)
    loop = jnp.arange(n_nodes, dtype=edge_index.dtype)
    src = jnp.concatenate([edge_index[0], loop])
    dst = jnp.concatenate([edge_index[1], loop])
    h = gcn_conv(x, src, dst, W1, b1, n_nodes)
    h = jax.nn.relu(h)
    out = gcn_conv(h, src, dst, W2, b2, n_nodes)
    return out

if __name__ == "__main__":
    import jax
    _d = setup_inputs()
    print(jax.jit(kernel)(*tuple(_d.values())))

</pallas_src>

<mosaic_0001>
#map = affine_map<(d0, d1) -> (0)>
module attributes {stable_mosaic.version = 14 : i64} {
  func.func @combine(%arg0: i32, %arg1: i32, %arg2: memref<327680xf32, #tpu.memory_space<hbm>>, %arg3: memref<163840xf32, #tpu.memory_space<hbm>>, %arg4: memref<10240xf32, #tpu.memory_space<hbm>>, %arg5: memref<16xf32, #tpu.memory_space<hbm>>, %arg6: memref<163840xf32, #tpu.memory_space<hbm>>, %arg7: memref<5120xf32, #tpu.memory_space<vmem>>, %arg8: memref<5120xf32, #tpu.memory_space<vmem>>, %arg9: memref<5120xf32, #tpu.memory_space<vmem>>, %arg10: memref<320xf32, #tpu.memory_space<vmem>>, %arg11: memref<16xf32, #tpu.memory_space<vmem>>) attributes {dimension_semantics = [#tpu.dimension_semantics<core_parallel>, #tpu.dimension_semantics<subcore_parallel>], iteration_bounds = array<i64: 2, 16>, scalar_prefetch = 0 : i64, scratch_operands = 5 : i64, tpu.core_type = #tpu.core_type<sc_vector_subcore>, window_params = [{transform_indices = #map}, {transform_indices = #map}, {transform_indices = #map}, {transform_indices = #map}, {transform_indices = #map}]} {
    %mul3A = arith.constant 16 : i32
    %mul3A_0 = arith.muli %arg0, %mul3A : i32
    %add3A = arith.addi %mul3A_0, %arg1 : i32
    %mul3A_1 = arith.constant 5120 : i32
    %mul3A_2 = arith.muli %add3A, %mul3A_1 : i32
    %mul3A_3 = arith.constant 320 : i32
    %mul3A_4 = arith.muli %add3A, %mul3A_3 : i32
    "tpu.region"() ({
      %run_scoped3A = tpu.sem_alloc : memref<!tpu.dma_semaphore, #tpu.memory_space<semaphore_mem>>
      %dma_start3A = tpu.memref_slice %arg2[%mul3A_2] : memref<327680xf32, #tpu.memory_space<hbm>> -> memref<5120xf32, #tpu.memory_space<hbm>>
      %dma_start3A_13 = tpu.memref_slice %arg2[%mul3A_2] : memref<327680xf32, #tpu.memory_space<hbm>> -> memref<5120xf32, #tpu.memory_space<hbm>>
      tpu.enqueue_dma source(%dma_start3A_13 : memref<5120xf32, #tpu.memory_space<hbm>>) target(%arg7 : memref<5120xf32, #tpu.memory_space<vmem>>) target_semaphore(%run_scoped3A : memref<!tpu.dma_semaphore, #tpu.memory_space<semaphore_mem>>)
      %dma_wait3A = tpu.memref_slice %arg2[%mul3A_2] : memref<327680xf32, #tpu.memory_space<hbm>> -> memref<5120xf32, #tpu.memory_space<hbm>>
      %dma_wait3A_14 = tpu.memref_slice %arg2[%mul3A_2] : memref<327680xf32, #tpu.memory_space<hbm>> -> memref<5120xf32, #tpu.memory_space<hbm>>
      tpu.wait_dma2 semaphore(%run_scoped3A : memref<!tpu.dma_semaphore, #tpu.memory_space<semaphore_mem>>) src(%dma_wait3A_14 : memref<5120xf32, #tpu.memory_space<hbm>>) dst(%arg7 : memref<5120xf32, #tpu.memory_space<vmem>>)
      tpu.yield
    }) : () -> ()
    %add3A_5 = arith.constant 163840 : i32
    %add3A_6 = arith.addi %add3A_5, %mul3A_2 : i32
    "tpu.region"() ({
      %run_scoped3A = tpu.sem_alloc : memref<!tpu.dma_semaphore, #tpu.memory_space<semaphore_mem>>
      %dma_start3A = tpu.memref_slice %arg2[%add3A_6] : memref<327680xf32, #tpu.memory_space<hbm>> -> memref<5120xf32, #tpu.memory_space<hbm>>
      %dma_start3A_13 = tpu.memref_slice %arg2[%add3A_6] : memref<327680xf32, #tpu.memory_space<hbm>> -> memref<5120xf32, #tpu.memory_space<hbm>>
      tpu.enqueue_dma source(%dma_start3A_13 : memref<5120xf32, #tpu.memory_space<hbm>>) target(%arg8 : memref<5120xf32, #tpu.memory_space<vmem>>) target_semaphore(%run_scoped3A : memref<!tpu.dma_semaphore, #tpu.memory_space<semaphore_mem>>)
      %dma_wait3A = tpu.memref_slice %arg2[%add3A_6] : memref<327680xf32, #tpu.memory_space<hbm>> -> memref<5120xf32, #tpu.memory_space<hbm>>
      %dma_wait3A_14 = tpu.memref_slice %arg2[%add3A_6] : memref<327680xf32, #tpu.memory_space<hbm>> -> memref<5120xf32, #tpu.memory_space<hbm>>
      tpu.wait_dma2 semaphore(%run_scoped3A : memref<!tpu.dma_semaphore, #tpu.memory_space<semaphore_mem>>) src(%dma_wait3A_14 : memref<5120xf32, #tpu.memory_space<hbm>>) dst(%arg8 : memref<5120xf32, #tpu.memory_space<vmem>>)
      tpu.yield
    }) : () -> ()
    "tpu.region"() ({
      %run_scoped3A = tpu.sem_alloc : memref<!tpu.dma_semaphore, #tpu.memory_space<semaphore_mem>>
      %dma_start3A = tpu.memref_slice %arg3[%mul3A_2] : memref<163840xf32, #tpu.memory_space<hbm>> -> memref<5120xf32, #tpu.memory_space<hbm>>
      %dma_start3A_13 = tpu.memref_slice %arg3[%mul3A_2] : memref<163840xf32, #tpu.memory_space<hbm>> -> memref<5120xf32, #tpu.memory_space<hbm>>
      tpu.enqueue_dma source(%dma_start3A_13 : memref<5120xf32, #tpu.memory_space<hbm>>) target(%arg9 : memref<5120xf32, #tpu.memory_space<vmem>>) target_semaphore(%run_scoped3A : memref<!tpu.dma_semaphore, #tpu.memory_space<semaphore_mem>>)
      %dma_wait3A = tpu.memref_slice %arg3[%mul3A_2] : memref<163840xf32, #tpu.memory_space<hbm>> -> memref<5120xf32, #tpu.memory_space<hbm>>
      %dma_wait3A_14 = tpu.memref_slice %arg3[%mul3A_2] : memref<163840xf32, #tpu.memory_space<hbm>> -> memref<5120xf32, #tpu.memory_space<hbm>>
      tpu.wait_dma2 semaphore(%run_scoped3A : memref<!tpu.dma_semaphore, #tpu.memory_space<semaphore_mem>>) src(%dma_wait3A_14 : memref<5120xf32, #tpu.memory_space<hbm>>) dst(%arg9 : memref<5120xf32, #tpu.memory_space<vmem>>)
      tpu.yield
    }) : () -> ()
    "tpu.region"() ({
      %run_scoped3A = tpu.sem_alloc : memref<!tpu.dma_semaphore, #tpu.memory_space<semaphore_mem>>
      %dma_start3A = tpu.memref_slice %arg4[%mul3A_4] : memref<10240xf32, #tpu.memory_space<hbm>> -> memref<320xf32, #tpu.memory_space<hbm>>
      %dma_start3A_13 = tpu.memref_slice %arg4[%mul3A_4] : memref<10240xf32, #tpu.memory_space<hbm>> -> memref<320xf32, #tpu.memory_space<hbm>>
      tpu.enqueue_dma source(%dma_start3A_13 : memref<320xf32, #tpu.memory_space<hbm>>) target(%arg10 : memref<320xf32, #tpu.memory_space<vmem>>) target_semaphore(%run_scoped3A : memref<!tpu.dma_semaphore, #tpu.memory_space<semaphore_mem>>)
      %dma_wait3A = tpu.memref_slice %arg4[%mul3A_4] : memref<10240xf32, #tpu.memory_space<hbm>> -> memref<320xf32, #tpu.memory_space<hbm>>
      %dma_wait3A_14 = tpu.memref_slice %arg4[%mul3A_4] : memref<10240xf32, #tpu.memory_space<hbm>> -> memref<320xf32, #tpu.memory_space<hbm>>
      tpu.wait_dma2 semaphore(%run_scoped3A : memref<!tpu.dma_semaphore, #tpu.memory_space<semaphore_mem>>) src(%dma_wait3A_14 : memref<320xf32, #tpu.memory_space<hbm>>) dst(%arg10 : memref<320xf32, #tpu.memory_space<vmem>>)
      tpu.yield
    }) : () -> ()
    "tpu.region"() ({
      %run_scoped3A = tpu.sem_alloc : memref<!tpu.dma_semaphore, #tpu.memory_space<semaphore_mem>>
      tpu.enqueue_dma source(%arg5 : memref<16xf32, #tpu.memory_space<hbm>>) target(%arg11 : memref<16xf32, #tpu.memory_space<vmem>>) target_semaphore(%run_scoped3A : memref<!tpu.dma_semaphore, #tpu.memory_space<semaphore_mem>>)
      tpu.wait_dma2 semaphore(%run_scoped3A : memref<!tpu.dma_semaphore, #tpu.memory_space<semaphore_mem>>) src(%arg5 : memref<16xf32, #tpu.memory_space<hbm>>) dst(%arg11 : memref<16xf32, #tpu.memory_space<vmem>>)
      tpu.yield
    }) : () -> ()
    %get3A = arith.constant 0 : index
    %get3A_7 = tpu.vector_load %arg11[%get3A] {strides = array<i32>} : memref<16xf32, #tpu.memory_space<vmem>>, vector<16xf32>,
    %scan3A = arith.constant 0 : i32
    %scan3A_8 = arith.constant 0 : i32
    %scan3A_9 = arith.constant 20 : i32
    %scan3A_10 = arith.addi %scan3A_8, %scan3A_9 : i32
    %scan3A_11 = arith.constant 1 : i32
    scf.for %scan3A_13 = %scan3A_8 to %scan3A_10 step %scan3A_11  : i32 {
      %mul3A_14 = arith.constant 16 : i32
      %mul3A_15 = arith.muli %scan3A_13, %mul3A_14 : i32
      %get3A_16 = arith.index_cast %mul3A_15 : i32 to index
      %get3A_17 = tpu.vector_load %arg10[%get3A_16] {strides = array<i32>} : memref<320xf32, #tpu.memory_space<vmem>>, vector<16xf32>,
      %mul3A_18 = arith.constant 256 : i32
      %mul3A_19 = arith.muli %scan3A_13, %mul3A_18 : i32
      %add3A_20 = arith.constant 0 : i32
      %add3A_21 = arith.addi %mul3A_19, %add3A_20 : i32
      %slice3A = vector.extract_strided_slice %get3A_17 {offsets = [0], sizes = [1], strides = [1]} : vector<16xf32> to vector<1xf32>
      %squeeze3A = vector.extract %slice3A[0] : f32 from vector<1xf32>
      %get3A_22 = arith.index_cast %add3A_21 : i32 to index
      %get3A_23 = tpu.vector_load %arg7[%get3A_22] {strides = array<i32>} : memref<5120xf32, #tpu.memory_space<vmem>>, vector<16xf32>,
      %get3A_24 = arith.index_cast %add3A_21 : i32 to index
      %get3A_25 = tpu.vector_load %arg8[%get3A_24] {strides = array<i32>} : memref<5120xf32, #tpu.memory_space<vmem>>, vector<16xf32>,
      %add3A_26 = arith.addf %get3A_23, %get3A_25 : vector<16xf32>
      %get3A_27 = arith.index_cast %add3A_21 : i32 to index
      %get3A_28 = tpu.vector_load %arg9[%get3A_27] {strides = array<i32>} : memref<5120xf32, #tpu.memory_space<vmem>>, vector<16xf32>,
      %add3A_29 = arith.addf %add3A_26, %get3A_28 : vector<16xf32>
      %mul3A_30 = vector.broadcast %squeeze3A : f32 to vector<16xf32>
      %mul3A_31 = arith.mulf %add3A_29, %mul3A_30 : vector<16xf32>
      %add3A_32 = arith.addf %mul3A_31, %get3A_7 : vector<16xf32>
      %max3A = arith.constant 0.000000e+00 : f32
      %max3A_33 = vector.broadcast %max3A : f32 to vector<16xf32>
      %max3A_34 = arith.maximumf %add3A_32, %max3A_33 : vector<16xf32>
      %mul3A_35 = vector.broadcast %squeeze3A : f32 to vector<16xf32>
      %mul3A_36 = arith.mulf %max3A_34, %mul3A_35 : vector<16xf32>
      %swap3A = arith.index_cast %add3A_21 : i32 to index
      %swap3A_37 = tpu.vector_load %arg9[%swap3A] {strides = array<i32>} : memref<5120xf32, #tpu.memory_space<vmem>>, vector<16xf32>,
      tpu.vector_store %arg9[%swap3A], %mul3A_36 {strides = array<i32>} : memref<5120xf32, #tpu.memory_space<vmem>>, vector<16xf32>,
      %add3A_38 = arith.constant 16 : i32
      %add3A_39 = arith.addi %mul3A_19, %add3A_38 : i32
      %slice3A_40 = vector.extract_strided_slice %get3A_17 {offsets = [1], sizes = [1], strides = [1]} : vector<16xf32> to vector<1xf32>
      %squeeze3A_41 = vector.extract %slice3A_40[0] : f32 from vector<1xf32>
      %get3A_42 = arith.index_cast %add3A_39 : i32 to index
      %get3A_43 = tpu.vector_load %arg7[%get3A_42] {strides = array<i32>} : memref<5120xf32, #tpu.memory_space<vmem>>, vector<16xf32>,
      %get3A_44 = arith.index_cast %add3A_39 : i32 to index
      %get3A_45 = tpu.vector_load %arg8[%get3A_44] {strides = array<i32>} : memref<5120xf32, #tpu.memory_space<vmem>>, vector<16xf32>,
      %add3A_46 = arith.addf %get3A_43, %get3A_45 : vector<16xf32>
      %get3A_47 = arith.index_cast %add3A_39 : i32 to index
      %get3A_48 = tpu.vector_load %arg9[%get3A_47] {strides = array<i32>} : memref<5120xf32, #tpu.memory_space<vmem>>, vector<16xf32>,
      %add3A_49 = arith.addf %add3A_46, %get3A_48 : vector<16xf32>
      %mul3A_50 = vector.broadcast %squeeze3A_41 : f32 to vector<16xf32>
      %mul3A_51 = arith.mulf %add3A_49, %mul3A_50 : vector<16xf32>
      %add3A_52 = arith.addf %mul3A_51, %get3A_7 : vector<16xf32>
      %max3A_53 = arith.constant 0.000000e+00 : f32
      %max3A_54 = vector.broadcast %max3A_53 : f32 to vector<16xf32>
      %max3A_55 = arith.maximumf %add3A_52, %max3A_54 : vector<16xf32>
      %mul3A_56 = vector.broadcast %squeeze3A_41 : f32 to vector<16xf32>
      %mul3A_57 = arith.mulf %max3A_55, %mul3A_56 : vector<16xf32>
      %swap3A_58 = arith.index_cast %add3A_39 : i32 to index
      %swap3A_59 = tpu.vector_load %arg9[%swap3A_58] {strides = array<i32>} : memref<5120xf32, #tpu.memory_space<vmem>>, vector<16xf32>,
      tpu.vector_store %arg9[%swap3A_58], %mul3A_57 {strides = array<i32>} : memref<5120xf32, #tpu.memory_space<vmem>>, vector<16xf32>,
      %add3A_60 = arith.constant 32 : i32
      %add3A_61 = arith.addi %mul3A_19, %add3A_60 : i32
      %slice3A_62 = vector.extract_strided_slice %get3A_17 {offsets = [2], sizes = [1], strides = [1]} : vector<16xf32> to vector<1xf32>
      %squeeze3A_63 = vector.extract %slice3A_62[0] : f32 from vector<1xf32>
      %get3A_64 = arith.index_cast %add3A_61 : i32 to index
      %get3A_65 = tpu.vector_load %arg7[%get3A_64] {strides = array<i32>} : memref<5120xf32, #tpu.memory_space<vmem>>, vector<16xf32>,
      %get3A_66 = arith.index_cast %add3A_61 : i32 to index
      %get3A_67 = tpu.vector_load %arg8[%get3A_66] {strides = array<i32>} : memref<5120xf32, #tpu.memory_space<vmem>>, vector<16xf32>,
      %add3A_68 = arith.addf %get3A_65, %get3A_67 : vector<16xf32>
      %get3A_69 = arith.index_cast %add3A_61 : i32 to index
      %get3A_70 = tpu.vector_load %arg9[%get3A_69] {strides = array<i32>} : memref<5120xf32, #tpu.memory_space<vmem>>, vector<16xf32>,
      %add3A_71 = arith.addf %add3A_68, %get3A_70 : vector<16xf32>
      %mul3A_72 = vector.broadcast %squeeze3A_63 : f32 to vector<16xf32>
      %mul3A_73 = arith.mulf %add3A_71, %mul3A_72 : vector<16xf32>
      %add3A_74 = arith.addf %mul3A_73, %get3A_7 : vector<16xf32>
      %max3A_75 = arith.constant 0.000000e+00 : f32
      %max3A_76 = vector.broadcast %max3A_75 : f32 to vector<16xf32>
      %max3A_77 = arith.maximumf %add3A_74, %max3A_76 : vector<16xf32>
      %mul3A_78 = vector.broadcast %squeeze3A_63 : f32 to vector<16xf32>
      %mul3A_79 = arith.mulf %max3A_77, %mul3A_78 : vector<16xf32>
      %swap3A_80 = arith.index_cast %add3A_61 : i32 to index
      %swap3A_81 = tpu.vector_load %arg9[%swap3A_80] {strides = array<i32>} : memref<5120xf32, #tpu.memory_space<vmem>>, vector<16xf32>,
      tpu.vector_store %arg9[%swap3A_80], %mul3A_79 {strides = array<i32>} : memref<5120xf32, #tpu.memory_space<vmem>>, vector<16xf32>,
      %add3A_82 = arith.constant 48 : i32
      %add3A_83 = arith.addi %mul3A_19, %add3A_82 : i32
      %slice3A_84 = vector.extract_strided_slice %get3A_17 {offsets = [3], sizes = [1], strides = [1]} : vector<16xf32> to vector<1xf32>
      %squeeze3A_85 = vector.extract %slice3A_84[0] : f32 from vector<1xf32>
      %get3A_86 = arith.index_cast %add3A_83 : i32 to index
      %get3A_87 = tpu.vector_load %arg7[%get3A_86] {strides = array<i32>} : memref<5120xf32, #tpu.memory_space<vmem>>, vector<16xf32>,
      %get3A_88 = arith.index_cast %add3A_83 : i32 to index
      %get3A_89 = tpu.vector_load %arg8[%get3A_88] {strides = array<i32>} : memref<5120xf32, #tpu.memory_space<vmem>>, vector<16xf32>,
      %add3A_90 = arith.addf %get3A_87, %get3A_89 : vector<16xf32>
      %get3A_91 = arith.index_cast %add3A_83 : i32 to index
      %get3A_92 = tpu.vector_load %arg9[%get3A_91] {strides = array<i32>} : memref<5120xf32, #tpu.memory_space<vmem>>, vector<16xf32>,
      %add3A_93 = arith.addf %add3A_90, %get3A_92 : vector<16xf32>
      %mul3A_94 = vector.broadcast %squeeze3A_85 : f32 to vector<16xf32>
      %mul3A_95 = arith.mulf %add3A_93, %mul3A_94 : vector<16xf32>
      %add3A_96 = arith.addf %mul3A_95, %get3A_7 : vector<16xf32>
      %max3A_97 = arith.constant 0.000000e+00 : f32
      %max3A_98 = vector.broadcast %max3A_97 : f32 to vector<16xf32>
      %max3A_99 = arith.maximumf %add3A_96, %max3A_98 : vector<16xf32>
      %mul3A_100 = vector.broadcast %squeeze3A_85 : f32 to vector<16xf32>
      %mul3A_101 = arith.mulf %max3A_99, %mul3A_100 : vector<16xf32>
      %swap3A_102 = arith.index_cast %add3A_83 : i32 to index
      %swap3A_103 = tpu.vector_load %arg9[%swap3A_102] {strides = array<i32>} : memref<5120xf32, #tpu.memory_space<vmem>>, vector<16xf32>,
      tpu.vector_store %arg9[%swap3A_102], %mul3A_101 {strides = array<i32>} : memref<5120xf32, #tpu.memory_space<vmem>>, vector<16xf32>,
      %add3A_104 = arith.constant 64 : i32
      %add3A_105 = arith.addi %mul3A_19, %add3A_104 : i32
      %slice3A_106 = vector.extract_strided_slice %get3A_17 {offsets = [4], sizes = [1], strides = [1]} : vector<16xf32> to vector<1xf32>
      %squeeze3A_107 = vector.extract %slice3A_106[0] : f32 from vector<1xf32>
      %get3A_108 = arith.index_cast %add3A_105 : i32 to index
      %get3A_109 = tpu.vector_load %arg7[%get3A_108] {strides = array<i32>} : memref<5120xf32, #tpu.memory_space<vmem>>, vector<16xf32>,
      %get3A_110 = arith.index_cast %add3A_105 : i32 to index
      %get3A_111 = tpu.vector_load %arg8[%get3A_110] {strides = array<i32>} : memref<5120xf32, #tpu.memory_space<vmem>>, vector<16xf32>,
      %add3A_112 = arith.addf %get3A_109, %get3A_111 : vector<16xf32>
      %get3A_113 = arith.index_cast %add3A_105 : i32 to index
      %get3A_114 = tpu.vector_load %arg9[%get3A_113] {strides = array<i32>} : memref<5120xf32, #tpu.memory_space<vmem>>, vector<16xf32>,
      %add3A_115 = arith.addf %add3A_112, %get3A_114 : vector<16xf32>
      %mul3A_116 = vector.broadcast %squeeze3A_107 : f32 to vector<16xf32>
      %mul3A_117 = arith.mulf %add3A_115, %mul3A_116 : vector<16xf32>
      %add3A_118 = arith.addf %mul3A_117, %get3A_7 : vector<16xf32>
      %max3A_119 = arith.constant 0.000000e+00 : f32
      %max3A_120 = vector.broadcast %max3A_119 : f32 to vector<16xf32>
      %max3A_121 = arith.maximumf %add3A_118, %max3A_120 : vector<16xf32>
      %mul3A_122 = vector.broadcast %squeeze3A_107 : f32 to vector<16xf32>
      %mul3A_123 = arith.mulf %max3A_121, %mul3A_122 : vector<16xf32>
      %swap3A_124 = arith.index_cast %add3A_105 : i32 to index
      %swap3A_125 = tpu.vector_load %arg9[%swap3A_124] {strides = array<i32>} : memref<5120xf32, #tpu.memory_space<vmem>>, vector<16xf32>,
      tpu.vector_store %arg9[%swap3A_124], %mul3A_123 {strides = array<i32>} : memref<5120xf32, #tpu.memory_space<vmem>>, vector<16xf32>,
      %add3A_126 = arith.constant 80 : i32
      %add3A_127 = arith.addi %mul3A_19, %add3A_126 : i32
      %slice3A_128 = vector.extract_strided_slice %get3A_17 {offsets = [5], sizes = [1], strides = [1]} : vector<16xf32> to vector<1xf32>
      %squeeze3A_129 = vector.extract %slice3A_128[0] : f32 from vector<1xf32>
      %get3A_130 = arith.index_cast %add3A_127 : i32 to index
      %get3A_131 = tpu.vector_load %arg7[%get3A_130] {strides = array<i32>} : memref<5120xf32, #tpu.memory_space<vmem>>, vector<16xf32>,
      %get3A_132 = arith.index_cast %add3A_127 : i32 to index
      %get3A_133 = tpu.vector_load %arg8[%get3A_132] {strides = array<i32>} : memref<5120xf32, #tpu.memory_space<vmem>>, vector<16xf32>,
      %add3A_134 = arith.addf %get3A_131, %get3A_133 : vector<16xf32>
      %get3A_135 = arith.index_cast %add3A_127 : i32 to index
      %get3A_136 = tpu.vector_load %arg9[%get3A_135] {strides = array<i32>} : memref<5120xf32, #tpu.memory_space<vmem>>, vector<16xf32>,
      %add3A_137 = arith.addf %add3A_134, %get3A_136 : vector<16xf32>
      %mul3A_138 = vector.broadcast %squeeze3A_129 : f32 to vector<16xf32>
      %mul3A_139 = arith.mulf %add3A_137, %mul3A_138 : vector<16xf32>
      %add3A_140 = arith.addf %mul3A_139, %get3A_7 : vector<16xf32>
      %max3A_141 = arith.constant 0.000000e+00 : f32
      %max3A_142 = vector.broadcast %max3A_141 : f32 to vector<16xf32>
      %max3A_143 = arith.maximumf %add3A_140, %max3A_142 : vector<16xf32>
      %mul3A_144 = vector.broadcast %squeeze3A_129 : f32 to vector<16xf32>
      %mul3A_145 = arith.mulf %max3A_143, %mul3A_144 : vector<16xf32>
      %swap3A_146 = arith.index_cast %add3A_127 : i32 to index
      %swap3A_147 = tpu.vector_load %arg9[%swap3A_146] {strides = array<i32>} : memref<5120xf32, #tpu.memory_space<vmem>>, vector<16xf32>,
      tpu.vector_store %arg9[%swap3A_146], %mul3A_145 {strides = array<i32>} : memref<5120xf32, #tpu.memory_space<vmem>>, vector<16xf32>,
      %add3A_148 = arith.constant 96 : i32
      %add3A_149 = arith.addi %mul3A_19, %add3A_148 : i32
      %slice3A_150 = vector.extract_strided_slice %get3A_17 {offsets = [6], sizes = [1], strides = [1]} : vector<16xf32> to vector<1xf32>
      %squeeze3A_151 = vector.extract %slice3A_150[0] : f32 from vector<1xf32>
      %get3A_152 = arith.index_cast %add3A_149 : i32 to index
      %get3A_153 = tpu.vector_load %arg7[%get3A_152] {strides = array<i32>} : memref<5120xf32, #tpu.memory_space<vmem>>, vector<16xf32>,
      %get3A_154 = arith.index_cast %add3A_149 : i32 to index
      %get3A_155 = tpu.vector_load %arg8[%get3A_154] {strides = array<i32>} : memref<5120xf32, #tpu.memory_space<vmem>>, vector<16xf32>,
      %add3A_156 = arith.addf %get3A_153, %get3A_155 : vector<16xf32>
      %get3A_157 = arith.index_cast %add3A_149 : i32 to index
      %get3A_158 = tpu.vector_load %arg9[%get3A_157] {strides = array<i32>} : memref<5120xf32, #tpu.memory_space<vmem>>, vector<16xf32>,
      %add3A_159 = arith.addf %add3A_156, %get3A_158 : vector<16xf32>
      %mul3A_160 = vector.broadcast %squeeze3A_151 : f32 to vector<16xf32>
      %mul3A_161 = arith.mulf %add3A_159, %mul3A_160 : vector<16xf32>
      %add3A_162 = arith.addf %mul3A_161, %get3A_7 : vector<16xf32>
      %max3A_163 = arith.constant 0.000000e+00 : f32
      %max3A_164 = vector.broadcast %max3A_163 : f32 to vector<16xf32>
      %max3A_165 = arith.maximumf %add3A_162, %max3A_164 : vector<16xf32>
      %mul3A_166 = vector.broadcast %squeeze3A_151 : f32 to vector<16xf32>
      %mul3A_167 = arith.mulf %max3A_165, %mul3A_166 : vector<16xf32>
      %swap3A_168 = arith.index_cast %add3A_149 : i32 to index
      %swap3A_169 = tpu.vector_load %arg9[%swap3A_168] {strides = array<i32>} : memref<5120xf32, #tpu.memory_space<vmem>>, vector<16xf32>,
      tpu.vector_store %arg9[%swap3A_168], %mul3A_167 {strides = array<i32>} : memref<5120xf32, #tpu.memory_space<vmem>>, vector<16xf32>,
      %add3A_170 = arith.constant 112 : i32
      %add3A_171 = arith.addi %mul3A_19, %add3A_170 : i32
      %slice3A_172 = vector.extract_strided_slice %get3A_17 {offsets = [7], sizes = [1], strides = [1]} : vector<16xf32> to vector<1xf32>
      %squeeze3A_173 = vector.extract %slice3A_172[0] : f32 from vector<1xf32>
      %get3A_174 = arith.index_cast %add3A_171 : i32 to index
      %get3A_175 = tpu.vector_load %arg7[%get3A_174] {strides = array<i32>} : memref<5120xf32, #tpu.memory_space<vmem>>, vector<16xf32>,
      %get3A_176 = arith.index_cast %add3A_171 : i32 to index
      %get3A_177 = tpu.vector_load %arg8[%get3A_176] {strides = array<i32>} : memref<5120xf32, #tpu.memory_space<vmem>>, vector<16xf32>,
      %add3A_178 = arith.addf %get3A_175, %get3A_177 : vector<16xf32>
      %get3A_179 = arith.index_cast %add3A_171 : i32 to index
      %get3A_180 = tpu.vector_load %arg9[%get3A_179] {strides = array<i32>} : memref<5120xf32, #tpu.memory_space<vmem>>, vector<16xf32>,
      %add3A_181 = arith.addf %add3A_178, %get3A_180 : vector<16xf32>
      %mul3A_182 = vector.broadcast %squeeze3A_173 : f32 to vector<16xf32>
      %mul3A_183 = arith.mulf %add3A_181, %mul3A_182 : vector<16xf32>
      %add3A_184 = arith.addf %mul3A_183, %get3A_7 : vector<16xf32>
      %max3A_185 = arith.constant 0.000000e+00 : f32
      %max3A_186 = vector.broadcast %max3A_185 : f32 to vector<16xf32>
      %max3A_187 = arith.maximumf %add3A_184, %max3A_186 : vector<16xf32>
      %mul3A_188 = vector.broadcast %squeeze3A_173 : f32 to vector<16xf32>
      %mul3A_189 = arith.mulf %max3A_187, %mul3A_188 : vector<16xf32>
      %swap3A_190 = arith.index_cast %add3A_171 : i32 to index
      %swap3A_191 = tpu.vector_load %arg9[%swap3A_190] {strides = array<i32>} : memref<5120xf32, #tpu.memory_space<vmem>>, vector<16xf32>,
      tpu.vector_store %arg9[%swap3A_190], %mul3A_189 {strides = array<i32>} : memref<5120xf32, #tpu.memory_space<vmem>>, vector<16xf32>,
      %add3A_192 = arith.constant 128 : i32
      %add3A_193 = arith.addi %mul3A_19, %add3A_192 : i32
      %slice3A_194 = vector.extract_strided_slice %get3A_17 {offsets = [8], sizes = [1], strides = [1]} : vector<16xf32> to vector<1xf32>
      %squeeze3A_195 = vector.extract %slice3A_194[0] : f32 from vector<1xf32>
      %get3A_196 = arith.index_cast %add3A_193 : i32 to index
      %get3A_197 = tpu.vector_load %arg7[%get3A_196] {strides = array<i32>} : memref<5120xf32, #tpu.memory_space<vmem>>, vector<16xf32>,
      %get3A_198 = arith.index_cast %add3A_193 : i32 to index
      %get3A_199 = tpu.vector_load %arg8[%get3A_198] {strides = array<i32>} : memref<5120xf32, #tpu.memory_space<vmem>>, vector<16xf32>,
      %add3A_200 = arith.addf %get3A_197, %get3A_199 : vector<16xf32>
      %get3A_201 = arith.index_cast %add3A_193 : i32 to index
      %get3A_202 = tpu.vector_load %arg9[%get3A_201] {strides = array<i32>} : memref<5120xf32, #tpu.memory_space<vmem>>, vector<16xf32>,
      %add3A_203 = arith.addf %add3A_200, %get3A_202 : vector<16xf32>
      %mul3A_204 = vector.broadcast %squeeze3A_195 : f32 to vector<16xf32>
      %mul3A_205 = arith.mulf %add3A_203, %mul3A_204 : vector<16xf32>
      %add3A_206 = arith.addf %mul3A_205, %get3A_7 : vector<16xf32>
      %max3A_207 = arith.constant 0.000000e+00 : f32
      %max3A_208 = vector.broadcast %max3A_207 : f32 to vector<16xf32>
      %max3A_209 = arith.maximumf %add3A_206, %max3A_208 : vector<16xf32>
      %mul3A_210 = vector.broadcast %squeeze3A_195 : f32 to vector<16xf32>
      %mul3A_211 = arith.mulf %max3A_209, %mul3A_210 : vector<16xf32>
      %swap3A_212 = arith.index_cast %add3A_193 : i32 to index
      %swap3A_213 = tpu.vector_load %arg9[%swap3A_212] {strides = array<i32>} : memref<5120xf32, #tpu.memory_space<vmem>>, vector<16xf32>,
      tpu.vector_store %arg9[%swap3A_212], %mul3A_211 {strides = array<i32>} : memref<5120xf32, #tpu.memory_space<vmem>>, vector<16xf32>,
      %add3A_214 = arith.constant 144 : i32
      %add3A_215 = arith.addi %mul3A_19, %add3A_214 : i32
      %slice3A_216 = vector.extract_strided_slice %get3A_17 {offsets = [9], sizes = [1], strides = [1]} : vector<16xf32> to vector<1xf32>
      %squeeze3A_217 = vector.extract %slice3A_216[0] : f32 from vector<1xf32>
      %get3A_218 = arith.index_cast %add3A_215 : i32 to index
      %get3A_219 = tpu.vector_load %arg7[%get3A_218] {strides = array<i32>} : memref<5120xf32, #tpu.memory_space<vmem>>, vector<16xf32>,
      %get3A_220 = arith.index_cast %add3A_215 : i32 to index
      %get3A_221 = tpu.vector_load %arg8[%get3A_220] {strides = array<i32>} : memref<5120xf32, #tpu.memory_space<vmem>>, vector<16xf32>,
      %add3A_222 = arith.addf %get3A_219, %get3A_221 : vector<16xf32>
      %get3A_223 = arith.index_cast %add3A_215 : i32 to index
      %get3A_224 = tpu.vector_load %arg9[%get3A_223] {strides = array<i32>} : memref<5120xf32, #tpu.memory_space<vmem>>, vector<16xf32>,
      %add3A_225 = arith.addf %add3A_222, %get3A_224 : vector<16xf32>
      %mul3A_226 = vector.broadcast %squeeze3A_217 : f32 to vector<16xf32>
      %mul3A_227 = arith.mulf %add3A_225, %mul3A_226 : vector<16xf32>
      %add3A_228 = arith.addf %mul3A_227, %get3A_7 : vector<16xf32>
      %max3A_229 = arith.constant 0.000000e+00 : f32
      %max3A_230 = vector.broadcast %max3A_229 : f32 to vector<16xf32>
      %max3A_231 = arith.maximumf %add3A_228, %max3A_230 : vector<16xf32>
      %mul3A_232 = vector.broadcast %squeeze3A_217 : f32 to vector<16xf32>
      %mul3A_233 = arith.mulf %max3A_231, %mul3A_232 : vector<16xf32>
      %swap3A_234 = arith.index_cast %add3A_215 : i32 to index
      %swap3A_235 = tpu.vector_load %arg9[%swap3A_234] {strides = array<i32>} : memref<5120xf32, #tpu.memory_space<vmem>>, vector<16xf32>,
      tpu.vector_store %arg9[%swap3A_234], %mul3A_233 {strides = array<i32>} : memref<5120xf32, #tpu.memory_space<vmem>>, vector<16xf32>,
      %add3A_236 = arith.constant 160 : i32
      %add3A_237 = arith.addi %mul3A_19, %add3A_236 : i32
      %slice3A_238 = vector.extract_strided_slice %get3A_17 {offsets = [10], sizes = [1], strides = [1]} : vector<16xf32> to vector<1xf32>
      %squeeze3A_239 = vector.extract %slice3A_238[0] : f32 from vector<1xf32>
      %get3A_240 = arith.index_cast %add3A_237 : i32 to index
      %get3A_241 = tpu.vector_load %arg7[%get3A_240] {strides = array<i32>} : memref<5120xf32, #tpu.memory_space<vmem>>, vector<16xf32>,
      %get3A_242 = arith.index_cast %add3A_237 : i32 to index
      %get3A_243 = tpu.vector_load %arg8[%get3A_242] {strides = array<i32>} : memref<5120xf32, #tpu.memory_space<vmem>>, vector<16xf32>,
      %add3A_244 = arith.addf %get3A_241, %get3A_243 : vector<16xf32>
      %get3A_245 = arith.index_cast %add3A_237 : i32 to index
      %get3A_246 = tpu.vector_load %arg9[%get3A_245] {strides = array<i32>} : memref<5120xf32, #tpu.memory_space<vmem>>, vector<16xf32>,
      %add3A_247 = arith.addf %add3A_244, %get3A_246 : vector<16xf32>
      %mul3A_248 = vector.broadcast %squeeze3A_239 : f32 to vector<16xf32>
      %mul3A_249 = arith.mulf %add3A_247, %mul3A_248 : vector<16xf32>
      %add3A_250 = arith.addf %mul3A_249, %get3A_7 : vector<16xf32>
      %max3A_251 = arith.constant 0.000000e+00 : f32
      %max3A_252 = vector.broadcast %max3A_251 : f32 to vector<16xf32>
      %max3A_253 = arith.maximumf %add3A_250, %max3A_252 : vector<16xf32>
      %mul3A_254 = vector.broadcast %squeeze3A_239 : f32 to vector<16xf32>
      %mul3A_255 = arith.mulf %max3A_253, %mul3A_254 : vector<16xf32>
      %swap3A_256 = arith.index_cast %add3A_237 : i32 to index
      %swap3A_257 = tpu.vector_load %arg9[%swap3A_256] {strides = array<i32>} : memref<5120xf32, #tpu.memory_space<vmem>>, vector<16xf32>,
      tpu.vector_store %arg9[%swap3A_256], %mul3A_255 {strides = array<i32>} : memref<5120xf32, #tpu.memory_space<vmem>>, vector<16xf32>,
      %add3A_258 = arith.constant 176 : i32
      %add3A_259 = arith.addi %mul3A_19, %add3A_258 : i32
      %slice3A_260 = vector.extract_strided_slice %get3A_17 {offsets = [11], sizes = [1], strides = [1]} : vector<16xf32> to vector<1xf32>
      %squeeze3A_261 = vector.extract %slice3A_260[0] : f32 from vector<1xf32>
      %get3A_262 = arith.index_cast %add3A_259 : i32 to index
      %get3A_263 = tpu.vector_load %arg7[%get3A_262] {strides = array<i32>} : memref<5120xf32, #tpu.memory_space<vmem>>, vector<16xf32>,
      %get3A_264 = arith.index_cast %add3A_259 : i32 to index
      %get3A_265 = tpu.vector_load %arg8[%get3A_264] {strides = array<i32>} : memref<5120xf32, #tpu.memory_space<vmem>>, vector<16xf32>,
      %add3A_266 = arith.addf %get3A_263, %get3A_265 : vector<16xf32>
      %get3A_267 = arith.index_cast %add3A_259 : i32 to index
      %get3A_268 = tpu.vector_load %arg9[%get3A_267] {strides = array<i32>} : memref<5120xf32, #tpu.memory_space<vmem>>, vector<16xf32>,
      %add3A_269 = arith.addf %add3A_266, %get3A_268 : vector<16xf32>
      %mul3A_270 = vector.broadcast %squeeze3A_261 : f32 to vector<16xf32>
      %mul3A_271 = arith.mulf %add3A_269, %mul3A_270 : vector<16xf32>
      %add3A_272 = arith.addf %mul3A_271, %get3A_7 : vector<16xf32>
      %max3A_273 = arith.constant 0.000000e+00 : f32
      %max3A_274 = vector.broadcast %max3A_273 : f32 to vector<16xf32>
      %max3A_275 = arith.maximumf %add3A_272, %max3A_274 : vector<16xf32>
      %mul3A_276 = vector.broadcast %squeeze3A_261 : f32 to vector<16xf32>
      %mul3A_277 = arith.mulf %max3A_275, %mul3A_276 : vector<16xf32>
      %swap3A_278 = arith.index_cast %add3A_259 : i32 to index
      %swap3A_279 = tpu.vector_load %arg9[%swap3A_278] {strides = array<i32>} : memref<5120xf32, #tpu.memory_space<vmem>>, vector<16xf32>,
      tpu.vector_store %arg9[%swap3A_278], %mul3A_277 {strides = array<i32>} : memref<5120xf32, #tpu.memory_space<vmem>>, vector<16xf32>,
      %add3A_280 = arith.constant 192 : i32
      %add3A_281 = arith.addi %mul3A_19, %add3A_280 : i32
      %slice3A_282 = vector.extract_strided_slice %get3A_17 {offsets = [12], sizes = [1], strides = [1]} : vector<16xf32> to vector<1xf32>
      %squeeze3A_283 = vector.extract %slice3A_282[0] : f32 from vector<1xf32>
      %get3A_284 = arith.index_cast %add3A_281 : i32 to index
      %get3A_285 = tpu.vector_load %arg7[%get3A_284] {strides = array<i32>} : memref<5120xf32, #tpu.memory_space<vmem>>, vector<16xf32>,
      %get3A_286 = arith.index_cast %add3A_281 : i32 to index
      %get3A_287 = tpu.vector_load %arg8[%get3A_286] {strides = array<i32>} : memref<5120xf32, #tpu.memory_space<vmem>>, vector<16xf32>,
      %add3A_288 = arith.addf %get3A_285, %get3A_287 : vector<16xf32>
      %get3A_289 = arith.index_cast %add3A_281 : i32 to index
      %get3A_290 = tpu.vector_load %arg9[%get3A_289] {strides = array<i32>} : memref<5120xf32, #tpu.memory_space<vmem>>, vector<16xf32>,
      %add3A_291 = arith.addf %add3A_288, %get3A_290 : vector<16xf32>
      %mul3A_292 = vector.broadcast %squeeze3A_283 : f32 to vector<16xf32>
      %mul3A_293 = arith.mulf %add3A_291, %mul3A_292 : vector<16xf32>
      %add3A_294 = arith.addf %mul3A_293, %get3A_7 : vector<16xf32>
      %max3A_295 = arith.constant 0.000000e+00 : f32
      %max3A_296 = vector.broadcast %max3A_295 : f32 to vector<16xf32>
      %max3A_297 = arith.maximumf %add3A_294, %max3A_296 : vector<16xf32>
      %mul3A_298 = vector.broadcast %squeeze3A_283 : f32 to vector<16xf32>
      %mul3A_299 = arith.mulf %max3A_297, %mul3A_298 : vector<16xf32>
      %swap3A_300 = arith.index_cast %add3A_281 : i32 to index
      %swap3A_301 = tpu.vector_load %arg9[%swap3A_300] {strides = array<i32>} : memref<5120xf32, #tpu.memory_space<vmem>>, vector<16xf32>,
      tpu.vector_store %arg9[%swap3A_300], %mul3A_299 {strides = array<i32>} : memref<5120xf32, #tpu.memory_space<vmem>>, vector<16xf32>,
      %add3A_302 = arith.constant 208 : i32
      %add3A_303 = arith.addi %mul3A_19, %add3A_302 : i32
      %slice3A_304 = vector.extract_strided_slice %get3A_17 {offsets = [13], sizes = [1], strides = [1]} : vector<16xf32> to vector<1xf32>
      %squeeze3A_305 = vector.extract %slice3A_304[0] : f32 from vector<1xf32>
      %get3A_306 = arith.index_cast %add3A_303 : i32 to index
      %get3A_307 = tpu.vector_load %arg7[%get3A_306] {strides = array<i32>} : memref<5120xf32, #tpu.memory_space<vmem>>, vector<16xf32>,
      %get3A_308 = arith.index_cast %add3A_303 : i32 to index
      %get3A_309 = tpu.vector_load %arg8[%get3A_308] {strides = array<i32>} : memref<5120xf32, #tpu.memory_space<vmem>>, vector<16xf32>,
      %add3A_310 = arith.addf %get3A_307, %get3A_309 : vector<16xf32>
      %get3A_311 = arith.index_cast %add3A_303 : i32 to index
      %get3A_312 = tpu.vector_load %arg9[%get3A_311] {strides = array<i32>} : memref<5120xf32, #tpu.memory_space<vmem>>, vector<16xf32>,
      %add3A_313 = arith.addf %add3A_310, %get3A_312 : vector<16xf32>
      %mul3A_314 = vector.broadcast %squeeze3A_305 : f32 to vector<16xf32>
      %mul3A_315 = arith.mulf %add3A_313, %mul3A_314 : vector<16xf32>
      %add3A_316 = arith.addf %mul3A_315, %get3A_7 : vector<16xf32>
      %max3A_317 = arith.constant 0.000000e+00 : f32
      %max3A_318 = vector.broadcast %max3A_317 : f32 to vector<16xf32>
      %max3A_319 = arith.maximumf %add3A_316, %max3A_318 : vector<16xf32>
      %mul3A_320 = vector.broadcast %squeeze3A_305 : f32 to vector<16xf32>
      %mul3A_321 = arith.mulf %max3A_319, %mul3A_320 : vector<16xf32>
      %swap3A_322 = arith.index_cast %add3A_303 : i32 to index
      %swap3A_323 = tpu.vector_load %arg9[%swap3A_322] {strides = array<i32>} : memref<5120xf32, #tpu.memory_space<vmem>>, vector<16xf32>,
      tpu.vector_store %arg9[%swap3A_322], %mul3A_321 {strides = array<i32>} : memref<5120xf32, #tpu.memory_space<vmem>>, vector<16xf32>,
      %add3A_324 = arith.constant 224 : i32
      %add3A_325 = arith.addi %mul3A_19, %add3A_324 : i32
      %slice3A_326 = vector.extract_strided_slice %get3A_17 {offsets = [14], sizes = [1], strides = [1]} : vector<16xf32> to vector<1xf32>
      %squeeze3A_327 = vector.extract %slice3A_326[0] : f32 from vector<1xf32>
      %get3A_328 = arith.index_cast %add3A_325 : i32 to index
      %get3A_329 = tpu.vector_load %arg7[%get3A_328] {strides = array<i32>} : memref<5120xf32, #tpu.memory_space<vmem>>, vector<16xf32>,
      %get3A_330 = arith.index_cast %add3A_325 : i32 to index
      %get3A_331 = tpu.vector_load %arg8[%get3A_330] {strides = array<i32>} : memref<5120xf32, #tpu.memory_space<vmem>>, vector<16xf32>,
      %add3A_332 = arith.addf %get3A_329, %get3A_331 : vector<16xf32>
      %get3A_333 = arith.index_cast %add3A_325 : i32 to index
      %get3A_334 = tpu.vector_load %arg9[%get3A_333] {strides = array<i32>} : memref<5120xf32, #tpu.memory_space<vmem>>, vector<16xf32>,
      %add3A_335 = arith.addf %add3A_332, %get3A_334 : vector<16xf32>
      %mul3A_336 = vector.broadcast %squeeze3A_327 : f32 to vector<16xf32>
      %mul3A_337 = arith.mulf %add3A_335, %mul3A_336 : vector<16xf32>
      %add3A_338 = arith.addf %mul3A_337, %get3A_7 : vector<16xf32>
      %max3A_339 = arith.constant 0.000000e+00 : f32
      %max3A_340 = vector.broadcast %max3A_339 : f32 to vector<16xf32>
      %max3A_341 = arith.maximumf %add3A_338, %max3A_340 : vector<16xf32>
      %mul3A_342 = vector.broadcast %squeeze3A_327 : f32 to vector<16xf32>
      %mul3A_343 = arith.mulf %max3A_341, %mul3A_342 : vector<16xf32>
      %swap3A_344 = arith.index_cast %add3A_325 : i32 to index
      %swap3A_345 = tpu.vector_load %arg9[%swap3A_344] {strides = array<i32>} : memref<5120xf32, #tpu.memory_space<vmem>>, vector<16xf32>,
      tpu.vector_store %arg9[%swap3A_344], %mul3A_343 {strides = array<i32>} : memref<5120xf32, #tpu.memory_space<vmem>>, vector<16xf32>,
      %add3A_346 = arith.constant 240 : i32
      %add3A_347 = arith.addi %mul3A_19, %add3A_346 : i32
      %slice3A_348 = vector.extract_strided_slice %get3A_17 {offsets = [15], sizes = [1], strides = [1]} : vector<16xf32> to vector<1xf32>
      %squeeze3A_349 = vector.extract %slice3A_348[0] : f32 from vector<1xf32>
      %get3A_350 = arith.index_cast %add3A_347 : i32 to index
      %get3A_351 = tpu.vector_load %arg7[%get3A_350] {strides = array<i32>} : memref<5120xf32, #tpu.memory_space<vmem>>, vector<16xf32>,
      %get3A_352 = arith.index_cast %add3A_347 : i32 to index
      %get3A_353 = tpu.vector_load %arg8[%get3A_352] {strides = array<i32>} : memref<5120xf32, #tpu.memory_space<vmem>>, vector<16xf32>,
      %add3A_354 = arith.addf %get3A_351, %get3A_353 : vector<16xf32>
      %get3A_355 = arith.index_cast %add3A_347 : i32 to index
      %get3A_356 = tpu.vector_load %arg9[%get3A_355] {strides = array<i32>} : memref<5120xf32, #tpu.memory_space<vmem>>, vector<16xf32>,
      %add3A_357 = arith.addf %add3A_354, %get3A_356 : vector<16xf32>
      %mul3A_358 = vector.broadcast %squeeze3A_349 : f32 to vector<16xf32>
      %mul3A_359 = arith.mulf %add3A_357, %mul3A_358 : vector<16xf32>
      %add3A_360 = arith.addf %mul3A_359, %get3A_7 : vector<16xf32>
      %max3A_361 = arith.constant 0.000000e+00 : f32
      %max3A_362 = vector.broadcast %max3A_361 : f32 to vector<16xf32>
      %max3A_363 = arith.maximumf %add3A_360, %max3A_362 : vector<16xf32>
      %mul3A_364 = vector.broadcast %squeeze3A_349 : f32 to vector<16xf32>
      %mul3A_365 = arith.mulf %max3A_363, %mul3A_364 : vector<16xf32>
      %swap3A_366 = arith.index_cast %add3A_347 : i32 to index
      %swap3A_367 = tpu.vector_load %arg9[%swap3A_366] {strides = array<i32>} : memref<5120xf32, #tpu.memory_space<vmem>>, vector<16xf32>,
      tpu.vector_store %arg9[%swap3A_366], %mul3A_365 {strides = array<i32>} : memref<5120xf32, #tpu.memory_space<vmem>>, vector<16xf32>,
    }
    %scan3A_12 = arith.constant 20 : i32
    "tpu.region"() ({
      %run_scoped3A = tpu.sem_alloc : memref<!tpu.dma_semaphore, #tpu.memory_space<semaphore_mem>>
      %dma_start3A = tpu.memref_slice %arg6[%mul3A_2] : memref<163840xf32, #tpu.memory_space<hbm>> -> memref<5120xf32, #tpu.memory_space<hbm>>
      %dma_start3A_13 = tpu.memref_slice %arg6[%mul3A_2] : memref<163840xf32, #tpu.memory_space<hbm>> -> memref<5120xf32, #tpu.memory_space<hbm>>
      tpu.enqueue_dma source(%arg9 : memref<5120xf32, #tpu.memory_space<vmem>>) target(%dma_start3A_13 : memref<5120xf32, #tpu.memory_space<hbm>>) target_semaphore(%run_scoped3A : memref<!tpu.dma_semaphore, #tpu.memory_space<semaphore_mem>>)
      %dma_wait3A = tpu.memref_slice %arg6[%mul3A_2] : memref<163840xf32, #tpu.memory_space<hbm>> -> memref<5120xf32, #tpu.memory_space<hbm>>
      %dma_wait3A_14 = tpu.memref_slice %arg6[%mul3A_2] : memref<163840xf32, #tpu.memory_space<hbm>> -> memref<5120xf32, #tpu.memory_space<hbm>>
      tpu.wait_dma2 semaphore(%run_scoped3A : memref<!tpu.dma_semaphore, #tpu.memory_space<semaphore_mem>>) src(%arg9 : memref<5120xf32, #tpu.memory_space<vmem>>) dst(%dma_wait3A_14 : memref<5120xf32, #tpu.memory_space<hbm>>)
      tpu.yield
    }) : () -> ()
    return
  }
}

#map = affine_map<(d0, d1) -> (0, 0)>
#map1 = affine_map<(d0, d1) -> (0, 0, 0)>
module attributes {stable_mosaic.version = 14 : i64} {
  func.func @agg_kernel(%arg0: i32, %arg1: i32, %arg2: memref<10240x16xf32, #tpu.memory_space<hbm>>, %arg3: memref<2x2500x128xi32, #tpu.memory_space<hbm>>, %arg4: memref<640x16xf32, #tpu.memory_space<hbm>>, %arg5: memref<2x10240x16xf32, #tpu.memory_space<hbm>>, %arg6: memref<78x128xi32, #tpu.memory_space<vmem>>, %arg7: memref<78x128xi32, #tpu.memory_space<vmem>>, %arg8: memref<128xi32, #tpu.memory_space<vmem>>, %arg9: memref<128xi32, #tpu.memory_space<vmem>>, %arg10: memref<128x16xf32, #tpu.memory_space<vmem>>, %arg11: memref<128x16xf32, #tpu.memory_space<vmem>>, %arg12: memref<640x16xf32, #tpu.memory_space<vmem>>, %arg13: memref<10240x16xf32, #tpu.memory_space<vmem_shared>>, %arg14: memref<!tpu.dma_semaphore, #tpu.memory_space<semaphore_mem>>, %arg15: memref<!tpu.dma_semaphore, #tpu.memory_space<semaphore_mem>>, %arg16: memref<!tpu.dma_semaphore, #tpu.memory_space<semaphore_mem>>, %arg17: memref<!tpu.dma_semaphore, #tpu.memory_space<semaphore_mem>>) attributes {dimension_semantics = [#tpu.dimension_semantics<core_parallel>, #tpu.dimension_semantics<subcore_parallel>], iteration_bounds = array<i64: 2, 16>, scalar_prefetch = 0 : i64, scratch_operands = 12 : i64, tpu.core_type = #tpu.core_type<sc_vector_subcore>, window_params = [{transform_indices = #map}, {transform_indices = #map1}, {transform_indices = #map}, {transform_indices = #map1}]} {
    %mul3A = arith.constant 16 : i32
    %mul3A_0 = arith.muli %arg0, %mul3A : i32
    %add3A = arith.addi %mul3A_0, %arg1 : i32
    %mul3A_1 = arith.constant 78 : i32
    %mul3A_2 = arith.muli %add3A, %mul3A_1 : i32
    %run_scoped3A = arith.constant 0 : i32
    "tpu.region"() ({
      %run_scoped3A_40 = tpu.sem_alloc : memref<!tpu.dma_semaphore, #tpu.memory_space<semaphore_mem>>
      %dma_start3A_41 = arith.constant 0 : i32
      %dma_start3A_42 = tpu.memref_slice %arg3[%run_scoped3A, %mul3A_2, %dma_start3A_41] : memref<2x2500x128xi32, #tpu.memory_space<hbm>> -> memref<1x78x128xi32, #tpu.memory_space<hbm>>
      %dma_start3A_43 = tpu.memref_squeeze %dma_start3A_42 : memref<1x78x128xi32, #tpu.memory_space<hbm>> -> memref<78x128xi32, #tpu.memory_space<hbm>>
      %dma_start3A_44 = arith.constant 0 : i32
      %dma_start3A_45 = tpu.memref_slice %arg3[%run_scoped3A, %mul3A_2, %dma_start3A_44] : memref<2x2500x128xi32, #tpu.memory_space<hbm>> -> memref<1x78x128xi32, #tpu.memory_space<hbm>>
      %dma_start3A_46 = tpu.memref_squeeze %dma_start3A_45 : memref<1x78x128xi32, #tpu.memory_space<hbm>> -> memref<78x128xi32, #tpu.memory_space<hbm>>
      tpu.enqueue_dma source(%dma_start3A_46 : memref<78x128xi32, #tpu.memory_space<hbm>>) target(%arg6 : memref<78x128xi32, #tpu.memory_space<vmem>>) target_semaphore(%run_scoped3A_40 : memref<!tpu.dma_semaphore, #tpu.memory_space<semaphore_mem>>)
      %dma_wait3A_47 = arith.constant 0 : i32
      %dma_wait3A_48 = tpu.memref_slice %arg3[%run_scoped3A, %mul3A_2, %dma_wait3A_47] : memref<2x2500x128xi32, #tpu.memory_space<hbm>> -> memref<1x78x128xi32, #tpu.memory_space<hbm>>
      %dma_wait3A_49 = tpu.memref_squeeze %dma_wait3A_48 : memref<1x78x128xi32, #tpu.memory_space<hbm>> -> memref<78x128xi32, #tpu.memory_space<hbm>>
      %dma_wait3A_50 = arith.constant 0 : i32
      %dma_wait3A_51 = tpu.memref_slice %arg3[%run_scoped3A, %mul3A_2, %dma_wait3A_50] : memref<2x2500x128xi32, #tpu.memory_space<hbm>> -> memref<1x78x128xi32, #tpu.memory_space<hbm>>
      %dma_wait3A_52 = tpu.memref_squeeze %dma_wait3A_51 : memref<1x78x128xi32, #tpu.memory_space<hbm>> -> memref<78x128xi32, #tpu.memory_space<hbm>>
      tpu.wait_dma2 semaphore(%run_scoped3A_40 : memref<!tpu.dma_semaphore, #tpu.memory_space<semaphore_mem>>) src(%dma_wait3A_52 : memref<78x128xi32, #tpu.memory_space<hbm>>) dst(%arg6 : memref<78x128xi32, #tpu.memory_space<vmem>>)
      tpu.yield
    }) : () -> ()
    %run_scoped3A_3 = arith.constant 1 : i32
    "tpu.region"() ({
      %run_scoped3A_40 = tpu.sem_alloc : memref<!tpu.dma_semaphore, #tpu.memory_space<semaphore_mem>>
      %dma_start3A_41 = arith.constant 0 : i32
      %dma_start3A_42 = tpu.memref_slice %arg3[%run_scoped3A_3, %mul3A_2, %dma_start3A_41] : memref<2x2500x128xi32, #tpu.memory_space<hbm>> -> memref<1x78x128xi32, #tpu.memory_space<hbm>>
      %dma_start3A_43 = tpu.memref_squeeze %dma_start3A_42 : memref<1x78x128xi32, #tpu.memory_space<hbm>> -> memref<78x128xi32, #tpu.memory_space<hbm>>
      %dma_start3A_44 = arith.constant 0 : i32
      %dma_start3A_45 = tpu.memref_slice %arg3[%run_scoped3A_3, %mul3A_2, %dma_start3A_44] : memref<2x2500x128xi32, #tpu.memory_space<hbm>> -> memref<1x78x128xi32, #tpu.memory_space<hbm>>
      %dma_start3A_46 = tpu.memref_squeeze %dma_start3A_45 : memref<1x78x128xi32, #tpu.memory_space<hbm>> -> memref<78x128xi32, #tpu.memory_space<hbm>>
      tpu.enqueue_dma source(%dma_start3A_46 : memref<78x128xi32, #tpu.memory_space<hbm>>) target(%arg7 : memref<78x128xi32, #tpu.memory_space<vmem>>) target_semaphore(%run_scoped3A_40 : memref<!tpu.dma_semaphore, #tpu.memory_space<semaphore_mem>>)
      %dma_wait3A_47 = arith.constant 0 : i32
      %dma_wait3A_48 = tpu.memref_slice %arg3[%run_scoped3A_3, %mul3A_2, %dma_wait3A_47] : memref<2x2500x128xi32, #tpu.memory_space<hbm>> -> memref<1x78x128xi32, #tpu.memory_space<hbm>>
      %dma_wait3A_49 = tpu.memref_squeeze %dma_wait3A_48 : memref<1x78x128xi32, #tpu.memory_space<hbm>> -> memref<78x128xi32, #tpu.memory_space<hbm>>
      %dma_wait3A_50 = arith.constant 0 : i32
      %dma_wait3A_51 = tpu.memref_slice %arg3[%run_scoped3A_3, %mul3A_2, %dma_wait3A_50] : memref<2x2500x128xi32, #tpu.memory_space<hbm>> -> memref<1x78x128xi32, #tpu.memory_space<hbm>>
      %dma_wait3A_52 = tpu.memref_squeeze %dma_wait3A_51 : memref<1x78x128xi32, #tpu.memory_space<hbm>> -> memref<78x128xi32, #tpu.memory_space<hbm>>
      tpu.wait_dma2 semaphore(%run_scoped3A_40 : memref<!tpu.dma_semaphore, #tpu.memory_space<semaphore_mem>>) src(%dma_wait3A_52 : memref<78x128xi32, #tpu.memory_space<hbm>>) dst(%arg7 : memref<78x128xi32, #tpu.memory_space<vmem>>)
      tpu.yield
    }) : () -> ()
    %mul3A_4 = arith.constant 640 : i32
    %mul3A_5 = arith.muli %arg1, %mul3A_4 : i32
    "tpu.region"() ({
      %run_scoped3A_40 = tpu.sem_alloc : memref<!tpu.dma_semaphore, #tpu.memory_space<semaphore_mem>>
      tpu.enqueue_dma source(%arg4 : memref<640x16xf32, #tpu.memory_space<hbm>>) target(%arg12 : memref<640x16xf32, #tpu.memory_space<vmem>>) target_semaphore(%run_scoped3A_40 : memref<!tpu.dma_semaphore, #tpu.memory_space<semaphore_mem>>)
      tpu.wait_dma2 semaphore(%run_scoped3A_40 : memref<!tpu.dma_semaphore, #tpu.memory_space<semaphore_mem>>) src(%arg4 : memref<640x16xf32, #tpu.memory_space<hbm>>) dst(%arg12 : memref<640x16xf32, #tpu.memory_space<vmem>>)
      tpu.yield
    }) : () -> ()
    "tpu.region"() ({
      %run_scoped3A_40 = tpu.sem_alloc : memref<!tpu.dma_semaphore, #tpu.memory_space<semaphore_mem>>
      %dma_start3A_41 = arith.constant 0 : i32
      %dma_start3A_42 = tpu.memref_slice %arg13[%mul3A_5, %dma_start3A_41] : memref<10240x16xf32, #tpu.memory_space<vmem_shared>> -> memref<640x16xf32, #tpu.memory_space<vmem_shared>>
      %dma_start3A_43 = arith.constant 0 : i32
      %dma_start3A_44 = tpu.memref_slice %arg13[%mul3A_5, %dma_start3A_43] : memref<10240x16xf32, #tpu.memory_space<vmem_shared>> -> memref<640x16xf32, #tpu.memory_space<vmem_shared>>
      tpu.enqueue_dma source(%arg12 : memref<640x16xf32, #tpu.memory_space<vmem>>) target(%dma_start3A_44 : memref<640x16xf32, #tpu.memory_space<vmem_shared>>) target_semaphore(%run_scoped3A_40 : memref<!tpu.dma_semaphore, #tpu.memory_space<semaphore_mem>>)
      %dma_wait3A_45 = arith.constant 0 : i32
      %dma_wait3A_46 = tpu.memref_slice %arg13[%mul3A_5, %dma_wait3A_45] : memref<10240x16xf32, #tpu.memory_space<vmem_shared>> -> memref<640x16xf32, #tpu.memory_space<vmem_shared>>
      %dma_wait3A_47 = arith.constant 0 : i32
      %dma_wait3A_48 = tpu.memref_slice %arg13[%mul3A_5, %dma_wait3A_47] : memref<10240x16xf32, #tpu.memory_space<vmem_shared>> -> memref<640x16xf32, #tpu.memory_space<vmem_shared>>
      tpu.wait_dma2 semaphore(%run_scoped3A_40 : memref<!tpu.dma_semaphore, #tpu.memory_space<semaphore_mem>>) src(%arg12 : memref<640x16xf32, #tpu.memory_space<vmem>>) dst(%dma_wait3A_48 : memref<640x16xf32, #tpu.memory_space<vmem_shared>>)
      tpu.yield
    }) : () -> ()
    %barrier3A = arith.constant 0 : index
    tpu.barrier barrier_id(%barrier3A)
    %dma_start3A = arith.constant 0 : i32
    %dma_start3A_6 = arith.constant 0 : i32
    %dma_start3A_7 = tpu.memref_slice %arg6[%dma_start3A, %dma_start3A_6] : memref<78x128xi32, #tpu.memory_space<vmem>> -> memref<1x128xi32, #tpu.memory_space<vmem>>
    %dma_start3A_8 = tpu.memref_squeeze %dma_start3A_7 : memref<1x128xi32, #tpu.memory_space<vmem>> -> memref<128xi32, #tpu.memory_space<vmem>>
    %dma_start3A_9 = arith.constant 0 : i32
    %dma_start3A_10 = arith.constant 0 : i32
    %dma_start3A_11 = tpu.memref_slice %arg2[%dma_start3A_9, %dma_start3A_10] : memref<10240x16xf32, #tpu.memory_space<hbm>> -> memref<10240x16xf32, #tpu.memory_space<hbm>>
    tpu.enqueue_indirect_dma source(%dma_start3A_11 : memref<10240x16xf32, #tpu.memory_space<hbm>>) target(%arg10 : memref<128x16xf32, #tpu.memory_space<vmem>>) offsets(%dma_start3A_8 : memref<128xi32, #tpu.memory_space<vmem>>) semaphore(%arg14 : memref<!tpu.dma_semaphore, #tpu.memory_space<semaphore_mem>>)
    %dma_start3A_12 = arith.constant 1 : i32
    %dma_start3A_13 = arith.constant 0 : i32
    %dma_start3A_14 = tpu.memref_slice %arg6[%dma_start3A_12, %dma_start3A_13] : memref<78x128xi32, #tpu.memory_space<vmem>> -> memref<1x128xi32, #tpu.memory_space<vmem>>
    %dma_start3A_15 = tpu.memref_squeeze %dma_start3A_14 : memref<1x128xi32, #tpu.memory_space<vmem>> -> memref<128xi32, #tpu.memory_space<vmem>>
    %dma_start3A_16 = arith.constant 0 : i32
    %dma_start3A_17 = arith.constant 0 : i32
    %dma_start3A_18 = tpu.memref_slice %arg2[%dma_start3A_16, %dma_start3A_17] : memref<10240x16xf32, #tpu.memory_space<hbm>> -> memref<10240x16xf32, #tpu.memory_space<hbm>>
    tpu.enqueue_indirect_dma source(%dma_start3A_18 : memref<10240x16xf32, #tpu.memory_space<hbm>>) target(%arg11 : memref<128x16xf32, #tpu.memory_space<vmem>>) offsets(%dma_start3A_15 : memref<128xi32, #tpu.memory_space<vmem>>) semaphore(%arg15 : memref<!tpu.dma_semaphore, #tpu.memory_space<semaphore_mem>>)
    %scan3A = arith.constant 0 : i32
    %scan3A_19 = arith.constant 0 : i32
    %scan3A_20 = arith.constant 39 : i32
    %scan3A_21 = arith.addi %scan3A_19, %scan3A_20 : i32
    %scan3A_22 = arith.constant 1 : i32
    scf.for %scan3A_40 = %scan3A_19 to %scan3A_21 step %scan3A_22  : i32 {
      %mul3A_41 = arith.constant 2 : i32
      %mul3A_42 = arith.muli %mul3A_41, %scan3A_40 : i32
      %dma_wait3A_43 = arith.constant 0 : i32
      %dma_wait3A_44 = arith.constant 0 : i32
      %dma_wait3A_45 = tpu.memref_slice %arg6[%dma_wait3A_43, %dma_wait3A_44] : memref<78x128xi32, #tpu.memory_space<vmem>> -> memref<1x128xi32, #tpu.memory_space<vmem>>
      %dma_wait3A_46 = tpu.memref_squeeze %dma_wait3A_45 : memref<1x128xi32, #tpu.memory_space<vmem>> -> memref<128xi32, #tpu.memory_space<vmem>>
      %dma_wait3A_47 = arith.constant 0 : i32
      %dma_wait3A_48 = arith.constant 0 : i32
      %dma_wait3A_49 = tpu.memref_slice %arg2[%dma_wait3A_47, %dma_wait3A_48] : memref<10240x16xf32, #tpu.memory_space<hbm>> -> memref<10240x16xf32, #tpu.memory_space<hbm>>
      tpu.wait_indirect_dma semaphore(%arg14 : memref<!tpu.dma_semaphore, #tpu.memory_space<semaphore_mem>>) src(%dma_wait3A_49 : memref<10240x16xf32, #tpu.memory_space<hbm>>) dst(%arg10 : memref<128x16xf32, #tpu.memory_space<vmem>>)
      %add3A_50 = arith.constant 0 : i32
      %add3A_51 = arith.addi %mul3A_42, %add3A_50 : i32
      %dma_start3A_52 = arith.constant 0 : i32
      %dma_start3A_53 = tpu.memref_slice %arg7[%add3A_51, %dma_start3A_52] : memref<78x128xi32, #tpu.memory_space<vmem>> -> memref<1x128xi32, #tpu.memory_space<vmem>>
      %dma_start3A_54 = tpu.memref_squeeze %dma_start3A_53 : memref<1x128xi32, #tpu.memory_space<vmem>> -> memref<128xi32, #tpu.memory_space<vmem>>
      %dma_start3A_55 = arith.constant 0 : i32
      %dma_start3A_56 = arith.constant 0 : i32
      %dma_start3A_57 = tpu.memref_slice %arg13[%dma_start3A_55, %dma_start3A_56] : memref<10240x16xf32, #tpu.memory_space<vmem_shared>> -> memref<10240x16xf32, #tpu.memory_space<vmem_shared>>
      tpu.enqueue_indirect_dma source(%arg10 : memref<128x16xf32, #tpu.memory_space<vmem>>) target(%dma_start3A_57 : memref<10240x16xf32, #tpu.memory_space<vmem_shared>>) offsets(%dma_start3A_54 : memref<128xi32, #tpu.memory_space<vmem>>) semaphore(%arg16 : memref<!tpu.dma_semaphore, #tpu.memory_space<semaphore_mem>>) {add = true}
      %dma_wait3A_58 = arith.constant 0 : i32
      %dma_wait3A_59 = arith.constant 0 : i32
      %dma_wait3A_60 = tpu.memref_slice %arg6[%dma_wait3A_58, %dma_wait3A_59] : memref<78x128xi32, #tpu.memory_space<vmem>> -> memref<1x128xi32, #tpu.memory_space<vmem>>
      %dma_wait3A_61 = tpu.memref_squeeze %dma_wait3A_60 : memref<1x128xi32, #tpu.memory_space<vmem>> -> memref<128xi32, #tpu.memory_space<vmem>>
      %dma_wait3A_62 = arith.constant 0 : i32
      %dma_wait3A_63 = arith.constant 0 : i32
      %dma_wait3A_64 = tpu.memref_slice %arg2[%dma_wait3A_62, %dma_wait3A_63] : memref<10240x16xf32, #tpu.memory_space<hbm>> -> memref<10240x16xf32, #tpu.memory_space<hbm>>
      tpu.wait_indirect_dma semaphore(%arg15 : memref<!tpu.dma_semaphore, #tpu.memory_space<semaphore_mem>>) src(%dma_wait3A_64 : memref<10240x16xf32, #tpu.memory_space<hbm>>) dst(%arg11 : memref<128x16xf32, #tpu.memory_space<vmem>>)
      %add3A_65 = arith.constant 1 : i32
      %add3A_66 = arith.addi %mul3A_42, %add3A_65 : i32
      %dma_start3A_67 = arith.constant 0 : i32
      %dma_start3A_68 = tpu.memref_slice %arg7[%add3A_66, %dma_start3A_67] : memref<78x128xi32, #tpu.memory_space<vmem>> -> memref<1x128xi32, #tpu.memory_space<vmem>>
      %dma_start3A_69 = tpu.memref_squeeze %dma_start3A_68 : memref<1x128xi32, #tpu.memory_space<vmem>> -> memref<128xi32, #tpu.memory_space<vmem>>
      %dma_start3A_70 = arith.constant 0 : i32
      %dma_start3A_71 = arith.constant 0 : i32
      %dma_start3A_72 = tpu.memref_slice %arg13[%dma_start3A_70, %dma_start3A_71] : memref<10240x16xf32, #tpu.memory_space<vmem_shared>> -> memref<10240x16xf32, #tpu.memory_space<vmem_shared>>
      tpu.enqueue_indirect_dma source(%arg11 : memref<128x16xf32, #tpu.memory_space<vmem>>) target(%dma_start3A_72 : memref<10240x16xf32, #tpu.memory_space<vmem_shared>>) offsets(%dma_start3A_69 : memref<128xi32, #tpu.memory_space<vmem>>) semaphore(%arg17 : memref<!tpu.dma_semaphore, #tpu.memory_space<semaphore_mem>>) {add = true}
      %add3A_73 = arith.constant 2 : i32
      %add3A_74 = arith.addi %mul3A_42, %add3A_73 : i32
      %rem3A = arith.constant 78 : i32
      %rem3A_75 = arith.remsi %add3A_74, %rem3A : i32
      %dma_wait3A_76 = arith.constant 0 : i32
      %dma_wait3A_77 = arith.constant 0 : i32
      %dma_wait3A_78 = tpu.memref_slice %arg7[%dma_wait3A_76, %dma_wait3A_77] : memref<78x128xi32, #tpu.memory_space<vmem>> -> memref<1x128xi32, #tpu.memory_space<vmem>>
      %dma_wait3A_79 = tpu.memref_squeeze %dma_wait3A_78 : memref<1x128xi32, #tpu.memory_space<vmem>> -> memref<128xi32, #tpu.memory_space<vmem>>
      %dma_wait3A_80 = arith.constant 0 : i32
      %dma_wait3A_81 = arith.constant 0 : i32
      %dma_wait3A_82 = tpu.memref_slice %arg13[%dma_wait3A_80, %dma_wait3A_81] : memref<10240x16xf32, #tpu.memory_space<vmem_shared>> -> memref<10240x16xf32, #tpu.memory_space<vmem_shared>>
      tpu.wait_indirect_dma semaphore(%arg16 : memref<!tpu.dma_semaphore, #tpu.memory_space<semaphore_mem>>) src(%arg10 : memref<128x16xf32, #tpu.memory_space<vmem>>) dst(%dma_wait3A_82 : memref<10240x16xf32, #tpu.memory_space<vmem_shared>>)
      %dma_start3A_83 = arith.constant 0 : i32
      %dma_start3A_84 = tpu.memref_slice %arg6[%rem3A_75, %dma_start3A_83] : memref<78x128xi32, #tpu.memory_space<vmem>> -> memref<1x128xi32, #tpu.memory_space<vmem>>
      %dma_start3A_85 = tpu.memref_squeeze %dma_start3A_84 : memref<1x128xi32, #tpu.memory_space<vmem>> -> memref<128xi32, #tpu.memory_space<vmem>>
      %dma_start3A_86 = arith.constant 0 : i32
      %dma_start3A_87 = arith.constant 0 : i32
      %dma_start3A_88 = tpu.memref_slice %arg2[%dma_start3A_86, %dma_start3A_87] : memref<10240x16xf32, #tpu.memory_space<hbm>> -> memref<10240x16xf32, #tpu.memory_space<hbm>>
      tpu.enqueue_indirect_dma source(%dma_start3A_88 : memref<10240x16xf32, #tpu.memory_space<hbm>>) target(%arg10 : memref<128x16xf32, #tpu.memory_space<vmem>>) offsets(%dma_start3A_85 : memref<128xi32, #tpu.memory_space<vmem>>) semaphore(%arg14 : memref<!tpu.dma_semaphore, #tpu.memory_space<semaphore_mem>>)
      %add3A_89 = arith.constant 3 : i32
      %add3A_90 = arith.addi %mul3A_42, %add3A_89 : i32
      %rem3A_91 = arith.constant 78 : i32
      %rem3A_92 = arith.remsi %add3A_90, %rem3A_91 : i32
      %dma_wait3A_93 = arith.constant 0 : i32
      %dma_wait3A_94 = arith.constant 0 : i32
      %dma_wait3A_95 = tpu.memref_slice %arg7[%dma_wait3A_93, %dma_wait3A_94] : memref<78x128xi32, #tpu.memory_space<vmem>> -> memref<1x128xi32, #tpu.memory_space<vmem>>
      %dma_wait3A_96 = tpu.memref_squeeze %dma_wait3A_95 : memref<1x128xi32, #tpu.memory_space<vmem>> -> memref<128xi32, #tpu.memory_space<vmem>>
      %dma_wait3A_97 = arith.constant 0 : i32
      %dma_wait3A_98 = arith.constant 0 : i32
      %dma_wait3A_99 = tpu.memref_slice %arg13[%dma_wait3A_97, %dma_wait3A_98] : memref<10240x16xf32, #tpu.memory_space<vmem_shared>> -> memref<10240x16xf32, #tpu.memory_space<vmem_shared>>
      tpu.wait_indirect_dma semaphore(%arg17 : memref<!tpu.dma_semaphore, #tpu.memory_space<semaphore_mem>>) src(%arg11 : memref<128x16xf32, #tpu.memory_space<vmem>>) dst(%dma_wait3A_99 : memref<10240x16xf32, #tpu.memory_space<vmem_shared>>)
      %dma_start3A_100 = arith.constant 0 : i32
      %dma_start3A_101 = tpu.memref_slice %arg6[%rem3A_92, %dma_start3A_100] : memref<78x128xi32, #tpu.memory_space<vmem>> -> memref<1x128xi32, #tpu.memory_space<vmem>>
      %dma_start3A_102 = tpu.memref_squeeze %dma_start3A_101 : memref<1x128xi32, #tpu.memory_space<vmem>> -> memref<128xi32, #tpu.memory_space<vmem>>
      %dma_start3A_103 = arith.constant 0 : i32
      %dma_start3A_104 = arith.constant 0 : i32
      %dma_start3A_105 = tpu.memref_slice %arg2[%dma_start3A_103, %dma_start3A_104] : memref<10240x16xf32, #tpu.memory_space<hbm>> -> memref<10240x16xf32, #tpu.memory_space<hbm>>
      tpu.enqueue_indirect_dma source(%dma_start3A_105 : memref<10240x16xf32, #tpu.memory_space<hbm>>) target(%arg11 : memref<128x16xf32, #tpu.memory_space<vmem>>) offsets(%dma_start3A_102 : memref<128xi32, #tpu.memory_space<vmem>>) semaphore(%arg15 : memref<!tpu.dma_semaphore, #tpu.memory_space<semaphore_mem>>)
    }
    %scan3A_23 = arith.constant 39 : i32
    %dma_wait3A = arith.constant 0 : i32
    %dma_wait3A_24 = arith.constant 0 : i32
    %dma_wait3A_25 = tpu.memref_slice %arg6[%dma_wait3A, %dma_wait3A_24] : memref<78x128xi32, #tpu.memory_space<vmem>> -> memref<1x128xi32, #tpu.memory_space<vmem>>
    %dma_wait3A_26 = tpu.memref_squeeze %dma_wait3A_25 : memref<1x128xi32, #tpu.memory_space<vmem>> -> memref<128xi32, #tpu.memory_space<vmem>>
    %dma_wait3A_27 = arith.constant 0 : i32
    %dma_wait3A_28 = arith.constant 0 : i32
    %dma_wait3A_29 = tpu.memref_slice %arg2[%dma_wait3A_27, %dma_wait3A_28] : memref<10240x16xf32, #tpu.memory_space<hbm>> -> memref<10240x16xf32, #tpu.memory_space<hbm>>
    tpu.wait_indirect_dma semaphore(%arg14 : memref<!tpu.dma_semaphore, #tpu.memory_space<semaphore_mem>>) src(%dma_wait3A_29 : memref<10240x16xf32, #tpu.memory_space<hbm>>) dst(%arg10 : memref<128x16xf32, #tpu.memory_space<vmem>>)
    %dma_wait3A_30 = arith.constant 1 : i32
    %dma_wait3A_31 = arith.constant 0 : i32
    %dma_wait3A_32 = tpu.memref_slice %arg6[%dma_wait3A_30, %dma_wait3A_31] : memref<78x128xi32, #tpu.memory_space<vmem>> -> memref<1x128xi32, #tpu.memory_space<vmem>>
    %dma_wait3A_33 = tpu.memref_squeeze %dma_wait3A_32 : memref<1x128xi32, #tpu.memory_space<vmem>> -> memref<128xi32, #tpu.memory_space<vmem>>
    %dma_wait3A_34 = arith.constant 0 : i32
    %dma_wait3A_35 = arith.constant 0 : i32
    %dma_wait3A_36 = tpu.memref_slice %arg2[%dma_wait3A_34, %dma_wait3A_35] : memref<10240x16xf32, #tpu.memory_space<hbm>> -> memref<10240x16xf32, #tpu.memory_space<hbm>>
    tpu.wait_indirect_dma semaphore(%arg15 : memref<!tpu.dma_semaphore, #tpu.memory_space<semaphore_mem>>) src(%dma_wait3A_36 : memref<10240x16xf32, #tpu.memory_space<hbm>>) dst(%arg11 : memref<128x16xf32, #tpu.memory_space<vmem>>)
    %lt3A = arith.constant 4 : i32
    %lt3A_37 = arith.cmpi slt, %add3A, %lt3A : i32
    %convert_element_type3A = arith.extui %lt3A_37 : i1 to i32
    %cond3A = arith.constant 0 : i32
    %cond3A_38 = arith.cmpi ne, %convert_element_type3A, %cond3A : i32
    scf.if %cond3A_38 {
      %add3A_40 = arith.constant 2496 : i32
      %add3A_41 = arith.addi %add3A_40, %add3A : i32
      %run_scoped3A_42 = arith.constant 0 : i32
      "tpu.region"() ({
        %run_scoped3A_46 = tpu.sem_alloc : memref<!tpu.dma_semaphore, #tpu.memory_space<semaphore_mem>>
        %dma_start3A_47 = arith.constant 0 : i32
        %dma_start3A_48 = tpu.memref_slice %arg3[%run_scoped3A_42, %add3A_41, %dma_start3A_47] : memref<2x2500x128xi32, #tpu.memory_space<hbm>> -> memref<1x1x128xi32, #tpu.memory_space<hbm>>
        %dma_start3A_49 = tpu.memref_squeeze %dma_start3A_48 : memref<1x1x128xi32, #tpu.memory_space<hbm>> -> memref<128xi32, #tpu.memory_space<hbm>>
        %dma_start3A_50 = arith.constant 0 : i32
        %dma_start3A_51 = tpu.memref_slice %arg3[%run_scoped3A_42, %add3A_41, %dma_start3A_50] : memref<2x2500x128xi32, #tpu.memory_space<hbm>> -> memref<1x1x128xi32, #tpu.memory_space<hbm>>
        %dma_start3A_52 = tpu.memref_squeeze %dma_start3A_51 : memref<1x1x128xi32, #tpu.memory_space<hbm>> -> memref<128xi32, #tpu.memory_space<hbm>>
        tpu.enqueue_dma source(%dma_start3A_52 : memref<128xi32, #tpu.memory_space<hbm>>) target(%arg8 : memref<128xi32, #tpu.memory_space<vmem>>) target_semaphore(%run_scoped3A_46 : memref<!tpu.dma_semaphore, #tpu.memory_space<semaphore_mem>>)
        %dma_wait3A_53 = arith.constant 0 : i32
        %dma_wait3A_54 = tpu.memref_slice %arg3[%run_scoped3A_42, %add3A_41, %dma_wait3A_53] : memref<2x2500x128xi32, #tpu.memory_space<hbm>> -> memref<1x1x128xi32, #tpu.memory_space<hbm>>
        %dma_wait3A_55 = tpu.memref_squeeze %dma_wait3A_54 : memref<1x1x128xi32, #tpu.memory_space<hbm>> -> memref<128xi32, #tpu.memory_space<hbm>>
        %dma_wait3A_56 = arith.constant 0 : i32
        %dma_wait3A_57 = tpu.memref_slice %arg3[%run_scoped3A_42, %add3A_41, %dma_wait3A_56] : memref<2x2500x128xi32, #tpu.memory_space<hbm>> -> memref<1x1x128xi32, #tpu.memory_space<hbm>>
        %dma_wait3A_58 = tpu.memref_squeeze %dma_wait3A_57 : memref<1x1x128xi32, #tpu.memory_space<hbm>> -> memref<128xi32, #tpu.memory_space<hbm>>
        tpu.wait_dma2 semaphore(%run_scoped3A_46 : memref<!tpu.dma_semaphore, #tpu.memory_space<semaphore_mem>>) src(%dma_wait3A_58 : memref<128xi32, #tpu.memory_space<hbm>>) dst(%arg8 : memref<128xi32, #tpu.memory_space<vmem>>)
        tpu.yield
      }) : () -> ()
      %add3A_43 = arith.constant 2496 : i32
      %add3A_44 = arith.addi %add3A_43, %add3A : i32
      %run_scoped3A_45 = arith.constant 1 : i32
      "tpu.region"() ({
        %run_scoped3A_46 = tpu.sem_alloc : memref<!tpu.dma_semaphore, #tpu.memory_space<semaphore_mem>>
        %dma_start3A_47 = arith.constant 0 : i32
        %dma_start3A_48 = tpu.memref_slice %arg3[%run_scoped3A_45, %add3A_44, %dma_start3A_47] : memref<2x2500x128xi32, #tpu.memory_space<hbm>> -> memref<1x1x128xi32, #tpu.memory_space<hbm>>
        %dma_start3A_49 = tpu.memref_squeeze %dma_start3A_48 : memref<1x1x128xi32, #tpu.memory_space<hbm>> -> memref<128xi32, #tpu.memory_space<hbm>>
        %dma_start3A_50 = arith.constant 0 : i32
        %dma_start3A_51 = tpu.memref_slice %arg3[%run_scoped3A_45, %add3A_44, %dma_start3A_50] : memref<2x2500x128xi32, #tpu.memory_space<hbm>> -> memref<1x1x128xi32, #tpu.memory_space<hbm>>
        %dma_start3A_52 = tpu.memref_squeeze %dma_start3A_51 : memref<1x1x128xi32, #tpu.memory_space<hbm>> -> memref<128xi32, #tpu.memory_space<hbm>>
        tpu.enqueue_dma source(%dma_start3A_52 : memref<128xi32, #tpu.memory_space<hbm>>) target(%arg9 : memref<128xi32, #tpu.memory_space<vmem>>) target_semaphore(%run_scoped3A_46 : memref<!tpu.dma_semaphore, #tpu.memory_space<semaphore_mem>>)
        %dma_wait3A_53 = arith.constant 0 : i32
        %dma_wait3A_54 = tpu.memref_slice %arg3[%run_scoped3A_45, %add3A_44, %dma_wait3A_53] : memref<2x2500x128xi32, #tpu.memory_space<hbm>> -> memref<1x1x128xi32, #tpu.memory_space<hbm>>
        %dma_wait3A_55 = tpu.memref_squeeze %dma_wait3A_54 : memref<1x1x128xi32, #tpu.memory_space<hbm>> -> memref<128xi32, #tpu.memory_space<hbm>>
        %dma_wait3A_56 = arith.constant 0 : i32
        %dma_wait3A_57 = tpu.memref_slice %arg3[%run_scoped3A_45, %add3A_44, %dma_wait3A_56] : memref<2x2500x128xi32, #tpu.memory_space<hbm>> -> memref<1x1x128xi32, #tpu.memory_space<hbm>>
        %dma_wait3A_58 = tpu.memref_squeeze %dma_wait3A_57 : memref<1x1x128xi32, #tpu.memory_space<hbm>> -> memref<128xi32, #tpu.memory_space<hbm>>
        tpu.wait_dma2 semaphore(%run_scoped3A_46 : memref<!tpu.dma_semaphore, #tpu.memory_space<semaphore_mem>>) src(%dma_wait3A_58 : memref<128xi32, #tpu.memory_space<hbm>>) dst(%arg9 : memref<128xi32, #tpu.memory_space<vmem>>)
        tpu.yield
      }) : () -> ()
      "tpu.region"() ({
        %run_scoped3A_46 = tpu.sem_alloc : memref<!tpu.dma_semaphore, #tpu.memory_space<semaphore_mem>>
        %dma_start3A_47 = arith.constant 0 : i32
        %dma_start3A_48 = arith.constant 0 : i32
        %dma_start3A_49 = tpu.memref_slice %arg2[%dma_start3A_47, %dma_start3A_48] : memref<10240x16xf32, #tpu.memory_space<hbm>> -> memref<10240x16xf32, #tpu.memory_space<hbm>>
        tpu.enqueue_indirect_dma source(%dma_start3A_49 : memref<10240x16xf32, #tpu.memory_space<hbm>>) target(%arg10 : memref<128x16xf32, #tpu.memory_space<vmem>>) offsets(%arg8 : memref<128xi32, #tpu.memory_space<vmem>>) semaphore(%run_scoped3A_46 : memref<!tpu.dma_semaphore, #tpu.memory_space<semaphore_mem>>)
        %dma_wait3A_50 = arith.constant 0 : i32
        %dma_wait3A_51 = arith.constant 0 : i32
        %dma_wait3A_52 = tpu.memref_slice %arg2[%dma_wait3A_50, %dma_wait3A_51] : memref<10240x16xf32, #tpu.memory_space<hbm>> -> memref<10240x16xf32, #tpu.memory_space<hbm>>
        tpu.wait_indirect_dma semaphore(%run_scoped3A_46 : memref<!tpu.dma_semaphore, #tpu.memory_space<semaphore_mem>>) src(%dma_wait3A_52 : memref<10240x16xf32, #tpu.memory_space<hbm>>) dst(%arg10 : memref<128x16xf32, #tpu.memory_space<vmem>>)
        tpu.yield
      }) : () -> ()
      "tpu.region"() ({
        %run_scoped3A_46 = tpu.sem_alloc : memref<!tpu.dma_semaphore, #tpu.memory_space<semaphore_mem>>
        %dma_start3A_47 = arith.constant 0 : i32
        %dma_start3A_48 = arith.constant 0 : i32
        %dma_start3A_49 = tpu.memref_slice %arg13[%dma_start3A_47, %dma_start3A_48] : memref<10240x16xf32, #tpu.memory_space<vmem_shared>> -> memref<10240x16xf32, #tpu.memory_space<vmem_shared>>
        tpu.enqueue_indirect_dma source(%arg10 : memref<128x16xf32, #tpu.memory_space<vmem>>) target(%dma_start3A_49 : memref<10240x16xf32, #tpu.memory_space<vmem_shared>>) offsets(%arg9 : memref<128xi32, #tpu.memory_space<vmem>>) semaphore(%run_scoped3A_46 : memref<!tpu.dma_semaphore, #tpu.memory_space<semaphore_mem>>) {add = true}
        %dma_wait3A_50 = arith.constant 0 : i32
        %dma_wait3A_51 = arith.constant 0 : i32
        %dma_wait3A_52 = tpu.memref_slice %arg13[%dma_wait3A_50, %dma_wait3A_51] : memref<10240x16xf32, #tpu.memory_space<vmem_shared>> -> memref<10240x16xf32, #tpu.memory_space<vmem_shared>>
        tpu.wait_indirect_dma semaphore(%run_scoped3A_46 : memref<!tpu.dma_semaphore, #tpu.memory_space<semaphore_mem>>) src(%arg10 : memref<128x16xf32, #tpu.memory_space<vmem>>) dst(%dma_wait3A_52 : memref<10240x16xf32, #tpu.memory_space<vmem_shared>>)
        tpu.yield
      }) : () -> ()
    } else {
    }
    %barrier3A_39 = arith.constant 0 : index
    tpu.barrier barrier_id(%barrier3A_39)
    "tpu.region"() ({
      %run_scoped3A_40 = tpu.sem_alloc : memref<!tpu.dma_semaphore, #tpu.memory_space<semaphore_mem>>
      %dma_start3A_41 = arith.constant 0 : i32
      %dma_start3A_42 = tpu.memref_slice %arg13[%mul3A_5, %dma_start3A_41] : memref<10240x16xf32, #tpu.memory_space<vmem_shared>> -> memref<640x16xf32, #tpu.memory_space<vmem_shared>>
      %dma_start3A_43 = arith.constant 0 : i32
      %dma_start3A_44 = tpu.memref_slice %arg13[%mul3A_5, %dma_start3A_43] : memref<10240x16xf32, #tpu.memory_space<vmem_shared>> -> memref<640x16xf32, #tpu.memory_space<vmem_shared>>
      tpu.enqueue_dma source(%dma_start3A_44 : memref<640x16xf32, #tpu.memory_space<vmem_shared>>) target(%arg12 : memref<640x16xf32, #tpu.memory_space<vmem>>) target_semaphore(%run_scoped3A_40 : memref<!tpu.dma_semaphore, #tpu.memory_space<semaphore_mem>>)
      %dma_wait3A_45 = arith.constant 0 : i32
      %dma_wait3A_46 = tpu.memref_slice %arg13[%mul3A_5, %dma_wait3A_45] : memref<10240x16xf32, #tpu.memory_space<vmem_shared>> -> memref<640x16xf32, #tpu.memory_space<vmem_shared>>
      %dma_wait3A_47 = arith.constant 0 : i32
      %dma_wait3A_48 = tpu.memref_slice %arg13[%mul3A_5, %dma_wait3A_47] : memref<10240x16xf32, #tpu.memory_space<vmem_shared>> -> memref<640x16xf32, #tpu.memory_space<vmem_shared>>
      tpu.wait_dma2 semaphore(%run_scoped3A_40 : memref<!tpu.dma_semaphore, #tpu.memory_space<semaphore_mem>>) src(%dma_wait3A_48 : memref<640x16xf32, #tpu.memory_space<vmem_shared>>) dst(%arg12 : memref<640x16xf32, #tpu.memory_space<vmem>>)
      tpu.yield
    }) : () -> ()
    "tpu.region"() ({
      %run_scoped3A_40 = tpu.sem_alloc : memref<!tpu.dma_semaphore, #tpu.memory_space<semaphore_mem>>
      %dma_start3A_41 = arith.constant 0 : i32
      %dma_start3A_42 = tpu.memref_slice %arg5[%arg0, %mul3A_5, %dma_start3A_41] : memref<2x10240x16xf32, #tpu.memory_space<hbm>> -> memref<1x640x16xf32, #tpu.memory_space<hbm>>
      %dma_start3A_43 = tpu.memref_squeeze %dma_start3A_42 : memref<1x640x16xf32, #tpu.memory_space<hbm>> -> memref<640x16xf32, #tpu.memory_space<hbm>>
      %dma_start3A_44 = arith.constant 0 : i32
      %dma_start3A_45 = tpu.memref_slice %arg5[%arg0, %mul3A_5, %dma_start3A_44] : memref<2x10240x16xf32, #tpu.memory_space<hbm>> -> memref<1x640x16xf32, #tpu.memory_space<hbm>>
      %dma_start3A_46 = tpu.memref_squeeze %dma_start3A_45 : memref<1x640x16xf32, #tpu.memory_space<hbm>> -> memref<640x16xf32, #tpu.memory_space<hbm>>
      tpu.enqueue_dma source(%arg12 : memref<640x16xf32, #tpu.memory_space<vmem>>) target(%dma_start3A_46 : memref<640x16xf32, #tpu.memory_space<hbm>>) target_semaphore(%run_scoped3A_40 : memref<!tpu.dma_semaphore, #tpu.memory_space<semaphore_mem>>)
      %dma_wait3A_47 = arith.constant 0 : i32
      %dma_wait3A_48 = tpu.memref_slice %arg5[%arg0, %mul3A_5, %dma_wait3A_47] : memref<2x10240x16xf32, #tpu.memory_space<hbm>> -> memref<1x640x16xf32, #tpu.memory_space<hbm>>
      %dma_wait3A_49 = tpu.memref_squeeze %dma_wait3A_48 : memref<1x640x16xf32, #tpu.memory_space<hbm>> -> memref<640x16xf32, #tpu.memory_space<hbm>>
      %dma_wait3A_50 = arith.constant 0 : i32
      %dma_wait3A_51 = tpu.memref_slice %arg5[%arg0, %mul3A_5, %dma_wait3A_50] : memref<2x10240x16xf32, #tpu.memory_space<hbm>> -> memref<1x640x16xf32, #tpu.memory_space<hbm>>
      %dma_wait3A_52 = tpu.memref_squeeze %dma_wait3A_51 : memref<1x640x16xf32, #tpu.memory_space<hbm>> -> memref<640x16xf32, #tpu.memory_space<hbm>>
      tpu.wait_dma2 semaphore(%run_scoped3A_40 : memref<!tpu.dma_semaphore, #tpu.memory_space<semaphore_mem>>) src(%arg12 : memref<640x16xf32, #tpu.memory_space<vmem>>) dst(%dma_wait3A_52 : memref<640x16xf32, #tpu.memory_space<hbm>>)
      tpu.yield
    }) : () -> ()
    return
  }
}

#map = affine_map<(d0, d1) -> (0, 0, 0)>
#map1 = affine_map<(d0, d1) -> (0)>
#map2 = affine_map<(d0, d1) -> (0, 0)>
module attributes {stable_mosaic.version = 14 : i64} {
  func.func @deg_kernel(%arg0: i32, %arg1: i32, %arg2: memref<2x2500x128xi32, #tpu.memory_space<hbm>>, %arg3: memref<640xf32, #tpu.memory_space<hbm>>, %arg4: memref<2x10240xf32, #tpu.memory_space<hbm>>, %arg5: memref<78x128xi32, #tpu.memory_space<vmem>>, %arg6: memref<128xi32, #tpu.memory_space<vmem>>, %arg7: memref<128xf32, #tpu.memory_space<vmem>>, %arg8: memref<640xf32, #tpu.memory_space<vmem>>, %arg9: memref<10240xf32, #tpu.memory_space<vmem_shared>>, %arg10: memref<!tpu.dma_semaphore, #tpu.memory_space<semaphore_mem>>) attributes {dimension_semantics = [#tpu.dimension_semantics<core_parallel>, #tpu.dimension_semantics<subcore_parallel>], iteration_bounds = array<i64: 2, 16>, scalar_prefetch = 0 : i64, scratch_operands = 6 : i64, tpu.core_type = #tpu.core_type<sc_vector_subcore>, window_params = [{transform_indices = #map}, {transform_indices = #map1}, {transform_indices = #map2}]} {
    %mul3A = arith.constant 16 : i32
    %mul3A_0 = arith.muli %arg0, %mul3A : i32
    %add3A = arith.addi %mul3A_0, %arg1 : i32
    %mul3A_1 = arith.constant 78 : i32
    %mul3A_2 = arith.muli %add3A, %mul3A_1 : i32
    %run_scoped3A = arith.constant 1 : i32
    "tpu.region"() ({
      %run_scoped3A_65 = tpu.sem_alloc : memref<!tpu.dma_semaphore, #tpu.memory_space<semaphore_mem>>
      %dma_start3A = arith.constant 0 : i32
      %dma_start3A_66 = tpu.memref_slice %arg2[%run_scoped3A, %mul3A_2, %dma_start3A] : memref<2x2500x128xi32, #tpu.memory_space<hbm>> -> memref<1x78x128xi32, #tpu.memory_space<hbm>>
      %dma_start3A_67 = tpu.memref_squeeze %dma_start3A_66 : memref<1x78x128xi32, #tpu.memory_space<hbm>> -> memref<78x128xi32, #tpu.memory_space<hbm>>
      %dma_start3A_68 = arith.constant 0 : i32
      %dma_start3A_69 = tpu.memref_slice %arg2[%run_scoped3A, %mul3A_2, %dma_start3A_68] : memref<2x2500x128xi32, #tpu.memory_space<hbm>> -> memref<1x78x128xi32, #tpu.memory_space<hbm>>
      %dma_start3A_70 = tpu.memref_squeeze %dma_start3A_69 : memref<1x78x128xi32, #tpu.memory_space<hbm>> -> memref<78x128xi32, #tpu.memory_space<hbm>>
      tpu.enqueue_dma source(%dma_start3A_70 : memref<78x128xi32, #tpu.memory_space<hbm>>) target(%arg5 : memref<78x128xi32, #tpu.memory_space<vmem>>) target_semaphore(%run_scoped3A_65 : memref<!tpu.dma_semaphore, #tpu.memory_space<semaphore_mem>>)
      %dma_wait3A = arith.constant 0 : i32
      %dma_wait3A_71 = tpu.memref_slice %arg2[%run_scoped3A, %mul3A_2, %dma_wait3A] : memref<2x2500x128xi32, #tpu.memory_space<hbm>> -> memref<1x78x128xi32, #tpu.memory_space<hbm>>
      %dma_wait3A_72 = tpu.memref_squeeze %dma_wait3A_71 : memref<1x78x128xi32, #tpu.memory_space<hbm>> -> memref<78x128xi32, #tpu.memory_space<hbm>>
      %dma_wait3A_73 = arith.constant 0 : i32
      %dma_wait3A_74 = tpu.memref_slice %arg2[%run_scoped3A, %mul3A_2, %dma_wait3A_73] : memref<2x2500x128xi32, #tpu.memory_space<hbm>> -> memref<1x78x128xi32, #tpu.memory_space<hbm>>
      %dma_wait3A_75 = tpu.memref_squeeze %dma_wait3A_74 : memref<1x78x128xi32, #tpu.memory_space<hbm>> -> memref<78x128xi32, #tpu.memory_space<hbm>>
      tpu.wait_dma2 semaphore(%run_scoped3A_65 : memref<!tpu.dma_semaphore, #tpu.memory_space<semaphore_mem>>) src(%dma_wait3A_75 : memref<78x128xi32, #tpu.memory_space<hbm>>) dst(%arg5 : memref<78x128xi32, #tpu.memory_space<vmem>>)
      tpu.yield
    }) : () -> ()
    %broadcast_in_dim3A = arith.constant 1.000000e+00 : f32
    %broadcast_in_dim3A_3 = vector.broadcast %broadcast_in_dim3A : f32 to vector<16xf32>
    %swap3A = arith.constant 0 : index
    %swap3A_4 = tpu.vector_load %arg7[%swap3A] {strides = array<i32>} : memref<128xf32, #tpu.memory_space<vmem>>, vector<16xf32>,
    %swap3A_5 = vector.shape_cast %swap3A_4 : vector<16xf32> to vector<16xf32>
    %swap3A_6 = vector.shape_cast %broadcast_in_dim3A_3 : vector<16xf32> to vector<16xf32>
    tpu.vector_store %arg7[%swap3A], %swap3A_6 {strides = array<i32>} : memref<128xf32, #tpu.memory_space<vmem>>, vector<16xf32>,
    %broadcast_in_dim3A_7 = arith.constant 1.000000e+00 : f32
    %broadcast_in_dim3A_8 = vector.broadcast %broadcast_in_dim3A_7 : f32 to vector<16xf32>
    %swap3A_9 = arith.constant 16 : index
    %swap3A_10 = tpu.vector_load %arg7[%swap3A_9] {strides = array<i32>} : memref<128xf32, #tpu.memory_space<vmem>>, vector<16xf32>,
    %swap3A_11 = vector.shape_cast %swap3A_10 : vector<16xf32> to vector<16xf32>
    %swap3A_12 = vector.shape_cast %broadcast_in_dim3A_8 : vector<16xf32> to vector<16xf32>
    tpu.vector_store %arg7[%swap3A_9], %swap3A_12 {strides = array<i32>} : memref<128xf32, #tpu.memory_space<vmem>>, vector<16xf32>,
    %broadcast_in_dim3A_13 = arith.constant 1.000000e+00 : f32
    %broadcast_in_dim3A_14 = vector.broadcast %broadcast_in_dim3A_13 : f32 to vector<16xf32>
    %swap3A_15 = arith.constant 32 : index
    %swap3A_16 = tpu.vector_load %arg7[%swap3A_15] {strides = array<i32>} : memref<128xf32, #tpu.memory_space<vmem>>, vector<16xf32>,
    %swap3A_17 = vector.shape_cast %swap3A_16 : vector<16xf32> to vector<16xf32>
    %swap3A_18 = vector.shape_cast %broadcast_in_dim3A_14 : vector<16xf32> to vector<16xf32>
    tpu.vector_store %arg7[%swap3A_15], %swap3A_18 {strides = array<i32>} : memref<128xf32, #tpu.memory_space<vmem>>, vector<16xf32>,
    %broadcast_in_dim3A_19 = arith.constant 1.000000e+00 : f32
    %broadcast_in_dim3A_20 = vector.broadcast %broadcast_in_dim3A_19 : f32 to vector<16xf32>
    %swap3A_21 = arith.constant 48 : index
    %swap3A_22 = tpu.vector_load %arg7[%swap3A_21] {strides = array<i32>} : memref<128xf32, #tpu.memory_space<vmem>>, vector<16xf32>,
    %swap3A_23 = vector.shape_cast %swap3A_22 : vector<16xf32> to vector<16xf32>
    %swap3A_24 = vector.shape_cast %broadcast_in_dim3A_20 : vector<16xf32> to vector<16xf32>
    tpu.vector_store %arg7[%swap3A_21], %swap3A_24 {strides = array<i32>} : memref<128xf32, #tpu.memory_space<vmem>>, vector<16xf32>,
    %broadcast_in_dim3A_25 = arith.constant 1.000000e+00 : f32
    %broadcast_in_dim3A_26 = vector.broadcast %broadcast_in_dim3A_25 : f32 to vector<16xf32>
    %swap3A_27 = arith.constant 64 : index
    %swap3A_28 = tpu.vector_load %arg7[%swap3A_27] {strides = array<i32>} : memref<128xf32, #tpu.memory_space<vmem>>, vector<16xf32>,
    %swap3A_29 = vector.shape_cast %swap3A_28 : vector<16xf32> to vector<16xf32>
    %swap3A_30 = vector.shape_cast %broadcast_in_dim3A_26 : vector<16xf32> to vector<16xf32>
    tpu.vector_store %arg7[%swap3A_27], %swap3A_30 {strides = array<i32>} : memref<128xf32, #tpu.memory_space<vmem>>, vector<16xf32>,
    %broadcast_in_dim3A_31 = arith.constant 1.000000e+00 : f32
    %broadcast_in_dim3A_32 = vector.broadcast %broadcast_in_dim3A_31 : f32 to vector<16xf32>
    %swap3A_33 = arith.constant 80 : index
    %swap3A_34 = tpu.vector_load %arg7[%swap3A_33] {strides = array<i32>} : memref<128xf32, #tpu.memory_space<vmem>>, vector<16xf32>,
    %swap3A_35 = vector.shape_cast %swap3A_34 : vector<16xf32> to vector<16xf32>
    %swap3A_36 = vector.shape_cast %broadcast_in_dim3A_32 : vector<16xf32> to vector<16xf32>
    tpu.vector_store %arg7[%swap3A_33], %swap3A_36 {strides = array<i32>} : memref<128xf32, #tpu.memory_space<vmem>>, vector<16xf32>,
    %broadcast_in_dim3A_37 = arith.constant 1.000000e+00 : f32
    %broadcast_in_dim3A_38 = vector.broadcast %broadcast_in_dim3A_37 : f32 to vector<16xf32>
    %swap3A_39 = arith.constant 96 : index
    %swap3A_40 = tpu.vector_load %arg7[%swap3A_39] {strides = array<i32>} : memref<128xf32, #tpu.memory_space<vmem>>, vector<16xf32>,
    %swap3A_41 = vector.shape_cast %swap3A_40 : vector<16xf32> to vector<16xf32>
    %swap3A_42 = vector.shape_cast %broadcast_in_dim3A_38 : vector<16xf32> to vector<16xf32>
    tpu.vector_store %arg7[%swap3A_39], %swap3A_42 {strides = array<i32>} : memref<128xf32, #tpu.memory_space<vmem>>, vector<16xf32>,
    %broadcast_in_dim3A_43 = arith.constant 1.000000e+00 : f32
    %broadcast_in_dim3A_44 = vector.broadcast %broadcast_in_dim3A_43 : f32 to vector<16xf32>
    %swap3A_45 = arith.constant 112 : index
    %swap3A_46 = tpu.vector_load %arg7[%swap3A_45] {strides = array<i32>} : memref<128xf32, #tpu.memory_space<vmem>>, vector<16xf32>,
    %swap3A_47 = vector.shape_cast %swap3A_46 : vector<16xf32> to vector<16xf32>
    %swap3A_48 = vector.shape_cast %broadcast_in_dim3A_44 : vector<16xf32> to vector<16xf32>
    tpu.vector_store %arg7[%swap3A_45], %swap3A_48 {strides = array<i32>} : memref<128xf32, #tpu.memory_space<vmem>>, vector<16xf32>,
    %mul3A_49 = arith.constant 640 : i32
    %mul3A_50 = arith.muli %arg1, %mul3A_49 : i32
    "tpu.region"() ({
      %run_scoped3A_65 = tpu.sem_alloc : memref<!tpu.dma_semaphore, #tpu.memory_space<semaphore_mem>>
      tpu.enqueue_dma source(%arg3 : memref<640xf32, #tpu.memory_space<hbm>>) target(%arg8 : memref<640xf32, #tpu.memory_space<vmem>>) target_semaphore(%run_scoped3A_65 : memref<!tpu.dma_semaphore, #tpu.memory_space<semaphore_mem>>)
      tpu.wait_dma2 semaphore(%run_scoped3A_65 : memref<!tpu.dma_semaphore, #tpu.memory_space<semaphore_mem>>) src(%arg3 : memref<640xf32, #tpu.memory_space<hbm>>) dst(%arg8 : memref<640xf32, #tpu.memory_space<vmem>>)
      tpu.yield
    }) : () -> ()
    "tpu.region"() ({
      %run_scoped3A_65 = tpu.sem_alloc : memref<!tpu.dma_semaphore, #tpu.memory_space<semaphore_mem>>
      %dma_start3A = tpu.memref_slice %arg9[%mul3A_50] : memref<10240xf32, #tpu.memory_space<vmem_shared>> -> memref<640xf32, #tpu.memory_space<vmem_shared>>
      %dma_start3A_66 = tpu.memref_slice %arg9[%mul3A_50] : memref<10240xf32, #tpu.memory_space<vmem_shared>> -> memref<640xf32, #tpu.memory_space<vmem_shared>>
      tpu.enqueue_dma source(%arg8 : memref<640xf32, #tpu.memory_space<vmem>>) target(%dma_start3A_66 : memref<640xf32, #tpu.memory_space<vmem_shared>>) target_semaphore(%run_scoped3A_65 : memref<!tpu.dma_semaphore, #tpu.memory_space<semaphore_mem>>)
      %dma_wait3A = tpu.memref_slice %arg9[%mul3A_50] : memref<10240xf32, #tpu.memory_space<vmem_shared>> -> memref<640xf32, #tpu.memory_space<vmem_shared>>
      %dma_wait3A_67 = tpu.memref_slice %arg9[%mul3A_50] : memref<10240xf32, #tpu.memory_space<vmem_shared>> -> memref<640xf32, #tpu.memory_space<vmem_shared>>
      tpu.wait_dma2 semaphore(%run_scoped3A_65 : memref<!tpu.dma_semaphore, #tpu.memory_space<semaphore_mem>>) src(%arg8 : memref<640xf32, #tpu.memory_space<vmem>>) dst(%dma_wait3A_67 : memref<640xf32, #tpu.memory_space<vmem_shared>>)
      tpu.yield
    }) : () -> ()
    %barrier3A = arith.constant 0 : index
    tpu.barrier barrier_id(%barrier3A)
    %scan3A = arith.constant 0 : i32
    %scan3A_51 = arith.constant 0 : i32
    %scan3A_52 = arith.constant 78 : i32
    %scan3A_53 = arith.addi %scan3A_51, %scan3A_52 : i32
    %scan3A_54 = arith.constant 1 : i32
    scf.for %scan3A_65 = %scan3A_51 to %scan3A_53 step %scan3A_54  : i32 {
      %dma_start3A = arith.constant 0 : i32
      %dma_start3A_66 = tpu.memref_slice %arg5[%scan3A_65, %dma_start3A] : memref<78x128xi32, #tpu.memory_space<vmem>> -> memref<1x128xi32, #tpu.memory_space<vmem>>
      %dma_start3A_67 = tpu.memref_squeeze %dma_start3A_66 : memref<1x128xi32, #tpu.memory_space<vmem>> -> memref<128xi32, #tpu.memory_space<vmem>>
      %dma_start3A_68 = arith.constant 0 : i32
      %dma_start3A_69 = tpu.memref_slice %arg9[%dma_start3A_68] : memref<10240xf32, #tpu.memory_space<vmem_shared>> -> memref<10240xf32, #tpu.memory_space<vmem_shared>>
      tpu.enqueue_indirect_dma source(%arg7 : memref<128xf32, #tpu.memory_space<vmem>>) target(%dma_start3A_69 : memref<10240xf32, #tpu.memory_space<vmem_shared>>) offsets(%dma_start3A_67 : memref<128xi32, #tpu.memory_space<vmem>>) semaphore(%arg10 : memref<!tpu.dma_semaphore, #tpu.memory_space<semaphore_mem>>) {add = true}
    }
    %scan3A_55 = arith.constant 78 : i32
    %lt3A = arith.constant 4 : i32
    %lt3A_56 = arith.cmpi slt, %add3A, %lt3A : i32
    %convert_element_type3A = arith.extui %lt3A_56 : i1 to i32
    %cond3A = arith.constant 0 : i32
    %cond3A_57 = arith.cmpi ne, %convert_element_type3A, %cond3A : i32
    scf.if %cond3A_57 {
      %add3A_65 = arith.constant 2496 : i32
      %add3A_66 = arith.addi %add3A_65, %add3A : i32
      %run_scoped3A_67 = arith.constant 1 : i32
      "tpu.region"() ({
        %run_scoped3A_68 = tpu.sem_alloc : memref<!tpu.dma_semaphore, #tpu.memory_space<semaphore_mem>>
        %dma_start3A = arith.constant 0 : i32
        %dma_start3A_69 = tpu.memref_slice %arg2[%run_scoped3A_67, %add3A_66, %dma_start3A] : memref<2x2500x128xi32, #tpu.memory_space<hbm>> -> memref<1x1x128xi32, #tpu.memory_space<hbm>>
        %dma_start3A_70 = tpu.memref_squeeze %dma_start3A_69 : memref<1x1x128xi32, #tpu.memory_space<hbm>> -> memref<128xi32, #tpu.memory_space<hbm>>
        %dma_start3A_71 = arith.constant 0 : i32
        %dma_start3A_72 = tpu.memref_slice %arg2[%run_scoped3A_67, %add3A_66, %dma_start3A_71] : memref<2x2500x128xi32, #tpu.memory_space<hbm>> -> memref<1x1x128xi32, #tpu.memory_space<hbm>>
        %dma_start3A_73 = tpu.memref_squeeze %dma_start3A_72 : memref<1x1x128xi32, #tpu.memory_space<hbm>> -> memref<128xi32, #tpu.memory_space<hbm>>
        tpu.enqueue_dma source(%dma_start3A_73 : memref<128xi32, #tpu.memory_space<hbm>>) target(%arg6 : memref<128xi32, #tpu.memory_space<vmem>>) target_semaphore(%run_scoped3A_68 : memref<!tpu.dma_semaphore, #tpu.memory_space<semaphore_mem>>)
        %dma_wait3A = arith.constant 0 : i32
        %dma_wait3A_74 = tpu.memref_slice %arg2[%run_scoped3A_67, %add3A_66, %dma_wait3A] : memref<2x2500x128xi32, #tpu.memory_space<hbm>> -> memref<1x1x128xi32, #tpu.memory_space<hbm>>
        %dma_wait3A_75 = tpu.memref_squeeze %dma_wait3A_74 : memref<1x1x128xi32, #tpu.memory_space<hbm>> -> memref<128xi32, #tpu.memory_space<hbm>>
        %dma_wait3A_76 = arith.constant 0 : i32
        %dma_wait3A_77 = tpu.memref_slice %arg2[%run_scoped3A_67, %add3A_66, %dma_wait3A_76] : memref<2x2500x128xi32, #tpu.memory_space<hbm>> -> memref<1x1x128xi32, #tpu.memory_space<hbm>>
        %dma_wait3A_78 = tpu.memref_squeeze %dma_wait3A_77 : memref<1x1x128xi32, #tpu.memory_space<hbm>> -> memref<128xi32, #tpu.memory_space<hbm>>
        tpu.wait_dma2 semaphore(%run_scoped3A_68 : memref<!tpu.dma_semaphore, #tpu.memory_space<semaphore_mem>>) src(%dma_wait3A_78 : memref<128xi32, #tpu.memory_space<hbm>>) dst(%arg6 : memref<128xi32, #tpu.memory_space<vmem>>)
        tpu.yield
      }) : () -> ()
      "tpu.region"() ({
        %run_scoped3A_68 = tpu.sem_alloc : memref<!tpu.dma_semaphore, #tpu.memory_space<semaphore_mem>>
        %dma_start3A = arith.constant 0 : i32
        %dma_start3A_69 = tpu.memref_slice %arg9[%dma_start3A] : memref<10240xf32, #tpu.memory_space<vmem_shared>> -> memref<10240xf32, #tpu.memory_space<vmem_shared>>
        tpu.enqueue_indirect_dma source(%arg7 : memref<128xf32, #tpu.memory_space<vmem>>) target(%dma_start3A_69 : memref<10240xf32, #tpu.memory_space<vmem_shared>>) offsets(%arg6 : memref<128xi32, #tpu.memory_space<vmem>>) semaphore(%run_scoped3A_68 : memref<!tpu.dma_semaphore, #tpu.memory_space<semaphore_mem>>) {add = true}
        %dma_wait3A = arith.constant 0 : i32
        %dma_wait3A_70 = tpu.memref_slice %arg9[%dma_wait3A] : memref<10240xf32, #tpu.memory_space<vmem_shared>> -> memref<10240xf32, #tpu.memory_space<vmem_shared>>
        tpu.wait_indirect_dma semaphore(%run_scoped3A_68 : memref<!tpu.dma_semaphore, #tpu.memory_space<semaphore_mem>>) src(%arg7 : memref<128xf32, #tpu.memory_space<vmem>>) dst(%dma_wait3A_70 : memref<10240xf32, #tpu.memory_space<vmem_shared>>)
        tpu.yield
      }) : () -> ()
    } else {
    }
    %scan3A_58 = arith.constant 0 : i32
    %scan3A_59 = arith.constant 0 : i32
    %scan3A_60 = arith.constant 78 : i32
    %scan3A_61 = arith.addi %scan3A_59, %scan3A_60 : i32
    %scan3A_62 = arith.constant 1 : i32
    scf.for %scan3A_65 = %scan3A_59 to %scan3A_61 step %scan3A_62  : i32 {
      %dma_wait3A = arith.constant 0 : i32
      %dma_wait3A_66 = arith.constant 0 : i32
      %dma_wait3A_67 = tpu.memref_slice %arg5[%dma_wait3A, %dma_wait3A_66] : memref<78x128xi32, #tpu.memory_space<vmem>> -> memref<1x128xi32, #tpu.memory_space<vmem>>
      %dma_wait3A_68 = tpu.memref_squeeze %dma_wait3A_67 : memref<1x128xi32, #tpu.memory_space<vmem>> -> memref<128xi32, #tpu.memory_space<vmem>>
      %dma_wait3A_69 = arith.constant 0 : i32
      %dma_wait3A_70 = tpu.memref_slice %arg9[%dma_wait3A_69] : memref<10240xf32, #tpu.memory_space<vmem_shared>> -> memref<10240xf32, #tpu.memory_space<vmem_shared>>
      tpu.wait_indirect_dma semaphore(%arg10 : memref<!tpu.dma_semaphore, #tpu.memory_space<semaphore_mem>>) src(%arg7 : memref<128xf32, #tpu.memory_space<vmem>>) dst(%dma_wait3A_70 : memref<10240xf32, #tpu.memory_space<vmem_shared>>)
    }
    %scan3A_63 = arith.constant 78 : i32
    %barrier3A_64 = arith.constant 0 : index
    tpu.barrier barrier_id(%barrier3A_64)
    "tpu.region"() ({
      %run_scoped3A_65 = tpu.sem_alloc : memref<!tpu.dma_semaphore, #tpu.memory_space<semaphore_mem>>
      %dma_start3A = tpu.memref_slice %arg9[%mul3A_50] : memref<10240xf32, #tpu.memory_space<vmem_shared>> -> memref<640xf32, #tpu.memory_space<vmem_shared>>
      %dma_start3A_66 = tpu.memref_slice %arg9[%mul3A_50] : memref<10240xf32, #tpu.memory_space<vmem_shared>> -> memref<640xf32, #tpu.memory_space<vmem_shared>>
      tpu.enqueue_dma source(%dma_start3A_66 : memref<640xf32, #tpu.memory_space<vmem_shared>>) target(%arg8 : memref<640xf32, #tpu.memory_space<vmem>>) target_semaphore(%run_scoped3A_65 : memref<!tpu.dma_semaphore, #tpu.memory_space<semaphore_mem>>)
      %dma_wait3A = tpu.memref_slice %arg9[%mul3A_50] : memref<10240xf32, #tpu.memory_space<vmem_shared>> -> memref<640xf32, #tpu.memory_space<vmem_shared>>
      %dma_wait3A_67 = tpu.memref_slice %arg9[%mul3A_50] : memref<10240xf32, #tpu.memory_space<vmem_shared>> -> memref<640xf32, #tpu.memory_space<vmem_shared>>
      tpu.wait_dma2 semaphore(%run_scoped3A_65 : memref<!tpu.dma_semaphore, #tpu.memory_space<semaphore_mem>>) src(%dma_wait3A_67 : memref<640xf32, #tpu.memory_space<vmem_shared>>) dst(%arg8 : memref<640xf32, #tpu.memory_space<vmem>>)
      tpu.yield
    }) : () -> ()
    "tpu.region"() ({
      %run_scoped3A_65 = tpu.sem_alloc : memref<!tpu.dma_semaphore, #tpu.memory_space<semaphore_mem>>
      %dma_start3A = tpu.memref_slice %arg4[%arg0, %mul3A_50] : memref<2x10240xf32, #tpu.memory_space<hbm>> -> memref<1x640xf32, #tpu.memory_space<hbm>>
      %dma_start3A_66 = tpu.memref_squeeze %dma_start3A : memref<1x640xf32, #tpu.memory_space<hbm>> -> memref<640xf32, #tpu.memory_space<hbm>>
      %dma_start3A_67 = tpu.memref_slice %arg4[%arg0, %mul3A_50] : memref<2x10240xf32, #tpu.memory_space<hbm>> -> memref<1x640xf32, #tpu.memory_space<hbm>>
      %dma_start3A_68 = tpu.memref_squeeze %dma_start3A_67 : memref<1x640xf32, #tpu.memory_space<hbm>> -> memref<640xf32, #tpu.memory_space<hbm>>
      tpu.enqueue_dma source(%arg8 : memref<640xf32, #tpu.memory_space<vmem>>) target(%dma_start3A_68 : memref<640xf32, #tpu.memory_space<hbm>>) target_semaphore(%run_scoped3A_65 : memref<!tpu.dma_semaphore, #tpu.memory_space<semaphore_mem>>)
      %dma_wait3A = tpu.memref_slice %arg4[%arg0, %mul3A_50] : memref<2x10240xf32, #tpu.memory_space<hbm>> -> memref<1x640xf32, #tpu.memory_space<hbm>>
      %dma_wait3A_69 = tpu.memref_squeeze %dma_wait3A : memref<1x640xf32, #tpu.memory_space<hbm>> -> memref<640xf32, #tpu.memory_space<hbm>>
      %dma_wait3A_70 = tpu.memref_slice %arg4[%arg0, %mul3A_50] : memref<2x10240xf32, #tpu.memory_space<hbm>> -> memref<1x640xf32, #tpu.memory_space<hbm>>
      %dma_wait3A_71 = tpu.memref_squeeze %dma_wait3A_70 : memref<1x640xf32, #tpu.memory_space<hbm>> -> memref<640xf32, #tpu.memory_space<hbm>>
      tpu.wait_dma2 semaphore(%run_scoped3A_65 : memref<!tpu.dma_semaphore, #tpu.memory_space<semaphore_mem>>) src(%arg8 : memref<640xf32, #tpu.memory_space<vmem>>) dst(%dma_wait3A_71 : memref<640xf32, #tpu.memory_space<hbm>>)
      tpu.yield
    }) : () -> ()
    return
  }
}

#map = affine_map<(d0, d1) -> (0)>
module attributes {stable_mosaic.version = 14 : i64} {
  func.func @scale1(%arg0: i32, %arg1: i32, %arg2: memref<20480xf32, #tpu.memory_space<hbm>>, %arg3: memref<163840xf32, #tpu.memory_space<hbm>>, %arg4: memref<163840xf32, #tpu.memory_space<hbm>>, %arg5: memref<10240xf32, #tpu.memory_space<hbm>>, %arg6: memref<5120xf32, #tpu.memory_space<vmem>>, %arg7: memref<320xf32, #tpu.memory_space<vmem>>, %arg8: memref<320xf32, #tpu.memory_space<vmem>>, %arg9: memref<320xf32, #tpu.memory_space<vmem>>) attributes {dimension_semantics = [#tpu.dimension_semantics<core_parallel>, #tpu.dimension_semantics<subcore_parallel>], iteration_bounds = array<i64: 2, 16>, scalar_prefetch = 0 : i64, scratch_operands = 4 : i64, tpu.core_type = #tpu.core_type<sc_vector_subcore>, window_params = [{transform_indices = #map}, {transform_indices = #map}, {transform_indices = #map}, {transform_indices = #map}]} {
    %mul3A = arith.constant 16 : i32
    %mul3A_0 = arith.muli %arg0, %mul3A : i32
    %add3A = arith.addi %mul3A_0, %arg1 : i32
    %mul3A_1 = arith.constant 5120 : i32
    %mul3A_2 = arith.muli %add3A, %mul3A_1 : i32
    %mul3A_3 = arith.constant 320 : i32
    %mul3A_4 = arith.muli %add3A, %mul3A_3 : i32
    "tpu.region"() ({
      %run_scoped3A = tpu.sem_alloc : memref<!tpu.dma_semaphore, #tpu.memory_space<semaphore_mem>>
      %dma_start3A = tpu.memref_slice %arg3[%mul3A_2] : memref<163840xf32, #tpu.memory_space<hbm>> -> memref<5120xf32, #tpu.memory_space<hbm>>
      %dma_start3A_18 = tpu.memref_slice %arg3[%mul3A_2] : memref<163840xf32, #tpu.memory_space<hbm>> -> memref<5120xf32, #tpu.memory_space<hbm>>
      tpu.enqueue_dma source(%dma_start3A_18 : memref<5120xf32, #tpu.memory_space<hbm>>) target(%arg6 : memref<5120xf32, #tpu.memory_space<vmem>>) target_semaphore(%run_scoped3A : memref<!tpu.dma_semaphore, #tpu.memory_space<semaphore_mem>>)
      %dma_wait3A = tpu.memref_slice %arg3[%mul3A_2] : memref<163840xf32, #tpu.memory_space<hbm>> -> memref<5120xf32, #tpu.memory_space<hbm>>
      %dma_wait3A_19 = tpu.memref_slice %arg3[%mul3A_2] : memref<163840xf32, #tpu.memory_space<hbm>> -> memref<5120xf32, #tpu.memory_space<hbm>>
      tpu.wait_dma2 semaphore(%run_scoped3A : memref<!tpu.dma_semaphore, #tpu.memory_space<semaphore_mem>>) src(%dma_wait3A_19 : memref<5120xf32, #tpu.memory_space<hbm>>) dst(%arg6 : memref<5120xf32, #tpu.memory_space<vmem>>)
      tpu.yield
    }) : () -> ()
    "tpu.region"() ({
      %run_scoped3A = tpu.sem_alloc : memref<!tpu.dma_semaphore, #tpu.memory_space<semaphore_mem>>
      %dma_start3A = tpu.memref_slice %arg2[%mul3A_4] : memref<20480xf32, #tpu.memory_space<hbm>> -> memref<320xf32, #tpu.memory_space<hbm>>
      %dma_start3A_18 = tpu.memref_slice %arg2[%mul3A_4] : memref<20480xf32, #tpu.memory_space<hbm>> -> memref<320xf32, #tpu.memory_space<hbm>>
      tpu.enqueue_dma source(%dma_start3A_18 : memref<320xf32, #tpu.memory_space<hbm>>) target(%arg7 : memref<320xf32, #tpu.memory_space<vmem>>) target_semaphore(%run_scoped3A : memref<!tpu.dma_semaphore, #tpu.memory_space<semaphore_mem>>)
      %dma_wait3A = tpu.memref_slice %arg2[%mul3A_4] : memref<20480xf32, #tpu.memory_space<hbm>> -> memref<320xf32, #tpu.memory_space<hbm>>
      %dma_wait3A_19 = tpu.memref_slice %arg2[%mul3A_4] : memref<20480xf32, #tpu.memory_space<hbm>> -> memref<320xf32, #tpu.memory_space<hbm>>
      tpu.wait_dma2 semaphore(%run_scoped3A : memref<!tpu.dma_semaphore, #tpu.memory_space<semaphore_mem>>) src(%dma_wait3A_19 : memref<320xf32, #tpu.memory_space<hbm>>) dst(%arg7 : memref<320xf32, #tpu.memory_space<vmem>>)
      tpu.yield
    }) : () -> ()
    %add3A_5 = arith.constant 10240 : i32
    %add3A_6 = arith.addi %add3A_5, %mul3A_4 : i32
    "tpu.region"() ({
      %run_scoped3A = tpu.sem_alloc : memref<!tpu.dma_semaphore, #tpu.memory_space<semaphore_mem>>
      %dma_start3A = tpu.memref_slice %arg2[%add3A_6] : memref<20480xf32, #tpu.memory_space<hbm>> -> memref<320xf32, #tpu.memory_space<hbm>>
      %dma_start3A_18 = tpu.memref_slice %arg2[%add3A_6] : memref<20480xf32, #tpu.memory_space<hbm>> -> memref<320xf32, #tpu.memory_space<hbm>>
      tpu.enqueue_dma source(%dma_start3A_18 : memref<320xf32, #tpu.memory_space<hbm>>) target(%arg8 : memref<320xf32, #tpu.memory_space<vmem>>) target_semaphore(%run_scoped3A : memref<!tpu.dma_semaphore, #tpu.memory_space<semaphore_mem>>)
      %dma_wait3A = tpu.memref_slice %arg2[%add3A_6] : memref<20480xf32, #tpu.memory_space<hbm>> -> memref<320xf32, #tpu.memory_space<hbm>>
      %dma_wait3A_19 = tpu.memref_slice %arg2[%add3A_6] : memref<20480xf32, #tpu.memory_space<hbm>> -> memref<320xf32, #tpu.memory_space<hbm>>
      tpu.wait_dma2 semaphore(%run_scoped3A : memref<!tpu.dma_semaphore, #tpu.memory_space<semaphore_mem>>) src(%dma_wait3A_19 : memref<320xf32, #tpu.memory_space<hbm>>) dst(%arg8 : memref<320xf32, #tpu.memory_space<vmem>>)
      tpu.yield
    }) : () -> ()
    %scan3A = arith.constant 0 : i32
    %scan3A_7 = arith.constant 0 : i32
    %scan3A_8 = arith.constant 20 : i32
    %scan3A_9 = arith.addi %scan3A_7, %scan3A_8 : i32
    %scan3A_10 = arith.constant 1 : i32
    scf.for %scan3A_18 = %scan3A_7 to %scan3A_9 step %scan3A_10  : i32 {
      %mul3A_19 = arith.constant 16 : i32
      %mul3A_20 = arith.muli %scan3A_18, %mul3A_19 : i32
      %get3A = arith.index_cast %mul3A_20 : i32 to index
      %get3A_21 = tpu.vector_load %arg7[%get3A] {strides = array<i32>} : memref<320xf32, #tpu.memory_space<vmem>>, vector<16xf32>,
      %get3A_22 = arith.index_cast %mul3A_20 : i32 to index
      %get3A_23 = tpu.vector_load %arg8[%get3A_22] {strides = array<i32>} : memref<320xf32, #tpu.memory_space<vmem>>, vector<16xf32>,
      %add3A_24 = arith.addf %get3A_21, %get3A_23 : vector<16xf32>
      %add3A_25 = arith.constant 1.000000e+00 : f32
      %add3A_26 = vector.broadcast %add3A_25 : f32 to vector<16xf32>
      %add3A_27 = arith.addf %add3A_24, %add3A_26 : vector<16xf32>
      %bitcast3A = vector.bitcast %add3A_27 : vector<16xf32> to vector<16xi32>
      %shift_right_logical3A = arith.constant 1 : i32
      %shift_right_logical3A_28 = vector.broadcast %shift_right_logical3A : i32 to vector<16xi32>
      %shift_right_logical3A_29 = arith.shrui %bitcast3A, %shift_right_logical3A_28 : vector<16xi32>
      %sub3A = arith.constant 1597463007 : i32
      %sub3A_30 = vector.broadcast %sub3A : i32 to vector<16xi32>
      %sub3A_31 = arith.subi %sub3A_30, %shift_right_logical3A_29 : vector<16xi32>
      %bitcast3A_32 = vector.bitcast %sub3A_31 : vector<16xi32> to vector<16xf32>
      %mul3A_33 = arith.constant 5.000000e-01 : f32
      %mul3A_34 = vector.broadcast %mul3A_33 : f32 to vector<16xf32>
      %mul3A_35 = arith.mulf %mul3A_34, %add3A_27 : vector<16xf32>
      %mul3A_36 = arith.mulf %mul3A_35, %bitcast3A_32 : vector<16xf32>
      %mul3A_37 = arith.mulf %mul3A_36, %bitcast3A_32 : vector<16xf32>
      %sub3A_38 = arith.constant 1.500000e+00 : f32
      %sub3A_39 = vector.broadcast %sub3A_38 : f32 to vector<16xf32>
      %sub3A_40 = arith.subf %sub3A_39, %mul3A_37 : vector<16xf32>
      %mul3A_41 = arith.mulf %bitcast3A_32, %sub3A_40 : vector<16xf32>
      %mul3A_42 = arith.mulf %mul3A_35, %mul3A_41 : vector<16xf32>
      %mul3A_43 = arith.mulf %mul3A_42, %mul3A_41 : vector<16xf32>
      %sub3A_44 = arith.constant 1.500000e+00 : f32
      %sub3A_45 = vector.broadcast %sub3A_44 : f32 to vector<16xf32>
      %sub3A_46 = arith.subf %sub3A_45, %mul3A_43 : vector<16xf32>
      %mul3A_47 = arith.mulf %mul3A_41, %sub3A_46 : vector<16xf32>
      %mul3A_48 = arith.mulf %mul3A_35, %mul3A_47 : vector<16xf32>
      %mul3A_49 = arith.mulf %mul3A_48, %mul3A_47 : vector<16xf32>
      %sub3A_50 = arith.constant 1.500000e+00 : f32
      %sub3A_51 = vector.broadcast %sub3A_50 : f32 to vector<16xf32>
      %sub3A_52 = arith.subf %sub3A_51, %mul3A_49 : vector<16xf32>
      %mul3A_53 = arith.mulf %mul3A_47, %sub3A_52 : vector<16xf32>
      %swap3A = arith.index_cast %mul3A_20 : i32 to index
      %swap3A_54 = tpu.vector_load %arg9[%swap3A] {strides = array<i32>} : memref<320xf32, #tpu.memory_space<vmem>>, vector<16xf32>,
      tpu.vector_store %arg9[%swap3A], %mul3A_53 {strides = array<i32>} : memref<320xf32, #tpu.memory_space<vmem>>, vector<16xf32>,
    }
    %scan3A_11 = arith.constant 20 : i32
    %scan3A_12 = arith.constant 0 : i32
    %scan3A_13 = arith.constant 0 : i32
    %scan3A_14 = arith.constant 20 : i32
    %scan3A_15 = arith.addi %scan3A_13, %scan3A_14 : i32
    %scan3A_16 = arith.constant 1 : i32
    scf.for %scan3A_18 = %scan3A_13 to %scan3A_15 step %scan3A_16  : i32 {
      %mul3A_19 = arith.constant 16 : i32
      %mul3A_20 = arith.muli %scan3A_18, %mul3A_19 : i32
      %get3A = arith.index_cast %mul3A_20 : i32 to index
      %get3A_21 = tpu.vector_load %arg9[%get3A] {strides = array<i32>} : memref<320xf32, #tpu.memory_space<vmem>>, vector<16xf32>,
      %mul3A_22 = arith.constant 256 : i32
      %mul3A_23 = arith.muli %scan3A_18, %mul3A_22 : i32
      %add3A_24 = arith.constant 0 : i32
      %add3A_25 = arith.addi %mul3A_23, %add3A_24 : i32
      %get3A_26 = arith.index_cast %add3A_25 : i32 to index
      %get3A_27 = tpu.vector_load %arg6[%get3A_26] {strides = array<i32>} : memref<5120xf32, #tpu.memory_space<vmem>>, vector<16xf32>,
      %slice3A = vector.extract_strided_slice %get3A_21 {offsets = [0], sizes = [1], strides = [1]} : vector<16xf32> to vector<1xf32>
      %squeeze3A = vector.extract %slice3A[0] : f32 from vector<1xf32>
      %mul3A_28 = vector.broadcast %squeeze3A : f32 to vector<16xf32>
      %mul3A_29 = arith.mulf %get3A_27, %mul3A_28 : vector<16xf32>
      %swap3A = arith.index_cast %add3A_25 : i32 to index
      %swap3A_30 = tpu.vector_load %arg6[%swap3A] {strides = array<i32>} : memref<5120xf32, #tpu.memory_space<vmem>>, vector<16xf32>,
      tpu.vector_store %arg6[%swap3A], %mul3A_29 {strides = array<i32>} : memref<5120xf32, #tpu.memory_space<vmem>>, vector<16xf32>,
      %add3A_31 = arith.constant 16 : i32
      %add3A_32 = arith.addi %mul3A_23, %add3A_31 : i32
      %get3A_33 = arith.index_cast %add3A_32 : i32 to index
      %get3A_34 = tpu.vector_load %arg6[%get3A_33] {strides = array<i32>} : memref<5120xf32, #tpu.memory_space<vmem>>, vector<16xf32>,
      %slice3A_35 = vector.extract_strided_slice %get3A_21 {offsets = [1], sizes = [1], strides = [1]} : vector<16xf32> to vector<1xf32>
      %squeeze3A_36 = vector.extract %slice3A_35[0] : f32 from vector<1xf32>
      %mul3A_37 = vector.broadcast %squeeze3A_36 : f32 to vector<16xf32>
      %mul3A_38 = arith.mulf %get3A_34, %mul3A_37 : vector<16xf32>
      %swap3A_39 = arith.index_cast %add3A_32 : i32 to index
      %swap3A_40 = tpu.vector_load %arg6[%swap3A_39] {strides = array<i32>} : memref<5120xf32, #tpu.memory_space<vmem>>, vector<16xf32>,
      tpu.vector_store %arg6[%swap3A_39], %mul3A_38 {strides = array<i32>} : memref<5120xf32, #tpu.memory_space<vmem>>, vector<16xf32>,
      %add3A_41 = arith.constant 32 : i32
      %add3A_42 = arith.addi %mul3A_23, %add3A_41 : i32
      %get3A_43 = arith.index_cast %add3A_42 : i32 to index
      %get3A_44 = tpu.vector_load %arg6[%get3A_43] {strides = array<i32>} : memref<5120xf32, #tpu.memory_space<vmem>>, vector<16xf32>,
      %slice3A_45 = vector.extract_strided_slice %get3A_21 {offsets = [2], sizes = [1], strides = [1]} : vector<16xf32> to vector<1xf32>
      %squeeze3A_46 = vector.extract %slice3A_45[0] : f32 from vector<1xf32>
      %mul3A_47 = vector.broadcast %squeeze3A_46 : f32 to vector<16xf32>
      %mul3A_48 = arith.mulf %get3A_44, %mul3A_47 : vector<16xf32>
      %swap3A_49 = arith.index_cast %add3A_42 : i32 to index
      %swap3A_50 = tpu.vector_load %arg6[%swap3A_49] {strides = array<i32>} : memref<5120xf32, #tpu.memory_space<vmem>>, vector<16xf32>,
      tpu.vector_store %arg6[%swap3A_49], %mul3A_48 {strides = array<i32>} : memref<5120xf32, #tpu.memory_space<vmem>>, vector<16xf32>,
      %add3A_51 = arith.constant 48 : i32
      %add3A_52 = arith.addi %mul3A_23, %add3A_51 : i32
      %get3A_53 = arith.index_cast %add3A_52 : i32 to index
      %get3A_54 = tpu.vector_load %arg6[%get3A_53] {strides = array<i32>} : memref<5120xf32, #tpu.memory_space<vmem>>, vector<16xf32>,
      %slice3A_55 = vector.extract_strided_slice %get3A_21 {offsets = [3], sizes = [1], strides = [1]} : vector<16xf32> to vector<1xf32>
      %squeeze3A_56 = vector.extract %slice3A_55[0] : f32 from vector<1xf32>
      %mul3A_57 = vector.broadcast %squeeze3A_56 : f32 to vector<16xf32>
      %mul3A_58 = arith.mulf %get3A_54, %mul3A_57 : vector<16xf32>
      %swap3A_59 = arith.index_cast %add3A_52 : i32 to index
      %swap3A_60 = tpu.vector_load %arg6[%swap3A_59] {strides = array<i32>} : memref<5120xf32, #tpu.memory_space<vmem>>, vector<16xf32>,
      tpu.vector_store %arg6[%swap3A_59], %mul3A_58 {strides = array<i32>} : memref<5120xf32, #tpu.memory_space<vmem>>, vector<16xf32>,
      %add3A_61 = arith.constant 64 : i32
      %add3A_62 = arith.addi %mul3A_23, %add3A_61 : i32
      %get3A_63 = arith.index_cast %add3A_62 : i32 to index
      %get3A_64 = tpu.vector_load %arg6[%get3A_63] {strides = array<i32>} : memref<5120xf32, #tpu.memory_space<vmem>>, vector<16xf32>,
      %slice3A_65 = vector.extract_strided_slice %get3A_21 {offsets = [4], sizes = [1], strides = [1]} : vector<16xf32> to vector<1xf32>
      %squeeze3A_66 = vector.extract %slice3A_65[0] : f32 from vector<1xf32>
      %mul3A_67 = vector.broadcast %squeeze3A_66 : f32 to vector<16xf32>
      %mul3A_68 = arith.mulf %get3A_64, %mul3A_67 : vector<16xf32>
      %swap3A_69 = arith.index_cast %add3A_62 : i32 to index
      %swap3A_70 = tpu.vector_load %arg6[%swap3A_69] {strides = array<i32>} : memref<5120xf32, #tpu.memory_space<vmem>>, vector<16xf32>,
      tpu.vector_store %arg6[%swap3A_69], %mul3A_68 {strides = array<i32>} : memref<5120xf32, #tpu.memory_space<vmem>>, vector<16xf32>,
      %add3A_71 = arith.constant 80 : i32
      %add3A_72 = arith.addi %mul3A_23, %add3A_71 : i32
      %get3A_73 = arith.index_cast %add3A_72 : i32 to index
      %get3A_74 = tpu.vector_load %arg6[%get3A_73] {strides = array<i32>} : memref<5120xf32, #tpu.memory_space<vmem>>, vector<16xf32>,
      %slice3A_75 = vector.extract_strided_slice %get3A_21 {offsets = [5], sizes = [1], strides = [1]} : vector<16xf32> to vector<1xf32>
      %squeeze3A_76 = vector.extract %slice3A_75[0] : f32 from vector<1xf32>
      %mul3A_77 = vector.broadcast %squeeze3A_76 : f32 to vector<16xf32>
      %mul3A_78 = arith.mulf %get3A_74, %mul3A_77 : vector<16xf32>
      %swap3A_79 = arith.index_cast %add3A_72 : i32 to index
      %swap3A_80 = tpu.vector_load %arg6[%swap3A_79] {strides = array<i32>} : memref<5120xf32, #tpu.memory_space<vmem>>, vector<16xf32>,
      tpu.vector_store %arg6[%swap3A_79], %mul3A_78 {strides = array<i32>} : memref<5120xf32, #tpu.memory_space<vmem>>, vector<16xf32>,
      %add3A_81 = arith.constant 96 : i32
      %add3A_82 = arith.addi %mul3A_23, %add3A_81 : i32
      %get3A_83 = arith.index_cast %add3A_82 : i32 to index
      %get3A_84 = tpu.vector_load %arg6[%get3A_83] {strides = array<i32>} : memref<5120xf32, #tpu.memory_space<vmem>>, vector<16xf32>,
      %slice3A_85 = vector.extract_strided_slice %get3A_21 {offsets = [6], sizes = [1], strides = [1]} : vector<16xf32> to vector<1xf32>
      %squeeze3A_86 = vector.extract %slice3A_85[0] : f32 from vector<1xf32>
      %mul3A_87 = vector.broadcast %squeeze3A_86 : f32 to vector<16xf32>
      %mul3A_88 = arith.mulf %get3A_84, %mul3A_87 : vector<16xf32>
      %swap3A_89 = arith.index_cast %add3A_82 : i32 to index
      %swap3A_90 = tpu.vector_load %arg6[%swap3A_89] {strides = array<i32>} : memref<5120xf32, #tpu.memory_space<vmem>>, vector<16xf32>,
      tpu.vector_store %arg6[%swap3A_89], %mul3A_88 {strides = array<i32>} : memref<5120xf32, #tpu.memory_space<vmem>>, vector<16xf32>,
      %add3A_91 = arith.constant 112 : i32
      %add3A_92 = arith.addi %mul3A_23, %add3A_91 : i32
      %get3A_93 = arith.index_cast %add3A_92 : i32 to index
      %get3A_94 = tpu.vector_load %arg6[%get3A_93] {strides = array<i32>} : memref<5120xf32, #tpu.memory_space<vmem>>, vector<16xf32>,
      %slice3A_95 = vector.extract_strided_slice %get3A_21 {offsets = [7], sizes = [1], strides = [1]} : vector<16xf32> to vector<1xf32>
      %squeeze3A_96 = vector.extract %slice3A_95[0] : f32 from vector<1xf32>
      %mul3A_97 = vector.broadcast %squeeze3A_96 : f32 to vector<16xf32>
      %mul3A_98 = arith.mulf %get3A_94, %mul3A_97 : vector<16xf32>
      %swap3A_99 = arith.index_cast %add3A_92 : i32 to index
      %swap3A_100 = tpu.vector_load %arg6[%swap3A_99] {strides = array<i32>} : memref<5120xf32, #tpu.memory_space<vmem>>, vector<16xf32>,
      tpu.vector_store %arg6[%swap3A_99], %mul3A_98 {strides = array<i32>} : memref<5120xf32, #tpu.memory_space<vmem>>, vector<16xf32>,
      %add3A_101 = arith.constant 128 : i32
      %add3A_102 = arith.addi %mul3A_23, %add3A_101 : i32
      %get3A_103 = arith.index_cast %add3A_102 : i32 to index
      %get3A_104 = tpu.vector_load %arg6[%get3A_103] {strides = array<i32>} : memref<5120xf32, #tpu.memory_space<vmem>>, vector<16xf32>,
      %slice3A_105 = vector.extract_strided_slice %get3A_21 {offsets = [8], sizes = [1], strides = [1]} : vector<16xf32> to vector<1xf32>
      %squeeze3A_106 = vector.extract %slice3A_105[0] : f32 from vector<1xf32>
      %mul3A_107 = vector.broadcast %squeeze3A_106 : f32 to vector<16xf32>
      %mul3A_108 = arith.mulf %get3A_104, %mul3A_107 : vector<16xf32>
      %swap3A_109 = arith.index_cast %add3A_102 : i32 to index
      %swap3A_110 = tpu.vector_load %arg6[%swap3A_109] {strides = array<i32>} : memref<5120xf32, #tpu.memory_space<vmem>>, vector<16xf32>,
      tpu.vector_store %arg6[%swap3A_109], %mul3A_108 {strides = array<i32>} : memref<5120xf32, #tpu.memory_space<vmem>>, vector<16xf32>,
      %add3A_111 = arith.constant 144 : i32
      %add3A_112 = arith.addi %mul3A_23, %add3A_111 : i32
      %get3A_113 = arith.index_cast %add3A_112 : i32 to index
      %get3A_114 = tpu.vector_load %arg6[%get3A_113] {strides = array<i32>} : memref<5120xf32, #tpu.memory_space<vmem>>, vector<16xf32>,
      %slice3A_115 = vector.extract_strided_slice %get3A_21 {offsets = [9], sizes = [1], strides = [1]} : vector<16xf32> to vector<1xf32>
      %squeeze3A_116 = vector.extract %slice3A_115[0] : f32 from vector<1xf32>
      %mul3A_117 = vector.broadcast %squeeze3A_116 : f32 to vector<16xf32>
      %mul3A_118 = arith.mulf %get3A_114, %mul3A_117 : vector<16xf32>
      %swap3A_119 = arith.index_cast %add3A_112 : i32 to index
      %swap3A_120 = tpu.vector_load %arg6[%swap3A_119] {strides = array<i32>} : memref<5120xf32, #tpu.memory_space<vmem>>, vector<16xf32>,
      tpu.vector_store %arg6[%swap3A_119], %mul3A_118 {strides = array<i32>} : memref<5120xf32, #tpu.memory_space<vmem>>, vector<16xf32>,
      %add3A_121 = arith.constant 160 : i32
      %add3A_122 = arith.addi %mul3A_23, %add3A_121 : i32
      %get3A_123 = arith.index_cast %add3A_122 : i32 to index
      %get3A_124 = tpu.vector_load %arg6[%get3A_123] {strides = array<i32>} : memref<5120xf32, #tpu.memory_space<vmem>>, vector<16xf32>,
      %slice3A_125 = vector.extract_strided_slice %get3A_21 {offsets = [10], sizes = [1], strides = [1]} : vector<16xf32> to vector<1xf32>
      %squeeze3A_126 = vector.extract %slice3A_125[0] : f32 from vector<1xf32>
      %mul3A_127 = vector.broadcast %squeeze3A_126 : f32 to vector<16xf32>
      %mul3A_128 = arith.mulf %get3A_124, %mul3A_127 : vector<16xf32>
      %swap3A_129 = arith.index_cast %add3A_122 : i32 to index
      %swap3A_130 = tpu.vector_load %arg6[%swap3A_129] {strides = array<i32>} : memref<5120xf32, #tpu.memory_space<vmem>>, vector<16xf32>,
      tpu.vector_store %arg6[%swap3A_129], %mul3A_128 {strides = array<i32>} : memref<5120xf32, #tpu.memory_space<vmem>>, vector<16xf32>,
      %add3A_131 = arith.constant 176 : i32
      %add3A_132 = arith.addi %mul3A_23, %add3A_131 : i32
      %get3A_133 = arith.index_cast %add3A_132 : i32 to index
      %get3A_134 = tpu.vector_load %arg6[%get3A_133] {strides = array<i32>} : memref<5120xf32, #tpu.memory_space<vmem>>, vector<16xf32>,
      %slice3A_135 = vector.extract_strided_slice %get3A_21 {offsets = [11], sizes = [1], strides = [1]} : vector<16xf32> to vector<1xf32>
      %squeeze3A_136 = vector.extract %slice3A_135[0] : f32 from vector<1xf32>
      %mul3A_137 = vector.broadcast %squeeze3A_136 : f32 to vector<16xf32>
      %mul3A_138 = arith.mulf %get3A_134, %mul3A_137 : vector<16xf32>
      %swap3A_139 = arith.index_cast %add3A_132 : i32 to index
      %swap3A_140 = tpu.vector_load %arg6[%swap3A_139] {strides = array<i32>} : memref<5120xf32, #tpu.memory_space<vmem>>, vector<16xf32>,
      tpu.vector_store %arg6[%swap3A_139], %mul3A_138 {strides = array<i32>} : memref<5120xf32, #tpu.memory_space<vmem>>, vector<16xf32>,
      %add3A_141 = arith.constant 192 : i32
      %add3A_142 = arith.addi %mul3A_23, %add3A_141 : i32
      %get3A_143 = arith.index_cast %add3A_142 : i32 to index
      %get3A_144 = tpu.vector_load %arg6[%get3A_143] {strides = array<i32>} : memref<5120xf32, #tpu.memory_space<vmem>>, vector<16xf32>,
      %slice3A_145 = vector.extract_strided_slice %get3A_21 {offsets = [12], sizes = [1], strides = [1]} : vector<16xf32> to vector<1xf32>
      %squeeze3A_146 = vector.extract %slice3A_145[0] : f32 from vector<1xf32>
      %mul3A_147 = vector.broadcast %squeeze3A_146 : f32 to vector<16xf32>
      %mul3A_148 = arith.mulf %get3A_144, %mul3A_147 : vector<16xf32>
      %swap3A_149 = arith.index_cast %add3A_142 : i32 to index
      %swap3A_150 = tpu.vector_load %arg6[%swap3A_149] {strides = array<i32>} : memref<5120xf32, #tpu.memory_space<vmem>>, vector<16xf32>,
      tpu.vector_store %arg6[%swap3A_149], %mul3A_148 {strides = array<i32>} : memref<5120xf32, #tpu.memory_space<vmem>>, vector<16xf32>,
      %add3A_151 = arith.constant 208 : i32
      %add3A_152 = arith.addi %mul3A_23, %add3A_151 : i32
      %get3A_153 = arith.index_cast %add3A_152 : i32 to index
      %get3A_154 = tpu.vector_load %arg6[%get3A_153] {strides = array<i32>} : memref<5120xf32, #tpu.memory_space<vmem>>, vector<16xf32>,
      %slice3A_155 = vector.extract_strided_slice %get3A_21 {offsets = [13], sizes = [1], strides = [1]} : vector<16xf32> to vector<1xf32>
      %squeeze3A_156 = vector.extract %slice3A_155[0] : f32 from vector<1xf32>
      %mul3A_157 = vector.broadcast %squeeze3A_156 : f32 to vector<16xf32>
      %mul3A_158 = arith.mulf %get3A_154, %mul3A_157 : vector<16xf32>
      %swap3A_159 = arith.index_cast %add3A_152 : i32 to index
      %swap3A_160 = tpu.vector_load %arg6[%swap3A_159] {strides = array<i32>} : memref<5120xf32, #tpu.memory_space<vmem>>, vector<16xf32>,
      tpu.vector_store %arg6[%swap3A_159], %mul3A_158 {strides = array<i32>} : memref<5120xf32, #tpu.memory_space<vmem>>, vector<16xf32>,
      %add3A_161 = arith.constant 224 : i32
      %add3A_162 = arith.addi %mul3A_23, %add3A_161 : i32
      %get3A_163 = arith.index_cast %add3A_162 : i32 to index
      %get3A_164 = tpu.vector_load %arg6[%get3A_163] {strides = array<i32>} : memref<5120xf32, #tpu.memory_space<vmem>>, vector<16xf32>,
      %slice3A_165 = vector.extract_strided_slice %get3A_21 {offsets = [14], sizes = [1], strides = [1]} : vector<16xf32> to vector<1xf32>
      %squeeze3A_166 = vector.extract %slice3A_165[0] : f32 from vector<1xf32>
      %mul3A_167 = vector.broadcast %squeeze3A_166 : f32 to vector<16xf32>
      %mul3A_168 = arith.mulf %get3A_164, %mul3A_167 : vector<16xf32>
      %swap3A_169 = arith.index_cast %add3A_162 : i32 to index
      %swap3A_170 = tpu.vector_load %arg6[%swap3A_169] {strides = array<i32>} : memref<5120xf32, #tpu.memory_space<vmem>>, vector<16xf32>,
      tpu.vector_store %arg6[%swap3A_169], %mul3A_168 {strides = array<i32>} : memref<5120xf32, #tpu.memory_space<vmem>>, vector<16xf32>,
      %add3A_171 = arith.constant 240 : i32
      %add3A_172 = arith.addi %mul3A_23, %add3A_171 : i32
      %get3A_173 = arith.index_cast %add3A_172 : i32 to index
      %get3A_174 = tpu.vector_load %arg6[%get3A_173] {strides = array<i32>} : memref<5120xf32, #tpu.memory_space<vmem>>, vector<16xf32>,
      %slice3A_175 = vector.extract_strided_slice %get3A_21 {offsets = [15], sizes = [1], strides = [1]} : vector<16xf32> to vector<1xf32>
      %squeeze3A_176 = vector.extract %slice3A_175[0] : f32 from vector<1xf32>
      %mul3A_177 = vector.broadcast %squeeze3A_176 : f32 to vector<16xf32>
      %mul3A_178 = arith.mulf %get3A_174, %mul3A_177 : vector<16xf32>
      %swap3A_179 = arith.index_cast %add3A_172 : i32 to index
      %swap3A_180 = tpu.vector_load %arg6[%swap3A_179] {strides = array<i32>} : memref<5120xf32, #tpu.memory_space<vmem>>, vector<16xf32>,
      tpu.vector_store %arg6[%swap3A_179], %mul3A_178 {strides = array<i32>} : memref<5120xf32, #tpu.memory_space<vmem>>, vector<16xf32>,
    }
    %scan3A_17 = arith.constant 20 : i32
    "tpu.region"() ({
      %run_scoped3A = tpu.sem_alloc : memref<!tpu.dma_semaphore, #tpu.memory_space<semaphore_mem>>
      %dma_start3A = tpu.memref_slice %arg4[%mul3A_2] : memref<163840xf32, #tpu.memory_space<hbm>> -> memref<5120xf32, #tpu.memory_space<hbm>>
      %dma_start3A_18 = tpu.memref_slice %arg4[%mul3A_2] : memref<163840xf32, #tpu.memory_space<hbm>> -> memref<5120xf32, #tpu.memory_space<hbm>>
      tpu.enqueue_dma source(%arg6 : memref<5120xf32, #tpu.memory_space<vmem>>) target(%dma_start3A_18 : memref<5120xf32, #tpu.memory_space<hbm>>) target_semaphore(%run_scoped3A : memref<!tpu.dma_semaphore, #tpu.memory_space<semaphore_mem>>)
      %dma_wait3A = tpu.memref_slice %arg4[%mul3A_2] : memref<163840xf32, #tpu.memory_space<hbm>> -> memref<5120xf32, #tpu.memory_space<hbm>>
      %dma_wait3A_19 = tpu.memref_slice %arg4[%mul3A_2] : memref<163840xf32, #tpu.memory_space<hbm>> -> memref<5120xf32, #tpu.memory_space<hbm>>
      tpu.wait_dma2 semaphore(%run_scoped3A : memref<!tpu.dma_semaphore, #tpu.memory_space<semaphore_mem>>) src(%arg6 : memref<5120xf32, #tpu.memory_space<vmem>>) dst(%dma_wait3A_19 : memref<5120xf32, #tpu.memory_space<hbm>>)
      tpu.yield
    }) : () -> ()
    "tpu.region"() ({
      %run_scoped3A = tpu.sem_alloc : memref<!tpu.dma_semaphore, #tpu.memory_space<semaphore_mem>>
      %dma_start3A = tpu.memref_slice %arg5[%mul3A_4] : memref<10240xf32, #tpu.memory_space<hbm>> -> memref<320xf32, #tpu.memory_space<hbm>>
      %dma_start3A_18 = tpu.memref_slice %arg5[%mul3A_4] : memref<10240xf32, #tpu.memory_space<hbm>> -> memref<320xf32, #tpu.memory_space<hbm>>
      tpu.enqueue_dma source(%arg9 : memref<320xf32, #tpu.memory_space<vmem>>) target(%dma_start3A_18 : memref<320xf32, #tpu.memory_space<hbm>>) target_semaphore(%run_scoped3A : memref<!tpu.dma_semaphore, #tpu.memory_space<semaphore_mem>>)
      %dma_wait3A = tpu.memref_slice %arg5[%mul3A_4] : memref<10240xf32, #tpu.memory_space<hbm>> -> memref<320xf32, #tpu.memory_space<hbm>>
      %dma_wait3A_19 = tpu.memref_slice %arg5[%mul3A_4] : memref<10240xf32, #tpu.memory_space<hbm>> -> memref<320xf32, #tpu.memory_space<hbm>>
      tpu.wait_dma2 semaphore(%run_scoped3A : memref<!tpu.dma_semaphore, #tpu.memory_space<semaphore_mem>>) src(%arg9 : memref<320xf32, #tpu.memory_space<vmem>>) dst(%dma_wait3A_19 : memref<320xf32, #tpu.memory_space<hbm>>)
      tpu.yield
    }) : () -> ()
    return
  }
}

#map = affine_map<(d0, d1) -> (0, 0)>
#map1 = affine_map<(d0, d1) -> (0, 0, 0)>
module attributes {stable_mosaic.version = 14 : i64} {
  func.func @agg_kernel(%arg0: i32, %arg1: i32, %arg2: memref<10240x16xf32, #tpu.memory_space<hbm>>, %arg3: memref<2x2500x128xi32, #tpu.memory_space<hbm>>, %arg4: memref<640x16xf32, #tpu.memory_space<hbm>>, %arg5: memref<2x10240x16xf32, #tpu.memory_space<hbm>>, %arg6: memref<78x128xi32, #tpu.memory_space<vmem>>, %arg7: memref<78x128xi32, #tpu.memory_space<vmem>>, %arg8: memref<128xi32, #tpu.memory_space<vmem>>, %arg9: memref<128xi32, #tpu.memory_space<vmem>>, %arg10: memref<128x16xf32, #tpu.memory_space<vmem>>, %arg11: memref<128x16xf32, #tpu.memory_space<vmem>>, %arg12: memref<640x16xf32, #tpu.memory_space<vmem>>, %arg13: memref<10240x16xf32, #tpu.memory_space<vmem_shared>>, %arg14: memref<!tpu.dma_semaphore, #tpu.memory_space<semaphore_mem>>, %arg15: memref<!tpu.dma_semaphore, #tpu.memory_space<semaphore_mem>>, %arg16: memref<!tpu.dma_semaphore, #tpu.memory_space<semaphore_mem>>, %arg17: memref<!tpu.dma_semaphore, #tpu.memory_space<semaphore_mem>>) attributes {dimension_semantics = [#tpu.dimension_semantics<core_parallel>, #tpu.dimension_semantics<subcore_parallel>], iteration_bounds = array<i64: 2, 16>, scalar_prefetch = 0 : i64, scratch_operands = 12 : i64, tpu.core_type = #tpu.core_type<sc_vector_subcore>, window_params = [{transform_indices = #map}, {transform_indices = #map1}, {transform_indices = #map}, {transform_indices = #map1}]} {
    %mul3A = arith.constant 16 : i32
    %mul3A_0 = arith.muli %arg0, %mul3A : i32
    %add3A = arith.addi %mul3A_0, %arg1 : i32
    %mul3A_1 = arith.constant 78 : i32
    %mul3A_2 = arith.muli %add3A, %mul3A_1 : i32
    %run_scoped3A = arith.constant 0 : i32
    "tpu.region"() ({
      %run_scoped3A_40 = tpu.sem_alloc : memref<!tpu.dma_semaphore, #tpu.memory_space<semaphore_mem>>
      %dma_start3A_41 = arith.constant 0 : i32
      %dma_start3A_42 = tpu.memref_slice %arg3[%run_scoped3A, %mul3A_2, %dma_start3A_41] : memref<2x2500x128xi32, #tpu.memory_space<hbm>> -> memref<1x78x128xi32, #tpu.memory_space<hbm>>
      %dma_start3A_43 = tpu.memref_squeeze %dma_start3A_42 : memref<1x78x128xi32, #tpu.memory_space<hbm>> -> memref<78x128xi32, #tpu.memory_space<hbm>>
      %dma_start3A_44 = arith.constant 0 : i32
      %dma_start3A_45 = tpu.memref_slice %arg3[%run_scoped3A, %mul3A_2, %dma_start3A_44] : memref<2x2500x128xi32, #tpu.memory_space<hbm>> -> memref<1x78x128xi32, #tpu.memory_space<hbm>>
      %dma_start3A_46 = tpu.memref_squeeze %dma_start3A_45 : memref<1x78x128xi32, #tpu.memory_space<hbm>> -> memref<78x128xi32, #tpu.memory_space<hbm>>
      tpu.enqueue_dma source(%dma_start3A_46 : memref<78x128xi32, #tpu.memory_space<hbm>>) target(%arg6 : memref<78x128xi32, #tpu.memory_space<vmem>>) target_semaphore(%run_scoped3A_40 : memref<!tpu.dma_semaphore, #tpu.memory_space<semaphore_mem>>)
      %dma_wait3A_47 = arith.constant 0 : i32
      %dma_wait3A_48 = tpu.memref_slice %arg3[%run_scoped3A, %mul3A_2, %dma_wait3A_47] : memref<2x2500x128xi32, #tpu.memory_space<hbm>> -> memref<1x78x128xi32, #tpu.memory_space<hbm>>
      %dma_wait3A_49 = tpu.memref_squeeze %dma_wait3A_48 : memref<1x78x128xi32, #tpu.memory_space<hbm>> -> memref<78x128xi32, #tpu.memory_space<hbm>>
      %dma_wait3A_50 = arith.constant 0 : i32
      %dma_wait3A_51 = tpu.memref_slice %arg3[%run_scoped3A, %mul3A_2, %dma_wait3A_50] : memref<2x2500x128xi32, #tpu.memory_space<hbm>> -> memref<1x78x128xi32, #tpu.memory_space<hbm>>
      %dma_wait3A_52 = tpu.memref_squeeze %dma_wait3A_51 : memref<1x78x128xi32, #tpu.memory_space<hbm>> -> memref<78x128xi32, #tpu.memory_space<hbm>>
      tpu.wait_dma2 semaphore(%run_scoped3A_40 : memref<!tpu.dma_semaphore, #tpu.memory_space<semaphore_mem>>) src(%dma_wait3A_52 : memref<78x128xi32, #tpu.memory_space<hbm>>) dst(%arg6 : memref<78x128xi32, #tpu.memory_space<vmem>>)
      tpu.yield
    }) : () -> ()
    %run_scoped3A_3 = arith.constant 1 : i32
    "tpu.region"() ({
      %run_scoped3A_40 = tpu.sem_alloc : memref<!tpu.dma_semaphore, #tpu.memory_space<semaphore_mem>>
      %dma_start3A_41 = arith.constant 0 : i32
      %dma_start3A_42 = tpu.memref_slice %arg3[%run_scoped3A_3, %mul3A_2, %dma_start3A_41] : memref<2x2500x128xi32, #tpu.memory_space<hbm>> -> memref<1x78x128xi32, #tpu.memory_space<hbm>>
      %dma_start3A_43 = tpu.memref_squeeze %dma_start3A_42 : memref<1x78x128xi32, #tpu.memory_space<hbm>> -> memref<78x128xi32, #tpu.memory_space<hbm>>
      %dma_start3A_44 = arith.constant 0 : i32
      %dma_start3A_45 = tpu.memref_slice %arg3[%run_scoped3A_3, %mul3A_2, %dma_start3A_44] : memref<2x2500x128xi32, #tpu.memory_space<hbm>> -> memref<1x78x128xi32, #tpu.memory_space<hbm>>
      %dma_start3A_46 = tpu.memref_squeeze %dma_start3A_45 : memref<1x78x128xi32, #tpu.memory_space<hbm>> -> memref<78x128xi32, #tpu.memory_space<hbm>>
      tpu.enqueue_dma source(%dma_start3A_46 : memref<78x128xi32, #tpu.memory_space<hbm>>) target(%arg7 : memref<78x128xi32, #tpu.memory_space<vmem>>) target_semaphore(%run_scoped3A_40 : memref<!tpu.dma_semaphore, #tpu.memory_space<semaphore_mem>>)
      %dma_wait3A_47 = arith.constant 0 : i32
      %dma_wait3A_48 = tpu.memref_slice %arg3[%run_scoped3A_3, %mul3A_2, %dma_wait3A_47] : memref<2x2500x128xi32, #tpu.memory_space<hbm>> -> memref<1x78x128xi32, #tpu.memory_space<hbm>>
      %dma_wait3A_49 = tpu.memref_squeeze %dma_wait3A_48 : memref<1x78x128xi32, #tpu.memory_space<hbm>> -> memref<78x128xi32, #tpu.memory_space<hbm>>
      %dma_wait3A_50 = arith.constant 0 : i32
      %dma_wait3A_51 = tpu.memref_slice %arg3[%run_scoped3A_3, %mul3A_2, %dma_wait3A_50] : memref<2x2500x128xi32, #tpu.memory_space<hbm>> -> memref<1x78x128xi32, #tpu.memory_space<hbm>>
      %dma_wait3A_52 = tpu.memref_squeeze %dma_wait3A_51 : memref<1x78x128xi32, #tpu.memory_space<hbm>> -> memref<78x128xi32, #tpu.memory_space<hbm>>
      tpu.wait_dma2 semaphore(%run_scoped3A_40 : memref<!tpu.dma_semaphore, #tpu.memory_space<semaphore_mem>>) src(%dma_wait3A_52 : memref<78x128xi32, #tpu.memory_space<hbm>>) dst(%arg7 : memref<78x128xi32, #tpu.memory_space<vmem>>)
      tpu.yield
    }) : () -> ()
    %mul3A_4 = arith.constant 640 : i32
    %mul3A_5 = arith.muli %arg1, %mul3A_4 : i32
    "tpu.region"() ({
      %run_scoped3A_40 = tpu.sem_alloc : memref<!tpu.dma_semaphore, #tpu.memory_space<semaphore_mem>>
      tpu.enqueue_dma source(%arg4 : memref<640x16xf32, #tpu.memory_space<hbm>>) target(%arg12 : memref<640x16xf32, #tpu.memory_space<vmem>>) target_semaphore(%run_scoped3A_40 : memref<!tpu.dma_semaphore, #tpu.memory_space<semaphore_mem>>)
      tpu.wait_dma2 semaphore(%run_scoped3A_40 : memref<!tpu.dma_semaphore, #tpu.memory_space<semaphore_mem>>) src(%arg4 : memref<640x16xf32, #tpu.memory_space<hbm>>) dst(%arg12 : memref<640x16xf32, #tpu.memory_space<vmem>>)
      tpu.yield
    }) : () -> ()
    "tpu.region"() ({
      %run_scoped3A_40 = tpu.sem_alloc : memref<!tpu.dma_semaphore, #tpu.memory_space<semaphore_mem>>
      %dma_start3A_41 = arith.constant 0 : i32
      %dma_start3A_42 = tpu.memref_slice %arg13[%mul3A_5, %dma_start3A_41] : memref<10240x16xf32, #tpu.memory_space<vmem_shared>> -> memref<640x16xf32, #tpu.memory_space<vmem_shared>>
      %dma_start3A_43 = arith.constant 0 : i32
      %dma_start3A_44 = tpu.memref_slice %arg13[%mul3A_5, %dma_start3A_43] : memref<10240x16xf32, #tpu.memory_space<vmem_shared>> -> memref<640x16xf32, #tpu.memory_space<vmem_shared>>
      tpu.enqueue_dma source(%arg12 : memref<640x16xf32, #tpu.memory_space<vmem>>) target(%dma_start3A_44 : memref<640x16xf32, #tpu.memory_space<vmem_shared>>) target_semaphore(%run_scoped3A_40 : memref<!tpu.dma_semaphore, #tpu.memory_space<semaphore_mem>>)
      %dma_wait3A_45 = arith.constant 0 : i32
      %dma_wait3A_46 = tpu.memref_slice %arg13[%mul3A_5, %dma_wait3A_45] : memref<10240x16xf32, #tpu.memory_space<vmem_shared>> -> memref<640x16xf32, #tpu.memory_space<vmem_shared>>
      %dma_wait3A_47 = arith.constant 0 : i32
      %dma_wait3A_48 = tpu.memref_slice %arg13[%mul3A_5, %dma_wait3A_47] : memref<10240x16xf32, #tpu.memory_space<vmem_shared>> -> memref<640x16xf32, #tpu.memory_space<vmem_shared>>
      tpu.wait_dma2 semaphore(%run_scoped3A_40 : memref<!tpu.dma_semaphore, #tpu.memory_space<semaphore_mem>>) src(%arg12 : memref<640x16xf32, #tpu.memory_space<vmem>>) dst(%dma_wait3A_48 : memref<640x16xf32, #tpu.memory_space<vmem_shared>>)
      tpu.yield
    }) : () -> ()
    %barrier3A = arith.constant 0 : index
    tpu.barrier barrier_id(%barrier3A)
    %dma_start3A = arith.constant 0 : i32
    %dma_start3A_6 = arith.constant 0 : i32
    %dma_start3A_7 = tpu.memref_slice %arg6[%dma_start3A, %dma_start3A_6] : memref<78x128xi32, #tpu.memory_space<vmem>> -> memref<1x128xi32, #tpu.memory_space<vmem>>
    %dma_start3A_8 = tpu.memref_squeeze %dma_start3A_7 : memref<1x128xi32, #tpu.memory_space<vmem>> -> memref<128xi32, #tpu.memory_space<vmem>>
    %dma_start3A_9 = arith.constant 0 : i32
    %dma_start3A_10 = arith.constant 0 : i32
    %dma_start3A_11 = tpu.memref_slice %arg2[%dma_start3A_9, %dma_start3A_10] : memref<10240x16xf32, #tpu.memory_space<hbm>> -> memref<10240x16xf32, #tpu.memory_space<hbm>>
    tpu.enqueue_indirect_dma source(%dma_start3A_11 : memref<10240x16xf32, #tpu.memory_space<hbm>>) target(%arg10 : memref<128x16xf32, #tpu.memory_space<vmem>>) offsets(%dma_start3A_8 : memref<128xi32, #tpu.memory_space<vmem>>) semaphore(%arg14 : memref<!tpu.dma_semaphore, #tpu.memory_space<semaphore_mem>>)
    %dma_start3A_12 = arith.constant 1 : i32
    %dma_start3A_13 = arith.constant 0 : i32
    %dma_start3A_14 = tpu.memref_slice %arg6[%dma_start3A_12, %dma_start3A_13] : memref<78x128xi32, #tpu.memory_space<vmem>> -> memref<1x128xi32, #tpu.memory_space<vmem>>
    %dma_start3A_15 = tpu.memref_squeeze %dma_start3A_14 : memref<1x128xi32, #tpu.memory_space<vmem>> -> memref<128xi32, #tpu.memory_space<vmem>>
    %dma_start3A_16 = arith.constant 0 : i32
    %dma_start3A_17 = arith.constant 0 : i32
    %dma_start3A_18 = tpu.memref_slice %arg2[%dma_start3A_16, %dma_start3A_17] : memref<10240x16xf32, #tpu.memory_space<hbm>> -> memref<10240x16xf32, #tpu.memory_space<hbm>>
    tpu.enqueue_indirect_dma source(%dma_start3A_18 : memref<10240x16xf32, #tpu.memory_space<hbm>>) target(%arg11 : memref<128x16xf32, #tpu.memory_space<vmem>>) offsets(%dma_start3A_15 : memref<128xi32, #tpu.memory_space<vmem>>) semaphore(%arg15 : memref<!tpu.dma_semaphore, #tpu.memory_space<semaphore_mem>>)
    %scan3A = arith.constant 0 : i32
    %scan3A_19 = arith.constant 0 : i32
    %scan3A_20 = arith.constant 39 : i32
    %scan3A_21 = arith.addi %scan3A_19, %scan3A_20 : i32
    %scan3A_22 = arith.constant 1 : i32
    scf.for %scan3A_40 = %scan3A_19 to %scan3A_21 step %scan3A_22  : i32 {
      %mul3A_41 = arith.constant 2 : i32
      %mul3A_42 = arith.muli %mul3A_41, %scan3A_40 : i32
      %dma_wait3A_43 = arith.constant 0 : i32
      %dma_wait3A_44 = arith.constant 0 : i32
      %dma_wait3A_45 = tpu.memref_slice %arg6[%dma_wait3A_43, %dma_wait3A_44] : memref<78x128xi32, #tpu.memory_space<vmem>> -> memref<1x128xi32, #tpu.memory_space<vmem>>
      %dma_wait3A_46 = tpu.memref_squeeze %dma_wait3A_45 : memref<1x128xi32, #tpu.memory_space<vmem>> -> memref<128xi32, #tpu.memory_space<vmem>>
      %dma_wait3A_47 = arith.constant 0 : i32
      %dma_wait3A_48 = arith.constant 0 : i32
      %dma_wait3A_49 = tpu.memref_slice %arg2[%dma_wait3A_47, %dma_wait3A_48] : memref<10240x16xf32, #tpu.memory_space<hbm>> -> memref<10240x16xf32, #tpu.memory_space<hbm>>
      tpu.wait_indirect_dma semaphore(%arg14 : memref<!tpu.dma_semaphore, #tpu.memory_space<semaphore_mem>>) src(%dma_wait3A_49 : memref<10240x16xf32, #tpu.memory_space<hbm>>) dst(%arg10 : memref<128x16xf32, #tpu.memory_space<vmem>>)
      %add3A_50 = arith.constant 0 : i32
      %add3A_51 = arith.addi %mul3A_42, %add3A_50 : i32
      %dma_start3A_52 = arith.constant 0 : i32
      %dma_start3A_53 = tpu.memref_slice %arg7[%add3A_51, %dma_start3A_52] : memref<78x128xi32, #tpu.memory_space<vmem>> -> memref<1x128xi32, #tpu.memory_space<vmem>>
      %dma_start3A_54 = tpu.memref_squeeze %dma_start3A_53 : memref<1x128xi32, #tpu.memory_space<vmem>> -> memref<128xi32, #tpu.memory_space<vmem>>
      %dma_start3A_55 = arith.constant 0 : i32
      %dma_start3A_56 = arith.constant 0 : i32
      %dma_start3A_57 = tpu.memref_slice %arg13[%dma_start3A_55, %dma_start3A_56] : memref<10240x16xf32, #tpu.memory_space<vmem_shared>> -> memref<10240x16xf32, #tpu.memory_space<vmem_shared>>
      tpu.enqueue_indirect_dma source(%arg10 : memref<128x16xf32, #tpu.memory_space<vmem>>) target(%dma_start3A_57 : memref<10240x16xf32, #tpu.memory_space<vmem_shared>>) offsets(%dma_start3A_54 : memref<128xi32, #tpu.memory_space<vmem>>) semaphore(%arg16 : memref<!tpu.dma_semaphore, #tpu.memory_space<semaphore_mem>>) {add = true}
      %dma_wait3A_58 = arith.constant 0 : i32
      %dma_wait3A_59 = arith.constant 0 : i32
      %dma_wait3A_60 = tpu.memref_slice %arg6[%dma_wait3A_58, %dma_wait3A_59] : memref<78x128xi32, #tpu.memory_space<vmem>> -> memref<1x128xi32, #tpu.memory_space<vmem>>
      %dma_wait3A_61 = tpu.memref_squeeze %dma_wait3A_60 : memref<1x128xi32, #tpu.memory_space<vmem>> -> memref<128xi32, #tpu.memory_space<vmem>>
      %dma_wait3A_62 = arith.constant 0 : i32
      %dma_wait3A_63 = arith.constant 0 : i32
      %dma_wait3A_64 = tpu.memref_slice %arg2[%dma_wait3A_62, %dma_wait3A_63] : memref<10240x16xf32, #tpu.memory_space<hbm>> -> memref<10240x16xf32, #tpu.memory_space<hbm>>
      tpu.wait_indirect_dma semaphore(%arg15 : memref<!tpu.dma_semaphore, #tpu.memory_space<semaphore_mem>>) src(%dma_wait3A_64 : memref<10240x16xf32, #tpu.memory_space<hbm>>) dst(%arg11 : memref<128x16xf32, #tpu.memory_space<vmem>>)
      %add3A_65 = arith.constant 1 : i32
      %add3A_66 = arith.addi %mul3A_42, %add3A_65 : i32
      %dma_start3A_67 = arith.constant 0 : i32
      %dma_start3A_68 = tpu.memref_slice %arg7[%add3A_66, %dma_start3A_67] : memref<78x128xi32, #tpu.memory_space<vmem>> -> memref<1x128xi32, #tpu.memory_space<vmem>>
      %dma_start3A_69 = tpu.memref_squeeze %dma_start3A_68 : memref<1x128xi32, #tpu.memory_space<vmem>> -> memref<128xi32, #tpu.memory_space<vmem>>
      %dma_start3A_70 = arith.constant 0 : i32
      %dma_start3A_71 = arith.constant 0 : i32
      %dma_start3A_72 = tpu.memref_slice %arg13[%dma_start3A_70, %dma_start3A_71] : memref<10240x16xf32, #tpu.memory_space<vmem_shared>> -> memref<10240x16xf32, #tpu.memory_space<vmem_shared>>
      tpu.enqueue_indirect_dma source(%arg11 : memref<128x16xf32, #tpu.memory_space<vmem>>) target(%dma_start3A_72 : memref<10240x16xf32, #tpu.memory_space<vmem_shared>>) offsets(%dma_start3A_69 : memref<128xi32, #tpu.memory_space<vmem>>) semaphore(%arg17 : memref<!tpu.dma_semaphore, #tpu.memory_space<semaphore_mem>>) {add = true}
      %add3A_73 = arith.constant 2 : i32
      %add3A_74 = arith.addi %mul3A_42, %add3A_73 : i32
      %rem3A = arith.constant 78 : i32
      %rem3A_75 = arith.remsi %add3A_74, %rem3A : i32
      %dma_wait3A_76 = arith.constant 0 : i32
      %dma_wait3A_77 = arith.constant 0 : i32
      %dma_wait3A_78 = tpu.memref_slice %arg7[%dma_wait3A_76, %dma_wait3A_77] : memref<78x128xi32, #tpu.memory_space<vmem>> -> memref<1x128xi32, #tpu.memory_space<vmem>>
      %dma_wait3A_79 = tpu.memref_squeeze %dma_wait3A_78 : memref<1x128xi32, #tpu.memory_space<vmem>> -> memref<128xi32, #tpu.memory_space<vmem>>
      %dma_wait3A_80 = arith.constant 0 : i32
      %dma_wait3A_81 = arith.constant 0 : i32
      %dma_wait3A_82 = tpu.memref_slice %arg13[%dma_wait3A_80, %dma_wait3A_81] : memref<10240x16xf32, #tpu.memory_space<vmem_shared>> -> memref<10240x16xf32, #tpu.memory_space<vmem_shared>>
      tpu.wait_indirect_dma semaphore(%arg16 : memref<!tpu.dma_semaphore, #tpu.memory_space<semaphore_mem>>) src(%arg10 : memref<128x16xf32, #tpu.memory_space<vmem>>) dst(%dma_wait3A_82 : memref<10240x16xf32, #tpu.memory_space<vmem_shared>>)
      %dma_start3A_83 = arith.constant 0 : i32
      %dma_start3A_84 = tpu.memref_slice %arg6[%rem3A_75, %dma_start3A_83] : memref<78x128xi32, #tpu.memory_space<vmem>> -> memref<1x128xi32, #tpu.memory_space<vmem>>
      %dma_start3A_85 = tpu.memref_squeeze %dma_start3A_84 : memref<1x128xi32, #tpu.memory_space<vmem>> -> memref<128xi32, #tpu.memory_space<vmem>>
      %dma_start3A_86 = arith.constant 0 : i32
      %dma_start3A_87 = arith.constant 0 : i32
      %dma_start3A_88 = tpu.memref_slice %arg2[%dma_start3A_86, %dma_start3A_87] : memref<10240x16xf32, #tpu.memory_space<hbm>> -> memref<10240x16xf32, #tpu.memory_space<hbm>>
      tpu.enqueue_indirect_dma source(%dma_start3A_88 : memref<10240x16xf32, #tpu.memory_space<hbm>>) target(%arg10 : memref<128x16xf32, #tpu.memory_space<vmem>>) offsets(%dma_start3A_85 : memref<128xi32, #tpu.memory_space<vmem>>) semaphore(%arg14 : memref<!tpu.dma_semaphore, #tpu.memory_space<semaphore_mem>>)
      %add3A_89 = arith.constant 3 : i32
      %add3A_90 = arith.addi %mul3A_42, %add3A_89 : i32
      %rem3A_91 = arith.constant 78 : i32
      %rem3A_92 = arith.remsi %add3A_90, %rem3A_91 : i32
      %dma_wait3A_93 = arith.constant 0 : i32
      %dma_wait3A_94 = arith.constant 0 : i32
      %dma_wait3A_95 = tpu.memref_slice %arg7[%dma_wait3A_93, %dma_wait3A_94] : memref<78x128xi32, #tpu.memory_space<vmem>> -> memref<1x128xi32, #tpu.memory_space<vmem>>
      %dma_wait3A_96 = tpu.memref_squeeze %dma_wait3A_95 : memref<1x128xi32, #tpu.memory_space<vmem>> -> memref<128xi32, #tpu.memory_space<vmem>>
      %dma_wait3A_97 = arith.constant 0 : i32
      %dma_wait3A_98 = arith.constant 0 : i32
      %dma_wait3A_99 = tpu.memref_slice %arg13[%dma_wait3A_97, %dma_wait3A_98] : memref<10240x16xf32, #tpu.memory_space<vmem_shared>> -> memref<10240x16xf32, #tpu.memory_space<vmem_shared>>
      tpu.wait_indirect_dma semaphore(%arg17 : memref<!tpu.dma_semaphore, #tpu.memory_space<semaphore_mem>>) src(%arg11 : memref<128x16xf32, #tpu.memory_space<vmem>>) dst(%dma_wait3A_99 : memref<10240x16xf32, #tpu.memory_space<vmem_shared>>)
      %dma_start3A_100 = arith.constant 0 : i32
      %dma_start3A_101 = tpu.memref_slice %arg6[%rem3A_92, %dma_start3A_100] : memref<78x128xi32, #tpu.memory_space<vmem>> -> memref<1x128xi32, #tpu.memory_space<vmem>>
      %dma_start3A_102 = tpu.memref_squeeze %dma_start3A_101 : memref<1x128xi32, #tpu.memory_space<vmem>> -> memref<128xi32, #tpu.memory_space<vmem>>
      %dma_start3A_103 = arith.constant 0 : i32
      %dma_start3A_104 = arith.constant 0 : i32
      %dma_start3A_105 = tpu.memref_slice %arg2[%dma_start3A_103, %dma_start3A_104] : memref<10240x16xf32, #tpu.memory_space<hbm>> -> memref<10240x16xf32, #tpu.memory_space<hbm>>
      tpu.enqueue_indirect_dma source(%dma_start3A_105 : memref<10240x16xf32, #tpu.memory_space<hbm>>) target(%arg11 : memref<128x16xf32, #tpu.memory_space<vmem>>) offsets(%dma_start3A_102 : memref<128xi32, #tpu.memory_space<vmem>>) semaphore(%arg15 : memref<!tpu.dma_semaphore, #tpu.memory_space<semaphore_mem>>)
    }
    %scan3A_23 = arith.constant 39 : i32
    %dma_wait3A = arith.constant 0 : i32
    %dma_wait3A_24 = arith.constant 0 : i32
    %dma_wait3A_25 = tpu.memref_slice %arg6[%dma_wait3A, %dma_wait3A_24] : memref<78x128xi32, #tpu.memory_space<vmem>> -> memref<1x128xi32, #tpu.memory_space<vmem>>
    %dma_wait3A_26 = tpu.memref_squeeze %dma_wait3A_25 : memref<1x128xi32, #tpu.memory_space<vmem>> -> memref<128xi32, #tpu.memory_space<vmem>>
    %dma_wait3A_27 = arith.constant 0 : i32
    %dma_wait3A_28 = arith.constant 0 : i32
    %dma_wait3A_29 = tpu.memref_slice %arg2[%dma_wait3A_27, %dma_wait3A_28] : memref<10240x16xf32, #tpu.memory_space<hbm>> -> memref<10240x16xf32, #tpu.memory_space<hbm>>
    tpu.wait_indirect_dma semaphore(%arg14 : memref<!tpu.dma_semaphore, #tpu.memory_space<semaphore_mem>>) src(%dma_wait3A_29 : memref<10240x16xf32, #tpu.memory_space<hbm>>) dst(%arg10 : memref<128x16xf32, #tpu.memory_space<vmem>>)
    %dma_wait3A_30 = arith.constant 1 : i32
    %dma_wait3A_31 = arith.constant 0 : i32
    %dma_wait3A_32 = tpu.memref_slice %arg6[%dma_wait3A_30, %dma_wait3A_31] : memref<78x128xi32, #tpu.memory_space<vmem>> -> memref<1x128xi32, #tpu.memory_space<vmem>>
    %dma_wait3A_33 = tpu.memref_squeeze %dma_wait3A_32 : memref<1x128xi32, #tpu.memory_space<vmem>> -> memref<128xi32, #tpu.memory_space<vmem>>
    %dma_wait3A_34 = arith.constant 0 : i32
    %dma_wait3A_35 = arith.constant 0 : i32
    %dma_wait3A_36 = tpu.memref_slice %arg2[%dma_wait3A_34, %dma_wait3A_35] : memref<10240x16xf32, #tpu.memory_space<hbm>> -> memref<10240x16xf32, #tpu.memory_space<hbm>>
    tpu.wait_indirect_dma semaphore(%arg15 : memref<!tpu.dma_semaphore, #tpu.memory_space<semaphore_mem>>) src(%dma_wait3A_36 : memref<10240x16xf32, #tpu.memory_space<hbm>>) dst(%arg11 : memref<128x16xf32, #tpu.memory_space<vmem>>)
    %lt3A = arith.constant 4 : i32
    %lt3A_37 = arith.cmpi slt, %add3A, %lt3A : i32
    %convert_element_type3A = arith.extui %lt3A_37 : i1 to i32
    %cond3A = arith.constant 0 : i32
    %cond3A_38 = arith.cmpi ne, %convert_element_type3A, %cond3A : i32
    scf.if %cond3A_38 {
      %add3A_40 = arith.constant 2496 : i32
      %add3A_41 = arith.addi %add3A_40, %add3A : i32
      %run_scoped3A_42 = arith.constant 0 : i32
      "tpu.region"() ({
        %run_scoped3A_46 = tpu.sem_alloc : memref<!tpu.dma_semaphore, #tpu.memory_space<semaphore_mem>>
        %dma_start3A_47 = arith.constant 0 : i32
        %dma_start3A_48 = tpu.memref_slice %arg3[%run_scoped3A_42, %add3A_41, %dma_start3A_47] : memref<2x2500x128xi32, #tpu.memory_space<hbm>> -> memref<1x1x128xi32, #tpu.memory_space<hbm>>
        %dma_start3A_49 = tpu.memref_squeeze %dma_start3A_48 : memref<1x1x128xi32, #tpu.memory_space<hbm>> -> memref<128xi32, #tpu.memory_space<hbm>>
        %dma_start3A_50 = arith.constant 0 : i32
        %dma_start3A_51 = tpu.memref_slice %arg3[%run_scoped3A_42, %add3A_41, %dma_start3A_50] : memref<2x2500x128xi32, #tpu.memory_space<hbm>> -> memref<1x1x128xi32, #tpu.memory_space<hbm>>
        %dma_start3A_52 = tpu.memref_squeeze %dma_start3A_51 : memref<1x1x128xi32, #tpu.memory_space<hbm>> -> memref<128xi32, #tpu.memory_space<hbm>>
        tpu.enqueue_dma source(%dma_start3A_52 : memref<128xi32, #tpu.memory_space<hbm>>) target(%arg8 : memref<128xi32, #tpu.memory_space<vmem>>) target_semaphore(%run_scoped3A_46 : memref<!tpu.dma_semaphore, #tpu.memory_space<semaphore_mem>>)
        %dma_wait3A_53 = arith.constant 0 : i32
        %dma_wait3A_54 = tpu.memref_slice %arg3[%run_scoped3A_42, %add3A_41, %dma_wait3A_53] : memref<2x2500x128xi32, #tpu.memory_space<hbm>> -> memref<1x1x128xi32, #tpu.memory_space<hbm>>
        %dma_wait3A_55 = tpu.memref_squeeze %dma_wait3A_54 : memref<1x1x128xi32, #tpu.memory_space<hbm>> -> memref<128xi32, #tpu.memory_space<hbm>>
        %dma_wait3A_56 = arith.constant 0 : i32
        %dma_wait3A_57 = tpu.memref_slice %arg3[%run_scoped3A_42, %add3A_41, %dma_wait3A_56] : memref<2x2500x128xi32, #tpu.memory_space<hbm>> -> memref<1x1x128xi32, #tpu.memory_space<hbm>>
        %dma_wait3A_58 = tpu.memref_squeeze %dma_wait3A_57 : memref<1x1x128xi32, #tpu.memory_space<hbm>> -> memref<128xi32, #tpu.memory_space<hbm>>
        tpu.wait_dma2 semaphore(%run_scoped3A_46 : memref<!tpu.dma_semaphore, #tpu.memory_space<semaphore_mem>>) src(%dma_wait3A_58 : memref<128xi32, #tpu.memory_space<hbm>>) dst(%arg8 : memref<128xi32, #tpu.memory_space<vmem>>)
        tpu.yield
      }) : () -> ()
      %add3A_43 = arith.constant 2496 : i32
      %add3A_44 = arith.addi %add3A_43, %add3A : i32
      %run_scoped3A_45 = arith.constant 1 : i32
      "tpu.region"() ({
        %run_scoped3A_46 = tpu.sem_alloc : memref<!tpu.dma_semaphore, #tpu.memory_space<semaphore_mem>>
        %dma_start3A_47 = arith.constant 0 : i32
        %dma_start3A_48 = tpu.memref_slice %arg3[%run_scoped3A_45, %add3A_44, %dma_start3A_47] : memref<2x2500x128xi32, #tpu.memory_space<hbm>> -> memref<1x1x128xi32, #tpu.memory_space<hbm>>
        %dma_start3A_49 = tpu.memref_squeeze %dma_start3A_48 : memref<1x1x128xi32, #tpu.memory_space<hbm>> -> memref<128xi32, #tpu.memory_space<hbm>>
        %dma_start3A_50 = arith.constant 0 : i32
        %dma_start3A_51 = tpu.memref_slice %arg3[%run_scoped3A_45, %add3A_44, %dma_start3A_50] : memref<2x2500x128xi32, #tpu.memory_space<hbm>> -> memref<1x1x128xi32, #tpu.memory_space<hbm>>
        %dma_start3A_52 = tpu.memref_squeeze %dma_start3A_51 : memref<1x1x128xi32, #tpu.memory_space<hbm>> -> memref<128xi32, #tpu.memory_space<hbm>>
        tpu.enqueue_dma source(%dma_start3A_52 : memref<128xi32, #tpu.memory_space<hbm>>) target(%arg9 : memref<128xi32, #tpu.memory_space<vmem>>) target_semaphore(%run_scoped3A_46 : memref<!tpu.dma_semaphore, #tpu.memory_space<semaphore_mem>>)
        %dma_wait3A_53 = arith.constant 0 : i32
        %dma_wait3A_54 = tpu.memref_slice %arg3[%run_scoped3A_45, %add3A_44, %dma_wait3A_53] : memref<2x2500x128xi32, #tpu.memory_space<hbm>> -> memref<1x1x128xi32, #tpu.memory_space<hbm>>
        %dma_wait3A_55 = tpu.memref_squeeze %dma_wait3A_54 : memref<1x1x128xi32, #tpu.memory_space<hbm>> -> memref<128xi32, #tpu.memory_space<hbm>>
        %dma_wait3A_56 = arith.constant 0 : i32
        %dma_wait3A_57 = tpu.memref_slice %arg3[%run_scoped3A_45, %add3A_44, %dma_wait3A_56] : memref<2x2500x128xi32, #tpu.memory_space<hbm>> -> memref<1x1x128xi32, #tpu.memory_space<hbm>>
        %dma_wait3A_58 = tpu.memref_squeeze %dma_wait3A_57 : memref<1x1x128xi32, #tpu.memory_space<hbm>> -> memref<128xi32, #tpu.memory_space<hbm>>
        tpu.wait_dma2 semaphore(%run_scoped3A_46 : memref<!tpu.dma_semaphore, #tpu.memory_space<semaphore_mem>>) src(%dma_wait3A_58 : memref<128xi32, #tpu.memory_space<hbm>>) dst(%arg9 : memref<128xi32, #tpu.memory_space<vmem>>)
        tpu.yield
      }) : () -> ()
      "tpu.region"() ({
        %run_scoped3A_46 = tpu.sem_alloc : memref<!tpu.dma_semaphore, #tpu.memory_space<semaphore_mem>>
        %dma_start3A_47 = arith.constant 0 : i32
        %dma_start3A_48 = arith.constant 0 : i32
        %dma_start3A_49 = tpu.memref_slice %arg2[%dma_start3A_47, %dma_start3A_48] : memref<10240x16xf32, #tpu.memory_space<hbm>> -> memref<10240x16xf32, #tpu.memory_space<hbm>>
        tpu.enqueue_indirect_dma source(%dma_start3A_49 : memref<10240x16xf32, #tpu.memory_space<hbm>>) target(%arg10 : memref<128x16xf32, #tpu.memory_space<vmem>>) offsets(%arg8 : memref<128xi32, #tpu.memory_space<vmem>>) semaphore(%run_scoped3A_46 : memref<!tpu.dma_semaphore, #tpu.memory_space<semaphore_mem>>)
        %dma_wait3A_50 = arith.constant 0 : i32
        %dma_wait3A_51 = arith.constant 0 : i32
        %dma_wait3A_52 = tpu.memref_slice %arg2[%dma_wait3A_50, %dma_wait3A_51] : memref<10240x16xf32, #tpu.memory_space<hbm>> -> memref<10240x16xf32, #tpu.memory_space<hbm>>
        tpu.wait_indirect_dma semaphore(%run_scoped3A_46 : memref<!tpu.dma_semaphore, #tpu.memory_space<semaphore_mem>>) src(%dma_wait3A_52 : memref<10240x16xf32, #tpu.memory_space<hbm>>) dst(%arg10 : memref<128x16xf32, #tpu.memory_space<vmem>>)
        tpu.yield
      }) : () -> ()
      "tpu.region"() ({
        %run_scoped3A_46 = tpu.sem_alloc : memref<!tpu.dma_semaphore, #tpu.memory_space<semaphore_mem>>
        %dma_start3A_47 = arith.constant 0 : i32
        %dma_start3A_48 = arith.constant 0 : i32
        %dma_start3A_49 = tpu.memref_slice %arg13[%dma_start3A_47, %dma_start3A_48] : memref<10240x16xf32, #tpu.memory_space<vmem_shared>> -> memref<10240x16xf32, #tpu.memory_space<vmem_shared>>
        tpu.enqueue_indirect_dma source(%arg10 : memref<128x16xf32, #tpu.memory_space<vmem>>) target(%dma_start3A_49 : memref<10240x16xf32, #tpu.memory_space<vmem_shared>>) offsets(%arg9 : memref<128xi32, #tpu.memory_space<vmem>>) semaphore(%run_scoped3A_46 : memref<!tpu.dma_semaphore, #tpu.memory_space<semaphore_mem>>) {add = true}
        %dma_wait3A_50 = arith.constant 0 : i32
        %dma_wait3A_51 = arith.constant 0 : i32
        %dma_wait3A_52 = tpu.memref_slice %arg13[%dma_wait3A_50, %dma_wait3A_51] : memref<10240x16xf32, #tpu.memory_space<vmem_shared>> -> memref<10240x16xf32, #tpu.memory_space<vmem_shared>>
        tpu.wait_indirect_dma semaphore(%run_scoped3A_46 : memref<!tpu.dma_semaphore, #tpu.memory_space<semaphore_mem>>) src(%arg10 : memref<128x16xf32, #tpu.memory_space<vmem>>) dst(%dma_wait3A_52 : memref<10240x16xf32, #tpu.memory_space<vmem_shared>>)
        tpu.yield
      }) : () -> ()
    } else {
    }
    %barrier3A_39 = arith.constant 0 : index
    tpu.barrier barrier_id(%barrier3A_39)
    "tpu.region"() ({
      %run_scoped3A_40 = tpu.sem_alloc : memref<!tpu.dma_semaphore, #tpu.memory_space<semaphore_mem>>
      %dma_start3A_41 = arith.constant 0 : i32
      %dma_start3A_42 = tpu.memref_slice %arg13[%mul3A_5, %dma_start3A_41] : memref<10240x16xf32, #tpu.memory_space<vmem_shared>> -> memref<640x16xf32, #tpu.memory_space<vmem_shared>>
      %dma_start3A_43 = arith.constant 0 : i32
      %dma_start3A_44 = tpu.memref_slice %arg13[%mul3A_5, %dma_start3A_43] : memref<10240x16xf32, #tpu.memory_space<vmem_shared>> -> memref<640x16xf32, #tpu.memory_space<vmem_shared>>
      tpu.enqueue_dma source(%dma_start3A_44 : memref<640x16xf32, #tpu.memory_space<vmem_shared>>) target(%arg12 : memref<640x16xf32, #tpu.memory_space<vmem>>) target_semaphore(%run_scoped3A_40 : memref<!tpu.dma_semaphore, #tpu.memory_space<semaphore_mem>>)
      %dma_wait3A_45 = arith.constant 0 : i32
      %dma_wait3A_46 = tpu.memref_slice %arg13[%mul3A_5, %dma_wait3A_45] : memref<10240x16xf32, #tpu.memory_space<vmem_shared>> -> memref<640x16xf32, #tpu.memory_space<vmem_shared>>
      %dma_wait3A_47 = arith.constant 0 : i32
      %dma_wait3A_48 = tpu.memref_slice %arg13[%mul3A_5, %dma_wait3A_47] : memref<10240x16xf32, #tpu.memory_space<vmem_shared>> -> memref<640x16xf32, #tpu.memory_space<vmem_shared>>
      tpu.wait_dma2 semaphore(%run_scoped3A_40 : memref<!tpu.dma_semaphore, #tpu.memory_space<semaphore_mem>>) src(%dma_wait3A_48 : memref<640x16xf32, #tpu.memory_space<vmem_shared>>) dst(%arg12 : memref<640x16xf32, #tpu.memory_space<vmem>>)
      tpu.yield
    }) : () -> ()
    "tpu.region"() ({
      %run_scoped3A_40 = tpu.sem_alloc : memref<!tpu.dma_semaphore, #tpu.memory_space<semaphore_mem>>
      %dma_start3A_41 = arith.constant 0 : i32
      %dma_start3A_42 = tpu.memref_slice %arg5[%arg0, %mul3A_5, %dma_start3A_41] : memref<2x10240x16xf32, #tpu.memory_space<hbm>> -> memref<1x640x16xf32, #tpu.memory_space<hbm>>
      %dma_start3A_43 = tpu.memref_squeeze %dma_start3A_42 : memref<1x640x16xf32, #tpu.memory_space<hbm>> -> memref<640x16xf32, #tpu.memory_space<hbm>>
      %dma_start3A_44 = arith.constant 0 : i32
      %dma_start3A_45 = tpu.memref_slice %arg5[%arg0, %mul3A_5, %dma_start3A_44] : memref<2x10240x16xf32, #tpu.memory_space<hbm>> -> memref<1x640x16xf32, #tpu.memory_space<hbm>>
      %dma_start3A_46 = tpu.memref_squeeze %dma_start3A_45 : memref<1x640x16xf32, #tpu.memory_space<hbm>> -> memref<640x16xf32, #tpu.memory_space<hbm>>
      tpu.enqueue_dma source(%arg12 : memref<640x16xf32, #tpu.memory_space<vmem>>) target(%dma_start3A_46 : memref<640x16xf32, #tpu.memory_space<hbm>>) target_semaphore(%run_scoped3A_40 : memref<!tpu.dma_semaphore, #tpu.memory_space<semaphore_mem>>)
      %dma_wait3A_47 = arith.constant 0 : i32
      %dma_wait3A_48 = tpu.memref_slice %arg5[%arg0, %mul3A_5, %dma_wait3A_47] : memref<2x10240x16xf32, #tpu.memory_space<hbm>> -> memref<1x640x16xf32, #tpu.memory_space<hbm>>
      %dma_wait3A_49 = tpu.memref_squeeze %dma_wait3A_48 : memref<1x640x16xf32, #tpu.memory_space<hbm>> -> memref<640x16xf32, #tpu.memory_space<hbm>>
      %dma_wait3A_50 = arith.constant 0 : i32
      %dma_wait3A_51 = tpu.memref_slice %arg5[%arg0, %mul3A_5, %dma_wait3A_50] : memref<2x10240x16xf32, #tpu.memory_space<hbm>> -> memref<1x640x16xf32, #tpu.memory_space<hbm>>
      %dma_wait3A_52 = tpu.memref_squeeze %dma_wait3A_51 : memref<1x640x16xf32, #tpu.memory_space<hbm>> -> memref<640x16xf32, #tpu.memory_space<hbm>>
      tpu.wait_dma2 semaphore(%run_scoped3A_40 : memref<!tpu.dma_semaphore, #tpu.memory_space<semaphore_mem>>) src(%arg12 : memref<640x16xf32, #tpu.memory_space<vmem>>) dst(%dma_wait3A_52 : memref<640x16xf32, #tpu.memory_space<hbm>>)
      tpu.yield
    }) : () -> ()
    return
  }
}

#map = affine_map<(d0, d1) -> (0)>
module attributes {stable_mosaic.version = 14 : i64} {
  func.func @combine(%arg0: i32, %arg1: i32, %arg2: memref<327680xf32, #tpu.memory_space<hbm>>, %arg3: memref<163840xf32, #tpu.memory_space<hbm>>, %arg4: memref<10240xf32, #tpu.memory_space<hbm>>, %arg5: memref<163840xf32, #tpu.memory_space<hbm>>, %arg6: memref<5120xf32, #tpu.memory_space<vmem>>, %arg7: memref<5120xf32, #tpu.memory_space<vmem>>, %arg8: memref<5120xf32, #tpu.memory_space<vmem>>, %arg9: memref<320xf32, #tpu.memory_space<vmem>>) attributes {dimension_semantics = [#tpu.dimension_semantics<core_parallel>, #tpu.dimension_semantics<subcore_parallel>], iteration_bounds = array<i64: 2, 16>, scalar_prefetch = 0 : i64, scratch_operands = 4 : i64, tpu.core_type = #tpu.core_type<sc_vector_subcore>, window_params = [{transform_indices = #map}, {transform_indices = #map}, {transform_indices = #map}, {transform_indices = #map}]} {
    %mul3A = arith.constant 16 : i32
    %mul3A_0 = arith.muli %arg0, %mul3A : i32
    %add3A = arith.addi %mul3A_0, %arg1 : i32
    %mul3A_1 = arith.constant 5120 : i32
    %mul3A_2 = arith.muli %add3A, %mul3A_1 : i32
    %mul3A_3 = arith.constant 320 : i32
    %mul3A_4 = arith.muli %add3A, %mul3A_3 : i32
    "tpu.region"() ({
      %run_scoped3A = tpu.sem_alloc : memref<!tpu.dma_semaphore, #tpu.memory_space<semaphore_mem>>
      %dma_start3A = tpu.memref_slice %arg2[%mul3A_2] : memref<327680xf32, #tpu.memory_space<hbm>> -> memref<5120xf32, #tpu.memory_space<hbm>>
      %dma_start3A_12 = tpu.memref_slice %arg2[%mul3A_2] : memref<327680xf32, #tpu.memory_space<hbm>> -> memref<5120xf32, #tpu.memory_space<hbm>>
      tpu.enqueue_dma source(%dma_start3A_12 : memref<5120xf32, #tpu.memory_space<hbm>>) target(%arg6 : memref<5120xf32, #tpu.memory_space<vmem>>) target_semaphore(%run_scoped3A : memref<!tpu.dma_semaphore, #tpu.memory_space<semaphore_mem>>)
      %dma_wait3A = tpu.memref_slice %arg2[%mul3A_2] : memref<327680xf32, #tpu.memory_space<hbm>> -> memref<5120xf32, #tpu.memory_space<hbm>>
      %dma_wait3A_13 = tpu.memref_slice %arg2[%mul3A_2] : memref<327680xf32, #tpu.memory_space<hbm>> -> memref<5120xf32, #tpu.memory_space<hbm>>
      tpu.wait_dma2 semaphore(%run_scoped3A : memref<!tpu.dma_semaphore, #tpu.memory_space<semaphore_mem>>) src(%dma_wait3A_13 : memref<5120xf32, #tpu.memory_space<hbm>>) dst(%arg6 : memref<5120xf32, #tpu.memory_space<vmem>>)
      tpu.yield
    }) : () -> ()
    %add3A_5 = arith.constant 163840 : i32
    %add3A_6 = arith.addi %add3A_5, %mul3A_2 : i32
    "tpu.region"() ({
      %run_scoped3A = tpu.sem_alloc : memref<!tpu.dma_semaphore, #tpu.memory_space<semaphore_mem>>
      %dma_start3A = tpu.memref_slice %arg2[%add3A_6] : memref<327680xf32, #tpu.memory_space<hbm>> -> memref<5120xf32, #tpu.memory_space<hbm>>
      %dma_start3A_12 = tpu.memref_slice %arg2[%add3A_6] : memref<327680xf32, #tpu.memory_space<hbm>> -> memref<5120xf32, #tpu.memory_space<hbm>>
      tpu.enqueue_dma source(%dma_start3A_12 : memref<5120xf32, #tpu.memory_space<hbm>>) target(%arg7 : memref<5120xf32, #tpu.memory_space<vmem>>) target_semaphore(%run_scoped3A : memref<!tpu.dma_semaphore, #tpu.memory_space<semaphore_mem>>)
      %dma_wait3A = tpu.memref_slice %arg2[%add3A_6] : memref<327680xf32, #tpu.memory_space<hbm>> -> memref<5120xf32, #tpu.memory_space<hbm>>
      %dma_wait3A_13 = tpu.memref_slice %arg2[%add3A_6] : memref<327680xf32, #tpu.memory_space<hbm>> -> memref<5120xf32, #tpu.memory_space<hbm>>
      tpu.wait_dma2 semaphore(%run_scoped3A : memref<!tpu.dma_semaphore, #tpu.memory_space<semaphore_mem>>) src(%dma_wait3A_13 : memref<5120xf32, #tpu.memory_space<hbm>>) dst(%arg7 : memref<5120xf32, #tpu.memory_space<vmem>>)
      tpu.yield
    }) : () -> ()
    "tpu.region"() ({
      %run_scoped3A = tpu.sem_alloc : memref<!tpu.dma_semaphore, #tpu.memory_space<semaphore_mem>>
      %dma_start3A = tpu.memref_slice %arg3[%mul3A_2] : memref<163840xf32, #tpu.memory_space<hbm>> -> memref<5120xf32, #tpu.memory_space<hbm>>
      %dma_start3A_12 = tpu.memref_slice %arg3[%mul3A_2] : memref<163840xf32, #tpu.memory_space<hbm>> -> memref<5120xf32, #tpu.memory_space<hbm>>
      tpu.enqueue_dma source(%dma_start3A_12 : memref<5120xf32, #tpu.memory_space<hbm>>) target(%arg8 : memref<5120xf32, #tpu.memory_space<vmem>>) target_semaphore(%run_scoped3A : memref<!tpu.dma_semaphore, #tpu.memory_space<semaphore_mem>>)
      %dma_wait3A = tpu.memref_slice %arg3[%mul3A_2] : memref<163840xf32, #tpu.memory_space<hbm>> -> memref<5120xf32, #tpu.memory_space<hbm>>
      %dma_wait3A_13 = tpu.memref_slice %arg3[%mul3A_2] : memref<163840xf32, #tpu.memory_space<hbm>> -> memref<5120xf32, #tpu.memory_space<hbm>>
      tpu.wait_dma2 semaphore(%run_scoped3A : memref<!tpu.dma_semaphore, #tpu.memory_space<semaphore_mem>>) src(%dma_wait3A_13 : memref<5120xf32, #tpu.memory_space<hbm>>) dst(%arg8 : memref<5120xf32, #tpu.memory_space<vmem>>)
      tpu.yield
    }) : () -> ()
    "tpu.region"() ({
      %run_scoped3A = tpu.sem_alloc : memref<!tpu.dma_semaphore, #tpu.memory_space<semaphore_mem>>
      %dma_start3A = tpu.memref_slice %arg4[%mul3A_4] : memref<10240xf32, #tpu.memory_space<hbm>> -> memref<320xf32, #tpu.memory_space<hbm>>
      %dma_start3A_12 = tpu.memref_slice %arg4[%mul3A_4] : memref<10240xf32, #tpu.memory_space<hbm>> -> memref<320xf32, #tpu.memory_space<hbm>>
      tpu.enqueue_dma source(%dma_start3A_12 : memref<320xf32, #tpu.memory_space<hbm>>) target(%arg9 : memref<320xf32, #tpu.memory_space<vmem>>) target_semaphore(%run_scoped3A : memref<!tpu.dma_semaphore, #tpu.memory_space<semaphore_mem>>)
      %dma_wait3A = tpu.memref_slice %arg4[%mul3A_4] : memref<10240xf32, #tpu.memory_space<hbm>> -> memref<320xf32, #tpu.memory_space<hbm>>
      %dma_wait3A_13 = tpu.memref_slice %arg4[%mul3A_4] : memref<10240xf32, #tpu.memory_space<hbm>> -> memref<320xf32, #tpu.memory_space<hbm>>
      tpu.wait_dma2 semaphore(%run_scoped3A : memref<!tpu.dma_semaphore, #tpu.memory_space<semaphore_mem>>) src(%dma_wait3A_13 : memref<320xf32, #tpu.memory_space<hbm>>) dst(%arg9 : memref<320xf32, #tpu.memory_space<vmem>>)
      tpu.yield
    }) : () -> ()
    %scan3A = arith.constant 0 : i32
    %scan3A_7 = arith.constant 0 : i32
    %scan3A_8 = arith.constant 20 : i32
    %scan3A_9 = arith.addi %scan3A_7, %scan3A_8 : i32
    %scan3A_10 = arith.constant 1 : i32
    scf.for %scan3A_12 = %scan3A_7 to %scan3A_9 step %scan3A_10  : i32 {
      %mul3A_13 = arith.constant 16 : i32
      %mul3A_14 = arith.muli %scan3A_12, %mul3A_13 : i32
      %get3A = arith.index_cast %mul3A_14 : i32 to index
      %get3A_15 = tpu.vector_load %arg9[%get3A] {strides = array<i32>} : memref<320xf32, #tpu.memory_space<vmem>>, vector<16xf32>,
      %mul3A_16 = arith.constant 256 : i32
      %mul3A_17 = arith.muli %scan3A_12, %mul3A_16 : i32
      %add3A_18 = arith.constant 0 : i32
      %add3A_19 = arith.addi %mul3A_17, %add3A_18 : i32
      %slice3A = vector.extract_strided_slice %get3A_15 {offsets = [0], sizes = [1], strides = [1]} : vector<16xf32> to vector<1xf32>
      %squeeze3A = vector.extract %slice3A[0] : f32 from vector<1xf32>
      %get3A_20 = arith.index_cast %add3A_19 : i32 to index
      %get3A_21 = tpu.vector_load %arg6[%get3A_20] {strides = array<i32>} : memref<5120xf32, #tpu.memory_space<vmem>>, vector<16xf32>,
      %get3A_22 = arith.index_cast %add3A_19 : i32 to index
      %get3A_23 = tpu.vector_load %arg7[%get3A_22] {strides = array<i32>} : memref<5120xf32, #tpu.memory_space<vmem>>, vector<16xf32>,
      %add3A_24 = arith.addf %get3A_21, %get3A_23 : vector<16xf32>
      %get3A_25 = arith.index_cast %add3A_19 : i32 to index
      %get3A_26 = tpu.vector_load %arg8[%get3A_25] {strides = array<i32>} : memref<5120xf32, #tpu.memory_space<vmem>>, vector<16xf32>,
      %add3A_27 = arith.addf %add3A_24, %get3A_26 : vector<16xf32>
      %mul3A_28 = vector.broadcast %squeeze3A : f32 to vector<16xf32>
      %mul3A_29 = arith.mulf %add3A_27, %mul3A_28 : vector<16xf32>
      %swap3A = arith.index_cast %add3A_19 : i32 to index
      %swap3A_30 = tpu.vector_load %arg8[%swap3A] {strides = array<i32>} : memref<5120xf32, #tpu.memory_space<vmem>>, vector<16xf32>,
      tpu.vector_store %arg8[%swap3A], %mul3A_29 {strides = array<i32>} : memref<5120xf32, #tpu.memory_space<vmem>>, vector<16xf32>,
      %add3A_31 = arith.constant 16 : i32
      %add3A_32 = arith.addi %mul3A_17, %add3A_31 : i32
      %slice3A_33 = vector.extract_strided_slice %get3A_15 {offsets = [1], sizes = [1], strides = [1]} : vector<16xf32> to vector<1xf32>
      %squeeze3A_34 = vector.extract %slice3A_33[0] : f32 from vector<1xf32>
      %get3A_35 = arith.index_cast %add3A_32 : i32 to index
      %get3A_36 = tpu.vector_load %arg6[%get3A_35] {strides = array<i32>} : memref<5120xf32, #tpu.memory_space<vmem>>, vector<16xf32>,
      %get3A_37 = arith.index_cast %add3A_32 : i32 to index
      %get3A_38 = tpu.vector_load %arg7[%get3A_37] {strides = array<i32>} : memref<5120xf32, #tpu.memory_space<vmem>>, vector<16xf32>,
      %add3A_39 = arith.addf %get3A_36, %get3A_38 : vector<16xf32>
      %get3A_40 = arith.index_cast %add3A_32 : i32 to index
      %get3A_41 = tpu.vector_load %arg8[%get3A_40] {strides = array<i32>} : memref<5120xf32, #tpu.memory_space<vmem>>, vector<16xf32>,
      %add3A_42 = arith.addf %add3A_39, %get3A_41 : vector<16xf32>
      %mul3A_43 = vector.broadcast %squeeze3A_34 : f32 to vector<16xf32>
      %mul3A_44 = arith.mulf %add3A_42, %mul3A_43 : vector<16xf32>
      %swap3A_45 = arith.index_cast %add3A_32 : i32 to index
      %swap3A_46 = tpu.vector_load %arg8[%swap3A_45] {strides = array<i32>} : memref<5120xf32, #tpu.memory_space<vmem>>, vector<16xf32>,
      tpu.vector_store %arg8[%swap3A_45], %mul3A_44 {strides = array<i32>} : memref<5120xf32, #tpu.memory_space<vmem>>, vector<16xf32>,
      %add3A_47 = arith.constant 32 : i32
      %add3A_48 = arith.addi %mul3A_17, %add3A_47 : i32
      %slice3A_49 = vector.extract_strided_slice %get3A_15 {offsets = [2], sizes = [1], strides = [1]} : vector<16xf32> to vector<1xf32>
      %squeeze3A_50 = vector.extract %slice3A_49[0] : f32 from vector<1xf32>
      %get3A_51 = arith.index_cast %add3A_48 : i32 to index
      %get3A_52 = tpu.vector_load %arg6[%get3A_51] {strides = array<i32>} : memref<5120xf32, #tpu.memory_space<vmem>>, vector<16xf32>,
      %get3A_53 = arith.index_cast %add3A_48 : i32 to index
      %get3A_54 = tpu.vector_load %arg7[%get3A_53] {strides = array<i32>} : memref<5120xf32, #tpu.memory_space<vmem>>, vector<16xf32>,
      %add3A_55 = arith.addf %get3A_52, %get3A_54 : vector<16xf32>
      %get3A_56 = arith.index_cast %add3A_48 : i32 to index
      %get3A_57 = tpu.vector_load %arg8[%get3A_56] {strides = array<i32>} : memref<5120xf32, #tpu.memory_space<vmem>>, vector<16xf32>,
      %add3A_58 = arith.addf %add3A_55, %get3A_57 : vector<16xf32>
      %mul3A_59 = vector.broadcast %squeeze3A_50 : f32 to vector<16xf32>
      %mul3A_60 = arith.mulf %add3A_58, %mul3A_59 : vector<16xf32>
      %swap3A_61 = arith.index_cast %add3A_48 : i32 to index
      %swap3A_62 = tpu.vector_load %arg8[%swap3A_61] {strides = array<i32>} : memref<5120xf32, #tpu.memory_space<vmem>>, vector<16xf32>,
      tpu.vector_store %arg8[%swap3A_61], %mul3A_60 {strides = array<i32>} : memref<5120xf32, #tpu.memory_space<vmem>>, vector<16xf32>,
      %add3A_63 = arith.constant 48 : i32
      %add3A_64 = arith.addi %mul3A_17, %add3A_63 : i32
      %slice3A_65 = vector.extract_strided_slice %get3A_15 {offsets = [3], sizes = [1], strides = [1]} : vector<16xf32> to vector<1xf32>
      %squeeze3A_66 = vector.extract %slice3A_65[0] : f32 from vector<1xf32>
      %get3A_67 = arith.index_cast %add3A_64 : i32 to index
      %get3A_68 = tpu.vector_load %arg6[%get3A_67] {strides = array<i32>} : memref<5120xf32, #tpu.memory_space<vmem>>, vector<16xf32>,
      %get3A_69 = arith.index_cast %add3A_64 : i32 to index
      %get3A_70 = tpu.vector_load %arg7[%get3A_69] {strides = array<i32>} : memref<5120xf32, #tpu.memory_space<vmem>>, vector<16xf32>,
      %add3A_71 = arith.addf %get3A_68, %get3A_70 : vector<16xf32>
      %get3A_72 = arith.index_cast %add3A_64 : i32 to index
      %get3A_73 = tpu.vector_load %arg8[%get3A_72] {strides = array<i32>} : memref<5120xf32, #tpu.memory_space<vmem>>, vector<16xf32>,
      %add3A_74 = arith.addf %add3A_71, %get3A_73 : vector<16xf32>
      %mul3A_75 = vector.broadcast %squeeze3A_66 : f32 to vector<16xf32>
      %mul3A_76 = arith.mulf %add3A_74, %mul3A_75 : vector<16xf32>
      %swap3A_77 = arith.index_cast %add3A_64 : i32 to index
      %swap3A_78 = tpu.vector_load %arg8[%swap3A_77] {strides = array<i32>} : memref<5120xf32, #tpu.memory_space<vmem>>, vector<16xf32>,
      tpu.vector_store %arg8[%swap3A_77], %mul3A_76 {strides = array<i32>} : memref<5120xf32, #tpu.memory_space<vmem>>, vector<16xf32>,
      %add3A_79 = arith.constant 64 : i32
      %add3A_80 = arith.addi %mul3A_17, %add3A_79 : i32
      %slice3A_81 = vector.extract_strided_slice %get3A_15 {offsets = [4], sizes = [1], strides = [1]} : vector<16xf32> to vector<1xf32>
      %squeeze3A_82 = vector.extract %slice3A_81[0] : f32 from vector<1xf32>
      %get3A_83 = arith.index_cast %add3A_80 : i32 to index
      %get3A_84 = tpu.vector_load %arg6[%get3A_83] {strides = array<i32>} : memref<5120xf32, #tpu.memory_space<vmem>>, vector<16xf32>,
      %get3A_85 = arith.index_cast %add3A_80 : i32 to index
      %get3A_86 = tpu.vector_load %arg7[%get3A_85] {strides = array<i32>} : memref<5120xf32, #tpu.memory_space<vmem>>, vector<16xf32>,
      %add3A_87 = arith.addf %get3A_84, %get3A_86 : vector<16xf32>
      %get3A_88 = arith.index_cast %add3A_80 : i32 to index
      %get3A_89 = tpu.vector_load %arg8[%get3A_88] {strides = array<i32>} : memref<5120xf32, #tpu.memory_space<vmem>>, vector<16xf32>,
      %add3A_90 = arith.addf %add3A_87, %get3A_89 : vector<16xf32>
      %mul3A_91 = vector.broadcast %squeeze3A_82 : f32 to vector<16xf32>
      %mul3A_92 = arith.mulf %add3A_90, %mul3A_91 : vector<16xf32>
      %swap3A_93 = arith.index_cast %add3A_80 : i32 to index
      %swap3A_94 = tpu.vector_load %arg8[%swap3A_93] {strides = array<i32>} : memref<5120xf32, #tpu.memory_space<vmem>>, vector<16xf32>,
      tpu.vector_store %arg8[%swap3A_93], %mul3A_92 {strides = array<i32>} : memref<5120xf32, #tpu.memory_space<vmem>>, vector<16xf32>,
      %add3A_95 = arith.constant 80 : i32
      %add3A_96 = arith.addi %mul3A_17, %add3A_95 : i32
      %slice3A_97 = vector.extract_strided_slice %get3A_15 {offsets = [5], sizes = [1], strides = [1]} : vector<16xf32> to vector<1xf32>
      %squeeze3A_98 = vector.extract %slice3A_97[0] : f32 from vector<1xf32>
      %get3A_99 = arith.index_cast %add3A_96 : i32 to index
      %get3A_100 = tpu.vector_load %arg6[%get3A_99] {strides = array<i32>} : memref<5120xf32, #tpu.memory_space<vmem>>, vector<16xf32>,
      %get3A_101 = arith.index_cast %add3A_96 : i32 to index
      %get3A_102 = tpu.vector_load %arg7[%get3A_101] {strides = array<i32>} : memref<5120xf32, #tpu.memory_space<vmem>>, vector<16xf32>,
      %add3A_103 = arith.addf %get3A_100, %get3A_102 : vector<16xf32>
      %get3A_104 = arith.index_cast %add3A_96 : i32 to index
      %get3A_105 = tpu.vector_load %arg8[%get3A_104] {strides = array<i32>} : memref<5120xf32, #tpu.memory_space<vmem>>, vector<16xf32>,
      %add3A_106 = arith.addf %add3A_103, %get3A_105 : vector<16xf32>
      %mul3A_107 = vector.broadcast %squeeze3A_98 : f32 to vector<16xf32>
      %mul3A_108 = arith.mulf %add3A_106, %mul3A_107 : vector<16xf32>
      %swap3A_109 = arith.index_cast %add3A_96 : i32 to index
      %swap3A_110 = tpu.vector_load %arg8[%swap3A_109] {strides = array<i32>} : memref<5120xf32, #tpu.memory_space<vmem>>, vector<16xf32>,
      tpu.vector_store %arg8[%swap3A_109], %mul3A_108 {strides = array<i32>} : memref<5120xf32, #tpu.memory_space<vmem>>, vector<16xf32>,
      %add3A_111 = arith.constant 96 : i32
      %add3A_112 = arith.addi %mul3A_17, %add3A_111 : i32
      %slice3A_113 = vector.extract_strided_slice %get3A_15 {offsets = [6], sizes = [1], strides = [1]} : vector<16xf32> to vector<1xf32>
      %squeeze3A_114 = vector.extract %slice3A_113[0] : f32 from vector<1xf32>
      %get3A_115 = arith.index_cast %add3A_112 : i32 to index
      %get3A_116 = tpu.vector_load %arg6[%get3A_115] {strides = array<i32>} : memref<5120xf32, #tpu.memory_space<vmem>>, vector<16xf32>,
      %get3A_117 = arith.index_cast %add3A_112 : i32 to index
      %get3A_118 = tpu.vector_load %arg7[%get3A_117] {strides = array<i32>} : memref<5120xf32, #tpu.memory_space<vmem>>, vector<16xf32>,
      %add3A_119 = arith.addf %get3A_116, %get3A_118 : vector<16xf32>
      %get3A_120 = arith.index_cast %add3A_112 : i32 to index
      %get3A_121 = tpu.vector_load %arg8[%get3A_120] {strides = array<i32>} : memref<5120xf32, #tpu.memory_space<vmem>>, vector<16xf32>,
      %add3A_122 = arith.addf %add3A_119, %get3A_121 : vector<16xf32>
      %mul3A_123 = vector.broadcast %squeeze3A_114 : f32 to vector<16xf32>
      %mul3A_124 = arith.mulf %add3A_122, %mul3A_123 : vector<16xf32>
      %swap3A_125 = arith.index_cast %add3A_112 : i32 to index
      %swap3A_126 = tpu.vector_load %arg8[%swap3A_125] {strides = array<i32>} : memref<5120xf32, #tpu.memory_space<vmem>>, vector<16xf32>,
      tpu.vector_store %arg8[%swap3A_125], %mul3A_124 {strides = array<i32>} : memref<5120xf32, #tpu.memory_space<vmem>>, vector<16xf32>,
      %add3A_127 = arith.constant 112 : i32
      %add3A_128 = arith.addi %mul3A_17, %add3A_127 : i32
      %slice3A_129 = vector.extract_strided_slice %get3A_15 {offsets = [7], sizes = [1], strides = [1]} : vector<16xf32> to vector<1xf32>
      %squeeze3A_130 = vector.extract %slice3A_129[0] : f32 from vector<1xf32>
      %get3A_131 = arith.index_cast %add3A_128 : i32 to index
      %get3A_132 = tpu.vector_load %arg6[%get3A_131] {strides = array<i32>} : memref<5120xf32, #tpu.memory_space<vmem>>, vector<16xf32>,
      %get3A_133 = arith.index_cast %add3A_128 : i32 to index
      %get3A_134 = tpu.vector_load %arg7[%get3A_133] {strides = array<i32>} : memref<5120xf32, #tpu.memory_space<vmem>>, vector<16xf32>,
      %add3A_135 = arith.addf %get3A_132, %get3A_134 : vector<16xf32>
      %get3A_136 = arith.index_cast %add3A_128 : i32 to index
      %get3A_137 = tpu.vector_load %arg8[%get3A_136] {strides = array<i32>} : memref<5120xf32, #tpu.memory_space<vmem>>, vector<16xf32>,
      %add3A_138 = arith.addf %add3A_135, %get3A_137 : vector<16xf32>
      %mul3A_139 = vector.broadcast %squeeze3A_130 : f32 to vector<16xf32>
      %mul3A_140 = arith.mulf %add3A_138, %mul3A_139 : vector<16xf32>
      %swap3A_141 = arith.index_cast %add3A_128 : i32 to index
      %swap3A_142 = tpu.vector_load %arg8[%swap3A_141] {strides = array<i32>} : memref<5120xf32, #tpu.memory_space<vmem>>, vector<16xf32>,
      tpu.vector_store %arg8[%swap3A_141], %mul3A_140 {strides = array<i32>} : memref<5120xf32, #tpu.memory_space<vmem>>, vector<16xf32>,
      %add3A_143 = arith.constant 128 : i32
      %add3A_144 = arith.addi %mul3A_17, %add3A_143 : i32
      %slice3A_145 = vector.extract_strided_slice %get3A_15 {offsets = [8], sizes = [1], strides = [1]} : vector<16xf32> to vector<1xf32>
      %squeeze3A_146 = vector.extract %slice3A_145[0] : f32 from vector<1xf32>
      %get3A_147 = arith.index_cast %add3A_144 : i32 to index
      %get3A_148 = tpu.vector_load %arg6[%get3A_147] {strides = array<i32>} : memref<5120xf32, #tpu.memory_space<vmem>>, vector<16xf32>,
      %get3A_149 = arith.index_cast %add3A_144 : i32 to index
      %get3A_150 = tpu.vector_load %arg7[%get3A_149] {strides = array<i32>} : memref<5120xf32, #tpu.memory_space<vmem>>, vector<16xf32>,
      %add3A_151 = arith.addf %get3A_148, %get3A_150 : vector<16xf32>
      %get3A_152 = arith.index_cast %add3A_144 : i32 to index
      %get3A_153 = tpu.vector_load %arg8[%get3A_152] {strides = array<i32>} : memref<5120xf32, #tpu.memory_space<vmem>>, vector<16xf32>,
      %add3A_154 = arith.addf %add3A_151, %get3A_153 : vector<16xf32>
      %mul3A_155 = vector.broadcast %squeeze3A_146 : f32 to vector<16xf32>
      %mul3A_156 = arith.mulf %add3A_154, %mul3A_155 : vector<16xf32>
      %swap3A_157 = arith.index_cast %add3A_144 : i32 to index
      %swap3A_158 = tpu.vector_load %arg8[%swap3A_157] {strides = array<i32>} : memref<5120xf32, #tpu.memory_space<vmem>>, vector<16xf32>,
      tpu.vector_store %arg8[%swap3A_157], %mul3A_156 {strides = array<i32>} : memref<5120xf32, #tpu.memory_space<vmem>>, vector<16xf32>,
      %add3A_159 = arith.constant 144 : i32
      %add3A_160 = arith.addi %mul3A_17, %add3A_159 : i32
      %slice3A_161 = vector.extract_strided_slice %get3A_15 {offsets = [9], sizes = [1], strides = [1]} : vector<16xf32> to vector<1xf32>
      %squeeze3A_162 = vector.extract %slice3A_161[0] : f32 from vector<1xf32>
      %get3A_163 = arith.index_cast %add3A_160 : i32 to index
      %get3A_164 = tpu.vector_load %arg6[%get3A_163] {strides = array<i32>} : memref<5120xf32, #tpu.memory_space<vmem>>, vector<16xf32>,
      %get3A_165 = arith.index_cast %add3A_160 : i32 to index
      %get3A_166 = tpu.vector_load %arg7[%get3A_165] {strides = array<i32>} : memref<5120xf32, #tpu.memory_space<vmem>>, vector<16xf32>,
      %add3A_167 = arith.addf %get3A_164, %get3A_166 : vector<16xf32>
      %get3A_168 = arith.index_cast %add3A_160 : i32 to index
      %get3A_169 = tpu.vector_load %arg8[%get3A_168] {strides = array<i32>} : memref<5120xf32, #tpu.memory_space<vmem>>, vector<16xf32>,
      %add3A_170 = arith.addf %add3A_167, %get3A_169 : vector<16xf32>
      %mul3A_171 = vector.broadcast %squeeze3A_162 : f32 to vector<16xf32>
      %mul3A_172 = arith.mulf %add3A_170, %mul3A_171 : vector<16xf32>
      %swap3A_173 = arith.index_cast %add3A_160 : i32 to index
      %swap3A_174 = tpu.vector_load %arg8[%swap3A_173] {strides = array<i32>} : memref<5120xf32, #tpu.memory_space<vmem>>, vector<16xf32>,
      tpu.vector_store %arg8[%swap3A_173], %mul3A_172 {strides = array<i32>} : memref<5120xf32, #tpu.memory_space<vmem>>, vector<16xf32>,
      %add3A_175 = arith.constant 160 : i32
      %add3A_176 = arith.addi %mul3A_17, %add3A_175 : i32
      %slice3A_177 = vector.extract_strided_slice %get3A_15 {offsets = [10], sizes = [1], strides = [1]} : vector<16xf32> to vector<1xf32>
      %squeeze3A_178 = vector.extract %slice3A_177[0] : f32 from vector<1xf32>
      %get3A_179 = arith.index_cast %add3A_176 : i32 to index
      %get3A_180 = tpu.vector_load %arg6[%get3A_179] {strides = array<i32>} : memref<5120xf32, #tpu.memory_space<vmem>>, vector<16xf32>,
      %get3A_181 = arith.index_cast %add3A_176 : i32 to index
      %get3A_182 = tpu.vector_load %arg7[%get3A_181] {strides = array<i32>} : memref<5120xf32, #tpu.memory_space<vmem>>, vector<16xf32>,
      %add3A_183 = arith.addf %get3A_180, %get3A_182 : vector<16xf32>
      %get3A_184 = arith.index_cast %add3A_176 : i32 to index
      %get3A_185 = tpu.vector_load %arg8[%get3A_184] {strides = array<i32>} : memref<5120xf32, #tpu.memory_space<vmem>>, vector<16xf32>,
      %add3A_186 = arith.addf %add3A_183, %get3A_185 : vector<16xf32>
      %mul3A_187 = vector.broadcast %squeeze3A_178 : f32 to vector<16xf32>
      %mul3A_188 = arith.mulf %add3A_186, %mul3A_187 : vector<16xf32>
      %swap3A_189 = arith.index_cast %add3A_176 : i32 to index
      %swap3A_190 = tpu.vector_load %arg8[%swap3A_189] {strides = array<i32>} : memref<5120xf32, #tpu.memory_space<vmem>>, vector<16xf32>,
      tpu.vector_store %arg8[%swap3A_189], %mul3A_188 {strides = array<i32>} : memref<5120xf32, #tpu.memory_space<vmem>>, vector<16xf32>,
      %add3A_191 = arith.constant 176 : i32
      %add3A_192 = arith.addi %mul3A_17, %add3A_191 : i32
      %slice3A_193 = vector.extract_strided_slice %get3A_15 {offsets = [11], sizes = [1], strides = [1]} : vector<16xf32> to vector<1xf32>
      %squeeze3A_194 = vector.extract %slice3A_193[0] : f32 from vector<1xf32>
      %get3A_195 = arith.index_cast %add3A_192 : i32 to index
      %get3A_196 = tpu.vector_load %arg6[%get3A_195] {strides = array<i32>} : memref<5120xf32, #tpu.memory_space<vmem>>, vector<16xf32>,
      %get3A_197 = arith.index_cast %add3A_192 : i32 to index
      %get3A_198 = tpu.vector_load %arg7[%get3A_197] {strides = array<i32>} : memref<5120xf32, #tpu.memory_space<vmem>>, vector<16xf32>,
      %add3A_199 = arith.addf %get3A_196, %get3A_198 : vector<16xf32>
      %get3A_200 = arith.index_cast %add3A_192 : i32 to index
      %get3A_201 = tpu.vector_load %arg8[%get3A_200] {strides = array<i32>} : memref<5120xf32, #tpu.memory_space<vmem>>, vector<16xf32>,
      %add3A_202 = arith.addf %add3A_199, %get3A_201 : vector<16xf32>
      %mul3A_203 = vector.broadcast %squeeze3A_194 : f32 to vector<16xf32>
      %mul3A_204 = arith.mulf %add3A_202, %mul3A_203 : vector<16xf32>
      %swap3A_205 = arith.index_cast %add3A_192 : i32 to index
      %swap3A_206 = tpu.vector_load %arg8[%swap3A_205] {strides = array<i32>} : memref<5120xf32, #tpu.memory_space<vmem>>, vector<16xf32>,
      tpu.vector_store %arg8[%swap3A_205], %mul3A_204 {strides = array<i32>} : memref<5120xf32, #tpu.memory_space<vmem>>, vector<16xf32>,
      %add3A_207 = arith.constant 192 : i32
      %add3A_208 = arith.addi %mul3A_17, %add3A_207 : i32
      %slice3A_209 = vector.extract_strided_slice %get3A_15 {offsets = [12], sizes = [1], strides = [1]} : vector<16xf32> to vector<1xf32>
      %squeeze3A_210 = vector.extract %slice3A_209[0] : f32 from vector<1xf32>
      %get3A_211 = arith.index_cast %add3A_208 : i32 to index
      %get3A_212 = tpu.vector_load %arg6[%get3A_211] {strides = array<i32>} : memref<5120xf32, #tpu.memory_space<vmem>>, vector<16xf32>,
      %get3A_213 = arith.index_cast %add3A_208 : i32 to index
      %get3A_214 = tpu.vector_load %arg7[%get3A_213] {strides = array<i32>} : memref<5120xf32, #tpu.memory_space<vmem>>, vector<16xf32>,
      %add3A_215 = arith.addf %get3A_212, %get3A_214 : vector<16xf32>
      %get3A_216 = arith.index_cast %add3A_208 : i32 to index
      %get3A_217 = tpu.vector_load %arg8[%get3A_216] {strides = array<i32>} : memref<5120xf32, #tpu.memory_space<vmem>>, vector<16xf32>,
      %add3A_218 = arith.addf %add3A_215, %get3A_217 : vector<16xf32>
      %mul3A_219 = vector.broadcast %squeeze3A_210 : f32 to vector<16xf32>
      %mul3A_220 = arith.mulf %add3A_218, %mul3A_219 : vector<16xf32>
      %swap3A_221 = arith.index_cast %add3A_208 : i32 to index
      %swap3A_222 = tpu.vector_load %arg8[%swap3A_221] {strides = array<i32>} : memref<5120xf32, #tpu.memory_space<vmem>>, vector<16xf32>,
      tpu.vector_store %arg8[%swap3A_221], %mul3A_220 {strides = array<i32>} : memref<5120xf32, #tpu.memory_space<vmem>>, vector<16xf32>,
      %add3A_223 = arith.constant 208 : i32
      %add3A_224 = arith.addi %mul3A_17, %add3A_223 : i32
      %slice3A_225 = vector.extract_strided_slice %get3A_15 {offsets = [13], sizes = [1], strides = [1]} : vector<16xf32> to vector<1xf32>
      %squeeze3A_226 = vector.extract %slice3A_225[0] : f32 from vector<1xf32>
      %get3A_227 = arith.index_cast %add3A_224 : i32 to index
      %get3A_228 = tpu.vector_load %arg6[%get3A_227] {strides = array<i32>} : memref<5120xf32, #tpu.memory_space<vmem>>, vector<16xf32>,
      %get3A_229 = arith.index_cast %add3A_224 : i32 to index
      %get3A_230 = tpu.vector_load %arg7[%get3A_229] {strides = array<i32>} : memref<5120xf32, #tpu.memory_space<vmem>>, vector<16xf32>,
      %add3A_231 = arith.addf %get3A_228, %get3A_230 : vector<16xf32>
      %get3A_232 = arith.index_cast %add3A_224 : i32 to index
      %get3A_233 = tpu.vector_load %arg8[%get3A_232] {strides = array<i32>} : memref<5120xf32, #tpu.memory_space<vmem>>, vector<16xf32>,
      %add3A_234 = arith.addf %add3A_231, %get3A_233 : vector<16xf32>
      %mul3A_235 = vector.broadcast %squeeze3A_226 : f32 to vector<16xf32>
      %mul3A_236 = arith.mulf %add3A_234, %mul3A_235 : vector<16xf32>
      %swap3A_237 = arith.index_cast %add3A_224 : i32 to index
      %swap3A_238 = tpu.vector_load %arg8[%swap3A_237] {strides = array<i32>} : memref<5120xf32, #tpu.memory_space<vmem>>, vector<16xf32>,
      tpu.vector_store %arg8[%swap3A_237], %mul3A_236 {strides = array<i32>} : memref<5120xf32, #tpu.memory_space<vmem>>, vector<16xf32>,
      %add3A_239 = arith.constant 224 : i32
      %add3A_240 = arith.addi %mul3A_17, %add3A_239 : i32
      %slice3A_241 = vector.extract_strided_slice %get3A_15 {offsets = [14], sizes = [1], strides = [1]} : vector<16xf32> to vector<1xf32>
      %squeeze3A_242 = vector.extract %slice3A_241[0] : f32 from vector<1xf32>
      %get3A_243 = arith.index_cast %add3A_240 : i32 to index
      %get3A_244 = tpu.vector_load %arg6[%get3A_243] {strides = array<i32>} : memref<5120xf32, #tpu.memory_space<vmem>>, vector<16xf32>,
      %get3A_245 = arith.index_cast %add3A_240 : i32 to index
      %get3A_246 = tpu.vector_load %arg7[%get3A_245] {strides = array<i32>} : memref<5120xf32, #tpu.memory_space<vmem>>, vector<16xf32>,
      %add3A_247 = arith.addf %get3A_244, %get3A_246 : vector<16xf32>
      %get3A_248 = arith.index_cast %add3A_240 : i32 to index
      %get3A_249 = tpu.vector_load %arg8[%get3A_248] {strides = array<i32>} : memref<5120xf32, #tpu.memory_space<vmem>>, vector<16xf32>,
      %add3A_250 = arith.addf %add3A_247, %get3A_249 : vector<16xf32>
      %mul3A_251 = vector.broadcast %squeeze3A_242 : f32 to vector<16xf32>
      %mul3A_252 = arith.mulf %add3A_250, %mul3A_251 : vector<16xf32>
      %swap3A_253 = arith.index_cast %add3A_240 : i32 to index
      %swap3A_254 = tpu.vector_load %arg8[%swap3A_253] {strides = array<i32>} : memref<5120xf32, #tpu.memory_space<vmem>>, vector<16xf32>,
      tpu.vector_store %arg8[%swap3A_253], %mul3A_252 {strides = array<i32>} : memref<5120xf32, #tpu.memory_space<vmem>>, vector<16xf32>,
      %add3A_255 = arith.constant 240 : i32
      %add3A_256 = arith.addi %mul3A_17, %add3A_255 : i32
      %slice3A_257 = vector.extract_strided_slice %get3A_15 {offsets = [15], sizes = [1], strides = [1]} : vector<16xf32> to vector<1xf32>
      %squeeze3A_258 = vector.extract %slice3A_257[0] : f32 from vector<1xf32>
      %get3A_259 = arith.index_cast %add3A_256 : i32 to index
      %get3A_260 = tpu.vector_load %arg6[%get3A_259] {strides = array<i32>} : memref<5120xf32, #tpu.memory_space<vmem>>, vector<16xf32>,
      %get3A_261 = arith.index_cast %add3A_256 : i32 to index
      %get3A_262 = tpu.vector_load %arg7[%get3A_261] {strides = array<i32>} : memref<5120xf32, #tpu.memory_space<vmem>>, vector<16xf32>,
      %add3A_263 = arith.addf %get3A_260, %get3A_262 : vector<16xf32>
      %get3A_264 = arith.index_cast %add3A_256 : i32 to index
      %get3A_265 = tpu.vector_load %arg8[%get3A_264] {strides = array<i32>} : memref<5120xf32, #tpu.memory_space<vmem>>, vector<16xf32>,
      %add3A_266 = arith.addf %add3A_263, %get3A_265 : vector<16xf32>
      %mul3A_267 = vector.broadcast %squeeze3A_258 : f32 to vector<16xf32>
      %mul3A_268 = arith.mulf %add3A_266, %mul3A_267 : vector<16xf32>
      %swap3A_269 = arith.index_cast %add3A_256 : i32 to index
      %swap3A_270 = tpu.vector_load %arg8[%swap3A_269] {strides = array<i32>} : memref<5120xf32, #tpu.memory_space<vmem>>, vector<16xf32>,
      tpu.vector_store %arg8[%swap3A_269], %mul3A_268 {strides = array<i32>} : memref<5120xf32, #tpu.memory_space<vmem>>, vector<16xf32>,
    }
    %scan3A_11 = arith.constant 20 : i32
    "tpu.region"() ({
      %run_scoped3A = tpu.sem_alloc : memref<!tpu.dma_semaphore, #tpu.memory_space<semaphore_mem>>
      %dma_start3A = tpu.memref_slice %arg5[%mul3A_2] : memref<163840xf32, #tpu.memory_space<hbm>> -> memref<5120xf32, #tpu.memory_space<hbm>>
      %dma_start3A_12 = tpu.memref_slice %arg5[%mul3A_2] : memref<163840xf32, #tpu.memory_space<hbm>> -> memref<5120xf32, #tpu.memory_space<hbm>>
      tpu.enqueue_dma source(%arg8 : memref<5120xf32, #tpu.memory_space<vmem>>) target(%dma_start3A_12 : memref<5120xf32, #tpu.memory_space<hbm>>) target_semaphore(%run_scoped3A : memref<!tpu.dma_semaphore, #tpu.memory_space<semaphore_mem>>)
      %dma_wait3A = tpu.memref_slice %arg5[%mul3A_2] : memref<163840xf32, #tpu.memory_space<hbm>> -> memref<5120xf32, #tpu.memory_space<hbm>>
      %dma_wait3A_13 = tpu.memref_slice %arg5[%mul3A_2] : memref<163840xf32, #tpu.memory_space<hbm>> -> memref<5120xf32, #tpu.memory_space<hbm>>
      tpu.wait_dma2 semaphore(%run_scoped3A : memref<!tpu.dma_semaphore, #tpu.memory_space<semaphore_mem>>) src(%arg8 : memref<5120xf32, #tpu.memory_space<vmem>>) dst(%dma_wait3A_13 : memref<5120xf32, #tpu.memory_space<hbm>>)
      tpu.yield
    }) : () -> ()
    return
  }
}

module attributes {stable_mosaic.version = 14 : i64} {
  func.func @body(%arg0: i32, %arg1: memref<2000x128xf32, #tpu.memory_space<vmem>>, %arg2: memref<128x16xf32, #tpu.memory_space<vmem>>, %arg3: memref<2000x16xf32, #tpu.memory_space<vmem>>) attributes {dimension_semantics = [#tpu.dimension_semantics<arbitrary>], iteration_bounds = array<i64: 5>, scalar_prefetch = 0 : i64, scratch_operands = 0 : i64, tpu.core_type = #tpu.core_type<tc>, window_params = [{transform_indices = @transform_0, window_bounds = array<i64: 2000, 128>}, {pipeline_mode = #tpu.pipeline_mode<synchronous>, transform_indices = @transform_1, window_bounds = array<i64: 128, 16>}, {transform_indices = @transform_2, window_bounds = array<i64: 2000, 16>}]} {
    %get3A = arith.constant 0 : index
    %get3A_0 = arith.constant 0 : index
    %get3A_1 = vector.load %arg1[%get3A, %get3A_0] : memref<2000x128xf32, #tpu.memory_space<vmem>>, vector<2000x128xf32>
    %get3A_2 = arith.constant 0 : index
    %get3A_3 = arith.constant 0 : index
    %get3A_4 = vector.load %arg2[%get3A_2, %get3A_3] : memref<128x16xf32, #tpu.memory_space<vmem>>, vector<128x16xf32>
    %dot_general3A = arith.constant dense<0.000000e+00> : vector<2000x16xf32>
    %dot_general3A_5 = tpu.matmul %get3A_1, %get3A_4, %dot_general3A {dimension_numbers = #tpu.dot_dimension_numbers<[1], [0], [0], [1], [0, 0, 1, 1], [], []>, transpose_lhs_hint = false} : vector<2000x128xf32>, vector<128x16xf32>, vector<2000x16xf32> -> vector<2000x16xf32>
    %swap3A = arith.constant 0 : index
    %swap3A_6 = arith.constant 0 : index
    %swap3A_7 = vector.load %arg3[%swap3A, %swap3A_6] : memref<2000x16xf32, #tpu.memory_space<vmem>>, vector<2000x16xf32>
    tpu.vector_store %arg3[%swap3A, %swap3A_6], %dot_general3A_5 {strides = array<i32>} : memref<2000x16xf32, #tpu.memory_space<vmem>>, vector<2000x16xf32>,
    return
  }
  func.func @transform_0(%arg0: i32) -> (i32, i32) {
    %c0_i32 = arith.constant 0 : i32
    %c0_i32_0 = arith.constant 0 : i32
    return %arg0, %c0_i32 : i32, i32
  }
  func.func @transform_1(%arg0: i32) -> (i32, i32) {
    %c0_i32 = arith.constant 0 : i32
    %c0_i32_0 = arith.constant 0 : i32
    %c0_i32_1 = arith.constant 0 : i32
    return %c0_i32, %c0_i32_0 : i32, i32
  }
  func.func @transform_2(%arg0: i32) -> (i32, i32) {
    %c0_i32 = arith.constant 0 : i32
    %c0_i32_0 = arith.constant 0 : i32
    return %arg0, %c0_i32 : i32, i32
  }
}

module attributes {stable_mosaic.version = 14 : i64} {
  func.func @body(%arg0: i32, %arg1: memref<2000x16xf32, #tpu.memory_space<vmem>>, %arg2: memref<16x40xf32, #tpu.memory_space<vmem>>, %arg3: memref<1x40xf32, #tpu.memory_space<vmem>>, %arg4: memref<2000x40xf32, #tpu.memory_space<vmem>>) attributes {dimension_semantics = [#tpu.dimension_semantics<arbitrary>], iteration_bounds = array<i64: 5>, scalar_prefetch = 0 : i64, scratch_operands = 0 : i64, tpu.core_type = #tpu.core_type<tc>, window_params = [{transform_indices = @transform_0, window_bounds = array<i64: 2000, 16>}, {pipeline_mode = #tpu.pipeline_mode<synchronous>, transform_indices = @transform_1, window_bounds = array<i64: 16, 40>}, {pipeline_mode = #tpu.pipeline_mode<synchronous>, transform_indices = @transform_2, window_bounds = array<i64: 1, 40>}, {transform_indices = @transform_3, window_bounds = array<i64: 2000, 40>}]} {
    %get3A = arith.constant 0 : index
    %get3A_0 = arith.constant 0 : index
    %get3A_1 = vector.load %arg1[%get3A, %get3A_0] : memref<2000x16xf32, #tpu.memory_space<vmem>>, vector<2000x16xf32>
    %get3A_2 = arith.constant 0 : index
    %get3A_3 = arith.constant 0 : index
    %get3A_4 = vector.load %arg2[%get3A_2, %get3A_3] : memref<16x40xf32, #tpu.memory_space<vmem>>, vector<16x40xf32>
    %dot_general3A = arith.constant dense<0.000000e+00> : vector<2000x40xf32>
    %dot_general3A_5 = tpu.matmul %get3A_1, %get3A_4, %dot_general3A {dimension_numbers = #tpu.dot_dimension_numbers<[1], [0], [0], [1], [0, 0, 1, 1], [], []>, transpose_lhs_hint = false} : vector<2000x16xf32>, vector<16x40xf32>, vector<2000x40xf32> -> vector<2000x40xf32>
    %get3A_6 = arith.constant 0 : index
    %get3A_7 = arith.constant 0 : index
    %get3A_8 = vector.load %arg3[%get3A_6, %get3A_7] : memref<1x40xf32, #tpu.memory_space<vmem>>, vector<1x40xf32>
    %add3A = vector.broadcast %get3A_8 : vector<1x40xf32> to vector<2000x40xf32>
    %add3A_9 = arith.addf %dot_general3A_5, %add3A : vector<2000x40xf32>
    %swap3A = arith.constant 0 : index
    %swap3A_10 = arith.constant 0 : index
    %swap3A_11 = vector.load %arg4[%swap3A, %swap3A_10] : memref<2000x40xf32, #tpu.memory_space<vmem>>, vector<2000x40xf32>
    tpu.vector_store %arg4[%swap3A, %swap3A_10], %add3A_9 {strides = array<i32>} : memref<2000x40xf32, #tpu.memory_space<vmem>>, vector<2000x40xf32>,
    return
  }
  func.func @transform_0(%arg0: i32) -> (i32, i32) {
    %c0_i32 = arith.constant 0 : i32
    %c0_i32_0 = arith.constant 0 : i32
    return %arg0, %c0_i32 : i32, i32
  }
  func.func @transform_1(%arg0: i32) -> (i32, i32) {
    %c0_i32 = arith.constant 0 : i32
    %c0_i32_0 = arith.constant 0 : i32
    %c0_i32_1 = arith.constant 0 : i32
    return %c0_i32, %c0_i32_0 : i32, i32
  }
  func.func @transform_2(%arg0: i32) -> (i32, i32) {
    %c0_i32 = arith.constant 0 : i32
    %c0_i32_0 = arith.constant 0 : i32
    %c0_i32_1 = arith.constant 0 : i32
    return %c0_i32, %c0_i32_0 : i32, i32
  }
  func.func @transform_3(%arg0: i32) -> (i32, i32) {
    %c0_i32 = arith.constant 0 : i32
    %c0_i32_0 = arith.constant 0 : i32
    return %arg0, %c0_i32 : i32, i32
  }
}

</mosaic_0001>

<sc_bundles>
// kernel: kernel.10.cloned.1.call-start
scs
__scs_entry_jumppad:
0x0: {  	(pc) =	sbr.rel $0x88, $3  }
0x1: {  	(tag) =	ssettag $0x0;
	lr =	simm.s32 $0x1  }
0x2: {  	[smem:$0x3F9B] =	sst lr;
	_ =	strace $0xD0000000  }
0x3: {  	_ = 	snop  }
0x4: {  	_ = 	snop  }
0x5: {  	_ = 	snop  }
0x6: {  	_ = 	snop  }
0x7: {  	_ = 	snop  }
__scs_overlays_trampoline_lowered:
0x8: {  	[smem:$0x3FAA] =	sst s0  }
0x9: {  	[smem:$0x3FAB] =	sst s1  }
0xa: {  	[smem:$0x3FAC] =	sst s2  }
0xb: {  	[smem:$0x3FAD] =	sst s3  }
0xc: {  	[smem:$0x3FAE] =	sst s4  }
0xd: {  	[smem:$0x3FAF] =	sst s5  }
0xe: {  	[smem:$0x3FB0] =	sst s6  }
0xf: {  	[smem:$0x3FB1] =	sst s7  }
0x10: {  	[smem:$0x3FB2] =	sst s8  }
0x11: {  	[smem:$0x3FB3] =	sst s9;
	s0 =	simm.s32 @!p0 $0x0  }
0x12: {  	s1 =	sld [smem:$0x3F99];
	s0 =	simm.s32 @p0 $0x1  }
0x13: {  	[smem:$0x3FB4] =	sst s0;
	s0 =	simm.s32 @!p1 $0x0  }
0x14: {  	s2 =	sld [smem:$0x3F98];
	s0 =	simm.s32 @p1 $0x1  }
0x15: {  	[smem:$0x3FB5] =	sst s0;
	s0 =	simm.s32 @!p2 $0x0  }
0x16: {  	s3 =	sld [smem:$0x3FDB];
	s0 =	simm.s32 @p2 $0x1  }
0x17: {  	s4 =	simm.s32 $0x1BF5;
	[smem:$0x3FB7] =	sst s0  }
0x18: {  	s0 =	sld [smem:$0x3F9A];
	_ =	swait.ge [sflag:s4], $0x0  }
0x19: {  	s7 =	sld [smem:$0x3F9B]  }
0x1a: {  	s8 =	sadd.s32 $0xFFFFE003, lr  }
0x1b: {  	s9 =	sadd.s32 $0xFFFFFEF7, lr;
	s5 =	simm.s32 $0xFFFFFFFF;
	p2 =	slt.u32 s8, $0xFFFFF086  }
0x1c: {  	p1 =	slt.u32 s9, $0xF7A;
	s5 =	simm.s32 @!p2 $0x0  }
0x1d: {  	s5 =	simm.s32 @p1 $0x1;
	p0 =	seq.s32 s7, s2  }
0x1e: {  	s7 =	smul.u32 @!p0 $0xF7A, s2;
	p2 =	seq.s32 @!p0 s5, $0x0  }
0x1f: {  	s9 =	smul.u32 $0xF7A, s1;
	s8 =	simm.s32 @!p0 $0x1BF5;
	p2 =	por !p2, p0  }
0x20: {  	[sflag:s8] =	ssyncset.s32 @!p0 $0xFFFFF086;
	s6 =	sadd.s32 @!p0 s3, s7;
	s7 =	simm.s32 @!p0 $0x108  }
0x21: {  	s3 =	sadd.s32 s3, s9;
	s6 =	sadd.s32 @!p0 $0x88, s6;
	s7 =	simm.s32 @p2 $0x1082  }
0x22: {  	[simem:s7], [sflag:s8] =	dma.local @!p0 [hbm:s6], $0xF7A  }
0x23: {  	s9 =	sor.u32 $0xD0000000, s2;
	s6 =	simm.s32 $0x108;
	_ =	swait.ge @!p0 [sflag:s8], $0x0  }
0x24: {  	s3 =	sadd.s32 $0x88, s3;
	s6 =	simm.s32 @!p1 $0x1082;
	[sflag:s4] =	ssyncset.s32 $0xFFFFF086  }
0x25: {  	[simem:s6], [sflag:s4] =	dma.local [hbm:s3], $0xF7A  }
0x26: {  	[smem:$0x3F9B] =	sst s1;
	(tag) =	ssettag s2;
	_ =	strace s9  }
0x27: {  	s1 =	sld [smem:$0x3FAB]  }
0x28: {  	s2 =	sld [smem:$0x3FAC]  }
0x29: {  	s4 =	sld [smem:$0x3FAE]  }
0x2a: {  	p0 =	seq.s32 s5, $0x0;
	s5 =	sld [smem:$0x3FAF]  }
0x2b: {  	s6 =	sld [smem:$0x3FB0]  }
0x2c: {  	s7 =	sld [smem:$0x3FB1]  }
0x2d: {  	s3 =	simm.s32 $0x108;
	s8 =	sld [smem:$0x3FB2]  }
0x2e: {  	s3 =	simm.s32 @!p0 $0x1082;
	s9 =	sld [smem:$0x3FB3]  }
0x2f: {  	lr =	sadd.s32 s0, s3;
	s0 =	sld [smem:$0x3FAA]  }
0x30: {  	s3 =	sld [smem:$0x3FAD]  }
0x31: {  	[smem:$0x3FB6] =	sst s10  }
0x32: {  	s10 =	sld [smem:$0x3FB4];
	_ =	sdelay $0x3  }
0x33: {  	p0 =	seq.s32 s10, $0x1;
	s10 =	sld [smem:$0x3FB6];
	_ =	sdelay $0x3  }
0x34: {  	[smem:$0x3FB6] =	sst s10  }
0x35: {  	s10 =	sld [smem:$0x3FB5];
	_ =	sdelay $0x3  }
0x36: {  	p1 =	seq.s32 s10, $0x1;
	s10 =	sld [smem:$0x3FB6];
	_ =	sdelay $0x3  }
0x37: {  	[smem:$0x3FB6] =	sst s10  }
0x38: {  	s10 =	sld [smem:$0x3FB7]  }
0x39: {  	_ = 	snop;
	(pc) =	sbr.ind lr, $3  }
0x3a: {  	_ = 	snop  }
0x3b: {  	_ = 	snop  }
0x3c: {  	p2 =	seq.s32 s10, $0x1;
	s10 =	sld [smem:$0x3FB6]  }
0x3d: {  	_ =	shalt  }
0x3e: {  	_ =	shalt  }
0x3f: {  	_ =	shalt  }
0x40: {  	_ =	shalt  }
0x41: {  	_ =	shalt  }
0x42: {  	_ =	shalt  }
0x43: {  	_ =	shalt  }
0x44: {  	_ =	shalt  }
0x45: {  	_ =	shalt  }
0x46: {  	_ =	shalt  }
0x47: {  	_ =	shalt  }
0x48: {  	_ =	shalt  }
0x49: {  	_ =	shalt  }
0x4a: {  	_ =	shalt  }
0x4b: {  	_ =	shalt  }
0x4c: {  	_ =	shalt  }
0x4d: {  	_ =	shalt  }
0x4e: {  	_ =	shalt  }
0x4f: {  	_ =	shalt  }
0x50: {  	_ =	shalt  }
0x51: {  	_ =	shalt  }
0x52: {  	_ =	shalt  }
0x53: {  	_ =	shalt  }
0x54: {  	_ =	shalt  }
0x55: {  	_ =	shalt  }
0x56: {  	_ =	shalt  }
0x57: {  	_ =	shalt  }
0x58: {  	_ =	shalt  }
0x59: {  	_ =	shalt  }
0x5a: {  	_ =	shalt  }
0x5b: {  	_ =	shalt  }
0x5c: {  	_ =	shalt  }
0x5d: {  	_ =	shalt  }
0x5e: {  	_ =	shalt  }
0x5f: {  	_ =	shalt  }
0x60: {  	_ =	shalt  }
0x61: {  	_ =	shalt  }
0x62: {  	_ =	shalt  }
0x63: {  	_ =	shalt  }
0x64: {  	_ =	shalt  }
0x65: {  	_ =	shalt  }
0x66: {  	_ =	shalt  }
0x67: {  	_ =	shalt  }
0x68: {  	_ =	shalt  }
0x69: {  	_ =	shalt  }
0x6a: {  	_ =	shalt  }
0x6b: {  	_ =	shalt  }
0x6c: {  	_ =	shalt  }
0x6d: {  	_ =	shalt  }
0x6e: {  	_ =	shalt  }
0x6f: {  	_ =	shalt  }
0x70: {  	_ =	shalt  }
0x71: {  	_ =	shalt  }
0x72: {  	_ =	shalt  }
0x73: {  	_ =	shalt  }
0x74: {  	_ =	shalt  }
0x75: {  	_ =	shalt  }
0x76: {  	_ =	shalt  }
0x77: {  	_ =	shalt  }
0x78: {  	_ =	shalt  }
0x79: {  	_ =	shalt  }
0x7a: {  	_ =	shalt  }
0x7b: {  	_ =	shalt  }
0x7c: {  	_ =	shalt  }
0x7d: {  	_ =	shalt  }
0x7e: {  	_ =	shalt  }
0x7f: {  	_ =	shalt  }
0x80: {  	_ =	shalt  }
0x81: {  	_ =	shalt  }
0x82: {  	_ =	shalt  }
0x83: {  	_ =	shalt  }
0x84: {  	_ =	shalt  }
0x85: {  	_ =	shalt  }
0x86: {  	_ =	shalt  }
0x87: {  	_ =	shalt  }
.Lfunc_end0:
.L_simem_size_0:
called_computation_lowered:
.L_overlay_start_0:
0x88: {  	s2 =	sld [smem:$0x3FD9]  }
0x89: {  	s3 =	sld [smem:$0x3FFE];
	_ =	sdelay $0x1  }
0x8a: {  	s1 =	srdreg.scid  }
0x8b: {  	s0 =	sand.u32 $0x1, s1  }
0x8c: {  	s16 =	sshll.u32 s0, $0xA;
	s2 =	sadd.s32 s3, s2  }
0x8d: {  	s2 =	sadd.s32 s2, s16  }
0x8e: {  	[smem:$0x3FC2] =	sst s2  }
0x8f: {  	_ = 	snop  }
0x90: {  	(tm) =	ssettm $0x1  }
0x91: {  	s17 =	sld [smem:$0x3FFB];
	_ =	sdelay $0x3  }
0x92: {  	_ =	strace s17  }
0x93: {  	s2 =	sld [smem:$0x3FFC];
	_ =	sdelay $0x3  }
0x94: {  	_ =	strace s2  }
0x95: {  	s2 =	sld [smem:$0x3FFD];
	_ =	sdelay $0x3  }
0x96: {  	_ =	strace s2  }
0x97: {  	_ =	strace $0x8FFFFFFF  }
0x98: {  	s18 =	sld [smem:$0x3FDB];
	_ =	sdelay $0x1  }
0x99: {  	s19 =	simm.s32 $_scs_section_size  }
0x9a: {  	s4 =	simm.s32 $_size__tile_overlayer_lowered;
	s5 =	simm.s32 $_tile_overlayer_lowered  }
0x9b: {  	s22 =	simm.s32 $0x1BFF;
	s21 =	sshll.u32 s5, $0x1;
	s2 =	sadd.s32 s19, s18  }
0x9c: {  	s6 =	simm.s32 $0x0;
	s20 =	sshll.u32 s4, $0x1;
	s4 =	sadd.s32 s21, s2  }
0x9d: {  	[timem:s6], [sflag:s22] =	dma.local [hbm:s4], s20  }
0x9e: {  	_ =	swait.ge [sflag:s22], s20  }
0x9f: {  	s3 =	ssub.s32 $0x0, s20;
	[sflag:s22] =	ssyncset.done $0x0  }
0xa0: {  	[sflag:s22] =	ssyncadd.s32 s3;
	_ =	sdelay $0x1  }
0xa1: {  	s23 =	simm.s32 $0x1B8B  }
0xa2: {  	_ =	swait.ge [sflag:s23], $0x1  }
0xa3: {  	[sflag:s23] =	ssyncset.done $0x0  }
0xa4: {  	s25 =	simm.s32 $0x1B8E;
	s24 =	sld [smem:$0x3FFE];
	[sflag:s23] =	ssyncadd.s32 $0xFFFFFFFF  }
0xa5: {  	s26 =	simm.s32 $execute0_lowered;
	[smem:$0x3FD2] =	sst s25  }
0xa6: {  	s4 =	sshll.u32 s26, $0x1;
	_ =	strace $0x80000046;
	[dreg:$0x1] =	wrdreg $0xFFFFFFFF  }
0xa7: {  	s28 =	simm.s32 $_size_execute0_lowered;
	s2 =	sadd.s32 s2, s4;
	[dreg:$0x0] =	wrdreg $0x0  }
0xa8: {  	s4 =	sshll.u32 s28, $0x1;
	[dreg:$0x2] =	wrdreg s2  }
0xa9: {  	[dreg:$0x3] =	wrdreg s4  }
0xaa: {  	[dreg:$0x4] =	wrdreg $0xC0  }
0xab: {  	_ =	task [dreg:s6], $0x5FFFF  }
0xac: {  	[dreg:$0x1] =	wrdreg $0xFFFFFFFF  }
0xad: {  	[dreg:$0x0] =	wrdreg $0x60  }
0xae: {  	[dreg:$0x2] =	wrdreg s24  }
0xaf: {  	[dreg:$0x3] =	wrdreg $0x2A800  }
0xb0: {  	[dreg:$0x4] =	wrdreg $0x9  }
0xb1: {  	_ =	task.clear_ibuf [dreg:s6], $0x5FFFF;
	_ =	strace $0x90000046  }
0xb2: {  	s29 =	simm.s32 $0x9;
	_ =	strace $0x80000048  }
0xb3: {  	_ =	swait.ge [sflag:s29], $0x1  }
0xb4: {  	[sflag:s29] =	ssyncadd.s32 $0xFFFFFFFF  }
0xb5: {  	_ =	strace $0x90000048  }
0xb6: {  	_ =	sfence  }
0xb7: {  	s30 =	sld [smem:$0x0];
	_ =	sdelay $0x2  }
0xb8: {  	s31 =	sshll.u32 s1, $0xD;
	s1 =	sshrl.u32 s1, $0x2  }
0xb9: {  	s3 =	sand.u32 $0x4000, s31;
	s1 =	sadd.s32 s1, s30  }
0xba: {  	s0 =	sor.u32 s3, s0;
	s1 =	sshll.u32 s1, $0x11  }
0xbb: {  	s0 =	sor.u32 s1, s0  }
0xbc: {  	s0 =	sadd.s32 $0x8F2B, s0  }
0xbd: {  	[sflag:s0] =	ssyncadd.remote.s32 $0x1  }
0xbe: {  	_ =	sfence.sel $0xFFFF  }
0xbf: {  	[dreg:$0x0] =	wrdreg $0xFFFFFFFF;
	(pc) =	sbr.abs _section_cstart, $3  }
0xc0: {  	[dreg:$0x1] =	wrdreg $0xFFFFFFFF  }
0xc1: {  	_ =	task.clear_ibuf [dreg:s6], $0x2FFFF;
	_ =	strace $0x9FFFFFFF  }
0xc2: {  	(tm) =	ssettm $0x7FFFFFFF  }
0xc3: {  	_ =	shalt  }
tec
execute0_lowered:
.L_overlay_start_1:
0x0: {  	(tag) =	ssettag $0x1  }
0x1: {  	s5 =	rddreg [dreg:$0x0];
	s1 =	srdreg.scid  }
0x2: {  	s0 =	stileid.u32;
	s2 =	rddreg [dreg:$0x1];
	s3 =	simm.s32 $0x0  }
0x3: {  	s13 =	simm.s32 $0x2780;
	s6 =	sand.u32 $0x1, s1;
	s1 =	rddreg [dreg:$0x2]  }
0x4: {  	s15 =	simm.s32 $0x0;
	s7 =	smul.u32 $0x280, s0;
	[smem:$0x7FF] =	sst s3  }
0x5: {  	s29 =	sadd.s32 $0x2A00, s5;
	s11 =	sshll.u32 s0, $0x4;
	s4 =	smul.u32 $0x2800, s6  }
0x6: {  	s8 =	sshll.u32 s6, $0x4;
	_ =	strace $0x80000047;
	s30 =	ssub.s32 $0x2, s6  }
0x7: {  	s14 =	sor.u32 s0, s8;
	s6 =	sshrl.u32 s30, $0x1;
	s8 =	sadd.s32 s11, s29  }
0x8: {  	s11 =	simm.s32 $0x2800;
	s4 =	sadd.s32 s7, s4;
	s10 =	smul.u32 $0x2700, s14  }
0x9: {  	s12 =	ssub.s32 s30, s6;
	s6 =	sadd.s32 s7, s2;
	s7 =	sadd.s32 $0x13840, s8  }
0xa: {  	p0 =	sgt.u32 s14, $0x3;
	s14 =	simm.s32 $0x1;
	s9 =	sshrl.u32 s4, $0x3  }
0xb: {  	s4 =	sadd.s32 $0x16400, s5;
	s9 =	sadd.s32 s9, s5;
	s10 =	sshrl.u32 s10, $0x3  }
0xc: {  	s31 =	sadd.s32 s29, s10;
	s8 =	sadd.s32 $0x16600, s9;
	s9 =	smax.u32 s12, $0x1  }
0xd: {  	v0 =	vimm.f32 $1.000000000e+00;
	s10 =	simm.s32 $0x2;
	s12 =	simm.s32 $0x80;
	s5 =	sadd.s32 $0x9C40, s31  }
.LBB2_1:
0xe: {  	[tilespmem:s3], [sflag:$0x2] =	stream.linear.gather [hbm4b:s5+s3], $0x2700, $0x38;
	[tilespmem:$0x2D00] =	vst v63  }
0xf: {  	_ =	swait.ge [sflag:s10], $0x2700  }
0x10: {  	[sflag:s10] =	ssyncset.done $0x0  }
0x11: {  	[sflag:s10] =	ssyncadd.s32 $0xFFFFD900  }
0x12: {  	[tilespmem:$0x2780] =	vst v0  }
0x13: {  	[tilespmem:$0x2790] =	vst v0  }
0x14: {  	[tilespmem:$0x27A0] =	vst v0  }
0x15: {  	[tilespmem:$0x27B0] =	vst v0  }
0x16: {  	[tilespmem:$0x27C0] =	vst v0  }
0x17: {  	[tilespmem:$0x27D0] =	vst v0  }
0x18: {  	[tilespmem:$0x27E0] =	vst v0  }
0x19: {  	[tilespmem:$0x27F0] =	vst v0  }
0x1a: {  	[tilespmem:s11], [sflag:$0x2] =	stream.linear.gather [hbm4b:s4+s3], $0x280, $0x38;
	[tilespmem:$0x2D00] =	vst v63  }
0x1b: {  	_ =	swait.ge [sflag:s10], $0x280  }
0x1c: {  	[sflag:s10] =	ssyncset.done $0x0  }
0x1d: {  	[sflag:s10] =	ssyncadd.s32 $0xFFFFFD80  }
0x1e: {  	[spmem:s6] =	stream.linear.scatter [tilespmem:s11], [sflag:$0x2], $0x280, $0x38;
	[tilespmem:$0x2D00] =	vst v63  }
0x1f: {  	_ =	swait.ge [sflag:s10], $0x280  }
0x20: {  	[sflag:s10] =	ssyncset.done $0x0  }
0x21: {  	[sflag:s10] =	ssyncadd.s32 $0xFFFFFD80  }
0x22: {  	s16 =	simm.s32 $0x200;
	s17 =	simm.s32 $0x0;
	[bflag:$0x0] =	sbarrier.arrive $0xFFFF  }
.LBB2_2:
0x23: {  	[spmem:s2] =	stream.indirect.scatter.add.f32 [tilespmem:s13], [sflag:$0x1], $0x1, s17, s12, $0xb8;
	[tilespmem:$0x2D00] =	vst v63  }
0x24: {  	s17 =	smov.u32 s16;
	p1 =	sne.s32 s16, $0x9A00  }
.Ltmp0:
0x25: {  	s16 =	sadd.s32 $0x200, s16;
	(pc) =	sbr.rel @p1 .LBB2_2-.Ltmp0, $2  }
0x26: {  	_ =	sdelay $0x2  }
0x27: {  	s17 =	sshra.s32 s17, $0x2  }
0x28: {  	[spmem:s2] =	stream.indirect.scatter.add.f32 [tilespmem:s13], [sflag:$0x1], $0x1, s17, s12, $0xb8;
	[tilespmem:$0x2D00] =	vst v63  }
0x29: {  	s16 =	simm.s32 @!p0 $0x0;
	s17 =	simm.s32 @!p0 $0x2700  }
0x2a: {  	[tilespmem:s17], [sflag:$0x2] =	stream.linear.gather @!p0 [hbm4b:s7+s16], $0x80, $0x38;
	[tilespmem:$0x2D00] =	vst v63  }
0x2b: {  	s16 =	simm.s32 @!p0 $0x2  }
0x2c: {  	_ =	swait.ge @!p0 [sflag:s16], $0x80  }
0x2d: {  	[sflag:s16] =	ssyncset.done @!p0 $0x0  }
0x2e: {  	s18 =	simm.s32 @!p0 $0x80;
	s19 =	simm.s32 @!p0 $0x2780;
	[sflag:s16] =	ssyncadd.s32 @!p0 $0xFFFFFF80  }
0x2f: {  	[spmem:s2] =	stream.indirect.scatter.add.f32 @!p0 [tilespmem:s19], [sflag:$0x2], $0x1, s17, s18, $0xb8;
	[tilespmem:$0x2D00] =	vst v63  }
0x30: {  	_ =	swait.ge @!p0 [sflag:s16], $0x80  }
0x31: {  	[sflag:s16] =	ssyncset.done @!p0 $0x0  }
0x32: {  	[sflag:s16] =	ssyncadd.s32 @!p0 $0xFFFFFF80  }
0x33: {  	_ =	swait.ge [sflag:s14], $0x80  }
0x34: {  	s16 =	simm.s32 $0x4D;
	[sflag:s14] =	ssyncset.done $0x0  }
.LBB2_4:
0x35: {  	p1 =	sne.s32 s16, $0x1;
	s16 =	sadd.s32 $0xFFFFFFFF, s16;
	[sflag:s14] =	ssyncadd.s32 $0xFFFFFF80  }
.Ltmp1:
0x36: {  	(pc) =	sbr.rel @p1 .LBB2_4-.Ltmp1, $3  }
0x37: {  	_ =	sdelay $0x1  }
0x38: {  	_ =	swait.ge [sflag:s14], $0x80  }
0x39: {  	[sflag:s14] =	ssyncset.done $0x0  }
0x3a: {  	[sflag:s14] =	ssyncadd.s32 $0xFFFFFF80  }
0x3b: {  	[bflag:$0x0] =	sbarrier.arrive $0xFFFF  }
0x3c: {  	[tilespmem:s11], [sflag:$0x2] =	stream.linear.gather [spmem:s6], $0x280, $0x38;
	[tilespmem:$0x2D00] =	vst v63  }
0x3d: {  	s15 =	sadd.s32 $0x1, s15;
	_ =	swait.ge [sflag:s10], $0x280  }
0x3e: {  	p1 =	sne.s32 s15, s9;
	[sflag:s10] =	ssyncset.done $0x0  }
.Ltmp2:
0x3f: {  	[sflag:s10] =	ssyncadd.s32 $0xFFFFFD80;
	(pc) =	sbr.rel @p1 .LBB2_1-.Ltmp2, $4  }
0x40: {  	[hbm4b:s8+s3] =	stream.linear.scatter [tilespmem:s11], [sflag:$0x2], $0x280, $0x38;
	[tilespmem:$0x2D00] =	vst v63  }
0x41: {  	_ =	swait.ge [sflag:s10], $0x280  }
0x42: {  	[sflag:s10] =	ssyncset.done $0x0  }
0x43: {  	[sflag:s10] =	ssyncadd.s32 $0xFFFFFD80  }
0x44: {  	_ =	sfence.sel $0x180000  }
0x45: {  	[bflag:$0x0] =	sbarrier.arrive $0xFFFF  }
0x46: {  	p0 =	sne.s32 s0, $0x0;
	_ =	strace $0x90000047  }
0x47: {  	s0 =	sadd.s32 @!p0 $0x100000, s1;
	[bflag:$0x2] =	sbarrier.arrive $0xFFFF  }
0x48: {  	[sflag:s0] =	ssyncadd.tile.s32 @!p0 $0x1;
	_ =	shalt  }
.Lfunc_end2:
_tile_overlayer_lowered:
.L_overlay_start_2:
0x49: {  	(tag) =	ssettag $0x2  }
0x4a: {  	s0 =	rddreg [dreg:$0x0];
	s2 =	stileid.u32  }
0x4b: {  	s1 =	rddreg [dreg:$0x1];
	p0 =	sne.s32 s2, $0x0  }
0x4c: {  	s3 =	rddreg [dreg:$0x2];
	[bflag:$0x3] =	sbarrier.arrive $0xFFFF;
	s2 =	simm.s32 @!p0 $0x1C02  }
0x4d: {  	[timem:s3], [sflag:s2] =	dma.local @!p0 [hbm:s0], s1  }
0x4e: {  	s0 =	simm.s32 @!p0 $0x2  }
0x4f: {  	_ =	swait.ge @!p0 [sflag:s0], s1  }
0x50: {  	s1 =	ssub.s32 @!p0 $0x0, s1;
	[sflag:s0] =	ssyncset.done @!p0 $0x0  }
0x51: {  	[sflag:s0] =	ssyncadd.s32 @!p0 s1  }
0x52: {  	[bflag:$0x3] =	sbarrier.arrive $0xFFFF  }
0x53: {  	_ =	shalt  }

// kernel: kernel.13.cloned.1.call-start
scs
__scs_entry_jumppad:
0x0: {  	(pc) =	sbr.rel $0x88, $3  }
0x1: {  	(tag) =	ssettag $0x0;
	lr =	simm.s32 $0x1  }
0x2: {  	[smem:$0x3F9B] =	sst lr;
	_ =	strace $0xD0000000  }
0x3: {  	_ = 	snop  }
0x4: {  	_ = 	snop  }
0x5: {  	_ = 	snop  }
0x6: {  	_ = 	snop  }
0x7: {  	_ = 	snop  }
__scs_overlays_trampoline_lowered:
0x8: {  	[smem:$0x3FAA] =	sst s0  }
0x9: {  	[smem:$0x3FAB] =	sst s1  }
0xa: {  	[smem:$0x3FAC] =	sst s2  }
0xb: {  	[smem:$0x3FAD] =	sst s3  }
0xc: {  	[smem:$0x3FAE] =	sst s4  }
0xd: {  	[smem:$0x3FAF] =	sst s5  }
0xe: {  	[smem:$0x3FB0] =	sst s6  }
0xf: {  	[smem:$0x3FB1] =	sst s7  }
0x10: {  	[smem:$0x3FB2] =	sst s8  }
0x11: {  	[smem:$0x3FB3] =	sst s9;
	s0 =	simm.s32 @!p0 $0x0  }
0x12: {  	s1 =	sld [smem:$0x3F99];
	s0 =	simm.s32 @p0 $0x1  }
0x13: {  	[smem:$0x3FB4] =	sst s0;
	s0 =	simm.s32 @!p1 $0x0  }
0x14: {  	s2 =	sld [smem:$0x3F98];
	s0 =	simm.s32 @p1 $0x1  }
0x15: {  	[smem:$0x3FB5] =	sst s0;
	s0 =	simm.s32 @!p2 $0x0  }
0x16: {  	s3 =	sld [smem:$0x3FDB];
	s0 =	simm.s32 @p2 $0x1  }
0x17: {  	s4 =	simm.s32 $0x1BF5;
	[smem:$0x3FB7] =	sst s0  }
0x18: {  	s0 =	sld [smem:$0x3F9A];
	_ =	swait.ge [sflag:s4], $0x0  }
0x19: {  	s7 =	sld [smem:$0x3F9B]  }
0x1a: {  	s8 =	sadd.s32 $0xFFFFE003, lr  }
0x1b: {  	s9 =	sadd.s32 $0xFFFFFEF7, lr;
	s5 =	simm.s32 $0xFFFFFFFF;
	p2 =	slt.u32 s8, $0xFFFFF086  }
0x1c: {  	p1 =	slt.u32 s9, $0xF7A;
	s5 =	simm.s32 @!p2 $0x0  }
0x1d: {  	s5 =	simm.s32 @p1 $0x1;
	p0 =	seq.s32 s7, s2  }
0x1e: {  	s7 =	smul.u32 @!p0 $0xF7A, s2;
	p2 =	seq.s32 @!p0 s5, $0x0  }
0x1f: {  	s9 =	smul.u32 $0xF7A, s1;
	s8 =	simm.s32 @!p0 $0x1BF5;
	p2 =	por !p2, p0  }
0x20: {  	[sflag:s8] =	ssyncset.s32 @!p0 $0xFFFFF086;
	s6 =	sadd.s32 @!p0 s3, s7;
	s7 =	simm.s32 @!p0 $0x108  }
0x21: {  	s3 =	sadd.s32 s3, s9;
	s6 =	sadd.s32 @!p0 $0x88, s6;
	s7 =	simm.s32 @p2 $0x1082  }
0x22: {  	[simem:s7], [sflag:s8] =	dma.local @!p0 [hbm:s6], $0xF7A  }
0x23: {  	s9 =	sor.u32 $0xD0000000, s2;
	s6 =	simm.s32 $0x108;
	_ =	swait.ge @!p0 [sflag:s8], $0x0  }
0x24: {  	s3 =	sadd.s32 $0x88, s3;
	s6 =	simm.s32 @!p1 $0x1082;
	[sflag:s4] =	ssyncset.s32 $0xFFFFF086  }
0x25: {  	[simem:s6], [sflag:s4] =	dma.local [hbm:s3], $0xF7A  }
0x26: {  	[smem:$0x3F9B] =	sst s1;
	(tag) =	ssettag s2;
	_ =	strace s9  }
0x27: {  	s1 =	sld [smem:$0x3FAB]  }
0x28: {  	s2 =	sld [smem:$0x3FAC]  }
0x29: {  	s4 =	sld [smem:$0x3FAE]  }
0x2a: {  	p0 =	seq.s32 s5, $0x0;
	s5 =	sld [smem:$0x3FAF]  }
0x2b: {  	s6 =	sld [smem:$0x3FB0]  }
0x2c: {  	s7 =	sld [smem:$0x3FB1]  }
0x2d: {  	s3 =	simm.s32 $0x108;
	s8 =	sld [smem:$0x3FB2]  }
0x2e: {  	s3 =	simm.s32 @!p0 $0x1082;
	s9 =	sld [smem:$0x3FB3]  }
0x2f: {  	lr =	sadd.s32 s0, s3;
	s0 =	sld [smem:$0x3FAA]  }
0x30: {  	s3 =	sld [smem:$0x3FAD]  }
0x31: {  	[smem:$0x3FB6] =	sst s10  }
0x32: {  	s10 =	sld [smem:$0x3FB4];
	_ =	sdelay $0x3  }
0x33: {  	p0 =	seq.s32 s10, $0x1;
	s10 =	sld [smem:$0x3FB6];
	_ =	sdelay $0x3  }
0x34: {  	[smem:$0x3FB6] =	sst s10  }
0x35: {  	s10 =	sld [smem:$0x3FB5];
	_ =	sdelay $0x3  }
0x36: {  	p1 =	seq.s32 s10, $0x1;
	s10 =	sld [smem:$0x3FB6];
	_ =	sdelay $0x3  }
0x37: {  	[smem:$0x3FB6] =	sst s10  }
0x38: {  	s10 =	sld [smem:$0x3FB7]  }
0x39: {  	_ = 	snop;
	(pc) =	sbr.ind lr, $3  }
0x3a: {  	_ = 	snop  }
0x3b: {  	_ = 	snop  }
0x3c: {  	p2 =	seq.s32 s10, $0x1;
	s10 =	sld [smem:$0x3FB6]  }
0x3d: {  	_ =	shalt  }
0x3e: {  	_ =	shalt  }
0x3f: {  	_ =	shalt  }
0x40: {  	_ =	shalt  }
0x41: {  	_ =	shalt  }
0x42: {  	_ =	shalt  }
0x43: {  	_ =	shalt  }
0x44: {  	_ =	shalt  }
0x45: {  	_ =	shalt  }
0x46: {  	_ =	shalt  }
0x47: {  	_ =	shalt  }
0x48: {  	_ =	shalt  }
0x49: {  	_ =	shalt  }
0x4a: {  	_ =	shalt  }
0x4b: {  	_ =	shalt  }
0x4c: {  	_ =	shalt  }
0x4d: {  	_ =	shalt  }
0x4e: {  	_ =	shalt  }
0x4f: {  	_ =	shalt  }
0x50: {  	_ =	shalt  }
0x51: {  	_ =	shalt  }
0x52: {  	_ =	shalt  }
0x53: {  	_ =	shalt  }
0x54: {  	_ =	shalt  }
0x55: {  	_ =	shalt  }
0x56: {  	_ =	shalt  }
0x57: {  	_ =	shalt  }
0x58: {  	_ =	shalt  }
0x59: {  	_ =	shalt  }
0x5a: {  	_ =	shalt  }
0x5b: {  	_ =	shalt  }
0x5c: {  	_ =	shalt  }
0x5d: {  	_ =	shalt  }
0x5e: {  	_ =	shalt  }
0x5f: {  	_ =	shalt  }
0x60: {  	_ =	shalt  }
0x61: {  	_ =	shalt  }
0x62: {  	_ =	shalt  }
0x63: {  	_ =	shalt  }
0x64: {  	_ =	shalt  }
0x65: {  	_ =	shalt  }
0x66: {  	_ =	shalt  }
0x67: {  	_ =	shalt  }
0x68: {  	_ =	shalt  }
0x69: {  	_ =	shalt  }
0x6a: {  	_ =	shalt  }
0x6b: {  	_ =	shalt  }
0x6c: {  	_ =	shalt  }
0x6d: {  	_ =	shalt  }
0x6e: {  	_ =	shalt  }
0x6f: {  	_ =	shalt  }
0x70: {  	_ =	shalt  }
0x71: {  	_ =	shalt  }
0x72: {  	_ =	shalt  }
0x73: {  	_ =	shalt  }
0x74: {  	_ =	shalt  }
0x75: {  	_ =	shalt  }
0x76: {  	_ =	shalt  }
0x77: {  	_ =	shalt  }
0x78: {  	_ =	shalt  }
0x79: {  	_ =	shalt  }
0x7a: {  	_ =	shalt  }
0x7b: {  	_ =	shalt  }
0x7c: {  	_ =	shalt  }
0x7d: {  	_ =	shalt  }
0x7e: {  	_ =	shalt  }
0x7f: {  	_ =	shalt  }
0x80: {  	_ =	shalt  }
0x81: {  	_ =	shalt  }
0x82: {  	_ =	shalt  }
0x83: {  	_ =	shalt  }
0x84: {  	_ =	shalt  }
0x85: {  	_ =	shalt  }
0x86: {  	_ =	shalt  }
0x87: {  	_ =	shalt  }
.Lfunc_end0:
.L_simem_size_0:
called_computation.1_lowered:
.L_overlay_start_0:
0x88: {  	s2 =	sld [smem:$0x3FD9]  }
0x89: {  	s3 =	sld [smem:$0x3FFE];
	_ =	sdelay $0x1  }
0x8a: {  	s1 =	srdreg.scid  }
0x8b: {  	s0 =	sand.u32 $0x1, s1  }
0x8c: {  	s17 =	sshll.u32 s0, $0xA;
	s2 =	sadd.s32 s3, s2  }
0x8d: {  	s2 =	sadd.s32 s2, s17  }
0x8e: {  	[smem:$0x3FC2] =	sst s2  }
0x8f: {  	_ = 	snop  }
0x90: {  	s2 =	sld [smem:$0x3FD0];
	(tm) =	ssettm $0x1  }
0x91: {  	s18 =	sld [smem:$0x3FFB];
	_ =	sdelay $0x3  }
0x92: {  	_ =	strace s18  }
0x93: {  	s3 =	sld [smem:$0x3FFC];
	_ =	sdelay $0x3  }
0x94: {  	_ =	strace s3  }
0x95: {  	s3 =	sld [smem:$0x3FFD];
	_ =	sdelay $0x3  }
0x96: {  	_ =	strace s3  }
0x97: {  	_ =	strace $0x8FFFFFFF  }
0x98: {  	s19 =	sld [smem:$0x3FDB];
	_ =	sdelay $0x1  }
0x99: {  	s4 =	simm.s32 $_scs_section_size  }
0x9a: {  	s5 =	simm.s32 $_size__tile_overlayer_lowered;
	s6 =	simm.s32 $_tile_overlayer_lowered  }
0x9b: {  	s22 =	simm.s32 $0x1BFF;
	s21 =	sshll.u32 s6, $0x1;
	s3 =	sadd.s32 s4, s19  }
0x9c: {  	s7 =	simm.s32 $0x0;
	s20 =	sshll.u32 s5, $0x1;
	s5 =	sadd.s32 s21, s3  }
0x9d: {  	[timem:s7], [sflag:s22] =	dma.local [hbm:s5], s20  }
0x9e: {  	_ =	swait.ge [sflag:s22], s20  }
0x9f: {  	s4 =	ssub.s32 $0x0, s20;
	[sflag:s22] =	ssyncset.done $0x0  }
0xa0: {  	[sflag:s22] =	ssyncadd.s32 s4;
	_ =	sdelay $0x1  }
0xa1: {  	s23 =	simm.s32 $0x1B8B  }
0xa2: {  	_ =	swait.ge [sflag:s23], $0x1  }
0xa3: {  	[sflag:s23] =	ssyncset.done $0x0  }
0xa4: {  	s25 =	simm.s32 $0x1B8E;
	s24 =	sld [smem:$0x3FFE];
	[sflag:s23] =	ssyncadd.s32 $0xFFFFFFFF  }
0xa5: {  	s26 =	simm.s32 $execute0_lowered;
	[smem:$0x3FD2] =	sst s25  }
0xa6: {  	s5 =	sshll.u32 s26, $0x1;
	_ =	strace $0x80000049;
	[dreg:$0x1] =	wrdreg $0xFFFFFFFF  }
0xa7: {  	s28 =	simm.s32 $_size_execute0_lowered;
	s3 =	sadd.s32 s3, s5;
	[dreg:$0x0] =	wrdreg $0x0  }
0xa8: {  	s5 =	sshll.u32 s28, $0x1;
	[dreg:$0x2] =	wrdreg s3  }
0xa9: {  	[dreg:$0x3] =	wrdreg s5  }
0xaa: {  	[dreg:$0x4] =	wrdreg $0xC0  }
0xab: {  	_ =	task [dreg:s7], $0x5FFFF  }
0xac: {  	[dreg:$0x1] =	wrdreg $0xFFFFFFFF  }
0xad: {  	[dreg:$0x0] =	wrdreg $0x60  }
0xae: {  	[dreg:$0x2] =	wrdreg s24  }
0xaf: {  	[dreg:$0x3] =	wrdreg s2  }
0xb0: {  	[dreg:$0x4] =	wrdreg $0x9  }
0xb1: {  	_ =	task.clear_ibuf [dreg:s7], $0x5FFFF;
	_ =	strace $0x90000049  }
0xb2: {  	s29 =	simm.s32 $0x9;
	_ =	strace $0x8000004B  }
0xb3: {  	_ =	swait.ge [sflag:s29], $0x1  }
0xb4: {  	[sflag:s29] =	ssyncadd.s32 $0xFFFFFFFF  }
0xb5: {  	_ =	strace $0x9000004B  }
0xb6: {  	_ =	sfence  }
0xb7: {  	s30 =	sld [smem:$0x0];
	_ =	sdelay $0x2  }
0xb8: {  	s31 =	sshll.u32 s1, $0xD;
	s1 =	sshrl.u32 s1, $0x2  }
0xb9: {  	s3 =	sand.u32 $0x4000, s31;
	s1 =	sadd.s32 s1, s30  }
0xba: {  	s0 =	sor.u32 s3, s0;
	s1 =	sshll.u32 s1, $0x11  }
0xbb: {  	s0 =	sor.u32 s1, s0  }
0xbc: {  	s0 =	sadd.s32 $0x8F2B, s0  }
0xbd: {  	[sflag:s0] =	ssyncadd.remote.s32 $0x1  }
0xbe: {  	_ =	sfence.sel $0xFFFF  }
0xbf: {  	[dreg:$0x0] =	wrdreg $0xFFFFFFFF;
	(pc) =	sbr.abs _section_cstart, $3  }
0xc0: {  	[dreg:$0x1] =	wrdreg $0xFFFFFFFF  }
0xc1: {  	_ =	task.clear_ibuf [dreg:s7], $0x2FFFF;
	_ =	strace $0x9FFFFFFF  }
0xc2: {  	(tm) =	ssettm $0x7FFFFFFF  }
0xc3: {  	_ =	shalt  }
tec
execute0_lowered:
.L_overlay_start_1:
0x0: {  	(tag) =	ssettag $0x1  }
0x1: {  	s4 =	rddreg [dreg:$0x0]  }
0x2: {  	s0 =	srdreg.scid;
	s5 =	rddreg [dreg:$0x1]  }
0x3: {  	s2 =	simm.s32 $0x0;
	s10 =	simm.s32 $0x1400;
	s3 =	sand.u32 $0x1, s0  }
0x4: {  	s11 =	simm.s32 $0x1540;
	s0 =	stileid.u32;
	s1 =	sshll.u32 s3, $0x4  }
0x5: {  	s12 =	simm.s32 $0x1680;
	s13 =	simm.s32 $0x0;
	s6 =	sor.u32 s0, s1  }
0x6: {  	[smem:$0x7FF] =	sst s2;
	s3 =	ssub.s32 $0x2, s3;
	s7 =	smul.u32 $0x140, s6  }
0x7: {  	s1 =	rddreg [dreg:$0x2];
	s31 =	sshrl.u32 s3, $0x1;
	s6 =	smul.u32 $0x280, s6  }
0x8: {  	_ =	strace $0x8000004A;
	s9 =	ssub.s32 s3, s31;
	s7 =	sshrl.u32 s7, $0x3  }
0x9: {  	s8 =	sadd.s32 s6, s4;
	s3 =	sadd.s32 s5, s6;
	s7 =	sadd.s32 s7, s4  }
0xa: {  	s6 =	sadd.s32 $0x17000, s8;
	s8 =	smax.u32 s9, $0x1;
	s9 =	simm.s32 $0x1  }
0xb: {  	s4 =	sadd.s32 $0x16600, s7;
	s5 =	sadd.s32 $0x16B00, s7;
	s7 =	sadd.s32 $0x1C000, s7  }
.LBB2_1:
0xc: {  	[tilespmem:s2], [sflag:$0x1] =	stream.linear.gather [hbm4b:s3+s2], $0x1400, $0x38;
	[tilespmem:$0x17C0] =	vst v63  }
0xd: {  	_ =	swait.ge [sflag:s9], $0x1400  }
0xe: {  	[sflag:s9] =	ssyncset.done $0x0  }
0xf: {  	[sflag:s9] =	ssyncadd.s32 $0xFFFFEC00  }
0x10: {  	[tilespmem:s10], [sflag:$0x1] =	stream.linear.gather [hbm4b:s4+s2], $0x140, $0x38;
	[tilespmem:$0x17C0] =	vst v63  }
0x11: {  	_ =	swait.ge [sflag:s9], $0x140  }
0x12: {  	[sflag:s9] =	ssyncset.done $0x0  }
0x13: {  	[sflag:s9] =	ssyncadd.s32 $0xFFFFFEC0  }
0x14: {  	[tilespmem:s11], [sflag:$0x1] =	stream.linear.gather [hbm4b:s5+s2], $0x140, $0x38;
	[tilespmem:$0x17C0] =	vst v63  }
0x15: {  	_ =	swait.ge [sflag:s9], $0x140  }
0x16: {  	[sflag:s9] =	ssyncset.done $0x0  }
0x17: {  	s15 =	simm.s32 $0x0;
	[sflag:s9] =	ssyncadd.s32 $0xFFFFFEC0  }
0x18: {  	v0 =	vld [tilespmem:s15+$0x1540]  }
0x19: {  	v1 =	vld [tilespmem:s15+$0x1400];
	_ =	sdelay $0x2  }
0x1a: {  	s14 =	simm.s32 $0x10  }
0x1b: {  	v2 =	vld [tilespmem:s14+$0x1540]  }
0x1c: {  	v0 =	vadd.f32 v0, v1;
	v1 =	vld [tilespmem:s14+$0x1400];
	_ =	sdelay $0x1  }
0x1d: {  	v0 =	vadd.f32 $1.000000000e+00, v0;
	_ =	sdelay $0x1  }
0x1e: {  	s16 =	simm.s32 $0x20;
	v3 =	vshrl.u32 v0, $0x1;
	v4 =	vmul.f32 $5.000000000e-01, v0  }
0x1f: {  	v5 =	vld [tilespmem:s16+$0x1400];
	v0 =	vsub.s32 $0x5F3759DF, v3;
	v1 =	vadd.f32 v2, v1  }
0x20: {  	v3 =	vld [tilespmem:s16+$0x1540];
	v2 =	vmul.f32 v0, v4  }
0x21: {  	v1 =	vadd.f32 $1.000000000e+00, v1  }
0x22: {  	v2 =	vmul.f32 v0, v2  }
0x23: {  	s17 =	simm.s32 $0x30;
	v6 =	vshrl.u32 v1, $0x1;
	v8 =	vmul.f32 $5.000000000e-01, v1  }
0x24: {  	v7 =	vld [tilespmem:s17+$0x1400];
	v1 =	vsub.f32 $1.500000000e+00, v2;
	v2 =	vsub.s32 $0x5F3759DF, v6  }
0x25: {  	v6 =	vld [tilespmem:s17+$0x1540];
	v3 =	vadd.f32 v3, v5;
	v5 =	vmul.f32 v2, v8  }
0x26: {  	s18 =	simm.s32 $0x40;
	v1 =	vmul.f32 v0, v1  }
0x27: {  	v10 =	vld [tilespmem:s18+$0x1540];
	v0 =	vadd.f32 $1.000000000e+00, v3;
	v3 =	vmul.f32 v2, v5  }
0x28: {  	v11 =	vld [tilespmem:s18+$0x1400];
	v5 =	vmul.f32 v1, v4  }
0x29: {  	v9 =	vshrl.u32 v0, $0x1;
	v0 =	vmul.f32 $5.000000000e-01, v0;
	v3 =	vsub.f32 $1.500000000e+00, v3  }
0x2a: {  	v9 =	vsub.s32 $0x5F3759DF, v9;
	v6 =	vadd.f32 v6, v7;
	v5 =	vmul.f32 v5, v1  }
0x2b: {  	v7 =	vmul.f32 v9, v0;
	v2 =	vmul.f32 v2, v3  }
0x2c: {  	v3 =	vsub.f32 $1.500000000e+00, v5;
	v5 =	vadd.f32 $1.000000000e+00, v6  }
0x2d: {  	v10 =	vadd.f32 v10, v11;
	v6 =	vmul.f32 v9, v7;
	v7 =	vmul.f32 v2, v8  }
0x2e: {  	v3 =	vmul.f32 v3, v1;
	v12 =	vshrl.u32 v5, $0x1;
	v1 =	vmul.f32 $5.000000000e-01, v5  }
0x2f: {  	s19 =	simm.s32 $0x50;
	v6 =	vsub.f32 $1.500000000e+00, v6;
	v5 =	vsub.s32 $0x5F3759DF, v12;
	v7 =	vmul.f32 v7, v2  }
0x30: {  	v13 =	vld [tilespmem:s19+$0x1400];
	v12 =	vmul.f32 v3, v4;
	v11 =	vmul.f32 v5, v1  }
0x31: {  	v10 =	vadd.f32 $1.000000000e+00, v10;
	v4 =	vmul.f32 v9, v6;
	v9 =	vld [tilespmem:s19+$0x1540];
	v6 =	vsub.f32 $1.500000000e+00, v7  }
0x32: {  	v7 =	vmul.f32 v12, v3;
	v11 =	vmul.f32 v5, v11  }
0x33: {  	v15 =	vshrl.u32 v10, $0x1;
	v14 =	vmul.f32 v4, v0;
	v2 =	vmul.f32 v6, v2  }
0x34: {  	v6 =	vmul.f32 $5.000000000e-01, v10;
	v7 =	vsub.f32 $1.500000000e+00, v7;
	v12 =	vsub.f32 $1.500000000e+00, v11  }
0x35: {  	s20 =	simm.s32 $0x60;
	s21 =	simm.s32 $0x1C0;
	v11 =	vsub.s32 $0x5F3759DF, v15;
	v10 =	vmul.f32 v14, v4;
	v8 =	vmul.f32 v2, v8  }
.LBB2_2:
0x36: {  	s22 =	sshra.s32 s21, $0x2;
	p0 =	sne.s32 s21, $0x4C0;
	s21 =	sadd.s32 $0x40, s21;
	v14 =	vadd.f32 v9, v13;
	v9 =	vld [tilespmem:s20+$0x1540];
	v15 =	vmul.f32 v11, v6;
	v12 =	vmul.f32 v5, v12;
	v16 =	vmovc v6  }
.Ltmp0:
0x37: {  	v5 =	vmovc v11;
	v13 =	vld [tilespmem:s20+$0x1400];
	v6 =	vsub.f32 $1.500000000e+00, v10;
	v8 =	vmul.f32 v8, v2;
	v10 =	vmul.f32 v7, v3;
	v3 =	vmovc v2;
	(pc) =	sbr.rel @p0 .LBB2_2-.Ltmp0, $4  }
0x38: {  	v11 =	vadd.f32 $1.000000000e+00, v14;
	v14 =	vmul.f32 v5, v15;
	v15 =	vmul.f32 v12, v1  }
0x39: {  	v2 =	vmul.f32 v6, v4;
	v7 =	vsub.f32 $1.500000000e+00, v8;
	[tilespmem:s15+$0x1680] =	vst v10;
	v4 =	vmov v12;
	s15 =	smov.u32 s14;
	s14 =	smov.u32 s16;
	s16 =	smov.u32 s17  }
0x3a: {  	s17 =	smov.u32 s18;
	s18 =	smov.u32 s19;
	s19 =	smov.u32 s20;
	v8 =	vshrl.u32 v11, $0x1;
	v6 =	vmul.f32 $5.000000000e-01, v11;
	v12 =	vsub.f32 $1.500000000e+00, v14  }
0x3b: {  	s20 =	smov.u32 s22;
	v10 =	vmul.f32 v15, v4;
	v11 =	vsub.s32 $0x5F3759DF, v8;
	v8 =	vmul.f32 v2, v0;
	v0 =	vmovc v1;
	v1 =	vmovc v16  }
0x3c: {  	v14 =	vld [tilespmem:s20+$0x1540]  }
0x3d: {  	v15 =	vld [tilespmem:s20+$0x1400];
	_ =	sdelay $0x3  }
0x3e: {  	v9 =	vadd.f32 v9, v13  }
0x3f: {  	v49 =	vadd.f32 v14, v15  }
0x40: {  	v9 =	vadd.f32 $1.000000000e+00, v9  }
0x41: {  	v13 =	vadd.f32 $1.000000000e+00, v49  }
0x42: {  	v50 =	vmul.f32 v11, v6;
	v51 =	vshrl.u32 v9, $0x1;
	v9 =	vmul.f32 $5.000000000e-01, v9  }
0x43: {  	v15 =	vsub.s32 $0x5F3759DF, v51;
	v16 =	vshrl.u32 v13, $0x1;
	v13 =	vmul.f32 $5.000000000e-01, v13  }
0x44: {  	v17 =	vmul.f32 v15, v9;
	v16 =	vsub.s32 $0x5F3759DF, v16  }
0x45: {  	v14 =	vmul.f32 v11, v50;
	v18 =	vmul.f32 v16, v13  }
0x46: {  	v17 =	vmul.f32 v15, v17  }
0x47: {  	v5 =	vmul.f32 v5, v12;
	v14 =	vsub.f32 $1.500000000e+00, v14;
	v52 =	vmul.f32 v16, v18  }
0x48: {  	v3 =	vmul.f32 v7, v3;
	v10 =	vsub.f32 $1.500000000e+00, v10;
	v54 =	vsub.f32 $1.500000000e+00, v17  }
0x49: {  	v55 =	vmul.f32 v5, v1;
	v53 =	vmul.f32 v11, v14;
	v12 =	vsub.f32 $1.500000000e+00, v52  }
0x4a: {  	v4 =	vmul.f32 v10, v4;
	v14 =	vmul.f32 v15, v54  }
0x4b: {  	v56 =	vmul.f32 v53, v6;
	v12 =	vmul.f32 v16, v12  }
0x4c: {  	v7 =	vmul.f32 v55, v5;
	v57 =	vmul.f32 v14, v9  }
0x4d: {  	v15 =	vmul.f32 v56, v53;
	v58 =	vmul.f32 v12, v13  }
0x4e: {  	v7 =	vsub.f32 $1.500000000e+00, v7;
	v16 =	vmul.f32 v57, v14  }
0x4f: {  	v0 =	vmul.f32 v4, v0;
	v15 =	vsub.f32 $1.500000000e+00, v15;
	v10 =	vmul.f32 v58, v12  }
0x50: {  	v8 =	vmul.f32 v8, v2;
	v5 =	vmul.f32 v7, v5;
	v60 =	vsub.f32 $1.500000000e+00, v16  }
0x51: {  	v0 =	vmul.f32 v0, v4;
	v59 =	vmul.f32 v15, v53;
	v10 =	vsub.f32 $1.500000000e+00, v10  }
0x52: {  	v1 =	vmul.f32 v5, v1;
	v11 =	vmul.f32 v60, v14  }
0x53: {  	v61 =	vmul.f32 v59, v6;
	v10 =	vmul.f32 v10, v12  }
0x54: {  	v8 =	vsub.f32 $1.500000000e+00, v8;
	v1 =	vmul.f32 v1, v5;
	v9 =	vmul.f32 v11, v9  }
0x55: {  	v0 =	vsub.f32 $1.500000000e+00, v0;
	v6 =	vmul.f32 v61, v59;
	v12 =	vmul.f32 v10, v13  }
0x56: {  	v2 =	vmul.f32 v8, v2;
	v1 =	vsub.f32 $1.500000000e+00, v1;
	v62 =	vmul.f32 v9, v11  }
0x57: {  	[tilespmem:s15+$0x1680] =	vst v3;
	v0 =	vmul.f32 v0, v4;
	v3 =	vsub.f32 $1.500000000e+00, v6;
	v63 =	vmul.f32 v12, v10  }
0x58: {  	[tilespmem:s14+$0x1680] =	vst v2;
	v1 =	vmul.f32 v1, v5;
	v2 =	vsub.f32 $1.500000000e+00, v62  }
0x59: {  	[tilespmem:s16+$0x1680] =	vst v0;
	v0 =	vmul.f32 v3, v59;
	v3 =	vsub.f32 $1.500000000e+00, v63  }
0x5a: {  	[tilespmem:s17+$0x1680] =	vst v1;
	v1 =	vmul.f32 v2, v11  }
0x5b: {  	[tilespmem:s18+$0x1680] =	vst v0;
	v0 =	vmul.f32 v3, v10  }
0x5c: {  	[tilespmem:s19+$0x1680] =	vst v1  }
0x5d: {  	s14 =	simm.s32 $0x80;
	[tilespmem:s20+$0x1680] =	vst v0  }
0x5e: {  	s15 =	simm.s32 $0x80;
	s16 =	simm.s32 $0x40;
	s17 =	simm.s32 $0x0;
	v0 =	vld [tilespmem:s14+$0xFFFFFFB0]  }
.LBB2_4:
0x5f: {  	p0 =	sne.s32 s16, $0x4C0;
	v1 =	vld [tilespmem:s17+$0x1680]  }
0x60: {  	v2 =	vld [tilespmem:s14+$0xFFFFFF90]  }
0x61: {  	v3 =	vld [tilespmem:s14+$0xFFFFFF80]  }
0x62: {  	v4 =	vld [tilespmem:s14+$0xFFFFFFA0]  }
0x63: {  	v5 =	vld [tilespmem:s14+$0xFFFFFFF0]  }
0x64: {  	v6 =	vbroadcast v1, $0x0;
	v7 =	vbroadcast v1, $0x1;
	v8 =	vld [tilespmem:s14+$0xFFFFFFD0]  }
0x65: {  	v9 =	vbroadcast v1, $0x2;
	v10 =	vbroadcast v1, $0x3;
	v11 =	vld [tilespmem:s14+$0xFFFFFFC0]  }
0x66: {  	v3 =	vmul.f32 v6, v3;
	v2 =	vmul.f32 v2, v7;
	v6 =	vld [tilespmem:s14+$0xFFFFFFE0]  }
0x67: {  	v0 =	vmul.f32 v0, v10;
	v4 =	vmul.f32 v4, v9;
	v7 =	vld [tilespmem:s14+$0x30]  }
0x68: {  	v9 =	vbroadcast v1, $0x5;
	[tilespmem:s14+$0xFFFFFF80] =	vst v3;
	v3 =	vbroadcast v1, $0x4;
	v10 =	vld [tilespmem:s14+$0x10]  }
0x69: {  	v12 =	vbroadcast v1, $0x7;
	[tilespmem:s14+$0xFFFFFF90] =	vst v2;
	v2 =	vbroadcast v1, $0x6;
	v13 =	vld [tilespmem:s14+$0x0]  }
0x6a: {  	[tilespmem:s14+$0xFFFFFFA0] =	vst v4;
	v3 =	vmul.f32 v11, v3;
	v4 =	vmul.f32 v8, v9;
	v8 =	vld [tilespmem:s14+$0x20]  }
0x6b: {  	[tilespmem:s14+$0xFFFFFFB0] =	vst v0;
	v0 =	vmul.f32 v6, v2;
	v2 =	vmul.f32 v5, v12;
	v5 =	vld [tilespmem:s14+$0x70]  }
0x6c: {  	v6 =	vbroadcast v1, $0x9;
	[tilespmem:s14+$0xFFFFFFC0] =	vst v3;
	v3 =	vbroadcast v1, $0x8;
	v9 =	vld [tilespmem:s14+$0x50]  }
0x6d: {  	v11 =	vbroadcast v1, $0xB;
	[tilespmem:s14+$0xFFFFFFD0] =	vst v4;
	v4 =	vbroadcast v1, $0xA;
	v12 =	vld [tilespmem:s14+$0x40]  }
0x6e: {  	[tilespmem:s14+$0xFFFFFFE0] =	vst v0;
	v0 =	vmul.f32 v13, v3;
	v3 =	vmul.f32 v10, v6;
	v6 =	vld [tilespmem:s14+$0x60]  }
0x6f: {  	[tilespmem:s14+$0xFFFFFFF0] =	vst v2;
	v2 =	vmul.f32 v8, v4;
	v4 =	vmul.f32 v7, v11  }
0x70: {  	v7 =	vbroadcast v1, $0xD;
	[tilespmem:s14+$0x0] =	vst v0;
	v0 =	vbroadcast v1, $0xC  }
0x71: {  	[tilespmem:s14+$0x10] =	vst v3;
	v3 =	vbroadcast v1, $0xE;
	v1 =	vbroadcast v1, $0xF  }
0x72: {  	[tilespmem:s14+$0x20] =	vst v2;
	v0 =	vmul.f32 v12, v0;
	v2 =	vmul.f32 v9, v7  }
.Ltmp1:
0x73: {  	[tilespmem:s14+$0x30] =	vst v4;
	v3 =	vmul.f32 v6, v3;
	v1 =	vmul.f32 v5, v1;
	(pc) =	sbr.rel @p0 .LBB2_4-.Ltmp1, $4  }
0x74: {  	[tilespmem:s14+$0x40] =	vst v0  }
0x75: {  	[tilespmem:s14+$0x50] =	vst v2  }
0x76: {  	s14 =	sadd.s32 $0x100, s14;
	[tilespmem:s15+$0x60] =	vst v3  }
0x77: {  	s17 =	sshra.s32 s16, $0x2;
	s16 =	sadd.s32 $0x40, s16;
	v0 =	vld [tilespmem:s14+$0xFFFFFFB0];
	[tilespmem:s15+$0x70] =	vst v1;
	s15 =	smov.u32 s14  }
0x78: {  	v1 =	vld [tilespmem:s17+$0x1680];
	_ =	sdelay $0x1  }
0x79: {  	v2 =	vld [tilespmem:s14+$0xFFFFFF80]  }
0x7a: {  	v3 =	vld [tilespmem:s14+$0xFFFFFF90]  }
0x7b: {  	v4 =	vld [tilespmem:s14+$0xFFFFFFA0]  }
0x7c: {  	v5 =	vbroadcast v1, $0x0  }
0x7d: {  	v8 =	vld [tilespmem:s14+$0xFFFFFFD0];
	v6 =	vbroadcast v1, $0x1  }
0x7e: {  	v43 =	vld [tilespmem:s14+$0xFFFFFFE0];
	v9 =	vbroadcast v1, $0x2;
	v2 =	vmul.f32 v5, v2  }
0x7f: {  	v47 =	vld [tilespmem:s14+$0x10];
	v42 =	vbroadcast v1, $0x3;
	v3 =	vmul.f32 v3, v6  }
0x80: {  	v7 =	vld [tilespmem:s14+$0xFFFFFFC0];
	v45 =	vbroadcast v1, $0x5;
	v4 =	vmul.f32 v4, v9;
	[tilespmem:s14+$0xFFFFFF80] =	vst v2  }
0x81: {  	v10 =	vld [tilespmem:s14+$0xFFFFFFF0];
	v11 =	vbroadcast v1, $0x6;
	v0 =	vmul.f32 v0, v42;
	[tilespmem:s14+$0xFFFFFF90] =	vst v3  }
0x82: {  	v49 =	vld [tilespmem:s14+$0x20];
	v52 =	vbroadcast v1, $0x9;
	v5 =	vmul.f32 v8, v45;
	[tilespmem:s14+$0xFFFFFFA0] =	vst v4  }
0x83: {  	v50 =	vld [tilespmem:s14+$0x30];
	v44 =	vbroadcast v1, $0x4;
	v6 =	vmul.f32 v43, v11;
	[tilespmem:s14+$0xFFFFFFB0] =	vst v0  }
0x84: {  	v46 =	vld [tilespmem:s14+$0x0];
	v48 =	vbroadcast v1, $0x7;
	v57 =	vmul.f32 v47, v52;
	[tilespmem:s14+$0xFFFFFFD0] =	vst v5  }
0x85: {  	v54 =	vld [tilespmem:s14+$0x50];
	v55 =	vbroadcast v1, $0xA;
	v2 =	vmul.f32 v7, v44;
	[tilespmem:s14+$0xFFFFFFE0] =	vst v6  }
0x86: {  	v53 =	vld [tilespmem:s14+$0x40];
	v56 =	vbroadcast v1, $0xB;
	v4 =	vmul.f32 v10, v48;
	[tilespmem:s14+$0x10] =	vst v57  }
0x87: {  	v58 =	vld [tilespmem:s14+$0x60];
	v51 =	vbroadcast v1, $0x8;
	v7 =	vmul.f32 v49, v55;
	[tilespmem:s14+$0xFFFFFFC0] =	vst v2  }
0x88: {  	v59 =	vld [tilespmem:s14+$0x70];
	v61 =	vbroadcast v1, $0xD;
	v0 =	vmul.f32 v50, v56;
	[tilespmem:s14+$0xFFFFFFF0] =	vst v4  }
0x89: {  	v60 =	vbroadcast v1, $0xC;
	v2 =	vmul.f32 v46, v51;
	[tilespmem:s14+$0x20] =	vst v7  }
0x8a: {  	v62 =	vbroadcast v1, $0xE;
	v3 =	vmul.f32 v54, v61;
	[tilespmem:s14+$0x30] =	vst v0  }
0x8b: {  	v1 =	vbroadcast v1, $0xF;
	[tilespmem:s14+$0x0] =	vst v2;
	v2 =	vmul.f32 v53, v60  }
0x8c: {  	v63 =	vmul.f32 v58, v62;
	[tilespmem:s14+$0x50] =	vst v3  }
0x8d: {  	v1 =	vmul.f32 v59, v1;
	[tilespmem:s14+$0x40] =	vst v2  }
0x8e: {  	[tilespmem:s15+$0x60] =	vst v63  }
0x8f: {  	[tilespmem:s15+$0x70] =	vst v1  }
0x90: {  	[hbm4b:s6+s2] =	stream.linear.scatter [tilespmem:s2], [sflag:$0x1], $0x1400, $0x38;
	[tilespmem:$0x17C0] =	vst v63  }
0x91: {  	s13 =	sadd.s32 $0x1, s13;
	_ =	swait.ge [sflag:s9], $0x1400  }
0x92: {  	p0 =	sne.s32 s13, s8;
	[sflag:s9] =	ssyncset.done $0x0  }
.Ltmp2:
0x93: {  	[sflag:s9] =	ssyncadd.s32 $0xFFFFEC00;
	(pc) =	sbr.rel @p0 .LBB2_1-.Ltmp2, $4  }
0x94: {  	[hbm4b:s7+s2] =	stream.linear.scatter [tilespmem:s12], [sflag:$0x1], $0x140, $0x38;
	[tilespmem:$0x17C0] =	vst v63  }
0x95: {  	_ =	swait.ge [sflag:s9], $0x140  }
0x96: {  	[sflag:s9] =	ssyncset.done $0x0  }
0x97: {  	[sflag:s9] =	ssyncadd.s32 $0xFFFFFEC0  }
0x98: {  	_ =	sfence.sel $0x180000  }
0x99: {  	[bflag:$0x0] =	sbarrier.arrive $0xFFFF  }
0x9a: {  	p0 =	sne.s32 s0, $0x0;
	_ =	strace $0x9000004A  }
0x9b: {  	s0 =	sadd.s32 @!p0 $0x100000, s1;
	[bflag:$0x2] =	sbarrier.arrive $0xFFFF  }
0x9c: {  	[sflag:s0] =	ssyncadd.tile.s32 @!p0 $0x1;
	_ =	shalt  }
.Lfunc_end2:
_tile_overlayer_lowered:
.L_overlay_start_2:
0x9d: {  	(tag) =	ssettag $0x2  }
0x9e: {  	s0 =	rddreg [dreg:$0x0];
	s2 =	stileid.u32  }
0x9f: {  	s1 =	rddreg [dreg:$0x1];
	p0 =	sne.s32 s2, $0x0  }
0xa0: {  	s3 =	rddreg [dreg:$0x2];
	[bflag:$0x3] =	sbarrier.arrive $0xFFFF;
	s2 =	simm.s32 @!p0 $0x1C01  }
0xa1: {  	[timem:s3], [sflag:s2] =	dma.local @!p0 [hbm:s0], s1  }
0xa2: {  	s0 =	simm.s32 @!p0 $0x1  }
0xa3: {  	_ =	swait.ge @!p0 [sflag:s0], s1  }
0xa4: {  	s1 =	ssub.s32 @!p0 $0x0, s1;
	[sflag:s0] =	ssyncset.done @!p0 $0x0  }
0xa5: {  	[sflag:s0] =	ssyncadd.s32 @!p0 s1  }
0xa6: {  	[bflag:$0x3] =	sbarrier.arrive $0xFFFF  }
0xa7: {  	_ =	shalt  }

// kernel: kernel.16.cloned.1.call-start
scs
__scs_entry_jumppad:
0x0: {  	(pc) =	sbr.rel $0x88, $3  }
0x1: {  	(tag) =	ssettag $0x0;
	lr =	simm.s32 $0x1  }
0x2: {  	[smem:$0x3F9B] =	sst lr;
	_ =	strace $0xD0000000  }
0x3: {  	_ = 	snop  }
0x4: {  	_ = 	snop  }
0x5: {  	_ = 	snop  }
0x6: {  	_ = 	snop  }
0x7: {  	_ = 	snop  }
__scs_overlays_trampoline_lowered:
0x8: {  	[smem:$0x3FAA] =	sst s0  }
0x9: {  	[smem:$0x3FAB] =	sst s1  }
0xa: {  	[smem:$0x3FAC] =	sst s2  }
0xb: {  	[smem:$0x3FAD] =	sst s3  }
0xc: {  	[smem:$0x3FAE] =	sst s4  }
0xd: {  	[smem:$0x3FAF] =	sst s5  }
0xe: {  	[smem:$0x3FB0] =	sst s6  }
0xf: {  	[smem:$0x3FB1] =	sst s7  }
0x10: {  	[smem:$0x3FB2] =	sst s8  }
0x11: {  	[smem:$0x3FB3] =	sst s9;
	s0 =	simm.s32 @!p0 $0x0  }
0x12: {  	s1 =	sld [smem:$0x3F99];
	s0 =	simm.s32 @p0 $0x1  }
0x13: {  	[smem:$0x3FB4] =	sst s0;
	s0 =	simm.s32 @!p1 $0x0  }
0x14: {  	s2 =	sld [smem:$0x3F98];
	s0 =	simm.s32 @p1 $0x1  }
0x15: {  	[smem:$0x3FB5] =	sst s0;
	s0 =	simm.s32 @!p2 $0x0  }
0x16: {  	s3 =	sld [smem:$0x3FDB];
	s0 =	simm.s32 @p2 $0x1  }
0x17: {  	s4 =	simm.s32 $0x1BF5;
	[smem:$0x3FB7] =	sst s0  }
0x18: {  	s0 =	sld [smem:$0x3F9A];
	_ =	swait.ge [sflag:s4], $0x0  }
0x19: {  	s7 =	sld [smem:$0x3F9B]  }
0x1a: {  	s8 =	sadd.s32 $0xFFFFE003, lr  }
0x1b: {  	s9 =	sadd.s32 $0xFFFFFEF7, lr;
	s5 =	simm.s32 $0xFFFFFFFF;
	p2 =	slt.u32 s8, $0xFFFFF086  }
0x1c: {  	p1 =	slt.u32 s9, $0xF7A;
	s5 =	simm.s32 @!p2 $0x0  }
0x1d: {  	s5 =	simm.s32 @p1 $0x1;
	p0 =	seq.s32 s7, s2  }
0x1e: {  	s7 =	smul.u32 @!p0 $0xF7A, s2;
	p2 =	seq.s32 @!p0 s5, $0x0  }
0x1f: {  	s9 =	smul.u32 $0xF7A, s1;
	s8 =	simm.s32 @!p0 $0x1BF5;
	p2 =	por !p2, p0  }
0x20: {  	[sflag:s8] =	ssyncset.s32 @!p0 $0xFFFFF086;
	s6 =	sadd.s32 @!p0 s3, s7;
	s7 =	simm.s32 @!p0 $0x108  }
0x21: {  	s3 =	sadd.s32 s3, s9;
	s6 =	sadd.s32 @!p0 $0x88, s6;
	s7 =	simm.s32 @p2 $0x1082  }
0x22: {  	[simem:s7], [sflag:s8] =	dma.local @!p0 [hbm:s6], $0xF7A  }
0x23: {  	s9 =	sor.u32 $0xD0000000, s2;
	s6 =	simm.s32 $0x108;
	_ =	swait.ge @!p0 [sflag:s8], $0x0  }
0x24: {  	s3 =	sadd.s32 $0x88, s3;
	s6 =	simm.s32 @!p1 $0x1082;
	[sflag:s4] =	ssyncset.s32 $0xFFFFF086  }
0x25: {  	[simem:s6], [sflag:s4] =	dma.local [hbm:s3], $0xF7A  }
0x26: {  	[smem:$0x3F9B] =	sst s1;
	(tag) =	ssettag s2;
	_ =	strace s9  }
0x27: {  	s1 =	sld [smem:$0x3FAB]  }
0x28: {  	s2 =	sld [smem:$0x3FAC]  }
0x29: {  	s4 =	sld [smem:$0x3FAE]  }
0x2a: {  	p0 =	seq.s32 s5, $0x0;
	s5 =	sld [smem:$0x3FAF]  }
0x2b: {  	s6 =	sld [smem:$0x3FB0]  }
0x2c: {  	s7 =	sld [smem:$0x3FB1]  }
0x2d: {  	s3 =	simm.s32 $0x108;
	s8 =	sld [smem:$0x3FB2]  }
0x2e: {  	s3 =	simm.s32 @!p0 $0x1082;
	s9 =	sld [smem:$0x3FB3]  }
0x2f: {  	lr =	sadd.s32 s0, s3;
	s0 =	sld [smem:$0x3FAA]  }
0x30: {  	s3 =	sld [smem:$0x3FAD]  }
0x31: {  	[smem:$0x3FB6] =	sst s10  }
0x32: {  	s10 =	sld [smem:$0x3FB4];
	_ =	sdelay $0x3  }
0x33: {  	p0 =	seq.s32 s10, $0x1;
	s10 =	sld [smem:$0x3FB6];
	_ =	sdelay $0x3  }
0x34: {  	[smem:$0x3FB6] =	sst s10  }
0x35: {  	s10 =	sld [smem:$0x3FB5];
	_ =	sdelay $0x3  }
0x36: {  	p1 =	seq.s32 s10, $0x1;
	s10 =	sld [smem:$0x3FB6];
	_ =	sdelay $0x3  }
0x37: {  	[smem:$0x3FB6] =	sst s10  }
0x38: {  	s10 =	sld [smem:$0x3FB7]  }
0x39: {  	_ = 	snop;
	(pc) =	sbr.ind lr, $3  }
0x3a: {  	_ = 	snop  }
0x3b: {  	_ = 	snop  }
0x3c: {  	p2 =	seq.s32 s10, $0x1;
	s10 =	sld [smem:$0x3FB6]  }
0x3d: {  	_ =	shalt  }
0x3e: {  	_ =	shalt  }
0x3f: {  	_ =	shalt  }
0x40: {  	_ =	shalt  }
0x41: {  	_ =	shalt  }
0x42: {  	_ =	shalt  }
0x43: {  	_ =	shalt  }
0x44: {  	_ =	shalt  }
0x45: {  	_ =	shalt  }
0x46: {  	_ =	shalt  }
0x47: {  	_ =	shalt  }
0x48: {  	_ =	shalt  }
0x49: {  	_ =	shalt  }
0x4a: {  	_ =	shalt  }
0x4b: {  	_ =	shalt  }
0x4c: {  	_ =	shalt  }
0x4d: {  	_ =	shalt  }
0x4e: {  	_ =	shalt  }
0x4f: {  	_ =	shalt  }
0x50: {  	_ =	shalt  }
0x51: {  	_ =	shalt  }
0x52: {  	_ =	shalt  }
0x53: {  	_ =	shalt  }
0x54: {  	_ =	shalt  }
0x55: {  	_ =	shalt  }
0x56: {  	_ =	shalt  }
0x57: {  	_ =	shalt  }
0x58: {  	_ =	shalt  }
0x59: {  	_ =	shalt  }
0x5a: {  	_ =	shalt  }
0x5b: {  	_ =	shalt  }
0x5c: {  	_ =	shalt  }
0x5d: {  	_ =	shalt  }
0x5e: {  	_ =	shalt  }
0x5f: {  	_ =	shalt  }
0x60: {  	_ =	shalt  }
0x61: {  	_ =	shalt  }
0x62: {  	_ =	shalt  }
0x63: {  	_ =	shalt  }
0x64: {  	_ =	shalt  }
0x65: {  	_ =	shalt  }
0x66: {  	_ =	shalt  }
0x67: {  	_ =	shalt  }
0x68: {  	_ =	shalt  }
0x69: {  	_ =	shalt  }
0x6a: {  	_ =	shalt  }
0x6b: {  	_ =	shalt  }
0x6c: {  	_ =	shalt  }
0x6d: {  	_ =	shalt  }
0x6e: {  	_ =	shalt  }
0x6f: {  	_ =	shalt  }
0x70: {  	_ =	shalt  }
0x71: {  	_ =	shalt  }
0x72: {  	_ =	shalt  }
0x73: {  	_ =	shalt  }
0x74: {  	_ =	shalt  }
0x75: {  	_ =	shalt  }
0x76: {  	_ =	shalt  }
0x77: {  	_ =	shalt  }
0x78: {  	_ =	shalt  }
0x79: {  	_ =	shalt  }
0x7a: {  	_ =	shalt  }
0x7b: {  	_ =	shalt  }
0x7c: {  	_ =	shalt  }
0x7d: {  	_ =	shalt  }
0x7e: {  	_ =	shalt  }
0x7f: {  	_ =	shalt  }
0x80: {  	_ =	shalt  }
0x81: {  	_ =	shalt  }
0x82: {  	_ =	shalt  }
0x83: {  	_ =	shalt  }
0x84: {  	_ =	shalt  }
0x85: {  	_ =	shalt  }
0x86: {  	_ =	shalt  }
0x87: {  	_ =	shalt  }
.Lfunc_end0:
.L_simem_size_0:
called_computation.2_lowered:
.L_overlay_start_0:
0x88: {  	s2 =	sld [smem:$0x3FD9]  }
0x89: {  	s3 =	sld [smem:$0x3FFE];
	_ =	sdelay $0x1  }
0x8a: {  	s1 =	srdreg.scid  }
0x8b: {  	s0 =	sand.u32 $0x1, s1  }
0x8c: {  	s17 =	sshll.u32 s0, $0xA;
	s2 =	sadd.s32 s3, s2  }
0x8d: {  	s2 =	sadd.s32 s2, s17  }
0x8e: {  	[smem:$0x3FC2] =	sst s2  }
0x8f: {  	_ = 	snop  }
0x90: {  	s2 =	sld [smem:$0x3FD0];
	(tm) =	ssettm $0x1  }
0x91: {  	s18 =	sld [smem:$0x3FFB];
	_ =	sdelay $0x3  }
0x92: {  	_ =	strace s18  }
0x93: {  	s3 =	sld [smem:$0x3FFC];
	_ =	sdelay $0x3  }
0x94: {  	_ =	strace s3  }
0x95: {  	s3 =	sld [smem:$0x3FFD];
	_ =	sdelay $0x3  }
0x96: {  	_ =	strace s3  }
0x97: {  	_ =	strace $0x8FFFFFFF  }
0x98: {  	s19 =	sld [smem:$0x3FDB];
	_ =	sdelay $0x1  }
0x99: {  	s4 =	simm.s32 $_scs_section_size  }
0x9a: {  	s5 =	simm.s32 $_size__tile_overlayer_lowered;
	s6 =	simm.s32 $_tile_overlayer_lowered  }
0x9b: {  	s22 =	simm.s32 $0x1BFF;
	s21 =	sshll.u32 s6, $0x1;
	s3 =	sadd.s32 s4, s19  }
0x9c: {  	s7 =	simm.s32 $0x0;
	s20 =	sshll.u32 s5, $0x1;
	s5 =	sadd.s32 s21, s3  }
0x9d: {  	[timem:s7], [sflag:s22] =	dma.local [hbm:s5], s20  }
0x9e: {  	_ =	swait.ge [sflag:s22], s20  }
0x9f: {  	s4 =	ssub.s32 $0x0, s20;
	[sflag:s22] =	ssyncset.done $0x0  }
0xa0: {  	[sflag:s22] =	ssyncadd.s32 s4;
	_ =	sdelay $0x1  }
0xa1: {  	s23 =	simm.s32 $0x1B8B  }
0xa2: {  	_ =	swait.ge [sflag:s23], $0x1  }
0xa3: {  	[sflag:s23] =	ssyncset.done $0x0  }
0xa4: {  	s25 =	simm.s32 $0x1B8E;
	s24 =	sld [smem:$0x3FFE];
	[sflag:s23] =	ssyncadd.s32 $0xFFFFFFFF  }
0xa5: {  	s26 =	simm.s32 $execute0_lowered;
	[smem:$0x3FD2] =	sst s25  }
0xa6: {  	s5 =	sshll.u32 s26, $0x1;
	_ =	strace $0x8000004C;
	[dreg:$0x1] =	wrdreg $0xFFFFFFFF  }
0xa7: {  	s28 =	simm.s32 $_size_execute0_lowered;
	s3 =	sadd.s32 s3, s5;
	[dreg:$0x0] =	wrdreg $0x0  }
0xa8: {  	s5 =	sshll.u32 s28, $0x1;
	[dreg:$0x2] =	wrdreg s3  }
0xa9: {  	[dreg:$0x3] =	wrdreg s5  }
0xaa: {  	[dreg:$0x4] =	wrdreg $0xC0  }
0xab: {  	_ =	task [dreg:s7], $0x5FFFF  }
0xac: {  	[dreg:$0x1] =	wrdreg $0xFFFFFFFF  }
0xad: {  	[dreg:$0x0] =	wrdreg $0x60  }
0xae: {  	[dreg:$0x2] =	wrdreg s24  }
0xaf: {  	[dreg:$0x3] =	wrdreg s2  }
0xb0: {  	[dreg:$0x4] =	wrdreg $0x87000  }
0xb1: {  	[dreg:$0x5] =	wrdreg $0x9  }
0xb2: {  	_ =	task.clear_ibuf [dreg:s7], $0x6FFFF;
	_ =	strace $0x9000004C  }
0xb3: {  	s29 =	simm.s32 $0x9;
	_ =	strace $0x8000004E  }
0xb4: {  	_ =	swait.ge [sflag:s29], $0x1  }
0xb5: {  	[sflag:s29] =	ssyncadd.s32 $0xFFFFFFFF  }
0xb6: {  	_ =	strace $0x9000004E  }
0xb7: {  	_ =	sfence  }
0xb8: {  	s30 =	sld [smem:$0x0];
	_ =	sdelay $0x2  }
0xb9: {  	s31 =	sshll.u32 s1, $0xD;
	s1 =	sshrl.u32 s1, $0x2  }
0xba: {  	s3 =	sand.u32 $0x4000, s31;
	s1 =	sadd.s32 s1, s30  }
0xbb: {  	s0 =	sor.u32 s3, s0;
	s1 =	sshll.u32 s1, $0x11  }
0xbc: {  	s0 =	sor.u32 s1, s0  }
0xbd: {  	s0 =	sadd.s32 $0x8F2B, s0  }
0xbe: {  	[sflag:s0] =	ssyncadd.remote.s32 $0x1  }
0xbf: {  	_ =	sfence.sel $0xFFFF  }
0xc0: {  	[dreg:$0x0] =	wrdreg $0xFFFFFFFF;
	(pc) =	sbr.abs _section_cstart, $3  }
0xc1: {  	[dreg:$0x1] =	wrdreg $0xFFFFFFFF  }
0xc2: {  	_ =	task.clear_ibuf [dreg:s7], $0x2FFFF;
	_ =	strace $0x9FFFFFFF  }
0xc3: {  	(tm) =	ssettm $0x7FFFFFFF  }
tec
execute0_lowered:
.L_overlay_start_1:
0x0: {  	(tag) =	ssettag $0x1  }
0x1: {  	s5 =	rddreg [dreg:$0x0]  }
0x2: {  	s11 =	rddreg [dreg:$0x1]  }
0x3: {  	s1 =	rddreg [dreg:$0x2]  }
0x4: {  	s2 =	srdreg.scid;
	s0 =	rddreg [dreg:$0x3]  }
0x5: {  	s3 =	simm.s32 $0x0;
	s15 =	simm.s32 $0x5F00;
	s16 =	simm.s32 $0x80  }
0x6: {  	s17 =	simm.s32 $0x4F00;
	s18 =	simm.s32 $0x5700;
	s19 =	simm.s32 $0x1  }
0x7: {  	s20 =	simm.s32 $0x2;
	s21 =	simm.s32 $0x3;
	s22 =	simm.s32 $0x4  }
0x8: {  	s24 =	simm.s32 $0x4D80;
	s25 =	simm.s32 $0x0;
	s6 =	sand.u32 $0x1, s2  }
0x9: {  	s2 =	stileid.u32;
	[smem:$0x7FF] =	sst s3;
	s9 =	sadd.s32 $0x2A00, s5  }
0xa: {  	s4 =	sshll.u32 s6, $0x4;
	_ =	strace $0x8000004D;
	s10 =	smul.u32 $0x2800, s2  }
0xb: {  	s8 =	ssub.s32 $0x2, s6;
	s13 =	smul.u32 $0x28000, s6;
	s14 =	sshll.u32 s2, $0x4  }
0xc: {  	s23 =	sor.u32 s2, s4;
	s4 =	sadd.s32 $0x17000, s5;
	s12 =	sshrl.u32 s8, $0x1  }
0xd: {  	s5 =	sadd.s32 $0x16400, s5;
	s31 =	sadd.s32 s14, s9;
	s14 =	simm.s32 $0x2700  }
0xe: {  	s7 =	smul.u32 $0x2700, s23;
	s12 =	ssub.s32 s8, s12;
	s13 =	sadd.s32 s10, s13  }
0xf: {  	s8 =	sadd.s32 s10, s1;
	s10 =	sadd.s32 $0x13840, s31;
	p0 =	sgt.u32 s23, $0x3  }
0x10: {  	s23 =	simm.s32 $0x4D00;
	s13 =	sshrl.u32 s13, $0x3;
	s7 =	sshrl.u32 s7, $0x3  }
0x11: {  	s12 =	smax.u32 s12, $0x1;
	s11 =	sadd.s32 s11, s13;
	s6 =	sadd.s32 s9, s7  }
0x12: {  	s13 =	simm.s32 $0x5;
	s9 =	sadd.s32 $0x9C00, s31;
	s7 =	sadd.s32 $0x9C40, s6  }
.LBB2_1:
0x13: {  	[tilespmem:s3], [sflag:$0x5] =	stream.linear.gather [hbm4b:s6+s3], $0x2700, $0x38;
	[tilespmem:$0xAF00] =	vst v63  }
0x14: {  	_ =	swait.ge [sflag:s13], $0x2700  }
0x15: {  	[sflag:s13] =	ssyncset.done $0x0  }
0x16: {  	[sflag:s13] =	ssyncadd.s32 $0xFFFFD900  }
0x17: {  	[tilespmem:s14], [sflag:$0x5] =	stream.linear.gather [hbm4b:s7+s3], $0x2700, $0x38;
	[tilespmem:$0xAF00] =	vst v63  }
0x18: {  	_ =	swait.ge [sflag:s13], $0x2700  }
0x19: {  	[sflag:s13] =	ssyncset.done $0x0  }
0x1a: {  	[sflag:s13] =	ssyncadd.s32 $0xFFFFD900  }
0x1b: {  	[tilespmem:s15], [sflag:$0x5] =	stream.linear.gather [hbm4b:s5+s3], $0x2800, $0x38;
	[tilespmem:$0xAF00] =	vst v63  }
0x1c: {  	_ =	swait.ge [sflag:s13], $0x2800  }
0x1d: {  	[sflag:s13] =	ssyncset.done $0x0  }
0x1e: {  	[sflag:s13] =	ssyncadd.s32 $0xFFFFD800  }
0x1f: {  	[spmem:s8] =	stream.linear.scatter [tilespmem:s15], [sflag:$0x5], $0x2800, $0x38;
	[tilespmem:$0xAF00] =	vst v63  }
0x20: {  	_ =	swait.ge [sflag:s13], $0x2800  }
0x21: {  	[sflag:s13] =	ssyncset.done $0x0  }
0x22: {  	[sflag:s13] =	ssyncadd.s32 $0xFFFFD800  }
0x23: {  	[bflag:$0x0] =	sbarrier.arrive $0xFFFF  }
0x24: {  	[tilespmem:s17], [sflag:$0x1] =	stream.indirect.gather [hbm4b:s4+s16], $0x10, s3, s16, $0xb8;
	[tilespmem:$0xAF00] =	vst v63  }
0x25: {  	_ = 	snop  }
0x26: {  	[tilespmem:s18], [sflag:$0x2] =	stream.indirect.gather [hbm4b:s4+s16], $0x10, s16, s16, $0xb8;
	[tilespmem:$0xAF00] =	vst v63  }
0x27: {  	_ =	swait.ge [sflag:s19], $0x800  }
0x28: {  	[sflag:s19] =	ssyncset.done $0x0  }
0x29: {  	s26 =	simm.s32 $0x2700;
	[sflag:s19] =	ssyncadd.s32 $0xFFFFF800  }
0x2a: {  	[spmem:s1] =	stream.indirect.scatter.add.f32 [tilespmem:s17], [sflag:$0x3], $0x10, s26, s16, $0xb8;
	[tilespmem:$0xAF00] =	vst v63  }
0x2b: {  	_ =	swait.ge [sflag:s20], $0x800  }
0x2c: {  	[sflag:s20] =	ssyncset.done $0x0  }
0x2d: {  	s30 =	simm.s32 $0x2780;
	[sflag:s20] =	ssyncadd.s32 $0xFFFFF800  }
0x2e: {  	[spmem:s1] =	stream.indirect.scatter.add.f32 [tilespmem:s18], [sflag:$0x4], $0x10, s30, s16, $0xb8;
	[tilespmem:$0xAF00] =	vst v63  }
0x2f: {  	_ =	swait.ge [sflag:s21], $0x800  }
0x30: {  	[sflag:s21] =	ssyncset.done $0x0  }
0x31: {  	s31 =	simm.s32 $0x100;
	[sflag:s21] =	ssyncadd.s32 $0xFFFFF800  }
0x32: {  	[tilespmem:s17], [sflag:$0x1] =	stream.indirect.gather [hbm4b:s4+s16], $0x10, s31, s16, $0xb8;
	[tilespmem:$0xAF00] =	vst v63  }
0x33: {  	_ =	swait.ge [sflag:s22], $0x800  }
0x34: {  	[sflag:s22] =	ssyncset.done $0x0  }
0x35: {  	s28 =	simm.s32 $0x180;
	s26 =	simm.s32 $0x400;
	[sflag:s22] =	ssyncadd.s32 $0xFFFFF800  }
.LBB2_2:
0x36: {  	[tilespmem:s18], [sflag:$0x2] =	stream.indirect.gather [hbm4b:s4+s16], $0x10, s28, s16, $0xb8;
	[tilespmem:$0xAF00] =	vst v63  }
0x37: {  	s28 =	smov.u32 s26  }
0x38: {  	p1 =	sne.s32 s26, $0x9400;
	s26 =	sadd.s32 $0x400, s26;
	_ =	swait.ge [sflag:s19], $0x800  }
0x39: {  	s28 =	sshra.s32 s28, $0x2;
	[sflag:s19] =	ssyncset.done $0x0  }
0x3a: {  	s29 =	sadd.s32 $0x2700, s28;
	[sflag:s19] =	ssyncadd.s32 $0xFFFFF800  }
0x3b: {  	[spmem:s1] =	stream.indirect.scatter.add.f32 [tilespmem:s17], [sflag:$0x3], $0x10, s29, s16, $0xb8;
	[tilespmem:$0xAF00] =	vst v63  }
0x3c: {  	_ =	swait.ge [sflag:s20], $0x800  }
0x3d: {  	[sflag:s20] =	ssyncset.done $0x0  }
0x3e: {  	s29 =	sadd.s32 $0x2780, s28;
	[sflag:s20] =	ssyncadd.s32 $0xFFFFF800  }
0x3f: {  	[spmem:s1] =	stream.indirect.scatter.add.f32 [tilespmem:s18], [sflag:$0x4], $0x10, s29, s16, $0xb8;
	[tilespmem:$0xAF00] =	vst v63  }
0x40: {  	_ =	swait.ge [sflag:s21], $0x800  }
0x41: {  	[sflag:s21] =	ssyncset.done $0x0  }
.Ltmp0:
0x42: {  	s29 =	sadd.s32 $0x100, s28;
	[sflag:s21] =	ssyncadd.s32 $0xFFFFF800;
	(pc) =	sbr.rel @p1 .LBB2_2-.Ltmp0, $4  }
0x43: {  	[tilespmem:s17], [sflag:$0x1] =	stream.indirect.gather [hbm4b:s4+s16], $0x10, s29, s16, $0xb8;
	[tilespmem:$0xAF00] =	vst v63  }
0x44: {  	_ =	swait.ge [sflag:s22], $0x800  }
0x45: {  	[sflag:s22] =	ssyncset.done $0x0  }
0x46: {  	s28 =	sadd.s32 $0x180, s28;
	[sflag:s22] =	ssyncadd.s32 $0xFFFFF800  }
0x47: {  	[tilespmem:s18], [sflag:$0x2] =	stream.indirect.gather [hbm4b:s4+s16], $0x10, s28, s16, $0xb8;
	[tilespmem:$0xAF00] =	vst v63  }
0x48: {  	_ =	swait.ge [sflag:s19], $0x800  }
0x49: {  	[sflag:s19] =	ssyncset.done $0x0  }
0x4a: {  	[sflag:s19] =	ssyncadd.s32 $0xFFFFF800  }
0x4b: {  	[spmem:s1] =	stream.indirect.scatter.add.f32 [tilespmem:s17], [sflag:$0x3], $0x10, s23, s16, $0xb8;
	[tilespmem:$0xAF00] =	vst v63  }
0x4c: {  	_ =	swait.ge [sflag:s20], $0x800  }
0x4d: {  	[sflag:s20] =	ssyncset.done $0x0  }
0x4e: {  	[sflag:s20] =	ssyncadd.s32 $0xFFFFF800  }
0x4f: {  	[spmem:s1] =	stream.indirect.scatter.add.f32 [tilespmem:s18], [sflag:$0x4], $0x10, s24, s16, $0xb8;
	[tilespmem:$0xAF00] =	vst v63  }
0x50: {  	_ =	swait.ge [sflag:s21], $0x800  }
0x51: {  	[sflag:s21] =	ssyncset.done $0x0  }
0x52: {  	[sflag:s21] =	ssyncadd.s32 $0xFFFFF800  }
0x53: {  	[tilespmem:s17], [sflag:$0x1] =	stream.indirect.gather [hbm4b:s4+s16], $0x10, s3, s16, $0xb8;
	[tilespmem:$0xAF00] =	vst v63  }
0x54: {  	_ =	swait.ge [sflag:s22], $0x800  }
0x55: {  	[sflag:s22] =	ssyncset.done $0x0  }
0x56: {  	[sflag:s22] =	ssyncadd.s32 $0xFFFFF800  }
0x57: {  	[tilespmem:s18], [sflag:$0x2] =	stream.indirect.gather [hbm4b:s4+s16], $0x10, s16, s16, $0xb8;
	[tilespmem:$0xAF00] =	vst v63  }
0x58: {  	_ =	swait.ge [sflag:s19], $0x800  }
0x59: {  	[sflag:s19] =	ssyncset.done $0x0  }
0x5a: {  	[sflag:s19] =	ssyncadd.s32 $0xFFFFF800  }
0x5b: {  	_ =	swait.ge [sflag:s20], $0x800  }
0x5c: {  	s26 =	simm.s32 @!p0 $0x0;
	[sflag:s20] =	ssyncset.done $0x0  }
0x5d: {  	s28 =	simm.s32 @!p0 $0x4E00;
	s29 =	simm.s32 @!p0 $0x5;
	[sflag:s20] =	ssyncadd.s32 $0xFFFFF800  }
0x5e: {  	[tilespmem:s28], [sflag:$0x5] =	stream.linear.gather @!p0 [hbm4b:s9+s26], $0x80, $0x38;
	[tilespmem:$0xAF00] =	vst v63  }
0x5f: {  	_ =	swait.ge @!p0 [sflag:s29], $0x80  }
0x60: {  	[sflag:s29] =	ssyncset.done @!p0 $0x0  }
0x61: {  	s30 =	simm.s32 @!p0 $0x4E80;
	[sflag:s29] =	ssyncadd.s32 @!p0 $0xFFFFFF80  }
0x62: {  	[tilespmem:s30], [sflag:$0x5] =	stream.linear.gather @!p0 [hbm4b:s10+s26], $0x80, $0x38;
	[tilespmem:$0xAF00] =	vst v63  }
0x63: {  	_ =	swait.ge @!p0 [sflag:s29], $0x80  }
0x64: {  	[sflag:s29] =	ssyncset.done @!p0 $0x0  }
0x65: {  	s31 =	simm.s32 @!p0 $0x4F00;
	s26 =	simm.s32 @!p0 $0x80;
	[sflag:s29] =	ssyncadd.s32 @!p0 $0xFFFFFF80  }
0x66: {  	[tilespmem:s31], [sflag:$0x5] =	stream.indirect.gather @!p0 [hbm4b:s4+s26], $0x10, s28, s26, $0xb8;
	[tilespmem:$0xAF00] =	vst v63  }
0x67: {  	_ =	swait.ge @!p0 [sflag:s29], $0x800  }
0x68: {  	[sflag:s29] =	ssyncset.done @!p0 $0x0  }
0x69: {  	[sflag:s29] =	ssyncadd.s32 @!p0 $0xFFFFF800  }
0x6a: {  	[spmem:s1] =	stream.indirect.scatter.add.f32 @!p0 [tilespmem:s31], [sflag:$0x5], $0x10, s30, s26, $0xb8;
	[tilespmem:$0xAF00] =	vst v63  }
0x6b: {  	_ =	swait.ge @!p0 [sflag:s29], $0x800  }
0x6c: {  	[sflag:s29] =	ssyncset.done @!p0 $0x0  }
0x6d: {  	[sflag:s29] =	ssyncadd.s32 @!p0 $0xFFFFF800  }
0x6e: {  	[bflag:$0x0] =	sbarrier.arrive $0xFFFF  }
0x6f: {  	[tilespmem:s15], [sflag:$0x5] =	stream.linear.gather [spmem:s8], $0x2800, $0x38;
	[tilespmem:$0xAF00] =	vst v63  }
0x70: {  	s25 =	sadd.s32 $0x1, s25;
	_ =	swait.ge [sflag:s13], $0x2800  }
0x71: {  	p1 =	sne.s32 s25, s12;
	[sflag:s13] =	ssyncset.done $0x0  }
.Ltmp1:
0x72: {  	[sflag:s13] =	ssyncadd.s32 $0xFFFFD800;
	(pc) =	sbr.rel @p1 .LBB2_1-.Ltmp1, $4  }
0x73: {  	[hbm4b:s11+s3] =	stream.linear.scatter [tilespmem:s15], [sflag:$0x5], $0x2800, $0x38;
	[tilespmem:$0xAF00] =	vst v63  }
0x74: {  	_ =	swait.ge [sflag:s13], $0x2800  }
0x75: {  	[sflag:s13] =	ssyncset.done $0x0  }
0x76: {  	[sflag:s13] =	ssyncadd.s32 $0xFFFFD800  }
0x77: {  	_ =	sfence.sel $0x180000  }
0x78: {  	[bflag:$0x0] =	sbarrier.arrive $0xFFFF  }
0x79: {  	p0 =	sne.s32 s2, $0x0;
	_ =	strace $0x9000004D  }
0x7a: {  	s0 =	sadd.s32 @!p0 $0x100000, s0;
	[bflag:$0x2] =	sbarrier.arrive $0xFFFF  }
0x7b: {  	[sflag:s0] =	ssyncadd.tile.s32 @!p0 $0x1;
	_ =	shalt  }
.Lfunc_end2:
_tile_overlayer_lowered:
.L_overlay_start_2:
0x7c: {  	(tag) =	ssettag $0x2  }
0x7d: {  	s0 =	rddreg [dreg:$0x0];
	s2 =	stileid.u32  }
0x7e: {  	s1 =	rddreg [dreg:$0x1];
	p0 =	sne.s32 s2, $0x0  }
0x7f: {  	s3 =	rddreg [dreg:$0x2];
	[bflag:$0x3] =	sbarrier.arrive $0xFFFF;
	s2 =	simm.s32 @!p0 $0x1C05  }
0x80: {  	[timem:s3], [sflag:s2] =	dma.local @!p0 [hbm:s0], s1  }
0x81: {  	s0 =	simm.s32 @!p0 $0x5  }
0x82: {  	_ =	swait.ge @!p0 [sflag:s0], s1  }
0x83: {  	s1 =	ssub.s32 @!p0 $0x0, s1;
	[sflag:s0] =	ssyncset.done @!p0 $0x0  }
0x84: {  	[sflag:s0] =	ssyncadd.s32 @!p0 s1  }
0x85: {  	[bflag:$0x3] =	sbarrier.arrive $0xFFFF  }
0x86: {  	_ =	shalt  }

// kernel: kernel.19.cloned.1.call-start
scs
__scs_entry_jumppad:
0x0: {  	(pc) =	sbr.rel $0x88, $3  }
0x1: {  	(tag) =	ssettag $0x0;
	lr =	simm.s32 $0x1  }
0x2: {  	[smem:$0x3F9B] =	sst lr;
	_ =	strace $0xD0000000  }
0x3: {  	_ = 	snop  }
0x4: {  	_ = 	snop  }
0x5: {  	_ = 	snop  }
0x6: {  	_ = 	snop  }
0x7: {  	_ = 	snop  }
__scs_overlays_trampoline_lowered:
0x8: {  	[smem:$0x3FAA] =	sst s0  }
0x9: {  	[smem:$0x3FAB] =	sst s1  }
0xa: {  	[smem:$0x3FAC] =	sst s2  }
0xb: {  	[smem:$0x3FAD] =	sst s3  }
0xc: {  	[smem:$0x3FAE] =	sst s4  }
0xd: {  	[smem:$0x3FAF] =	sst s5  }
0xe: {  	[smem:$0x3FB0] =	sst s6  }
0xf: {  	[smem:$0x3FB1] =	sst s7  }
0x10: {  	[smem:$0x3FB2] =	sst s8  }
0x11: {  	[smem:$0x3FB3] =	sst s9;
	s0 =	simm.s32 @!p0 $0x0  }
0x12: {  	s1 =	sld [smem:$0x3F99];
	s0 =	simm.s32 @p0 $0x1  }
0x13: {  	[smem:$0x3FB4] =	sst s0;
	s0 =	simm.s32 @!p1 $0x0  }
0x14: {  	s2 =	sld [smem:$0x3F98];
	s0 =	simm.s32 @p1 $0x1  }
0x15: {  	[smem:$0x3FB5] =	sst s0;
	s0 =	simm.s32 @!p2 $0x0  }
0x16: {  	s3 =	sld [smem:$0x3FDB];
	s0 =	simm.s32 @p2 $0x1  }
0x17: {  	s4 =	simm.s32 $0x1BF5;
	[smem:$0x3FB7] =	sst s0  }
0x18: {  	s0 =	sld [smem:$0x3F9A];
	_ =	swait.ge [sflag:s4], $0x0  }
0x19: {  	s7 =	sld [smem:$0x3F9B]  }
0x1a: {  	s8 =	sadd.s32 $0xFFFFE003, lr  }
0x1b: {  	s9 =	sadd.s32 $0xFFFFFEF7, lr;
	s5 =	simm.s32 $0xFFFFFFFF;
	p2 =	slt.u32 s8, $0xFFFFF086  }
0x1c: {  	p1 =	slt.u32 s9, $0xF7A;
	s5 =	simm.s32 @!p2 $0x0  }
0x1d: {  	s5 =	simm.s32 @p1 $0x1;
	p0 =	seq.s32 s7, s2  }
0x1e: {  	s7 =	smul.u32 @!p0 $0xF7A, s2;
	p2 =	seq.s32 @!p0 s5, $0x0  }
0x1f: {  	s9 =	smul.u32 $0xF7A, s1;
	s8 =	simm.s32 @!p0 $0x1BF5;
	p2 =	por !p2, p0  }
0x20: {  	[sflag:s8] =	ssyncset.s32 @!p0 $0xFFFFF086;
	s6 =	sadd.s32 @!p0 s3, s7;
	s7 =	simm.s32 @!p0 $0x108  }
0x21: {  	s3 =	sadd.s32 s3, s9;
	s6 =	sadd.s32 @!p0 $0x88, s6;
	s7 =	simm.s32 @p2 $0x1082  }
0x22: {  	[simem:s7], [sflag:s8] =	dma.local @!p0 [hbm:s6], $0xF7A  }
0x23: {  	s9 =	sor.u32 $0xD0000000, s2;
	s6 =	simm.s32 $0x108;
	_ =	swait.ge @!p0 [sflag:s8], $0x0  }
0x24: {  	s3 =	sadd.s32 $0x88, s3;
	s6 =	simm.s32 @!p1 $0x1082;
	[sflag:s4] =	ssyncset.s32 $0xFFFFF086  }
0x25: {  	[simem:s6], [sflag:s4] =	dma.local [hbm:s3], $0xF7A  }
0x26: {  	[smem:$0x3F9B] =	sst s1;
	(tag) =	ssettag s2;
	_ =	strace s9  }
0x27: {  	s1 =	sld [smem:$0x3FAB]  }
0x28: {  	s2 =	sld [smem:$0x3FAC]  }
0x29: {  	s4 =	sld [smem:$0x3FAE]  }
0x2a: {  	p0 =	seq.s32 s5, $0x0;
	s5 =	sld [smem:$0x3FAF]  }
0x2b: {  	s6 =	sld [smem:$0x3FB0]  }
0x2c: {  	s7 =	sld [smem:$0x3FB1]  }
0x2d: {  	s3 =	simm.s32 $0x108;
	s8 =	sld [smem:$0x3FB2]  }
0x2e: {  	s3 =	simm.s32 @!p0 $0x1082;
	s9 =	sld [smem:$0x3FB3]  }
0x2f: {  	lr =	sadd.s32 s0, s3;
	s0 =	sld [smem:$0x3FAA]  }
0x30: {  	s3 =	sld [smem:$0x3FAD]  }
0x31: {  	[smem:$0x3FB6] =	sst s10  }
0x32: {  	s10 =	sld [smem:$0x3FB4];
	_ =	sdelay $0x3  }
0x33: {  	p0 =	seq.s32 s10, $0x1;
	s10 =	sld [smem:$0x3FB6];
	_ =	sdelay $0x3  }
0x34: {  	[smem:$0x3FB6] =	sst s10  }
0x35: {  	s10 =	sld [smem:$0x3FB5];
	_ =	sdelay $0x3  }
0x36: {  	p1 =	seq.s32 s10, $0x1;
	s10 =	sld [smem:$0x3FB6];
	_ =	sdelay $0x3  }
0x37: {  	[smem:$0x3FB6] =	sst s10  }
0x38: {  	s10 =	sld [smem:$0x3FB7]  }
0x39: {  	_ = 	snop;
	(pc) =	sbr.ind lr, $3  }
0x3a: {  	_ = 	snop  }
0x3b: {  	_ = 	snop  }
0x3c: {  	p2 =	seq.s32 s10, $0x1;
	s10 =	sld [smem:$0x3FB6]  }
0x3d: {  	_ =	shalt  }
0x3e: {  	_ =	shalt  }
0x3f: {  	_ =	shalt  }
0x40: {  	_ =	shalt  }
0x41: {  	_ =	shalt  }
0x42: {  	_ =	shalt  }
0x43: {  	_ =	shalt  }
0x44: {  	_ =	shalt  }
0x45: {  	_ =	shalt  }
0x46: {  	_ =	shalt  }
0x47: {  	_ =	shalt  }
0x48: {  	_ =	shalt  }
0x49: {  	_ =	shalt  }
0x4a: {  	_ =	shalt  }
0x4b: {  	_ =	shalt  }
0x4c: {  	_ =	shalt  }
0x4d: {  	_ =	shalt  }
0x4e: {  	_ =	shalt  }
0x4f: {  	_ =	shalt  }
0x50: {  	_ =	shalt  }
0x51: {  	_ =	shalt  }
0x52: {  	_ =	shalt  }
0x53: {  	_ =	shalt  }
0x54: {  	_ =	shalt  }
0x55: {  	_ =	shalt  }
0x56: {  	_ =	shalt  }
0x57: {  	_ =	shalt  }
0x58: {  	_ =	shalt  }
0x59: {  	_ =	shalt  }
0x5a: {  	_ =	shalt  }
0x5b: {  	_ =	shalt  }
0x5c: {  	_ =	shalt  }
0x5d: {  	_ =	shalt  }
0x5e: {  	_ =	shalt  }
0x5f: {  	_ =	shalt  }
0x60: {  	_ =	shalt  }
0x61: {  	_ =	shalt  }
0x62: {  	_ =	shalt  }
0x63: {  	_ =	shalt  }
0x64: {  	_ =	shalt  }
0x65: {  	_ =	shalt  }
0x66: {  	_ =	shalt  }
0x67: {  	_ =	shalt  }
0x68: {  	_ =	shalt  }
0x69: {  	_ =	shalt  }
0x6a: {  	_ =	shalt  }
0x6b: {  	_ =	shalt  }
0x6c: {  	_ =	shalt  }
0x6d: {  	_ =	shalt  }
0x6e: {  	_ =	shalt  }
0x6f: {  	_ =	shalt  }
0x70: {  	_ =	shalt  }
0x71: {  	_ =	shalt  }
0x72: {  	_ =	shalt  }
0x73: {  	_ =	shalt  }
0x74: {  	_ =	shalt  }
0x75: {  	_ =	shalt  }
0x76: {  	_ =	shalt  }
0x77: {  	_ =	shalt  }
0x78: {  	_ =	shalt  }
0x79: {  	_ =	shalt  }
0x7a: {  	_ =	shalt  }
0x7b: {  	_ =	shalt  }
0x7c: {  	_ =	shalt  }
0x7d: {  	_ =	shalt  }
0x7e: {  	_ =	shalt  }
0x7f: {  	_ =	shalt  }
0x80: {  	_ =	shalt  }
0x81: {  	_ =	shalt  }
0x82: {  	_ =	shalt  }
0x83: {  	_ =	shalt  }
0x84: {  	_ =	shalt  }
0x85: {  	_ =	shalt  }
0x86: {  	_ =	shalt  }
0x87: {  	_ =	shalt  }
.Lfunc_end0:
.L_simem_size_0:
called_computation.3_lowered:
.L_overlay_start_0:
0x88: {  	s2 =	sld [smem:$0x3FD9]  }
0x89: {  	s3 =	sld [smem:$0x3FFE];
	_ =	sdelay $0x1  }
0x8a: {  	s1 =	srdreg.scid  }
0x8b: {  	s0 =	sand.u32 $0x1, s1  }
0x8c: {  	s17 =	sshll.u32 s0, $0xA;
	s2 =	sadd.s32 s3, s2  }
0x8d: {  	s2 =	sadd.s32 s2, s17  }
0x8e: {  	[smem:$0x3FC2] =	sst s2  }
0x8f: {  	_ = 	snop  }
0x90: {  	s2 =	sld [smem:$0x3FC6]  }
0x91: {  	s18 =	sld [smem:$0x3FD0];
	(tm) =	ssettm $0x1  }
0x92: {  	s4 =	sld [smem:$0x3FFB];
	_ =	sdelay $0x3  }
0x93: {  	_ =	strace s4  }
0x94: {  	s4 =	sld [smem:$0x3FFC];
	_ =	sdelay $0x3  }
0x95: {  	_ =	strace s4  }
0x96: {  	s4 =	sld [smem:$0x3FFD];
	_ =	sdelay $0x3  }
0x97: {  	_ =	strace s4  }
0x98: {  	_ =	strace $0x8FFFFFFF  }
0x99: {  	s19 =	sld [smem:$0x3FDB];
	_ =	sdelay $0x1  }
0x9a: {  	s5 =	simm.s32 $_scs_section_size  }
0x9b: {  	s6 =	simm.s32 $_size__tile_overlayer_lowered;
	s7 =	simm.s32 $_tile_overlayer_lowered  }
0x9c: {  	s22 =	simm.s32 $0x1BFF;
	s21 =	sshll.u32 s7, $0x1;
	s4 =	sadd.s32 s5, s19  }
0x9d: {  	s8 =	simm.s32 $0x0;
	s20 =	sshll.u32 s6, $0x1;
	s6 =	sadd.s32 s21, s4  }
0x9e: {  	[timem:s8], [sflag:s22] =	dma.local [hbm:s6], s20  }
0x9f: {  	_ =	swait.ge [sflag:s22], s20  }
0xa0: {  	s5 =	ssub.s32 $0x0, s20;
	[sflag:s22] =	ssyncset.done $0x0  }
0xa1: {  	[sflag:s22] =	ssyncadd.s32 s5;
	_ =	sdelay $0x1  }
0xa2: {  	s23 =	simm.s32 $0x1B8B  }
0xa3: {  	_ =	swait.ge [sflag:s23], $0x1  }
0xa4: {  	[sflag:s23] =	ssyncset.done $0x0  }
0xa5: {  	s25 =	simm.s32 $0x1B8E;
	s24 =	sld [smem:$0x3FFE];
	[sflag:s23] =	ssyncadd.s32 $0xFFFFFFFF  }
0xa6: {  	s26 =	simm.s32 $execute0_lowered;
	[smem:$0x3FD2] =	sst s25  }
0xa7: {  	s6 =	sshll.u32 s26, $0x1;
	_ =	strace $0x8000004F;
	[dreg:$0x1] =	wrdreg $0xFFFFFFFF  }
0xa8: {  	s28 =	simm.s32 $_size_execute0_lowered;
	s4 =	sadd.s32 s4, s6;
	[dreg:$0x0] =	wrdreg $0x0  }
0xa9: {  	s6 =	sshll.u32 s28, $0x1;
	[dreg:$0x2] =	wrdreg s4  }
0xaa: {  	[dreg:$0x3] =	wrdreg s6  }
0xab: {  	[dreg:$0x4] =	wrdreg $0xC0  }
0xac: {  	_ =	task [dreg:s8], $0x5FFFF  }
0xad: {  	[dreg:$0x1] =	wrdreg $0xFFFFFFFF  }
0xae: {  	[dreg:$0x0] =	wrdreg $0x60  }
0xaf: {  	[dreg:$0x2] =	wrdreg s18  }
0xb0: {  	[dreg:$0x3] =	wrdreg s24  }
0xb1: {  	[dreg:$0x4] =	wrdreg s2  }
0xb2: {  	[dreg:$0x5] =	wrdreg $0x9  }
0xb3: {  	_ =	task.clear_ibuf [dreg:s8], $0x6FFFF;
	_ =	strace $0x9000004F  }
0xb4: {  	s29 =	simm.s32 $0x9;
	_ =	strace $0x80000051  }
0xb5: {  	_ =	swait.ge [sflag:s29], $0x1  }
0xb6: {  	[sflag:s29] =	ssyncadd.s32 $0xFFFFFFFF  }
0xb7: {  	_ =	strace $0x90000051  }
0xb8: {  	_ =	sfence  }
0xb9: {  	s30 =	sld [smem:$0x0];
	_ =	sdelay $0x2  }
0xba: {  	s31 =	sshll.u32 s1, $0xD;
	s1 =	sshrl.u32 s1, $0x2  }
0xbb: {  	s3 =	sand.u32 $0x4000, s31;
	s1 =	sadd.s32 s1, s30  }
0xbc: {  	s0 =	sor.u32 s3, s0;
	s1 =	sshll.u32 s1, $0x11  }
0xbd: {  	s0 =	sor.u32 s1, s0  }
0xbe: {  	s0 =	sadd.s32 $0x8F2B, s0  }
0xbf: {  	[sflag:s0] =	ssyncadd.remote.s32 $0x1  }
0xc0: {  	_ =	sfence.sel $0xFFFF  }
0xc1: {  	[dreg:$0x0] =	wrdreg $0xFFFFFFFF;
	(pc) =	sbr.abs _section_cstart, $3  }
0xc2: {  	[dreg:$0x1] =	wrdreg $0xFFFFFFFF  }
0xc3: {  	_ =	task.clear_ibuf [dreg:s8], $0x2FFFF;
	_ =	strace $0x9FFFFFFF  }
0xc4: {  	(tm) =	ssettm $0x7FFFFFFF  }
0xc5: {  	_ =	shalt  }
tec
execute0_lowered:
.L_overlay_start_1:
0x0: {  	(tag) =	ssettag $0x1  }
0x1: {  	s4 =	rddreg [dreg:$0x0]  }
0x2: {  	s6 =	rddreg [dreg:$0x1]  }
0x3: {  	s0 =	srdreg.scid;
	s2 =	rddreg [dreg:$0x2]  }
0x4: {  	s3 =	simm.s32 $0x0;
	s10 =	simm.s32 $0x1;
	s5 =	sand.u32 $0x1, s0  }
0x5: {  	s11 =	simm.s32 $0x1400;
	s0 =	stileid.u32;
	s1 =	sshll.u32 s5, $0x4  }
0x6: {  	s12 =	simm.s32 $0x2800;
	s13 =	simm.s32 $0x3D40;
	s7 =	sor.u32 s0, s1  }
0x7: {  	s14 =	simm.s32 $0x0;
	s5 =	ssub.s32 $0x2, s5;
	s8 =	smul.u32 $0x1400, s7  }
0x8: {  	[smem:$0x7FF] =	sst s3;
	s9 =	sshrl.u32 s5, $0x1;
	s7 =	smul.u32 $0x28, s7  }
0x9: {  	s1 =	rddreg [dreg:$0x3];
	_ =	strace $0x80000050;
	s9 =	ssub.s32 s5, s9  }
0xa: {  	s9 =	smax.u32 s9, $0x1;
	s8 =	sshrl.u32 s8, $0x3;
	s7 =	sadd.s32 s7, s6  }
0xb: {  	s4 =	sadd.s32 s4, s8;
	s8 =	sadd.s32 s8, s6;
	s7 =	sadd.s32 $0x1C000, s7  }
0xc: {  	s5 =	sadd.s32 $0x5000, s4;
	s6 =	sadd.s32 $0x17000, s8;
	s8 =	sadd.s32 $0x1C600, s8  }
.LBB2_1:
0xd: {  	[tilespmem:s3], [sflag:$0x1] =	stream.linear.gather [hbm4b:s4+s3], $0x1400, $0x38;
	[tilespmem:$0x3D50] =	vst v63  }
0xe: {  	_ =	swait.ge [sflag:s10], $0x1400  }
0xf: {  	[sflag:s10] =	ssyncset.done $0x0  }
0x10: {  	[sflag:s10] =	ssyncadd.s32 $0xFFFFEC00  }
0x11: {  	[tilespmem:s11], [sflag:$0x1] =	stream.linear.gather [hbm4b:s5+s3], $0x1400, $0x38;
	[tilespmem:$0x3D50] =	vst v63  }
0x12: {  	_ =	swait.ge [sflag:s10], $0x1400  }
0x13: {  	[sflag:s10] =	ssyncset.done $0x0  }
0x14: {  	[sflag:s10] =	ssyncadd.s32 $0xFFFFEC00  }
0x15: {  	[tilespmem:s12], [sflag:$0x1] =	stream.linear.gather [hbm4b:s6+s3], $0x1400, $0x38;
	[tilespmem:$0x3D50] =	vst v63  }
0x16: {  	_ =	swait.ge [sflag:s10], $0x1400  }
0x17: {  	[sflag:s10] =	ssyncset.done $0x0  }
0x18: {  	s16 =	simm.s32 $0x3C00;
	[sflag:s10] =	ssyncadd.s32 $0xFFFFEC00  }
0x19: {  	[tilespmem:s16], [sflag:$0x1] =	stream.linear.gather [hbm4b:s7+s3], $0x140, $0x38;
	[tilespmem:$0x3D50] =	vst v63  }
0x1a: {  	_ =	swait.ge [sflag:s10], $0x140  }
0x1b: {  	[sflag:s10] =	ssyncset.done $0x0  }
0x1c: {  	[sflag:s10] =	ssyncadd.s32 $0xFFFFFEC0  }
0x1d: {  	[tilespmem:s13], [sflag:$0x1] =	stream.linear.gather [hbm4b:s2+s3], $0x10, $0x38;
	[tilespmem:$0x3D50] =	vst v63  }
0x1e: {  	_ =	swait.ge [sflag:s10], $0x10  }
0x1f: {  	[sflag:s10] =	ssyncset.done $0x0  }
0x20: {  	[sflag:s10] =	ssyncadd.s32 $0xFFFFFFF0  }
0x21: {  	s17 =	simm.s32 $0x0;
	v0 =	vld [tilespmem:$0x3D40]  }
0x22: {  	v1 =	vld [tilespmem:s17+$0x0]  }
0x23: {  	v2 =	vld [tilespmem:s17+$0x1400]  }
0x24: {  	v3 =	vld [tilespmem:s17+$0x10]  }
0x25: {  	v4 =	vld [tilespmem:s17+$0x1410]  }
0x26: {  	v5 =	vld [tilespmem:s17+$0x20]  }
0x27: {  	v6 =	vld [tilespmem:s17+$0x1420]  }
0x28: {  	v7 =	vld [tilespmem:s17+$0x30]  }
0x29: {  	v9 =	vld [tilespmem:s17+$0x1430]  }
0x2a: {  	v10 =	vld [tilespmem:s17+$0x40]  }
0x2b: {  	v13 =	vld [tilespmem:s17+$0x1440]  }
0x2c: {  	v14 =	vld [tilespmem:s17+$0x50]  }
0x2d: {  	v16 =	vld [tilespmem:s17+$0x1450]  }
0x2e: {  	v17 =	vld [tilespmem:s17+$0x60]  }
0x2f: {  	v18 =	vld [tilespmem:s17+$0x1460]  }
0x30: {  	v19 =	vld [tilespmem:s17+$0x70]  }
0x31: {  	v20 =	vld [tilespmem:s17+$0x1470]  }
0x32: {  	v21 =	vld [tilespmem:s17+$0x80]  }
0x33: {  	v22 =	vld [tilespmem:s17+$0x1480]  }
0x34: {  	v23 =	vld [tilespmem:s17+$0x90]  }
0x35: {  	v24 =	vld [tilespmem:s17+$0x1490]  }
0x36: {  	v25 =	vld [tilespmem:s17+$0xA0]  }
0x37: {  	v26 =	vld [tilespmem:s17+$0x14A0]  }
0x38: {  	v27 =	vld [tilespmem:s17+$0xB0]  }
0x39: {  	v28 =	vld [tilespmem:s17+$0x14B0]  }
0x3a: {  	v29 =	vld [tilespmem:s17+$0xC0]  }
0x3b: {  	v30 =	vld [tilespmem:s17+$0x14C0]  }
0x3c: {  	v12 =	vld [tilespmem:s17+$0xD0]  }
0x3d: {  	v31 =	vld [tilespmem:s17+$0x14D0]  }
0x3e: {  	v11 =	vld [tilespmem:s17+$0xE0]  }
0x3f: {  	v15 =	vld [tilespmem:s17+$0x14E0]  }
0x40: {  	v32 =	vld [tilespmem:s17+$0x2830]  }
0x41: {  	v8 =	vld [tilespmem:s16+$0x0]  }
0x42: {  	v33 =	vld [tilespmem:s17+$0x2800]  }
0x43: {  	v34 =	vld [tilespmem:s17+$0x2810]  }
0x44: {  	v35 =	vld [tilespmem:s17+$0x2820]  }
0x45: {  	v36 =	vld [tilespmem:s17+$0x2850];
	v2 =	vadd.f32 v2, v1  }
0x46: {  	v39 =	vld [tilespmem:s17+$0x2860];
	v3 =	vadd.f32 v4, v3;
	v7 =	vadd.f32 v9, v7;
	v50 =	vbroadcast v8, $0x0  }
0x47: {  	v53 =	vld [tilespmem:s17+$0x2870];
	v5 =	vadd.f32 v6, v5;
	v51 =	vbroadcast v8, $0x1;
	v10 =	vadd.f32 v13, v10  }
0x48: {  	s15 =	simm.s32 $0x100;
	v4 =	vld [tilespmem:s17+$0x2840];
	v52 =	vbroadcast v8, $0x2;
	v14 =	vadd.f32 v16, v14;
	v9 =	vadd.f32 v33, v2  }
0x49: {  	v1 =	vld [tilespmem:s15+$0x0];
	v37 =	vbroadcast v8, $0x3;
	v17 =	vadd.f32 v18, v17;
	v6 =	vadd.f32 v34, v3  }
0x4a: {  	v18 =	vadd.f32 v20, v19;
	v19 =	vld [tilespmem:s17+$0x2880];
	v35 =	vadd.f32 v35, v5;
	v9 =	vmul.f32 v9, v50  }
0x4b: {  	v40 =	vbroadcast v8, $0x4;
	v2 =	vld [tilespmem:s15+$0x1400];
	v7 =	vadd.f32 v32, v7;
	v38 =	vmul.f32 v6, v51  }
0x4c: {  	v3 =	vld [tilespmem:s15+$0x10];
	v55 =	vadd.f32 v36, v14;
	v35 =	vmul.f32 v35, v52;
	v13 =	vadd.f32 v9, v0  }
0x4d: {  	v56 =	vbroadcast v8, $0x5;
	v5 =	vld [tilespmem:s15+$0x1410];
	v4 =	vadd.f32 v4, v10;
	v38 =	vadd.f32 v38, v0  }
0x4e: {  	v6 =	vld [tilespmem:s15+$0x20];
	v7 =	vmul.f32 v7, v37;
	v35 =	vadd.f32 v35, v0;
	v10 =	vmax.f32 v13, $0.0e+00  }
0x4f: {  	v9 =	vld [tilespmem:s15+$0x1420];
	v4 =	vmul.f32 v4, v40;
	v13 =	vmax.f32 v38, $0.0e+00;
	v33 =	vmul.f32 v10, v50  }
0x50: {  	v7 =	vadd.f32 v7, v0;
	v54 =	vmax.f32 v35, $0.0e+00;
	v10 =	vld [tilespmem:s15+$0x30];
	v16 =	vmul.f32 v13, v51  }
0x51: {  	v20 =	vmul.f32 v55, v56;
	v13 =	vld [tilespmem:s15+$0x1430];
	v32 =	vmul.f32 v54, v52;
	v4 =	vadd.f32 v4, v0;
	[tilespmem:s17+$0x2800] =	vst v33  }
0x52: {  	v57 =	vbroadcast v8, $0x6;
	v17 =	vadd.f32 v39, v17;
	v7 =	vmax.f32 v7, $0.0e+00;
	v14 =	vld [tilespmem:s15+$0x40];
	[tilespmem:s17+$0x2810] =	vst v16  }
0x53: {  	v20 =	vadd.f32 v20, v0;
	v7 =	vmul.f32 v7, v37;
	v4 =	vmax.f32 v4, $0.0e+00;
	v16 =	vld [tilespmem:s17+$0x2890];
	[tilespmem:s17+$0x2820] =	vst v32  }
0x54: {  	v21 =	vadd.f32 v22, v21;
	v17 =	vmul.f32 v17, v57;
	v4 =	vmul.f32 v4, v40;
	v32 =	vld [tilespmem:s15+$0x1440]  }
0x55: {  	v18 =	vadd.f32 v53, v18;
	v20 =	vmax.f32 v20, $0.0e+00;
	[tilespmem:s17+$0x2830] =	vst v7;
	v7 =	vadd.f32 v24, v23;
	v24 =	vld [tilespmem:s17+$0x28A0]  }
0x56: {  	v17 =	vadd.f32 v17, v0;
	v20 =	vmul.f32 v20, v56;
	v23 =	vbroadcast v8, $0x7;
	v58 =	vld [tilespmem:s15+$0x50];
	[tilespmem:s17+$0x2840] =	vst v4  }
0x57: {  	v19 =	vadd.f32 v19, v21;
	v4 =	vbroadcast v8, $0x8;
	v59 =	vld [tilespmem:s15+$0x1450]  }
0x58: {  	v17 =	vmax.f32 v17, $0.0e+00;
	v18 =	vmul.f32 v18, v23;
	v60 =	vld [tilespmem:s15+$0x60];
	[tilespmem:s17+$0x2850] =	vst v20  }
0x59: {  	v21 =	vadd.f32 v26, v25;
	v17 =	vmul.f32 v17, v57;
	v19 =	vmul.f32 v19, v4;
	v61 =	vld [tilespmem:s15+$0x1460]  }
0x5a: {  	v62 =	vld [tilespmem:s15+$0x70];
	v7 =	vadd.f32 v16, v7;
	v16 =	vbroadcast v8, $0x9;
	v18 =	vadd.f32 v18, v0  }
0x5b: {  	v63 =	vld [tilespmem:s15+$0x1470];
	[tilespmem:s17+$0x2860] =	vst v17;
	v17 =	vbroadcast v8, $0xA;
	v19 =	vadd.f32 v19, v0  }
0x5c: {  	v20 =	vld [tilespmem:s17+$0x28B0];
	v21 =	vadd.f32 v24, v21;
	v7 =	vmul.f32 v7, v16;
	v18 =	vmax.f32 v18, $0.0e+00  }
0x5d: {  	v22 =	vld [tilespmem:s17+$0xF0];
	v18 =	vmul.f32 v18, v23  }
0x5e: {  	v23 =	vld [tilespmem:s17+$0x28C0];
	v19 =	vmax.f32 v19, $0.0e+00;
	v21 =	vmul.f32 v21, v17;
	v7 =	vadd.f32 v7, v0  }
0x5f: {  	v26 =	vld [tilespmem:s17+$0x28E0];
	v24 =	vadd.f32 v28, v27;
	v19 =	vmul.f32 v19, v4  }
0x60: {  	v25 =	vadd.f32 v30, v29;
	[tilespmem:s17+$0x2870] =	vst v18;
	v18 =	vld [tilespmem:s17+$0x28D0];
	v21 =	vadd.f32 v21, v0;
	v7 =	vmax.f32 v7, $0.0e+00  }
0x61: {  	v4 =	vld [tilespmem:s15+$0x80];
	[tilespmem:s17+$0x2880] =	vst v19;
	v19 =	vadd.f32 v20, v24;
	v20 =	vbroadcast v8, $0xB;
	v16 =	vmul.f32 v7, v16  }
0x62: {  	v11 =	vadd.f32 v15, v11;
	v27 =	vadd.f32 v31, v12;
	v24 =	vld [tilespmem:s17+$0x14F0];
	v21 =	vmax.f32 v21, $0.0e+00  }
0x63: {  	v7 =	vld [tilespmem:s15+$0x1480];
	v23 =	vadd.f32 v23, v25;
	v19 =	vmul.f32 v19, v20;
	[tilespmem:s17+$0x2890] =	vst v16;
	v16 =	vbroadcast v8, $0xC  }
0x64: {  	v11 =	vadd.f32 v26, v11;
	v26 =	vld [tilespmem:s17+$0x28F0];
	v21 =	vmul.f32 v21, v17;
	v25 =	vbroadcast v8, $0xD  }
0x65: {  	v12 =	vld [tilespmem:s15+$0x90];
	v15 =	vadd.f32 v18, v27;
	v19 =	vadd.f32 v19, v0;
	v23 =	vmul.f32 v23, v16  }
0x66: {  	v17 =	vld [tilespmem:s15+$0x1490];
	v27 =	vbroadcast v8, $0xE  }
0x67: {  	v18 =	vld [tilespmem:s15+$0xA0];
	[tilespmem:s17+$0x28A0] =	vst v21;
	v15 =	vmul.f32 v15, v25;
	v19 =	vmax.f32 v19, $0.0e+00;
	v23 =	vadd.f32 v23, v0  }
0x68: {  	v21 =	vld [tilespmem:s15+$0x14A0];
	v24 =	vadd.f32 v24, v22;
	v19 =	vmul.f32 v19, v20  }
0x69: {  	v22 =	vld [tilespmem:s15+$0xB0];
	v11 =	vmul.f32 v11, v27;
	v15 =	vadd.f32 v15, v0;
	v20 =	vmax.f32 v23, $0.0e+00  }
0x6a: {  	v8 =	vbroadcast v8, $0xF;
	v23 =	vld [tilespmem:s15+$0x14B0];
	[tilespmem:s17+$0x28B0] =	vst v19;
	v19 =	vadd.f32 v26, v24;
	v16 =	vmul.f32 v20, v16  }
0x6b: {  	v11 =	vadd.f32 v11, v0;
	v15 =	vmax.f32 v15, $0.0e+00  }
0x6c: {  	v24 =	vld [tilespmem:s15+$0xC0];
	v15 =	vmul.f32 v15, v25;
	[tilespmem:s17+$0x28C0] =	vst v16;
	v16 =	vmul.f32 v19, v8  }
0x6d: {  	v11 =	vmax.f32 v11, $0.0e+00  }
0x6e: {  	v11 =	vmul.f32 v11, v27;
	v25 =	vld [tilespmem:s15+$0x14C0];
	[tilespmem:s17+$0x28D0] =	vst v15;
	v15 =	vadd.f32 v16, v0;
	_ =	sdelay $0x1  }
0x6f: {  	v26 =	vld [tilespmem:s15+$0xD0];
	[tilespmem:s17+$0x28E0] =	vst v11;
	v11 =	vmax.f32 v15, $0.0e+00  }
0x70: {  	v27 =	vld [tilespmem:s15+$0x14D0];
	v8 =	vmul.f32 v11, v8  }
0x71: {  	v29 =	vld [tilespmem:s15+$0xE0]  }
0x72: {  	v30 =	vld [tilespmem:s15+$0x14E0];
	[tilespmem:s17+$0x28F0] =	vst v8  }
0x73: {  	v19 =	vld [tilespmem:s15+$0xF0]  }
0x74: {  	v20 =	vld [tilespmem:s15+$0x14F0]  }
0x75: {  	v11 =	vld [tilespmem:s15+$0x28E0]  }
0x76: {  	v3 =	vadd.f32 v5, v3;
	v28 =	vadd.f32 v2, v1;
	v1 =	vld [tilespmem:s15+$0x28C0]  }
0x77: {  	v5 =	vadd.f32 v9, v6;
	v13 =	vadd.f32 v13, v10;
	v2 =	vld [tilespmem:s15+$0x28B0]  }
0x78: {  	v6 =	vadd.f32 v59, v58;
	v16 =	vadd.f32 v63, v62;
	v31 =	vld [tilespmem:s15+$0x2890]  }
0x79: {  	v8 =	vadd.f32 v32, v14;
	v14 =	vadd.f32 v61, v60;
	s17 =	simm.s32 $0x800;
	v15 =	vld [tilespmem:s15+$0x2830]  }
.LBB2_2:
0x7a: {  	p0 =	sne.s32 s17, $0x4C00;
	v32 =	vld [tilespmem:s15+$0x2810];
	v4 =	vadd.f32 v7, v4;
	v17 =	vadd.f32 v17, v12  }
0x7b: {  	v18 =	vadd.f32 v21, v18;
	v21 =	vadd.f32 v23, v22;
	s16 =	sadd.s32 $0x10, s16;
	v33 =	vld [tilespmem:s15+$0x2800]  }
0x7c: {  	v12 =	vadd.f32 v25, v24;
	v22 =	vadd.f32 v30, v29;
	v9 =	vld [tilespmem:s16+$0x0]  }
0x7d: {  	v7 =	vadd.f32 v27, v26;
	v10 =	vadd.f32 v20, v19;
	v23 =	vld [tilespmem:s15+$0x2820]  }
0x7e: {  	v12 =	vadd.f32 v1, v12;
	v11 =	vadd.f32 v11, v22;
	v19 =	vld [tilespmem:s15+$0x2850]  }
0x7f: {  	s18 =	sshra.s32 s17, $0x2;
	v21 =	vadd.f32 v2, v21;
	v17 =	vadd.f32 v31, v17;
	v20 =	vld [tilespmem:s15+$0x2840]  }
0x80: {  	v13 =	vadd.f32 v15, v13;
	v22 =	vadd.f32 v32, v3;
	v1 =	vld [tilespmem:s18+$0x0]  }
0x81: {  	v15 =	vadd.f32 v33, v28;
	v2 =	vld [tilespmem:s18+$0x1400];
	v24 =	vbroadcast v9, $0x0;
	v25 =	vbroadcast v9, $0x1  }
0x82: {  	v26 =	vbroadcast v9, $0x2;
	v27 =	vbroadcast v9, $0x3;
	v3 =	vld [tilespmem:s18+$0x10];
	v23 =	vadd.f32 v23, v5  }
0x83: {  	v5 =	vld [tilespmem:s18+$0x1410];
	v15 =	vmul.f32 v15, v24;
	v22 =	vmul.f32 v22, v25;
	v19 =	vadd.f32 v19, v6  }
0x84: {  	v13 =	vmul.f32 v13, v27;
	v6 =	vld [tilespmem:s18+$0x20];
	v23 =	vmul.f32 v23, v26;
	v20 =	vadd.f32 v20, v8  }
0x85: {  	v28 =	vbroadcast v9, $0x4;
	v15 =	vadd.f32 v15, v0;
	v22 =	vadd.f32 v22, v0;
	v29 =	vld [tilespmem:s15+$0x2870]  }
0x86: {  	v31 =	vbroadcast v9, $0x5;
	v30 =	vadd.f32 v13, v0;
	v23 =	vadd.f32 v23, v0;
	v32 =	vld [tilespmem:s15+$0x2860]  }
0x87: {  	v20 =	vmul.f32 v20, v28;
	v8 =	vld [tilespmem:s18+$0x1420];
	v13 =	vmax.f32 v15, $0.0e+00;
	v15 =	vmax.f32 v22, $0.0e+00  }
0x88: {  	v22 =	vmul.f32 v13, v24;
	v24 =	vmul.f32 v15, v25;
	v15 =	vmax.f32 v23, $0.0e+00;
	v23 =	vld [tilespmem:s15+$0x2880]  }
0x89: {  	v20 =	vadd.f32 v20, v0;
	v13 =	vld [tilespmem:s18+$0x30];
	v25 =	vmul.f32 v15, v26;
	v26 =	vmax.f32 v30, $0.0e+00  }
0x8a: {  	v19 =	vmul.f32 v19, v31;
	v15 =	vld [tilespmem:s18+$0x1430];
	[tilespmem:s15+$0x2800] =	vst v22;
	v22 =	vmul.f32 v26, v27;
	v26 =	vadd.f32 v29, v16  }
0x8b: {  	v20 =	vmax.f32 v20, $0.0e+00;
	v16 =	vld [tilespmem:s18+$0x40];
	[tilespmem:s15+$0x2810] =	vst v24;
	v14 =	vadd.f32 v32, v14;
	v24 =	vbroadcast v9, $0x6  }
0x8c: {  	v19 =	vadd.f32 v19, v0;
	v20 =	vmul.f32 v20, v28;
	[tilespmem:s15+$0x2820] =	vst v25;
	v25 =	vbroadcast v9, $0x7;
	v27 =	vld [tilespmem:s15+$0x28A0]  }
0x8d: {  	v32 =	vld [tilespmem:s18+$0x1440];
	[tilespmem:s15+$0x2830] =	vst v22;
	v14 =	vmul.f32 v14, v24;
	v4 =	vadd.f32 v23, v4;
	v22 =	vbroadcast v9, $0x8  }
0x8e: {  	v19 =	vmax.f32 v19, $0.0e+00;
	v23 =	vbroadcast v9, $0x9;
	v33 =	vld [tilespmem:s18+$0x50];
	[tilespmem:s15+$0x2840] =	vst v20;
	v20 =	vmul.f32 v26, v25  }
0x8f: {  	v19 =	vmul.f32 v19, v31;
	v34 =	vld [tilespmem:s18+$0x1450];
	v14 =	vadd.f32 v14, v0;
	v4 =	vmul.f32 v4, v22  }
0x90: {  	v26 =	vbroadcast v9, $0xA;
	v17 =	vmul.f32 v17, v23;
	v35 =	vld [tilespmem:s18+$0x60];
	v20 =	vadd.f32 v20, v0  }
0x91: {  	[tilespmem:s15+$0x2850] =	vst v19;
	v14 =	vmax.f32 v14, $0.0e+00;
	v4 =	vadd.f32 v4, v0;
	v18 =	vadd.f32 v27, v18;
	v19 =	vld [tilespmem:s15+$0x28D0]  }
0x92: {  	v17 =	vadd.f32 v17, v0;
	v36 =	vld [tilespmem:s18+$0x1460];
	v14 =	vmul.f32 v14, v24;
	v20 =	vmax.f32 v20, $0.0e+00  }
0x93: {  	v37 =	vld [tilespmem:s18+$0x70];
	v20 =	vmul.f32 v20, v25;
	v4 =	vmax.f32 v4, $0.0e+00;
	v18 =	vmul.f32 v18, v26  }
0x94: {  	v38 =	vld [tilespmem:s18+$0x1470];
	[tilespmem:s15+$0x2860] =	vst v14;
	v14 =	vmul.f32 v4, v22;
	v4 =	vmax.f32 v17, $0.0e+00;
	v22 =	vbroadcast v9, $0xB  }
0x95: {  	[tilespmem:s15+$0x2870] =	vst v20;
	v17 =	vmul.f32 v4, v23;
	v18 =	vadd.f32 v18, v0;
	v20 =	vbroadcast v9, $0xC;
	v23 =	vld [tilespmem:s15+$0x28F0]  }
0x96: {  	v24 =	vbroadcast v9, $0xD;
	v4 =	vld [tilespmem:s18+$0x80];
	[tilespmem:s15+$0x2880] =	vst v14;
	v14 =	vmul.f32 v21, v22;
	v19 =	vadd.f32 v19, v7  }
0x97: {  	v25 =	vbroadcast v9, $0xE;
	v7 =	vld [tilespmem:s18+$0x1480];
	[tilespmem:s15+$0x2890] =	vst v17;
	v17 =	vmax.f32 v18, $0.0e+00;
	v18 =	vmul.f32 v12, v20  }
0x98: {  	v12 =	vld [tilespmem:s18+$0x90];
	v21 =	vmul.f32 v17, v26;
	v14 =	vadd.f32 v14, v0;
	v19 =	vmul.f32 v19, v24  }
0x99: {  	v11 =	vmul.f32 v11, v25;
	v9 =	vbroadcast v9, $0xF;
	v17 =	vld [tilespmem:s18+$0x1490];
	v26 =	vadd.f32 v18, v0  }
0x9a: {  	v18 =	vld [tilespmem:s18+$0xA0];
	[tilespmem:s15+$0x28A0] =	vst v21;
	v14 =	vmax.f32 v14, $0.0e+00;
	v19 =	vadd.f32 v19, v0;
	v10 =	vadd.f32 v23, v10  }
0x9b: {  	v11 =	vadd.f32 v11, v0;
	v21 =	vld [tilespmem:s18+$0x14A0];
	v14 =	vmul.f32 v14, v22;
	v23 =	vmax.f32 v26, $0.0e+00  }
0x9c: {  	v22 =	vld [tilespmem:s18+$0xB0];
	v20 =	vmul.f32 v23, v20;
	v19 =	vmax.f32 v19, $0.0e+00;
	v10 =	vmul.f32 v10, v9  }
0x9d: {  	v11 =	vmax.f32 v11, $0.0e+00;
	v23 =	vld [tilespmem:s18+$0x14B0];
	[tilespmem:s15+$0x28B0] =	vst v14;
	v14 =	vmul.f32 v19, v24  }
0x9e: {  	v11 =	vmul.f32 v11, v25;
	v24 =	vld [tilespmem:s18+$0xC0];
	[tilespmem:s15+$0x28C0] =	vst v20;
	v10 =	vadd.f32 v10, v0  }
0x9f: {  	v25 =	vld [tilespmem:s18+$0x14C0];
	[tilespmem:s15+$0x28D0] =	vst v14  }
0xa0: {  	v26 =	vld [tilespmem:s18+$0xD0];
	[tilespmem:s15+$0x28E0] =	vst v11;
	v10 =	vmax.f32 v10, $0.0e+00  }
0xa1: {  	v27 =	vld [tilespmem:s18+$0x14D0];
	v9 =	vmul.f32 v10, v9  }
0xa2: {  	v29 =	vld [tilespmem:s18+$0xE0]  }
0xa3: {  	v30 =	vld [tilespmem:s18+$0x14E0];
	[tilespmem:s15+$0x28F0] =	vst v9;
	s15 =	smov.u32 s18  }
0xa4: {  	v19 =	vld [tilespmem:s15+$0xF0]  }
0xa5: {  	v20 =	vld [tilespmem:s15+$0x14F0]  }
.Ltmp0:
0xa6: {  	v11 =	vld [tilespmem:s15+$0x28E0];
	(pc) =	sbr.rel @p0 .LBB2_2-.Ltmp0, $4  }
0xa7: {  	v3 =	vadd.f32 v5, v3;
	v28 =	vadd.f32 v2, v1;
	v1 =	vld [tilespmem:s15+$0x28C0]  }
0xa8: {  	v5 =	vadd.f32 v8, v6;
	v13 =	vadd.f32 v15, v13;
	v2 =	vld [tilespmem:s15+$0x28B0]  }
0xa9: {  	v8 =	vadd.f32 v32, v16;
	v6 =	vadd.f32 v34, v33;
	v31 =	vld [tilespmem:s15+$0x2890]  }
0xaa: {  	s17 =	sadd.s32 $0x400, s17;
	v16 =	vadd.f32 v38, v37;
	v14 =	vadd.f32 v36, v35;
	v15 =	vld [tilespmem:s15+$0x2830]  }
0xab: {  	s16 =	sadd.s32 $0x10, s16;
	v4 =	vadd.f32 v7, v4;
	v47 =	vadd.f32 v17, v12  }
0xac: {  	v48 =	vadd.f32 v21, v18;
	v49 =	vadd.f32 v23, v22;
	v12 =	vld [tilespmem:s16+$0x0]  }
0xad: {  	v9 =	vld [tilespmem:s15+$0x2810];
	v51 =	vadd.f32 v25, v24;
	v52 =	vadd.f32 v30, v29  }
0xae: {  	v10 =	vld [tilespmem:s15+$0x2800];
	v25 =	vadd.f32 v27, v26;
	v41 =	vadd.f32 v20, v19  }
0xaf: {  	v50 =	vld [tilespmem:s15+$0x2820];
	v1 =	vadd.f32 v1, v51;
	v2 =	vadd.f32 v2, v49  }
0xb0: {  	v53 =	vld [tilespmem:s15+$0x2850];
	v52 =	vadd.f32 v11, v52;
	v7 =	vadd.f32 v31, v47  }
0xb1: {  	v54 =	vld [tilespmem:s15+$0x2840];
	v55 =	vadd.f32 v15, v13;
	v56 =	vbroadcast v12, $0x0;
	v57 =	vbroadcast v12, $0x1  }
0xb2: {  	v61 =	vld [tilespmem:s15+$0x2860];
	v3 =	vadd.f32 v9, v3;
	v58 =	vbroadcast v12, $0x2;
	v59 =	vbroadcast v12, $0x3  }
0xb3: {  	v62 =	vld [tilespmem:s15+$0x2870];
	v10 =	vadd.f32 v10, v28;
	v60 =	vbroadcast v12, $0x4;
	v63 =	vbroadcast v12, $0x5  }
0xb4: {  	v30 =	vld [tilespmem:s15+$0x2880];
	v5 =	vadd.f32 v50, v5;
	v32 =	vbroadcast v12, $0x6;
	v34 =	vbroadcast v12, $0x7  }
0xb5: {  	v45 =	vld [tilespmem:s15+$0x28D0];
	v6 =	vadd.f32 v53, v6;
	v39 =	vbroadcast v12, $0x8;
	v40 =	vbroadcast v12, $0x9  }
0xb6: {  	v8 =	vadd.f32 v54, v8;
	v44 =	vbroadcast v12, $0xA;
	v50 =	vbroadcast v12, $0xB  }
0xb7: {  	v31 =	vadd.f32 v61, v14;
	v53 =	vbroadcast v12, $0xC;
	v10 =	vmul.f32 v10, v56  }
0xb8: {  	v33 =	vadd.f32 v62, v16;
	v3 =	vmul.f32 v3, v57;
	v5 =	vmul.f32 v5, v58  }
0xb9: {  	v4 =	vadd.f32 v30, v4;
	v9 =	vmul.f32 v55, v59;
	v8 =	vmul.f32 v8, v60  }
0xba: {  	v54 =	vadd.f32 v45, v25;
	v6 =	vmul.f32 v6, v63;
	v36 =	vmul.f32 v31, v32  }
0xbb: {  	v38 =	vmul.f32 v33, v34;
	v4 =	vmul.f32 v4, v39;
	v10 =	vadd.f32 v10, v0  }
0xbc: {  	v7 =	vmul.f32 v7, v40;
	v3 =	vadd.f32 v3, v0;
	v5 =	vadd.f32 v5, v0  }
0xbd: {  	v51 =	vld [tilespmem:s15+$0x28F0];
	v2 =	vmul.f32 v2, v50;
	v9 =	vadd.f32 v9, v0;
	v8 =	vadd.f32 v8, v0  }
0xbe: {  	v55 =	vbroadcast v12, $0xD;
	v35 =	vadd.f32 v6, v0;
	v6 =	vadd.f32 v36, v0  }
0xbf: {  	v1 =	vmul.f32 v1, v53;
	v13 =	vadd.f32 v38, v0;
	v4 =	vadd.f32 v4, v0  }
0xc0: {  	v46 =	vadd.f32 v7, v0;
	v2 =	vadd.f32 v2, v0;
	v10 =	vmax.f32 v10, $0.0e+00  }
0xc1: {  	v11 =	vmul.f32 v54, v55;
	v3 =	vmax.f32 v3, $0.0e+00;
	v10 =	vmul.f32 v10, v56  }
0xc2: {  	v7 =	vadd.f32 v51, v41;
	v5 =	vmax.f32 v5, $0.0e+00;
	v3 =	vmul.f32 v3, v57  }
0xc3: {  	v1 =	vadd.f32 v1, v0;
	v9 =	vmax.f32 v9, $0.0e+00;
	v5 =	vmul.f32 v5, v58;
	[tilespmem:s15+$0x2800] =	vst v10  }
0xc4: {  	v37 =	vld [tilespmem:s15+$0x28A0];
	v8 =	vmax.f32 v8, $0.0e+00;
	v6 =	vmax.f32 v6, $0.0e+00;
	v9 =	vmul.f32 v9, v59;
	[tilespmem:s15+$0x2810] =	vst v3  }
0xc5: {  	v43 =	vmax.f32 v13, $0.0e+00;
	v49 =	vmax.f32 v46, $0.0e+00;
	v8 =	vmul.f32 v8, v60;
	[tilespmem:s15+$0x2820] =	vst v5  }
0xc6: {  	v2 =	vmax.f32 v2, $0.0e+00;
	v42 =	vmul.f32 v6, v32;
	v56 =	vbroadcast v12, $0xE;
	[tilespmem:s15+$0x2830] =	vst v9  }
0xc7: {  	v1 =	vmax.f32 v1, $0.0e+00;
	v12 =	vbroadcast v12, $0xF;
	v2 =	vmul.f32 v2, v50;
	[tilespmem:s15+$0x2840] =	vst v8  }
0xc8: {  	v58 =	vadd.f32 v11, v0;
	v1 =	vmul.f32 v1, v53;
	v3 =	vmul.f32 v43, v34;
	[tilespmem:s15+$0x2860] =	vst v42  }
0xc9: {  	v10 =	vadd.f32 v37, v48;
	v48 =	vmax.f32 v4, $0.0e+00;
	v57 =	vmul.f32 v52, v56;
	[tilespmem:s15+$0x28B0] =	vst v2  }
0xca: {  	v5 =	vmax.f32 v35, $0.0e+00;
	v7 =	vmul.f32 v7, v12;
	[tilespmem:s15+$0x2870] =	vst v3;
	v3 =	vmul.f32 v48, v39  }
0xcb: {  	[tilespmem:s15+$0x28C0] =	vst v1;
	v5 =	vmul.f32 v5, v63;
	v47 =	vmul.f32 v10, v44;
	v59 =	vadd.f32 v57, v0  }
0xcc: {  	v4 =	vmul.f32 v49, v40;
	v60 =	vadd.f32 v7, v0;
	[tilespmem:s15+$0x2880] =	vst v3;
	v3 =	vmax.f32 v58, $0.0e+00  }
0xcd: {  	[tilespmem:s15+$0x2850] =	vst v5;
	v5 =	vadd.f32 v47, v0;
	v62 =	vmax.f32 v59, $0.0e+00;
	v61 =	vmul.f32 v3, v55  }
0xce: {  	[tilespmem:s15+$0x2890] =	vst v4;
	v0 =	vmax.f32 v60, $0.0e+00;
	v63 =	vmul.f32 v62, v56  }
0xcf: {  	v0 =	vmul.f32 v0, v12;
	v5 =	vmax.f32 v5, $0.0e+00;
	[tilespmem:s15+$0x28D0] =	vst v61  }
0xd0: {  	s14 =	sadd.s32 $0x1, s14;
	v5 =	vmul.f32 v5, v44;
	[tilespmem:s15+$0x28E0] =	vst v63  }
0xd1: {  	p0 =	sne.s32 s14, s9;
	[tilespmem:s15+$0x28F0] =	vst v0  }
.Ltmp1:
0xd2: {  	[tilespmem:s15+$0x28A0] =	vst v5;
	(pc) =	sbr.rel @p0 .LBB2_1-.Ltmp1, $4  }
0xd3: {  	[hbm4b:s8+s3] =	stream.linear.scatter [tilespmem:s12], [sflag:$0x1], $0x1400, $0x38;
	[tilespmem:$0x3D50] =	vst v63  }
0xd4: {  	_ =	swait.ge [sflag:s10], $0x1400  }
0xd5: {  	[sflag:s10] =	ssyncset.done $0x0  }
0xd6: {  	[sflag:s10] =	ssyncadd.s32 $0xFFFFEC00  }
0xd7: {  	_ =	sfence.sel $0x180000  }
0xd8: {  	[bflag:$0x0] =	sbarrier.arrive $0xFFFF  }
0xd9: {  	p0 =	sne.s32 s0, $0x0;
	_ =	strace $0x90000050  }
0xda: {  	s0 =	sadd.s32 @!p0 $0x100000, s1;
	[bflag:$0x2] =	sbarrier.arrive $0xFFFF  }
0xdb: {  	[sflag:s0] =	ssyncadd.tile.s32 @!p0 $0x1;
	_ =	shalt  }
.Lfunc_end2:
_tile_overlayer_lowered:
.L_overlay_start_2:
0xdc: {  	(tag) =	ssettag $0x2  }
0xdd: {  	s0 =	rddreg [dreg:$0x0];
	s2 =	stileid.u32  }
0xde: {  	s1 =	rddreg [dreg:$0x1];
	p0 =	sne.s32 s2, $0x0  }
0xdf: {  	s3 =	rddreg [dreg:$0x2];
	[bflag:$0x3] =	sbarrier.arrive $0xFFFF;
	s2 =	simm.s32 @!p0 $0x1C01  }
0xe0: {  	[timem:s3], [sflag:s2] =	dma.local @!p0 [hbm:s0], s1  }
0xe1: {  	s0 =	simm.s32 @!p0 $0x1  }
0xe2: {  	_ =	swait.ge @!p0 [sflag:s0], s1  }
0xe3: {  	s1 =	ssub.s32 @!p0 $0x0, s1;
	[sflag:s0] =	ssyncset.done @!p0 $0x0  }
0xe4: {  	[sflag:s0] =	ssyncadd.s32 @!p0 s1  }
0xe5: {  	[bflag:$0x3] =	sbarrier.arrive $0xFFFF  }
0xe6: {  	_ =	shalt  }

// kernel: kernel.22.cloned.1.call-start
scs
__scs_entry_jumppad:
0x0: {  	(pc) =	sbr.rel $0x88, $3  }
0x1: {  	(tag) =	ssettag $0x0;
	lr =	simm.s32 $0x1  }
0x2: {  	[smem:$0x3F9B] =	sst lr;
	_ =	strace $0xD0000000  }
0x3: {  	_ = 	snop  }
0x4: {  	_ = 	snop  }
0x5: {  	_ = 	snop  }
0x6: {  	_ = 	snop  }
0x7: {  	_ = 	snop  }
__scs_overlays_trampoline_lowered:
0x8: {  	[smem:$0x3FAA] =	sst s0  }
0x9: {  	[smem:$0x3FAB] =	sst s1  }
0xa: {  	[smem:$0x3FAC] =	sst s2  }
0xb: {  	[smem:$0x3FAD] =	sst s3  }
0xc: {  	[smem:$0x3FAE] =	sst s4  }
0xd: {  	[smem:$0x3FAF] =	sst s5  }
0xe: {  	[smem:$0x3FB0] =	sst s6  }
0xf: {  	[smem:$0x3FB1] =	sst s7  }
0x10: {  	[smem:$0x3FB2] =	sst s8  }
0x11: {  	[smem:$0x3FB3] =	sst s9;
	s0 =	simm.s32 @!p0 $0x0  }
0x12: {  	s1 =	sld [smem:$0x3F99];
	s0 =	simm.s32 @p0 $0x1  }
0x13: {  	[smem:$0x3FB4] =	sst s0;
	s0 =	simm.s32 @!p1 $0x0  }
0x14: {  	s2 =	sld [smem:$0x3F98];
	s0 =	simm.s32 @p1 $0x1  }
0x15: {  	[smem:$0x3FB5] =	sst s0;
	s0 =	simm.s32 @!p2 $0x0  }
0x16: {  	s3 =	sld [smem:$0x3FDB];
	s0 =	simm.s32 @p2 $0x1  }
0x17: {  	s4 =	simm.s32 $0x1BF5;
	[smem:$0x3FB7] =	sst s0  }
0x18: {  	s0 =	sld [smem:$0x3F9A];
	_ =	swait.ge [sflag:s4], $0x0  }
0x19: {  	s7 =	sld [smem:$0x3F9B]  }
0x1a: {  	s8 =	sadd.s32 $0xFFFFE003, lr  }
0x1b: {  	s9 =	sadd.s32 $0xFFFFFEF7, lr;
	s5 =	simm.s32 $0xFFFFFFFF;
	p2 =	slt.u32 s8, $0xFFFFF086  }
0x1c: {  	p1 =	slt.u32 s9, $0xF7A;
	s5 =	simm.s32 @!p2 $0x0  }
0x1d: {  	s5 =	simm.s32 @p1 $0x1;
	p0 =	seq.s32 s7, s2  }
0x1e: {  	s7 =	smul.u32 @!p0 $0xF7A, s2;
	p2 =	seq.s32 @!p0 s5, $0x0  }
0x1f: {  	s9 =	smul.u32 $0xF7A, s1;
	s8 =	simm.s32 @!p0 $0x1BF5;
	p2 =	por !p2, p0  }
0x20: {  	[sflag:s8] =	ssyncset.s32 @!p0 $0xFFFFF086;
	s6 =	sadd.s32 @!p0 s3, s7;
	s7 =	simm.s32 @!p0 $0x108  }
0x21: {  	s3 =	sadd.s32 s3, s9;
	s6 =	sadd.s32 @!p0 $0x88, s6;
	s7 =	simm.s32 @p2 $0x1082  }
0x22: {  	[simem:s7], [sflag:s8] =	dma.local @!p0 [hbm:s6], $0xF7A  }
0x23: {  	s9 =	sor.u32 $0xD0000000, s2;
	s6 =	simm.s32 $0x108;
	_ =	swait.ge @!p0 [sflag:s8], $0x0  }
0x24: {  	s3 =	sadd.s32 $0x88, s3;
	s6 =	simm.s32 @!p1 $0x1082;
	[sflag:s4] =	ssyncset.s32 $0xFFFFF086  }
0x25: {  	[simem:s6], [sflag:s4] =	dma.local [hbm:s3], $0xF7A  }
0x26: {  	[smem:$0x3F9B] =	sst s1;
	(tag) =	ssettag s2;
	_ =	strace s9  }
0x27: {  	s1 =	sld [smem:$0x3FAB]  }
0x28: {  	s2 =	sld [smem:$0x3FAC]  }
0x29: {  	s4 =	sld [smem:$0x3FAE]  }
0x2a: {  	p0 =	seq.s32 s5, $0x0;
	s5 =	sld [smem:$0x3FAF]  }
0x2b: {  	s6 =	sld [smem:$0x3FB0]  }
0x2c: {  	s7 =	sld [smem:$0x3FB1]  }
0x2d: {  	s3 =	simm.s32 $0x108;
	s8 =	sld [smem:$0x3FB2]  }
0x2e: {  	s3 =	simm.s32 @!p0 $0x1082;
	s9 =	sld [smem:$0x3FB3]  }
0x2f: {  	lr =	sadd.s32 s0, s3;
	s0 =	sld [smem:$0x3FAA]  }
0x30: {  	s3 =	sld [smem:$0x3FAD]  }
0x31: {  	[smem:$0x3FB6] =	sst s10  }
0x32: {  	s10 =	sld [smem:$0x3FB4];
	_ =	sdelay $0x3  }
0x33: {  	p0 =	seq.s32 s10, $0x1;
	s10 =	sld [smem:$0x3FB6];
	_ =	sdelay $0x3  }
0x34: {  	[smem:$0x3FB6] =	sst s10  }
0x35: {  	s10 =	sld [smem:$0x3FB5];
	_ =	sdelay $0x3  }
0x36: {  	p1 =	seq.s32 s10, $0x1;
	s10 =	sld [smem:$0x3FB6];
	_ =	sdelay $0x3  }
0x37: {  	[smem:$0x3FB6] =	sst s10  }
0x38: {  	s10 =	sld [smem:$0x3FB7]  }
0x39: {  	_ = 	snop;
	(pc) =	sbr.ind lr, $3  }
0x3a: {  	_ = 	snop  }
0x3b: {  	_ = 	snop  }
0x3c: {  	p2 =	seq.s32 s10, $0x1;
	s10 =	sld [smem:$0x3FB6]  }
0x3d: {  	_ =	shalt  }
0x3e: {  	_ =	shalt  }
0x3f: {  	_ =	shalt  }
0x40: {  	_ =	shalt  }
0x41: {  	_ =	shalt  }
0x42: {  	_ =	shalt  }
0x43: {  	_ =	shalt  }
0x44: {  	_ =	shalt  }
0x45: {  	_ =	shalt  }
0x46: {  	_ =	shalt  }
0x47: {  	_ =	shalt  }
0x48: {  	_ =	shalt  }
0x49: {  	_ =	shalt  }
0x4a: {  	_ =	shalt  }
0x4b: {  	_ =	shalt  }
0x4c: {  	_ =	shalt  }
0x4d: {  	_ =	shalt  }
0x4e: {  	_ =	shalt  }
0x4f: {  	_ =	shalt  }
0x50: {  	_ =	shalt  }
0x51: {  	_ =	shalt  }
0x52: {  	_ =	shalt  }
0x53: {  	_ =	shalt  }
0x54: {  	_ =	shalt  }
0x55: {  	_ =	shalt  }
0x56: {  	_ =	shalt  }
0x57: {  	_ =	shalt  }
0x58: {  	_ =	shalt  }
0x59: {  	_ =	shalt  }
0x5a: {  	_ =	shalt  }
0x5b: {  	_ =	shalt  }
0x5c: {  	_ =	shalt  }
0x5d: {  	_ =	shalt  }
0x5e: {  	_ =	shalt  }
0x5f: {  	_ =	shalt  }
0x60: {  	_ =	shalt  }
0x61: {  	_ =	shalt  }
0x62: {  	_ =	shalt  }
0x63: {  	_ =	shalt  }
0x64: {  	_ =	shalt  }
0x65: {  	_ =	shalt  }
0x66: {  	_ =	shalt  }
0x67: {  	_ =	shalt  }
0x68: {  	_ =	shalt  }
0x69: {  	_ =	shalt  }
0x6a: {  	_ =	shalt  }
0x6b: {  	_ =	shalt  }
0x6c: {  	_ =	shalt  }
0x6d: {  	_ =	shalt  }
0x6e: {  	_ =	shalt  }
0x6f: {  	_ =	shalt  }
0x70: {  	_ =	shalt  }
0x71: {  	_ =	shalt  }
0x72: {  	_ =	shalt  }
0x73: {  	_ =	shalt  }
0x74: {  	_ =	shalt  }
0x75: {  	_ =	shalt  }
0x76: {  	_ =	shalt  }
0x77: {  	_ =	shalt  }
0x78: {  	_ =	shalt  }
0x79: {  	_ =	shalt  }
0x7a: {  	_ =	shalt  }
0x7b: {  	_ =	shalt  }
0x7c: {  	_ =	shalt  }
0x7d: {  	_ =	shalt  }
0x7e: {  	_ =	shalt  }
0x7f: {  	_ =	shalt  }
0x80: {  	_ =	shalt  }
0x81: {  	_ =	shalt  }
0x82: {  	_ =	shalt  }
0x83: {  	_ =	shalt  }
0x84: {  	_ =	shalt  }
0x85: {  	_ =	shalt  }
0x86: {  	_ =	shalt  }
0x87: {  	_ =	shalt  }
.Lfunc_end0:
.L_simem_size_0:
called_computation.4_lowered:
.L_overlay_start_0:
0x88: {  	s2 =	sld [smem:$0x3FD9]  }
0x89: {  	s3 =	sld [smem:$0x3FFE];
	_ =	sdelay $0x1  }
0x8a: {  	s1 =	srdreg.scid  }
0x8b: {  	s0 =	sand.u32 $0x1, s1  }
0x8c: {  	s17 =	sshll.u32 s0, $0xA;
	s2 =	sadd.s32 s3, s2  }
0x8d: {  	s2 =	sadd.s32 s2, s17  }
0x8e: {  	[smem:$0x3FC2] =	sst s2  }
0x8f: {  	_ = 	snop  }
0x90: {  	s2 =	sld [smem:$0x3FD0];
	(tm) =	ssettm $0x1  }
0x91: {  	s18 =	sld [smem:$0x3FFB];
	_ =	sdelay $0x3  }
0x92: {  	_ =	strace s18  }
0x93: {  	s3 =	sld [smem:$0x3FFC];
	_ =	sdelay $0x3  }
0x94: {  	_ =	strace s3  }
0x95: {  	s3 =	sld [smem:$0x3FFD];
	_ =	sdelay $0x3  }
0x96: {  	_ =	strace s3  }
0x97: {  	_ =	strace $0x8FFFFFFF  }
0x98: {  	s19 =	sld [smem:$0x3FDB];
	_ =	sdelay $0x1  }
0x99: {  	s4 =	simm.s32 $_scs_section_size  }
0x9a: {  	s5 =	simm.s32 $_size__tile_overlayer_lowered;
	s6 =	simm.s32 $_tile_overlayer_lowered  }
0x9b: {  	s22 =	simm.s32 $0x1BFF;
	s21 =	sshll.u32 s6, $0x1;
	s3 =	sadd.s32 s4, s19  }
0x9c: {  	s7 =	simm.s32 $0x0;
	s20 =	sshll.u32 s5, $0x1;
	s5 =	sadd.s32 s21, s3  }
0x9d: {  	[timem:s7], [sflag:s22] =	dma.local [hbm:s5], s20  }
0x9e: {  	_ =	swait.ge [sflag:s22], s20  }
0x9f: {  	s4 =	ssub.s32 $0x0, s20;
	[sflag:s22] =	ssyncset.done $0x0  }
0xa0: {  	[sflag:s22] =	ssyncadd.s32 s4;
	_ =	sdelay $0x1  }
0xa1: {  	s23 =	simm.s32 $0x1B8B  }
0xa2: {  	_ =	swait.ge [sflag:s23], $0x1  }
0xa3: {  	[sflag:s23] =	ssyncset.done $0x0  }
0xa4: {  	s25 =	simm.s32 $0x1B8E;
	s24 =	sld [smem:$0x3FFE];
	[sflag:s23] =	ssyncadd.s32 $0xFFFFFFFF  }
0xa5: {  	s26 =	simm.s32 $execute0_lowered;
	[smem:$0x3FD2] =	sst s25  }
0xa6: {  	s5 =	sshll.u32 s26, $0x1;
	_ =	strace $0x80000052;
	[dreg:$0x1] =	wrdreg $0xFFFFFFFF  }
0xa7: {  	s28 =	simm.s32 $_size_execute0_lowered;
	s3 =	sadd.s32 s3, s5;
	[dreg:$0x0] =	wrdreg $0x0  }
0xa8: {  	s5 =	sshll.u32 s28, $0x1;
	[dreg:$0x2] =	wrdreg s3  }
0xa9: {  	[dreg:$0x3] =	wrdreg s5  }
0xaa: {  	[dreg:$0x4] =	wrdreg $0xC0  }
0xab: {  	_ =	task [dreg:s7], $0x5FFFF  }
0xac: {  	[dreg:$0x1] =	wrdreg $0xFFFFFFFF  }
0xad: {  	[dreg:$0x0] =	wrdreg $0x60  }
0xae: {  	[dreg:$0x2] =	wrdreg s24  }
0xaf: {  	[dreg:$0x3] =	wrdreg s2  }
0xb0: {  	[dreg:$0x4] =	wrdreg $0x87000  }
0xb1: {  	[dreg:$0x5] =	wrdreg $0x9  }
0xb2: {  	_ =	task.clear_ibuf [dreg:s7], $0x6FFFF;
	_ =	strace $0x90000052  }
0xb3: {  	s29 =	simm.s32 $0x9;
	_ =	strace $0x80000054  }
0xb4: {  	_ =	swait.ge [sflag:s29], $0x1  }
0xb5: {  	[sflag:s29] =	ssyncadd.s32 $0xFFFFFFFF  }
0xb6: {  	_ =	strace $0x90000054  }
0xb7: {  	_ =	sfence  }
0xb8: {  	s30 =	sld [smem:$0x0];
	_ =	sdelay $0x2  }
0xb9: {  	s31 =	sshll.u32 s1, $0xD;
	s1 =	sshrl.u32 s1, $0x2  }
0xba: {  	s3 =	sand.u32 $0x4000, s31;
	s1 =	sadd.s32 s1, s30  }
0xbb: {  	s0 =	sor.u32 s3, s0;
	s1 =	sshll.u32 s1, $0x11  }
0xbc: {  	s0 =	sor.u32 s1, s0  }
0xbd: {  	s0 =	sadd.s32 $0x8F2B, s0  }
0xbe: {  	[sflag:s0] =	ssyncadd.remote.s32 $0x1  }
0xbf: {  	_ =	sfence.sel $0xFFFF  }
0xc0: {  	[dreg:$0x0] =	wrdreg $0xFFFFFFFF;
	(pc) =	sbr.abs _section_cstart, $3  }
0xc1: {  	[dreg:$0x1] =	wrdreg $0xFFFFFFFF  }
0xc2: {  	_ =	task.clear_ibuf [dreg:s7], $0x2FFFF;
	_ =	strace $0x9FFFFFFF  }
0xc3: {  	(tm) =	ssettm $0x7FFFFFFF  }
tec
execute0_lowered:
.L_overlay_start_1:
0x0: {  	(tag) =	ssettag $0x1  }
0x1: {  	s5 =	rddreg [dreg:$0x0]  }
0x2: {  	s11 =	rddreg [dreg:$0x1]  }
0x3: {  	s1 =	rddreg [dreg:$0x2]  }
0x4: {  	s2 =	srdreg.scid;
	s0 =	rddreg [dreg:$0x3]  }
0x5: {  	s3 =	simm.s32 $0x0;
	s15 =	simm.s32 $0x5F00;
	s16 =	simm.s32 $0x80  }
0x6: {  	s17 =	simm.s32 $0x4F00;
	s18 =	simm.s32 $0x5700;
	s19 =	simm.s32 $0x1  }
0x7: {  	s20 =	simm.s32 $0x2;
	s21 =	simm.s32 $0x3;
	s22 =	simm.s32 $0x4  }
0x8: {  	s24 =	simm.s32 $0x4D80;
	s25 =	simm.s32 $0x0;
	s6 =	sand.u32 $0x1, s2  }
0x9: {  	s2 =	stileid.u32;
	[smem:$0x7FF] =	sst s3;
	s9 =	sadd.s32 $0x2A00, s5  }
0xa: {  	s4 =	sshll.u32 s6, $0x4;
	_ =	strace $0x80000053;
	s10 =	smul.u32 $0x2800, s2  }
0xb: {  	s8 =	ssub.s32 $0x2, s6;
	s13 =	smul.u32 $0x28000, s6;
	s14 =	sshll.u32 s2, $0x4  }
0xc: {  	s23 =	sor.u32 s2, s4;
	s4 =	sadd.s32 $0x1C600, s5;
	s12 =	sshrl.u32 s8, $0x1  }
0xd: {  	s5 =	sadd.s32 $0x16400, s5;
	s31 =	sadd.s32 s14, s9;
	s14 =	simm.s32 $0x2700  }
0xe: {  	s7 =	smul.u32 $0x2700, s23;
	s12 =	ssub.s32 s8, s12;
	s13 =	sadd.s32 s10, s13  }
0xf: {  	s8 =	sadd.s32 s10, s1;
	s10 =	sadd.s32 $0x13840, s31;
	p0 =	sgt.u32 s23, $0x3  }
0x10: {  	s23 =	simm.s32 $0x4D00;
	s13 =	sshrl.u32 s13, $0x3;
	s7 =	sshrl.u32 s7, $0x3  }
0x11: {  	s12 =	smax.u32 s12, $0x1;
	s11 =	sadd.s32 s11, s13;
	s6 =	sadd.s32 s9, s7  }
0x12: {  	s13 =	simm.s32 $0x5;
	s9 =	sadd.s32 $0x9C00, s31;
	s7 =	sadd.s32 $0x9C40, s6  }
.LBB2_1:
0x13: {  	[tilespmem:s3], [sflag:$0x5] =	stream.linear.gather [hbm4b:s6+s3], $0x2700, $0x38;
	[tilespmem:$0xAF00] =	vst v63  }
0x14: {  	_ =	swait.ge [sflag:s13], $0x2700  }
0x15: {  	[sflag:s13] =	ssyncset.done $0x0  }
0x16: {  	[sflag:s13] =	ssyncadd.s32 $0xFFFFD900  }
0x17: {  	[tilespmem:s14], [sflag:$0x5] =	stream.linear.gather [hbm4b:s7+s3], $0x2700, $0x38;
	[tilespmem:$0xAF00] =	vst v63  }
0x18: {  	_ =	swait.ge [sflag:s13], $0x2700  }
0x19: {  	[sflag:s13] =	ssyncset.done $0x0  }
0x1a: {  	[sflag:s13] =	ssyncadd.s32 $0xFFFFD900  }
0x1b: {  	[tilespmem:s15], [sflag:$0x5] =	stream.linear.gather [hbm4b:s5+s3], $0x2800, $0x38;
	[tilespmem:$0xAF00] =	vst v63  }
0x1c: {  	_ =	swait.ge [sflag:s13], $0x2800  }
0x1d: {  	[sflag:s13] =	ssyncset.done $0x0  }
0x1e: {  	[sflag:s13] =	ssyncadd.s32 $0xFFFFD800  }
0x1f: {  	[spmem:s8] =	stream.linear.scatter [tilespmem:s15], [sflag:$0x5], $0x2800, $0x38;
	[tilespmem:$0xAF00] =	vst v63  }
0x20: {  	_ =	swait.ge [sflag:s13], $0x2800  }
0x21: {  	[sflag:s13] =	ssyncset.done $0x0  }
0x22: {  	[sflag:s13] =	ssyncadd.s32 $0xFFFFD800  }
0x23: {  	[bflag:$0x0] =	sbarrier.arrive $0xFFFF  }
0x24: {  	[tilespmem:s17], [sflag:$0x1] =	stream.indirect.gather [hbm4b:s4+s16], $0x10, s3, s16, $0xb8;
	[tilespmem:$0xAF00] =	vst v63  }
0x25: {  	_ = 	snop  }
0x26: {  	[tilespmem:s18], [sflag:$0x2] =	stream.indirect.gather [hbm4b:s4+s16], $0x10, s16, s16, $0xb8;
	[tilespmem:$0xAF00] =	vst v63  }
0x27: {  	_ =	swait.ge [sflag:s19], $0x800  }
0x28: {  	[sflag:s19] =	ssyncset.done $0x0  }
0x29: {  	s26 =	simm.s32 $0x2700;
	[sflag:s19] =	ssyncadd.s32 $0xFFFFF800  }
0x2a: {  	[spmem:s1] =	stream.indirect.scatter.add.f32 [tilespmem:s17], [sflag:$0x3], $0x10, s26, s16, $0xb8;
	[tilespmem:$0xAF00] =	vst v63  }
0x2b: {  	_ =	swait.ge [sflag:s20], $0x800  }
0x2c: {  	[sflag:s20] =	ssyncset.done $0x0  }
0x2d: {  	s30 =	simm.s32 $0x2780;
	[sflag:s20] =	ssyncadd.s32 $0xFFFFF800  }
0x2e: {  	[spmem:s1] =	stream.indirect.scatter.add.f32 [tilespmem:s18], [sflag:$0x4], $0x10, s30, s16, $0xb8;
	[tilespmem:$0xAF00] =	vst v63  }
0x2f: {  	_ =	swait.ge [sflag:s21], $0x800  }
0x30: {  	[sflag:s21] =	ssyncset.done $0x0  }
0x31: {  	s31 =	simm.s32 $0x100;
	[sflag:s21] =	ssyncadd.s32 $0xFFFFF800  }
0x32: {  	[tilespmem:s17], [sflag:$0x1] =	stream.indirect.gather [hbm4b:s4+s16], $0x10, s31, s16, $0xb8;
	[tilespmem:$0xAF00] =	vst v63  }
0x33: {  	_ =	swait.ge [sflag:s22], $0x800  }
0x34: {  	[sflag:s22] =	ssyncset.done $0x0  }
0x35: {  	s28 =	simm.s32 $0x180;
	s26 =	simm.s32 $0x400;
	[sflag:s22] =	ssyncadd.s32 $0xFFFFF800  }
.LBB2_2:
0x36: {  	[tilespmem:s18], [sflag:$0x2] =	stream.indirect.gather [hbm4b:s4+s16], $0x10, s28, s16, $0xb8;
	[tilespmem:$0xAF00] =	vst v63  }
0x37: {  	s28 =	smov.u32 s26  }
0x38: {  	p1 =	sne.s32 s26, $0x9400;
	s26 =	sadd.s32 $0x400, s26;
	_ =	swait.ge [sflag:s19], $0x800  }
0x39: {  	s28 =	sshra.s32 s28, $0x2;
	[sflag:s19] =	ssyncset.done $0x0  }
0x3a: {  	s29 =	sadd.s32 $0x2700, s28;
	[sflag:s19] =	ssyncadd.s32 $0xFFFFF800  }
0x3b: {  	[spmem:s1] =	stream.indirect.scatter.add.f32 [tilespmem:s17], [sflag:$0x3], $0x10, s29, s16, $0xb8;
	[tilespmem:$0xAF00] =	vst v63  }
0x3c: {  	_ =	swait.ge [sflag:s20], $0x800  }
0x3d: {  	[sflag:s20] =	ssyncset.done $0x0  }
0x3e: {  	s29 =	sadd.s32 $0x2780, s28;
	[sflag:s20] =	ssyncadd.s32 $0xFFFFF800  }
0x3f: {  	[spmem:s1] =	stream.indirect.scatter.add.f32 [tilespmem:s18], [sflag:$0x4], $0x10, s29, s16, $0xb8;
	[tilespmem:$0xAF00] =	vst v63  }
0x40: {  	_ =	swait.ge [sflag:s21], $0x800  }
0x41: {  	[sflag:s21] =	ssyncset.done $0x0  }
.Ltmp0:
0x42: {  	s29 =	sadd.s32 $0x100, s28;
	[sflag:s21] =	ssyncadd.s32 $0xFFFFF800;
	(pc) =	sbr.rel @p1 .LBB2_2-.Ltmp0, $4  }
0x43: {  	[tilespmem:s17], [sflag:$0x1] =	stream.indirect.gather [hbm4b:s4+s16], $0x10, s29, s16, $0xb8;
	[tilespmem:$0xAF00] =	vst v63  }
0x44: {  	_ =	swait.ge [sflag:s22], $0x800  }
0x45: {  	[sflag:s22] =	ssyncset.done $0x0  }
0x46: {  	s28 =	sadd.s32 $0x180, s28;
	[sflag:s22] =	ssyncadd.s32 $0xFFFFF800  }
0x47: {  	[tilespmem:s18], [sflag:$0x2] =	stream.indirect.gather [hbm4b:s4+s16], $0x10, s28, s16, $0xb8;
	[tilespmem:$0xAF00] =	vst v63  }
0x48: {  	_ =	swait.ge [sflag:s19], $0x800  }
0x49: {  	[sflag:s19] =	ssyncset.done $0x0  }
0x4a: {  	[sflag:s19] =	ssyncadd.s32 $0xFFFFF800  }
0x4b: {  	[spmem:s1] =	stream.indirect.scatter.add.f32 [tilespmem:s17], [sflag:$0x3], $0x10, s23, s16, $0xb8;
	[tilespmem:$0xAF00] =	vst v63  }
0x4c: {  	_ =	swait.ge [sflag:s20], $0x800  }
0x4d: {  	[sflag:s20] =	ssyncset.done $0x0  }
0x4e: {  	[sflag:s20] =	ssyncadd.s32 $0xFFFFF800  }
0x4f: {  	[spmem:s1] =	stream.indirect.scatter.add.f32 [tilespmem:s18], [sflag:$0x4], $0x10, s24, s16, $0xb8;
	[tilespmem:$0xAF00] =	vst v63  }
0x50: {  	_ =	swait.ge [sflag:s21], $0x800  }
0x51: {  	[sflag:s21] =	ssyncset.done $0x0  }
0x52: {  	[sflag:s21] =	ssyncadd.s32 $0xFFFFF800  }
0x53: {  	[tilespmem:s17], [sflag:$0x1] =	stream.indirect.gather [hbm4b:s4+s16], $0x10, s3, s16, $0xb8;
	[tilespmem:$0xAF00] =	vst v63  }
0x54: {  	_ =	swait.ge [sflag:s22], $0x800  }
0x55: {  	[sflag:s22] =	ssyncset.done $0x0  }
0x56: {  	[sflag:s22] =	ssyncadd.s32 $0xFFFFF800  }
0x57: {  	[tilespmem:s18], [sflag:$0x2] =	stream.indirect.gather [hbm4b:s4+s16], $0x10, s16, s16, $0xb8;
	[tilespmem:$0xAF00] =	vst v63  }
0x58: {  	_ =	swait.ge [sflag:s19], $0x800  }
0x59: {  	[sflag:s19] =	ssyncset.done $0x0  }
0x5a: {  	[sflag:s19] =	ssyncadd.s32 $0xFFFFF800  }
0x5b: {  	_ =	swait.ge [sflag:s20], $0x800  }
0x5c: {  	s26 =	simm.s32 @!p0 $0x0;
	[sflag:s20] =	ssyncset.done $0x0  }
0x5d: {  	s28 =	simm.s32 @!p0 $0x4E00;
	s29 =	simm.s32 @!p0 $0x5;
	[sflag:s20] =	ssyncadd.s32 $0xFFFFF800  }
0x5e: {  	[tilespmem:s28], [sflag:$0x5] =	stream.linear.gather @!p0 [hbm4b:s9+s26], $0x80, $0x38;
	[tilespmem:$0xAF00] =	vst v63  }
0x5f: {  	_ =	swait.ge @!p0 [sflag:s29], $0x80  }
0x60: {  	[sflag:s29] =	ssyncset.done @!p0 $0x0  }
0x61: {  	s30 =	simm.s32 @!p0 $0x4E80;
	[sflag:s29] =	ssyncadd.s32 @!p0 $0xFFFFFF80  }
0x62: {  	[tilespmem:s30], [sflag:$0x5] =	stream.linear.gather @!p0 [hbm4b:s10+s26], $0x80, $0x38;
	[tilespmem:$0xAF00] =	vst v63  }
0x63: {  	_ =	swait.ge @!p0 [sflag:s29], $0x80  }
0x64: {  	[sflag:s29] =	ssyncset.done @!p0 $0x0  }
0x65: {  	s31 =	simm.s32 @!p0 $0x4F00;
	s26 =	simm.s32 @!p0 $0x80;
	[sflag:s29] =	ssyncadd.s32 @!p0 $0xFFFFFF80  }
0x66: {  	[tilespmem:s31], [sflag:$0x5] =	stream.indirect.gather @!p0 [hbm4b:s4+s26], $0x10, s28, s26, $0xb8;
	[tilespmem:$0xAF00] =	vst v63  }
0x67: {  	_ =	swait.ge @!p0 [sflag:s29], $0x800  }
0x68: {  	[sflag:s29] =	ssyncset.done @!p0 $0x0  }
0x69: {  	[sflag:s29] =	ssyncadd.s32 @!p0 $0xFFFFF800  }
0x6a: {  	[spmem:s1] =	stream.indirect.scatter.add.f32 @!p0 [tilespmem:s31], [sflag:$0x5], $0x10, s30, s26, $0xb8;
	[tilespmem:$0xAF00] =	vst v63  }
0x6b: {  	_ =	swait.ge @!p0 [sflag:s29], $0x800  }
0x6c: {  	[sflag:s29] =	ssyncset.done @!p0 $0x0  }
0x6d: {  	[sflag:s29] =	ssyncadd.s32 @!p0 $0xFFFFF800  }
0x6e: {  	[bflag:$0x0] =	sbarrier.arrive $0xFFFF  }
0x6f: {  	[tilespmem:s15], [sflag:$0x5] =	stream.linear.gather [spmem:s8], $0x2800, $0x38;
	[tilespmem:$0xAF00] =	vst v63  }
0x70: {  	s25 =	sadd.s32 $0x1, s25;
	_ =	swait.ge [sflag:s13], $0x2800  }
0x71: {  	p1 =	sne.s32 s25, s12;
	[sflag:s13] =	ssyncset.done $0x0  }
.Ltmp1:
0x72: {  	[sflag:s13] =	ssyncadd.s32 $0xFFFFD800;
	(pc) =	sbr.rel @p1 .LBB2_1-.Ltmp1, $4  }
0x73: {  	[hbm4b:s11+s3] =	stream.linear.scatter [tilespmem:s15], [sflag:$0x5], $0x2800, $0x38;
	[tilespmem:$0xAF00] =	vst v63  }
0x74: {  	_ =	swait.ge [sflag:s13], $0x2800  }
0x75: {  	[sflag:s13] =	ssyncset.done $0x0  }
0x76: {  	[sflag:s13] =	ssyncadd.s32 $0xFFFFD800  }
0x77: {  	_ =	sfence.sel $0x180000  }
0x78: {  	[bflag:$0x0] =	sbarrier.arrive $0xFFFF  }
0x79: {  	p0 =	sne.s32 s2, $0x0;
	_ =	strace $0x90000053  }
0x7a: {  	s0 =	sadd.s32 @!p0 $0x100000, s0;
	[bflag:$0x2] =	sbarrier.arrive $0xFFFF  }
0x7b: {  	[sflag:s0] =	ssyncadd.tile.s32 @!p0 $0x1;
	_ =	shalt  }
.Lfunc_end2:
_tile_overlayer_lowered:
.L_overlay_start_2:
0x7c: {  	(tag) =	ssettag $0x2  }
0x7d: {  	s0 =	rddreg [dreg:$0x0];
	s2 =	stileid.u32  }
0x7e: {  	s1 =	rddreg [dreg:$0x1];
	p0 =	sne.s32 s2, $0x0  }
0x7f: {  	s3 =	rddreg [dreg:$0x2];
	[bflag:$0x3] =	sbarrier.arrive $0xFFFF;
	s2 =	simm.s32 @!p0 $0x1C05  }
0x80: {  	[timem:s3], [sflag:s2] =	dma.local @!p0 [hbm:s0], s1  }
0x81: {  	s0 =	simm.s32 @!p0 $0x5  }
0x82: {  	_ =	swait.ge @!p0 [sflag:s0], s1  }
0x83: {  	s1 =	ssub.s32 @!p0 $0x0, s1;
	[sflag:s0] =	ssyncset.done @!p0 $0x0  }
0x84: {  	[sflag:s0] =	ssyncadd.s32 @!p0 s1  }
0x85: {  	[bflag:$0x3] =	sbarrier.arrive $0xFFFF  }
0x86: {  	_ =	shalt  }

// kernel: kernel.25.cloned.1.call-start
scs
__scs_entry_jumppad:
0x0: {  	(pc) =	sbr.rel $0x88, $3  }
0x1: {  	(tag) =	ssettag $0x0;
	lr =	simm.s32 $0x1  }
0x2: {  	[smem:$0x3F9B] =	sst lr;
	_ =	strace $0xD0000000  }
0x3: {  	_ = 	snop  }
0x4: {  	_ = 	snop  }
0x5: {  	_ = 	snop  }
0x6: {  	_ = 	snop  }
0x7: {  	_ = 	snop  }
__scs_overlays_trampoline_lowered:
0x8: {  	[smem:$0x3FAA] =	sst s0  }
0x9: {  	[smem:$0x3FAB] =	sst s1  }
0xa: {  	[smem:$0x3FAC] =	sst s2  }
0xb: {  	[smem:$0x3FAD] =	sst s3  }
0xc: {  	[smem:$0x3FAE] =	sst s4  }
0xd: {  	[smem:$0x3FAF] =	sst s5  }
0xe: {  	[smem:$0x3FB0] =	sst s6  }
0xf: {  	[smem:$0x3FB1] =	sst s7  }
0x10: {  	[smem:$0x3FB2] =	sst s8  }
0x11: {  	[smem:$0x3FB3] =	sst s9;
	s0 =	simm.s32 @!p0 $0x0  }
0x12: {  	s1 =	sld [smem:$0x3F99];
	s0 =	simm.s32 @p0 $0x1  }
0x13: {  	[smem:$0x3FB4] =	sst s0;
	s0 =	simm.s32 @!p1 $0x0  }
0x14: {  	s2 =	sld [smem:$0x3F98];
	s0 =	simm.s32 @p1 $0x1  }
0x15: {  	[smem:$0x3FB5] =	sst s0;
	s0 =	simm.s32 @!p2 $0x0  }
0x16: {  	s3 =	sld [smem:$0x3FDB];
	s0 =	simm.s32 @p2 $0x1  }
0x17: {  	s4 =	simm.s32 $0x1BF5;
	[smem:$0x3FB7] =	sst s0  }
0x18: {  	s0 =	sld [smem:$0x3F9A];
	_ =	swait.ge [sflag:s4], $0x0  }
0x19: {  	s7 =	sld [smem:$0x3F9B]  }
0x1a: {  	s8 =	sadd.s32 $0xFFFFE003, lr  }
0x1b: {  	s9 =	sadd.s32 $0xFFFFFEF7, lr;
	s5 =	simm.s32 $0xFFFFFFFF;
	p2 =	slt.u32 s8, $0xFFFFF086  }
0x1c: {  	p1 =	slt.u32 s9, $0xF7A;
	s5 =	simm.s32 @!p2 $0x0  }
0x1d: {  	s5 =	simm.s32 @p1 $0x1;
	p0 =	seq.s32 s7, s2  }
0x1e: {  	s7 =	smul.u32 @!p0 $0xF7A, s2;
	p2 =	seq.s32 @!p0 s5, $0x0  }
0x1f: {  	s9 =	smul.u32 $0xF7A, s1;
	s8 =	simm.s32 @!p0 $0x1BF5;
	p2 =	por !p2, p0  }
0x20: {  	[sflag:s8] =	ssyncset.s32 @!p0 $0xFFFFF086;
	s6 =	sadd.s32 @!p0 s3, s7;
	s7 =	simm.s32 @!p0 $0x108  }
0x21: {  	s3 =	sadd.s32 s3, s9;
	s6 =	sadd.s32 @!p0 $0x88, s6;
	s7 =	simm.s32 @p2 $0x1082  }
0x22: {  	[simem:s7], [sflag:s8] =	dma.local @!p0 [hbm:s6], $0xF7A  }
0x23: {  	s9 =	sor.u32 $0xD0000000, s2;
	s6 =	simm.s32 $0x108;
	_ =	swait.ge @!p0 [sflag:s8], $0x0  }
0x24: {  	s3 =	sadd.s32 $0x88, s3;
	s6 =	simm.s32 @!p1 $0x1082;
	[sflag:s4] =	ssyncset.s32 $0xFFFFF086  }
0x25: {  	[simem:s6], [sflag:s4] =	dma.local [hbm:s3], $0xF7A  }
0x26: {  	[smem:$0x3F9B] =	sst s1;
	(tag) =	ssettag s2;
	_ =	strace s9  }
0x27: {  	s1 =	sld [smem:$0x3FAB]  }
0x28: {  	s2 =	sld [smem:$0x3FAC]  }
0x29: {  	s4 =	sld [smem:$0x3FAE]  }
0x2a: {  	p0 =	seq.s32 s5, $0x0;
	s5 =	sld [smem:$0x3FAF]  }
0x2b: {  	s6 =	sld [smem:$0x3FB0]  }
0x2c: {  	s7 =	sld [smem:$0x3FB1]  }
0x2d: {  	s3 =	simm.s32 $0x108;
	s8 =	sld [smem:$0x3FB2]  }
0x2e: {  	s3 =	simm.s32 @!p0 $0x1082;
	s9 =	sld [smem:$0x3FB3]  }
0x2f: {  	lr =	sadd.s32 s0, s3;
	s0 =	sld [smem:$0x3FAA]  }
0x30: {  	s3 =	sld [smem:$0x3FAD]  }
0x31: {  	[smem:$0x3FB6] =	sst s10  }
0x32: {  	s10 =	sld [smem:$0x3FB4];
	_ =	sdelay $0x3  }
0x33: {  	p0 =	seq.s32 s10, $0x1;
	s10 =	sld [smem:$0x3FB6];
	_ =	sdelay $0x3  }
0x34: {  	[smem:$0x3FB6] =	sst s10  }
0x35: {  	s10 =	sld [smem:$0x3FB5];
	_ =	sdelay $0x3  }
0x36: {  	p1 =	seq.s32 s10, $0x1;
	s10 =	sld [smem:$0x3FB6];
	_ =	sdelay $0x3  }
0x37: {  	[smem:$0x3FB6] =	sst s10  }
0x38: {  	s10 =	sld [smem:$0x3FB7]  }
0x39: {  	_ = 	snop;
	(pc) =	sbr.ind lr, $3  }
0x3a: {  	_ = 	snop  }
0x3b: {  	_ = 	snop  }
0x3c: {  	p2 =	seq.s32 s10, $0x1;
	s10 =	sld [smem:$0x3FB6]  }
0x3d: {  	_ =	shalt  }
0x3e: {  	_ =	shalt  }
0x3f: {  	_ =	shalt  }
0x40: {  	_ =	shalt  }
0x41: {  	_ =	shalt  }
0x42: {  	_ =	shalt  }
0x43: {  	_ =	shalt  }
0x44: {  	_ =	shalt  }
0x45: {  	_ =	shalt  }
0x46: {  	_ =	shalt  }
0x47: {  	_ =	shalt  }
0x48: {  	_ =	shalt  }
0x49: {  	_ =	shalt  }
0x4a: {  	_ =	shalt  }
0x4b: {  	_ =	shalt  }
0x4c: {  	_ =	shalt  }
0x4d: {  	_ =	shalt  }
0x4e: {  	_ =	shalt  }
0x4f: {  	_ =	shalt  }
0x50: {  	_ =	shalt  }
0x51: {  	_ =	shalt  }
0x52: {  	_ =	shalt  }
0x53: {  	_ =	shalt  }
0x54: {  	_ =	shalt  }
0x55: {  	_ =	shalt  }
0x56: {  	_ =	shalt  }
0x57: {  	_ =	shalt  }
0x58: {  	_ =	shalt  }
0x59: {  	_ =	shalt  }
0x5a: {  	_ =	shalt  }
0x5b: {  	_ =	shalt  }
0x5c: {  	_ =	shalt  }
0x5d: {  	_ =	shalt  }
0x5e: {  	_ =	shalt  }
0x5f: {  	_ =	shalt  }
0x60: {  	_ =	shalt  }
0x61: {  	_ =	shalt  }
0x62: {  	_ =	shalt  }
0x63: {  	_ =	shalt  }
0x64: {  	_ =	shalt  }
0x65: {  	_ =	shalt  }
0x66: {  	_ =	shalt  }
0x67: {  	_ =	shalt  }
0x68: {  	_ =	shalt  }
0x69: {  	_ =	shalt  }
0x6a: {  	_ =	shalt  }
0x6b: {  	_ =	shalt  }
0x6c: {  	_ =	shalt  }
0x6d: {  	_ =	shalt  }
0x6e: {  	_ =	shalt  }
0x6f: {  	_ =	shalt  }
0x70: {  	_ =	shalt  }
0x71: {  	_ =	shalt  }
0x72: {  	_ =	shalt  }
0x73: {  	_ =	shalt  }
0x74: {  	_ =	shalt  }
0x75: {  	_ =	shalt  }
0x76: {  	_ =	shalt  }
0x77: {  	_ =	shalt  }
0x78: {  	_ =	shalt  }
0x79: {  	_ =	shalt  }
0x7a: {  	_ =	shalt  }
0x7b: {  	_ =	shalt  }
0x7c: {  	_ =	shalt  }
0x7d: {  	_ =	shalt  }
0x7e: {  	_ =	shalt  }
0x7f: {  	_ =	shalt  }
0x80: {  	_ =	shalt  }
0x81: {  	_ =	shalt  }
0x82: {  	_ =	shalt  }
0x83: {  	_ =	shalt  }
0x84: {  	_ =	shalt  }
0x85: {  	_ =	shalt  }
0x86: {  	_ =	shalt  }
0x87: {  	_ =	shalt  }
.Lfunc_end0:
.L_simem_size_0:
called_computation.5_lowered:
.L_overlay_start_0:
0x88: {  	s2 =	sld [smem:$0x3FD9]  }
0x89: {  	s3 =	sld [smem:$0x3FFE];
	_ =	sdelay $0x1  }
0x8a: {  	s1 =	srdreg.scid  }
0x8b: {  	s0 =	sand.u32 $0x1, s1  }
0x8c: {  	s17 =	sshll.u32 s0, $0xA;
	s2 =	sadd.s32 s3, s2  }
0x8d: {  	s2 =	sadd.s32 s2, s17  }
0x8e: {  	[smem:$0x3FC2] =	sst s2  }
0x8f: {  	_ = 	snop  }
0x90: {  	s2 =	sld [smem:$0x3FD0];
	(tm) =	ssettm $0x1  }
0x91: {  	s18 =	sld [smem:$0x3FFB];
	_ =	sdelay $0x3  }
0x92: {  	_ =	strace s18  }
0x93: {  	s3 =	sld [smem:$0x3FFC];
	_ =	sdelay $0x3  }
0x94: {  	_ =	strace s3  }
0x95: {  	s3 =	sld [smem:$0x3FFD];
	_ =	sdelay $0x3  }
0x96: {  	_ =	strace s3  }
0x97: {  	_ =	strace $0x8FFFFFFF  }
0x98: {  	s19 =	sld [smem:$0x3FDB];
	_ =	sdelay $0x1  }
0x99: {  	s4 =	simm.s32 $_scs_section_size  }
0x9a: {  	s5 =	simm.s32 $_size__tile_overlayer_lowered;
	s6 =	simm.s32 $_tile_overlayer_lowered  }
0x9b: {  	s22 =	simm.s32 $0x1BFF;
	s21 =	sshll.u32 s6, $0x1;
	s3 =	sadd.s32 s4, s19  }
0x9c: {  	s7 =	simm.s32 $0x0;
	s20 =	sshll.u32 s5, $0x1;
	s5 =	sadd.s32 s21, s3  }
0x9d: {  	[timem:s7], [sflag:s22] =	dma.local [hbm:s5], s20  }
0x9e: {  	_ =	swait.ge [sflag:s22], s20  }
0x9f: {  	s4 =	ssub.s32 $0x0, s20;
	[sflag:s22] =	ssyncset.done $0x0  }
0xa0: {  	[sflag:s22] =	ssyncadd.s32 s4;
	_ =	sdelay $0x1  }
0xa1: {  	s23 =	simm.s32 $0x1B8B  }
0xa2: {  	_ =	swait.ge [sflag:s23], $0x1  }
0xa3: {  	[sflag:s23] =	ssyncset.done $0x0  }
0xa4: {  	s25 =	simm.s32 $0x1B8E;
	s24 =	sld [smem:$0x3FFE];
	[sflag:s23] =	ssyncadd.s32 $0xFFFFFFFF  }
0xa5: {  	s26 =	simm.s32 $execute0_lowered;
	[smem:$0x3FD2] =	sst s25  }
0xa6: {  	s5 =	sshll.u32 s26, $0x1;
	_ =	strace $0x80000055;
	[dreg:$0x1] =	wrdreg $0xFFFFFFFF  }
0xa7: {  	s28 =	simm.s32 $_size_execute0_lowered;
	s3 =	sadd.s32 s3, s5;
	[dreg:$0x0] =	wrdreg $0x0  }
0xa8: {  	s5 =	sshll.u32 s28, $0x1;
	[dreg:$0x2] =	wrdreg s3  }
0xa9: {  	[dreg:$0x3] =	wrdreg s5  }
0xaa: {  	[dreg:$0x4] =	wrdreg $0xC0  }
0xab: {  	_ =	task [dreg:s7], $0x5FFFF  }
0xac: {  	[dreg:$0x1] =	wrdreg $0xFFFFFFFF  }
0xad: {  	[dreg:$0x0] =	wrdreg $0x60  }
0xae: {  	[dreg:$0x2] =	wrdreg s2  }
0xaf: {  	[dreg:$0x3] =	wrdreg s24  }
0xb0: {  	[dreg:$0x4] =	wrdreg $0x9  }
0xb1: {  	_ =	task.clear_ibuf [dreg:s7], $0x5FFFF;
	_ =	strace $0x90000055  }
0xb2: {  	s29 =	simm.s32 $0x9;
	_ =	strace $0x80000057  }
0xb3: {  	_ =	swait.ge [sflag:s29], $0x1  }
0xb4: {  	[sflag:s29] =	ssyncadd.s32 $0xFFFFFFFF  }
0xb5: {  	_ =	strace $0x90000057  }
0xb6: {  	_ =	sfence  }
0xb7: {  	s30 =	sld [smem:$0x0];
	_ =	sdelay $0x2  }
0xb8: {  	s31 =	sshll.u32 s1, $0xD;
	s1 =	sshrl.u32 s1, $0x2  }
0xb9: {  	s3 =	sand.u32 $0x4000, s31;
	s1 =	sadd.s32 s1, s30  }
0xba: {  	s0 =	sor.u32 s3, s0;
	s1 =	sshll.u32 s1, $0x11  }
0xbb: {  	s0 =	sor.u32 s1, s0  }
0xbc: {  	s0 =	sadd.s32 $0x8F2B, s0  }
0xbd: {  	[sflag:s0] =	ssyncadd.remote.s32 $0x1  }
0xbe: {  	_ =	sfence.sel $0xFFFF  }
0xbf: {  	[dreg:$0x0] =	wrdreg $0xFFFFFFFF;
	(pc) =	sbr.abs _section_cstart, $3  }
0xc0: {  	[dreg:$0x1] =	wrdreg $0xFFFFFFFF  }
0xc1: {  	_ =	task.clear_ibuf [dreg:s7], $0x2FFFF;
	_ =	strace $0x9FFFFFFF  }
0xc2: {  	(tm) =	ssettm $0x7FFFFFFF  }
0xc3: {  	_ =	shalt  }
tec
execute0_lowered:
.L_overlay_start_1:
0x0: {  	(tag) =	ssettag $0x1  }
0x1: {  	s0 =	srdreg.scid  }
0x2: {  	s3 =	sand.u32 $0x1, s0  }
0x3: {  	s4 =	rddreg [dreg:$0x0];
	s0 =	stileid.u32;
	s1 =	sshll.u32 s3, $0x4  }
0x4: {  	s5 =	rddreg [dreg:$0x1];
	s2 =	simm.s32 $0x0;
	s6 =	sor.u32 s0, s1  }
0x5: {  	s10 =	simm.s32 $0x1400;
	s11 =	simm.s32 $0x2800;
	s7 =	smul.u32 $0x28, s6  }
0x6: {  	[smem:$0x7FF] =	sst s2;
	s3 =	ssub.s32 $0x2, s3;
	s6 =	smul.u32 $0x1400, s6  }
0x7: {  	s12 =	simm.s32 $0x0;
	s1 =	rddreg [dreg:$0x2];
	s8 =	sshrl.u32 s3, $0x1  }
0x8: {  	_ =	strace $0x80000056;
	s8 =	ssub.s32 s3, s8;
	s6 =	sshrl.u32 s6, $0x3  }
0x9: {  	s8 =	smax.u32 s8, $0x1;
	s7 =	sadd.s32 s7, s5;
	s3 =	sadd.s32 s4, s6  }
0xa: {  	s9 =	sadd.s32 s6, s5;
	s6 =	sadd.s32 $0x1C000, s7;
	s4 =	sadd.s32 $0x5000, s3  }
0xb: {  	s5 =	sadd.s32 $0x1C600, s9;
	s7 =	sadd.s32 $0x2A00, s9;
	s9 =	simm.s32 $0x1  }
.LBB2_1:
0xc: {  	[tilespmem:s2], [sflag:$0x1] =	stream.linear.gather [hbm4b:s3+s2], $0x1400, $0x38;
	[tilespmem:$0x3D40] =	vst v63  }
0xd: {  	_ =	swait.ge [sflag:s9], $0x1400  }
0xe: {  	[sflag:s9] =	ssyncset.done $0x0  }
0xf: {  	[sflag:s9] =	ssyncadd.s32 $0xFFFFEC00  }
0x10: {  	[tilespmem:s10], [sflag:$0x1] =	stream.linear.gather [hbm4b:s4+s2], $0x1400, $0x38;
	[tilespmem:$0x3D40] =	vst v63  }
0x11: {  	_ =	swait.ge [sflag:s9], $0x1400  }
0x12: {  	[sflag:s9] =	ssyncset.done $0x0  }
0x13: {  	[sflag:s9] =	ssyncadd.s32 $0xFFFFEC00  }
0x14: {  	[tilespmem:s11], [sflag:$0x1] =	stream.linear.gather [hbm4b:s5+s2], $0x1400, $0x38;
	[tilespmem:$0x3D40] =	vst v63  }
0x15: {  	_ =	swait.ge [sflag:s9], $0x1400  }
0x16: {  	[sflag:s9] =	ssyncset.done $0x0  }
0x17: {  	s14 =	simm.s32 $0x3C00;
	[sflag:s9] =	ssyncadd.s32 $0xFFFFEC00  }
0x18: {  	[tilespmem:s14], [sflag:$0x1] =	stream.linear.gather [hbm4b:s6+s2], $0x140, $0x38;
	[tilespmem:$0x3D40] =	vst v63  }
0x19: {  	_ =	swait.ge [sflag:s9], $0x140  }
0x1a: {  	[sflag:s9] =	ssyncset.done $0x0  }
0x1b: {  	s15 =	simm.s32 $0x0;
	[sflag:s9] =	ssyncadd.s32 $0xFFFFFEC0  }
0x1c: {  	v0 =	vld [tilespmem:s15+$0x0]  }
0x1d: {  	v1 =	vld [tilespmem:s15+$0x1400]  }
0x1e: {  	v2 =	vld [tilespmem:s15+$0x10]  }
0x1f: {  	v3 =	vld [tilespmem:s15+$0x1410]  }
0x20: {  	v4 =	vld [tilespmem:s15+$0x20]  }
0x21: {  	v5 =	vld [tilespmem:s15+$0x1420]  }
0x22: {  	v6 =	vld [tilespmem:s15+$0x30]  }
0x23: {  	v7 =	vld [tilespmem:s15+$0x1430]  }
0x24: {  	v8 =	vld [tilespmem:s15+$0x40]  }
0x25: {  	v9 =	vld [tilespmem:s15+$0x1440]  }
0x26: {  	v10 =	vld [tilespmem:s15+$0x50]  }
0x27: {  	v11 =	vld [tilespmem:s15+$0x1450]  }
0x28: {  	v12 =	vld [tilespmem:s15+$0x60]  }
0x29: {  	v13 =	vld [tilespmem:s15+$0x1460]  }
0x2a: {  	v14 =	vld [tilespmem:s15+$0x70]  }
0x2b: {  	v15 =	vld [tilespmem:s15+$0x1470]  }
0x2c: {  	v16 =	vld [tilespmem:s15+$0x80]  }
0x2d: {  	v17 =	vld [tilespmem:s15+$0x1480]  }
0x2e: {  	v18 =	vld [tilespmem:s15+$0x90]  }
0x2f: {  	v19 =	vld [tilespmem:s15+$0x1490]  }
0x30: {  	v20 =	vld [tilespmem:s15+$0xA0]  }
0x31: {  	v21 =	vld [tilespmem:s15+$0x14A0]  }
0x32: {  	v22 =	vld [tilespmem:s15+$0xB0]  }
0x33: {  	v23 =	vld [tilespmem:s15+$0x14B0]  }
0x34: {  	v24 =	vld [tilespmem:s15+$0xC0]  }
0x35: {  	v25 =	vld [tilespmem:s15+$0x14C0]  }
0x36: {  	v26 =	vld [tilespmem:s15+$0xD0]  }
0x37: {  	v27 =	vld [tilespmem:s15+$0x14D0]  }
0x38: {  	v28 =	vld [tilespmem:s15+$0x2800]  }
0x39: {  	v29 =	vld [tilespmem:s14+$0x0]  }
0x3a: {  	v30 =	vld [tilespmem:s15+$0x2810]  }
0x3b: {  	v31 =	vld [tilespmem:s15+$0x2820]  }
0x3c: {  	v0 =	vadd.f32 v1, v0;
	v1 =	vadd.f32 v3, v2;
	v2 =	vld [tilespmem:s15+$0x2830]  }
0x3d: {  	v3 =	vadd.f32 v5, v4;
	v4 =	vadd.f32 v7, v6;
	v5 =	vld [tilespmem:s15+$0x2840]  }
0x3e: {  	v6 =	vld [tilespmem:s15+$0xE0];
	v7 =	vadd.f32 v9, v8;
	v8 =	vbroadcast v29, $0x0;
	v9 =	vadd.f32 v11, v10  }
0x3f: {  	v10 =	vld [tilespmem:s15+$0x2850];
	v11 =	vbroadcast v29, $0x1;
	v0 =	vadd.f32 v28, v0;
	v1 =	vadd.f32 v30, v1  }
0x40: {  	v28 =	vld [tilespmem:s15+$0x14E0];
	v3 =	vadd.f32 v31, v3;
	v30 =	vbroadcast v29, $0x2  }
0x41: {  	v0 =	vmul.f32 v0, v8;
	v1 =	vmul.f32 v1, v11;
	v11 =	vld [tilespmem:s15+$0xF0]  }
0x42: {  	v8 =	vbroadcast v29, $0x3;
	v3 =	vmul.f32 v3, v30;
	v2 =	vadd.f32 v2, v4;
	v4 =	vld [tilespmem:s15+$0x2860]  }
0x43: {  	[tilespmem:s15+$0x2800] =	vst v0;
	v0 =	vadd.f32 v5, v7;
	v5 =	vbroadcast v29, $0x4;
	v7 =	vadd.f32 v13, v12;
	v12 =	vld [tilespmem:s15+$0x2870]  }
0x44: {  	[tilespmem:s15+$0x2810] =	vst v1;
	v1 =	vld [tilespmem:s15+$0x14F0];
	v2 =	vmul.f32 v2, v8  }
0x45: {  	[tilespmem:s15+$0x2820] =	vst v3;
	v8 =	vadd.f32 v10, v9;
	v9 =	vbroadcast v29, $0x5;
	v0 =	vmul.f32 v0, v5;
	v5 =	vld [tilespmem:s15+$0x2880]  }
0x46: {  	v3 =	vadd.f32 v15, v14;
	[tilespmem:s15+$0x2830] =	vst v2;
	v2 =	vld [tilespmem:s15+$0x2890]  }
0x47: {  	s13 =	simm.s32 $0x100;
	v8 =	vmul.f32 v8, v9;
	v9 =	vld [tilespmem:s15+$0x28A0];
	v4 =	vadd.f32 v4, v7;
	v7 =	vbroadcast v29, $0x6;
	[tilespmem:s15+$0x2840] =	vst v0  }
0x48: {  	v10 =	vbroadcast v29, $0x7;
	v30 =	vld [tilespmem:s13+$0x0];
	v3 =	vadd.f32 v12, v3  }
0x49: {  	v0 =	vadd.f32 v17, v16;
	[tilespmem:s15+$0x2850] =	vst v8;
	v8 =	vld [tilespmem:s15+$0x28B0];
	v4 =	vmul.f32 v4, v7;
	v7 =	vadd.f32 v19, v18  }
0x4a: {  	v31 =	vld [tilespmem:s13+$0x1400];
	v3 =	vmul.f32 v3, v10  }
0x4b: {  	v0 =	vadd.f32 v5, v0;
	v5 =	vbroadcast v29, $0x8;
	[tilespmem:s15+$0x2860] =	vst v4;
	v2 =	vadd.f32 v2, v7;
	v7 =	vld [tilespmem:s15+$0x28C0]  }
0x4c: {  	v4 =	vadd.f32 v21, v20;
	v32 =	vld [tilespmem:s13+$0x10]  }
0x4d: {  	v10 =	vbroadcast v29, $0x9;
	v0 =	vmul.f32 v0, v5;
	[tilespmem:s15+$0x2870] =	vst v3;
	v3 =	vadd.f32 v23, v22;
	v5 =	vld [tilespmem:s15+$0x28D0]  }
0x4e: {  	v23 =	vld [tilespmem:s13+$0x1410];
	v4 =	vadd.f32 v9, v4;
	v9 =	vbroadcast v29, $0xA  }
0x4f: {  	v2 =	vmul.f32 v2, v10;
	v10 =	vbroadcast v29, $0xB;
	v3 =	vadd.f32 v8, v3;
	v8 =	vld [tilespmem:s15+$0x28E0]  }
0x50: {  	[tilespmem:s15+$0x2880] =	vst v0;
	v0 =	vadd.f32 v25, v24;
	v4 =	vmul.f32 v4, v9;
	v9 =	vld [tilespmem:s15+$0x28F0]  }
0x51: {  	v24 =	vld [tilespmem:s13+$0x20];
	[tilespmem:s15+$0x2890] =	vst v2;
	v2 =	vadd.f32 v27, v26;
	v3 =	vmul.f32 v3, v10  }
0x52: {  	v25 =	vld [tilespmem:s13+$0x1420];
	v0 =	vadd.f32 v7, v0;
	v7 =	vbroadcast v29, $0xC;
	[tilespmem:s15+$0x28A0] =	vst v4;
	v4 =	vadd.f32 v28, v6  }
0x53: {  	v1 =	vadd.f32 v1, v11;
	v2 =	vadd.f32 v5, v2;
	v5 =	vbroadcast v29, $0xD  }
0x54: {  	v26 =	vld [tilespmem:s13+$0x30];
	v0 =	vmul.f32 v0, v7;
	[tilespmem:s15+$0x28B0] =	vst v3;
	v3 =	vadd.f32 v8, v4;
	v4 =	vbroadcast v29, $0xE  }
0x55: {  	v6 =	vbroadcast v29, $0xF;
	v2 =	vmul.f32 v2, v5;
	v5 =	vadd.f32 v9, v1  }
0x56: {  	v33 =	vld [tilespmem:s13+$0x1430];
	[tilespmem:s15+$0x28C0] =	vst v0;
	v3 =	vmul.f32 v3, v4  }
0x57: {  	v0 =	vld [tilespmem:s13+$0x40];
	[tilespmem:s15+$0x28D0] =	vst v2;
	v4 =	vmul.f32 v5, v6  }
0x58: {  	v1 =	vld [tilespmem:s13+$0x1440];
	[tilespmem:s15+$0x28E0] =	vst v3  }
0x59: {  	v2 =	vld [tilespmem:s13+$0x50];
	[tilespmem:s15+$0x28F0] =	vst v4  }
0x5a: {  	v8 =	vld [tilespmem:s13+$0x1450]  }
0x5b: {  	v5 =	vld [tilespmem:s13+$0x60]  }
0x5c: {  	v15 =	vld [tilespmem:s13+$0x1460]  }
0x5d: {  	v3 =	vld [tilespmem:s13+$0x70]  }
0x5e: {  	v11 =	vld [tilespmem:s13+$0x1470]  }
0x5f: {  	v6 =	vld [tilespmem:s13+$0x80]  }
0x60: {  	v16 =	vld [tilespmem:s13+$0x1480]  }
0x61: {  	v4 =	vld [tilespmem:s13+$0x90]  }
0x62: {  	v12 =	vld [tilespmem:s13+$0x1490]  }
0x63: {  	v9 =	vld [tilespmem:s13+$0xA0]  }
0x64: {  	v19 =	vld [tilespmem:s13+$0x14A0]  }
0x65: {  	v7 =	vld [tilespmem:s13+$0xB0]  }
0x66: {  	v17 =	vld [tilespmem:s13+$0x14B0]  }
0x67: {  	v13 =	vld [tilespmem:s13+$0xC0]  }
0x68: {  	v21 =	vld [tilespmem:s13+$0x14C0]  }
0x69: {  	v10 =	vld [tilespmem:s13+$0xD0]  }
0x6a: {  	v20 =	vld [tilespmem:s13+$0x14D0]  }
0x6b: {  	v18 =	vld [tilespmem:s13+$0xE0]  }
0x6c: {  	v22 =	vld [tilespmem:s13+$0x14E0]  }
0x6d: {  	v14 =	vld [tilespmem:s13+$0xF0]  }
0x6e: {  	v28 =	vadd.f32 v31, v30;
	v27 =	vadd.f32 v23, v32;
	v23 =	vld [tilespmem:s13+$0x14F0]  }
0x6f: {  	v24 =	vadd.f32 v25, v24;
	v25 =	vadd.f32 v33, v26;
	s15 =	simm.s32 $0x800;
	v26 =	vld [tilespmem:s13+$0x2830]  }
.LBB2_2:
0x70: {  	p0 =	sne.s32 s15, $0x4C00;
	v29 =	vld [tilespmem:s13+$0x2810];
	v0 =	vadd.f32 v1, v0;
	v1 =	vadd.f32 v8, v2  }
0x71: {  	v5 =	vadd.f32 v15, v5;
	v3 =	vadd.f32 v11, v3;
	s14 =	sadd.s32 $0x10, s14;
	v2 =	vld [tilespmem:s13+$0x2800]  }
0x72: {  	v6 =	vadd.f32 v16, v6;
	v4 =	vadd.f32 v12, v4;
	v8 =	vld [tilespmem:s14+$0x0]  }
0x73: {  	v9 =	vadd.f32 v19, v9;
	v7 =	vadd.f32 v17, v7;
	v11 =	vld [tilespmem:s13+$0x2820]  }
0x74: {  	v13 =	vadd.f32 v21, v13;
	v10 =	vadd.f32 v20, v10;
	v12 =	vld [tilespmem:s13+$0x2870]  }
0x75: {  	v16 =	vadd.f32 v22, v18;
	v14 =	vadd.f32 v23, v14;
	v15 =	vld [tilespmem:s13+$0x2850]  }
0x76: {  	v18 =	vadd.f32 v26, v25;
	v17 =	vadd.f32 v29, v27;
	v19 =	vld [tilespmem:s13+$0x2840]  }
0x77: {  	v2 =	vadd.f32 v2, v28;
	v20 =	vbroadcast v8, $0x0;
	v21 =	vbroadcast v8, $0x1;
	v22 =	vld [tilespmem:s13+$0x2860]  }
0x78: {  	v23 =	vbroadcast v8, $0x2;
	v11 =	vadd.f32 v11, v24;
	v24 =	vbroadcast v8, $0x3;
	v25 =	vld [tilespmem:s13+$0x28B0]  }
0x79: {  	v2 =	vmul.f32 v2, v20;
	v17 =	vmul.f32 v17, v21;
	v3 =	vadd.f32 v12, v3;
	v12 =	vld [tilespmem:s13+$0x2890]  }
0x7a: {  	v11 =	vmul.f32 v11, v23;
	v18 =	vmul.f32 v18, v24;
	v1 =	vadd.f32 v15, v1;
	v15 =	vld [tilespmem:s13+$0x2880]  }
0x7b: {  	[tilespmem:s13+$0x2800] =	vst v2;
	v0 =	vadd.f32 v19, v0;
	v2 =	vbroadcast v8, $0x4;
	v19 =	vbroadcast v8, $0x5;
	v20 =	vld [tilespmem:s13+$0x28A0]  }
0x7c: {  	v21 =	vbroadcast v8, $0x7;
	[tilespmem:s13+$0x2810] =	vst v17;
	v5 =	vadd.f32 v22, v5;
	v17 =	vbroadcast v8, $0x6;
	v22 =	vld [tilespmem:s13+$0x28F0]  }
0x7d: {  	[tilespmem:s13+$0x2820] =	vst v11;
	v0 =	vmul.f32 v0, v2;
	v1 =	vmul.f32 v1, v19;
	v2 =	vadd.f32 v25, v7;
	v7 =	vld [tilespmem:s13+$0x28D0]  }
0x7e: {  	v3 =	vmul.f32 v3, v21;
	[tilespmem:s13+$0x2830] =	vst v18;
	v5 =	vmul.f32 v5, v17;
	v4 =	vadd.f32 v12, v4;
	v11 =	vld [tilespmem:s13+$0x28C0]  }
0x7f: {  	s16 =	sshra.s32 s15, $0x2;
	v12 =	vbroadcast v8, $0x9;
	[tilespmem:s13+$0x2840] =	vst v0;
	v0 =	vadd.f32 v15, v6;
	v6 =	vbroadcast v8, $0x8;
	v15 =	vld [tilespmem:s13+$0x28E0]  }
0x80: {  	v17 =	vbroadcast v8, $0xB;
	v23 =	vld [tilespmem:s16+$0x0];
	[tilespmem:s13+$0x2850] =	vst v1;
	v1 =	vadd.f32 v20, v9;
	v9 =	vbroadcast v8, $0xA  }
0x81: {  	v4 =	vmul.f32 v4, v12;
	v24 =	vld [tilespmem:s16+$0x1400];
	[tilespmem:s13+$0x2860] =	vst v5;
	v0 =	vmul.f32 v0, v6;
	v5 =	vadd.f32 v22, v14  }
0x82: {  	v2 =	vmul.f32 v2, v17;
	v25 =	vld [tilespmem:s16+$0x10];
	[tilespmem:s13+$0x2870] =	vst v3;
	v1 =	vmul.f32 v1, v9;
	v3 =	vadd.f32 v7, v10  }
0x83: {  	v6 =	vbroadcast v8, $0xC;
	v7 =	vbroadcast v8, $0xD;
	v26 =	vld [tilespmem:s16+$0x1410];
	[tilespmem:s13+$0x2880] =	vst v0;
	v0 =	vadd.f32 v11, v13  }
0x84: {  	v9 =	vbroadcast v8, $0xE;
	v8 =	vbroadcast v8, $0xF;
	v29 =	vld [tilespmem:s16+$0x20];
	[tilespmem:s13+$0x2890] =	vst v4;
	v4 =	vadd.f32 v15, v16  }
0x85: {  	v30 =	vld [tilespmem:s16+$0x1420];
	[tilespmem:s13+$0x28A0] =	vst v1;
	v0 =	vmul.f32 v0, v6;
	v1 =	vmul.f32 v3, v7  }
0x86: {  	v3 =	vmul.f32 v5, v8;
	v31 =	vld [tilespmem:s16+$0x30];
	[tilespmem:s13+$0x28B0] =	vst v2;
	v2 =	vmul.f32 v4, v9  }
0x87: {  	v32 =	vld [tilespmem:s16+$0x1430];
	[tilespmem:s13+$0x28C0] =	vst v0  }
0x88: {  	v0 =	vld [tilespmem:s16+$0x40];
	[tilespmem:s13+$0x28D0] =	vst v1  }
0x89: {  	v1 =	vld [tilespmem:s16+$0x1440];
	[tilespmem:s13+$0x28E0] =	vst v2  }
0x8a: {  	v2 =	vld [tilespmem:s16+$0x50];
	[tilespmem:s13+$0x28F0] =	vst v3;
	s13 =	smov.u32 s16  }
0x8b: {  	v8 =	vld [tilespmem:s13+$0x1450]  }
0x8c: {  	v5 =	vld [tilespmem:s13+$0x60]  }
0x8d: {  	v15 =	vld [tilespmem:s13+$0x1460]  }
0x8e: {  	v3 =	vld [tilespmem:s13+$0x70]  }
0x8f: {  	v11 =	vld [tilespmem:s13+$0x1470]  }
0x90: {  	v6 =	vld [tilespmem:s13+$0x80]  }
0x91: {  	v16 =	vld [tilespmem:s13+$0x1480]  }
0x92: {  	v4 =	vld [tilespmem:s13+$0x90]  }
0x93: {  	v12 =	vld [tilespmem:s13+$0x1490]  }
0x94: {  	v9 =	vld [tilespmem:s13+$0xA0]  }
0x95: {  	v19 =	vld [tilespmem:s13+$0x14A0]  }
0x96: {  	v7 =	vld [tilespmem:s13+$0xB0]  }
0x97: {  	v17 =	vld [tilespmem:s13+$0x14B0]  }
0x98: {  	v13 =	vld [tilespmem:s13+$0xC0]  }
0x99: {  	v21 =	vld [tilespmem:s13+$0x14C0]  }
0x9a: {  	v10 =	vld [tilespmem:s13+$0xD0]  }
0x9b: {  	v20 =	vld [tilespmem:s13+$0x14D0]  }
.Ltmp0:
0x9c: {  	v18 =	vld [tilespmem:s13+$0xE0];
	(pc) =	sbr.rel @p0 .LBB2_2-.Ltmp0, $4  }
0x9d: {  	v22 =	vld [tilespmem:s13+$0x14E0]  }
0x9e: {  	v14 =	vld [tilespmem:s13+$0xF0]  }
0x9f: {  	v28 =	vadd.f32 v24, v23;
	v27 =	vadd.f32 v26, v25;
	v23 =	vld [tilespmem:s13+$0x14F0]  }
0xa0: {  	s15 =	sadd.s32 $0x400, s15;
	v24 =	vadd.f32 v30, v29;
	v25 =	vadd.f32 v32, v31;
	v26 =	vld [tilespmem:s13+$0x2830]  }
0xa1: {  	v29 =	vld [tilespmem:s13+$0x2810]  }
0xa2: {  	v30 =	vld [tilespmem:s13+$0x2800];
	s14 =	sadd.s32 $0x10, s14  }
0xa3: {  	v0 =	vadd.f32 v1, v0;
	v2 =	vadd.f32 v8, v2;
	v31 =	vld [tilespmem:s14+$0x0]  }
0xa4: {  	v32 =	vld [tilespmem:s13+$0x2820];
	v5 =	vadd.f32 v15, v5;
	v3 =	vadd.f32 v11, v3  }
0xa5: {  	v6 =	vadd.f32 v16, v6;
	v4 =	vadd.f32 v12, v4  }
0xa6: {  	v35 =	vld [tilespmem:s13+$0x2840];
	v9 =	vadd.f32 v19, v9;
	v7 =	vadd.f32 v17, v7  }
0xa7: {  	v34 =	vld [tilespmem:s13+$0x2850];
	v13 =	vadd.f32 v21, v13;
	v39 =	vadd.f32 v20, v10  }
0xa8: {  	v58 =	vld [tilespmem:s13+$0x2860];
	v40 =	vadd.f32 v22, v18;
	v56 =	vadd.f32 v30, v28;
	v57 =	vbroadcast v31, $0x0  }
0xa9: {  	v33 =	vld [tilespmem:s13+$0x2870];
	v60 =	vadd.f32 v29, v27;
	v24 =	vadd.f32 v32, v24;
	v61 =	vbroadcast v31, $0x1  }
0xaa: {  	v63 =	vld [tilespmem:s13+$0x2880];
	v32 =	vadd.f32 v26, v25;
	v36 =	vbroadcast v31, $0x3;
	v1 =	vmul.f32 v56, v57  }
0xab: {  	v62 =	vld [tilespmem:s13+$0x2890];
	v0 =	vadd.f32 v35, v0;
	v38 =	vbroadcast v31, $0x4;
	v15 =	vmul.f32 v60, v61  }
0xac: {  	v59 =	vld [tilespmem:s13+$0x28B0];
	v2 =	vadd.f32 v34, v2;
	v42 =	vbroadcast v31, $0x5;
	v16 =	vmul.f32 v32, v36;
	[tilespmem:s13+$0x2800] =	vst v1  }
0xad: {  	v5 =	vadd.f32 v58, v5;
	v43 =	vbroadcast v31, $0x6;
	v0 =	vmul.f32 v0, v38;
	[tilespmem:s13+$0x2810] =	vst v15  }
0xae: {  	v44 =	vld [tilespmem:s13+$0x28C0];
	v3 =	vadd.f32 v33, v3;
	v45 =	vbroadcast v31, $0x7;
	v2 =	vmul.f32 v2, v42;
	[tilespmem:s13+$0x2830] =	vst v16  }
0xaf: {  	v49 =	vld [tilespmem:s13+$0x28E0];
	v47 =	vadd.f32 v63, v6;
	v48 =	vbroadcast v31, $0x8;
	v46 =	vmul.f32 v5, v43;
	[tilespmem:s13+$0x2840] =	vst v0  }
0xb0: {  	v37 =	vld [tilespmem:s13+$0x28F0];
	v4 =	vadd.f32 v62, v4;
	v50 =	vbroadcast v31, $0x9;
	v3 =	vmul.f32 v3, v45;
	[tilespmem:s13+$0x2850] =	vst v2  }
0xb1: {  	v29 =	vld [tilespmem:s13+$0x28A0];
	v54 =	vadd.f32 v59, v7;
	v55 =	vbroadcast v31, $0xB;
	v53 =	vmul.f32 v47, v48;
	[tilespmem:s13+$0x2860] =	vst v46  }
0xb2: {  	v41 =	vld [tilespmem:s13+$0x28D0];
	v14 =	vadd.f32 v23, v14;
	v27 =	vbroadcast v31, $0x2;
	v4 =	vmul.f32 v4, v50;
	[tilespmem:s13+$0x2870] =	vst v3  }
0xb3: {  	v56 =	vadd.f32 v44, v13;
	v57 =	vbroadcast v31, $0xC;
	v5 =	vmul.f32 v54, v55;
	[tilespmem:s13+$0x2880] =	vst v53  }
0xb4: {  	v59 =	vadd.f32 v49, v40;
	v60 =	vbroadcast v31, $0xE;
	v1 =	vmul.f32 v24, v27;
	[tilespmem:s13+$0x2890] =	vst v4  }
0xb5: {  	v62 =	vbroadcast v31, $0xF;
	v61 =	vadd.f32 v37, v14;
	v0 =	vmul.f32 v56, v57;
	[tilespmem:s13+$0x28B0] =	vst v5  }
0xb6: {  	v52 =	vbroadcast v31, $0xA;
	v51 =	vadd.f32 v29, v9;
	v4 =	vmul.f32 v59, v60;
	[tilespmem:s13+$0x2820] =	vst v1  }
0xb7: {  	v58 =	vbroadcast v31, $0xD;
	v63 =	vmul.f32 v61, v62;
	v1 =	vadd.f32 v41, v39;
	[tilespmem:s13+$0x28C0] =	vst v0  }
0xb8: {  	v2 =	vmul.f32 v51, v52;
	[tilespmem:s13+$0x28E0] =	vst v4  }
0xb9: {  	s12 =	sadd.s32 $0x1, s12;
	[tilespmem:s13+$0x28F0] =	vst v63;
	v1 =	vmul.f32 v1, v58  }
0xba: {  	p0 =	sne.s32 s12, s8;
	[tilespmem:s13+$0x28A0] =	vst v2  }
.Ltmp1:
0xbb: {  	[tilespmem:s13+$0x28D0] =	vst v1;
	(pc) =	sbr.rel @p0 .LBB2_1-.Ltmp1, $4  }
0xbc: {  	[hbm4b:s7+s2] =	stream.linear.scatter [tilespmem:s11], [sflag:$0x1], $0x1400, $0x38;
	[tilespmem:$0x3D40] =	vst v63  }
0xbd: {  	_ =	swait.ge [sflag:s9], $0x1400  }
0xbe: {  	[sflag:s9] =	ssyncset.done $0x0  }
0xbf: {  	[sflag:s9] =	ssyncadd.s32 $0xFFFFEC00  }
0xc0: {  	_ =	sfence.sel $0x180000  }
0xc1: {  	[bflag:$0x0] =	sbarrier.arrive $0xFFFF  }
0xc2: {  	p0 =	sne.s32 s0, $0x0;
	_ =	strace $0x90000056  }
0xc3: {  	s0 =	sadd.s32 @!p0 $0x100000, s1;
	[bflag:$0x2] =	sbarrier.arrive $0xFFFF  }
0xc4: {  	[sflag:s0] =	ssyncadd.tile.s32 @!p0 $0x1;
	_ =	shalt  }
.Lfunc_end2:
_tile_overlayer_lowered:
.L_overlay_start_2:
0xc5: {  	(tag) =	ssettag $0x2  }
0xc6: {  	s0 =	rddreg [dreg:$0x0];
	s2 =	stileid.u32  }
0xc7: {  	s1 =	rddreg [dreg:$0x1];
	p0 =	sne.s32 s2, $0x0  }
0xc8: {  	s3 =	rddreg [dreg:$0x2];
	[bflag:$0x3] =	sbarrier.arrive $0xFFFF;
	s2 =	simm.s32 @!p0 $0x1C01  }
0xc9: {  	[timem:s3], [sflag:s2] =	dma.local @!p0 [hbm:s0], s1  }
0xca: {  	s0 =	simm.s32 @!p0 $0x1  }
0xcb: {  	_ =	swait.ge @!p0 [sflag:s0], s1  }
0xcc: {  	s1 =	ssub.s32 @!p0 $0x0, s1;
	[sflag:s0] =	ssyncset.done @!p0 $0x0  }
0xcd: {  	[sflag:s0] =	ssyncadd.s32 @!p0 s1  }
0xce: {  	[bflag:$0x3] =	sbarrier.arrive $0xFFFF  }
0xcf: {  	_ =	shalt  }

</sc_bundles>
